<compile_context>
chip_gen: v7x
topology: tpu7x:2x2x1
jax: 0.10.2.dev20260603
libtpu: 0.0.44.dev20260713+nightly
codegen_flags: <defaults>
</compile_context>

<pallas_src>
import functools

import jax
import jax.numpy as jnp
from jax import lax
from jax.experimental import pallas as pl
from jax.experimental.pallas import tpu as pltpu
from jax.experimental.pallas import tpu_sc as plsc

B, L, CL = 1024, 50, 16
WORD_DIM, CHAR_DIM, HIDDEN = 128, 64, 128
CHAR_VOCAB = 1000
T = B * L
NC, NS = 2, 16
NW = NC * NS
TPW = T // NW
WCH = 80
NWCH = TPW // WCH
CT = 16
NCT = TPW // CT
CIW = CT * CL // 128
NCIR = TPW * CL // 128

_sc_mesh = plsc.VectorSubcoreMesh(core_axis_name="c", subcore_axis_name="s")


@functools.partial(
    pl.kernel,
    mesh=_sc_mesh,
    out_type=(
        jax.ShapeDtypeStruct((T, WORD_DIM), jnp.float32),
        jax.ShapeDtypeStruct((T, HIDDEN), jnp.float32),
    ),
    scratch_types=[
        pltpu.VMEM((NWCH, WCH), jnp.int32),
        pltpu.VMEM((NCIR, 128), jnp.int32),
        pltpu.VMEM((2, WCH, WORD_DIM), jnp.float32),
        pltpu.VMEM((2, CT * CL, HIDDEN), jnp.float32),
        pltpu.VMEM((2, CT, HIDDEN), jnp.float32),
        [pltpu.SemaphoreType.DMA] * 2,
        [pltpu.SemaphoreType.DMA] * 2,
    ],
)
def _sc_gather(wt_hbm, cp_hbm, widx_hbm, cidx_hbm, wout_hbm, cout_hbm,
               widx_v, cidx_v, wrows_v, crows_v, csum_v, gsems, osems):
    wid = lax.axis_index("s") * NC + lax.axis_index("c")
    pltpu.sync_copy(widx_hbm.at[wid], widx_v)
    pltpu.sync_copy(cidx_hbm.at[wid], cidx_v)
    base = wid * TPW

    pltpu.async_copy(wt_hbm.at[widx_v.at[0]], wrows_v.at[0], gsems[0])

    def wpair(p, _):
        for b in range(2):
            j = p * 2 + b

            @pl.when(j + 1 < NWCH)
            def _():
                pltpu.async_copy(wt_hbm.at[widx_v.at[j + 1]],
                                 wrows_v.at[1 - b], gsems[1 - b])

            pltpu.make_async_copy(wt_hbm.at[widx_v.at[j]],
                                  wrows_v.at[b], gsems[b]).wait()
            pltpu.sync_copy(wrows_v.at[b],
                            wout_hbm.at[pl.ds(base + j * WCH, WCH)])
        return 0

    lax.fori_loop(0, NWCH // 2, wpair, 0)

    for q in range(CIW):
        pltpu.async_copy(cp_hbm.at[cidx_v.at[q]],
                         crows_v.at[(0, pl.ds(q * 128, 128))], gsems[0])

    def cpair(p, _):
        for b in range(2):
            j = p * 2 + b

            @pl.when(j + 1 < NCT)
            def _():
                for q in range(CIW):
                    pltpu.async_copy(
                        cp_hbm.at[cidx_v.at[(j + 1) * CIW + q]],
                        crows_v.at[(1 - b, pl.ds(q * 128, 128))],
                        gsems[1 - b])

            for q in range(CIW):
                pltpu.make_async_copy(
                    cp_hbm.at[cidx_v.at[j * CIW + q]],
                    crows_v.at[(b, pl.ds(q * 128, 128))], gsems[b]).wait()

            @pl.when(j >= 2)
            def _():
                pltpu.make_async_copy(
                    csum_v.at[b],
                    cout_hbm.at[pl.ds(base + (j - 2) * CT, CT)],
                    osems[b]).wait()

            def tok(i, _):
                for r in range(HIDDEN // 16):
                    sl = pl.ds(r * 16, 16)
                    acc = crows_v[b, i * CL, sl]
                    for k in range(1, CL):
                        acc = acc + crows_v[b, i * CL + k, sl]
                    csum_v[b, i, sl] = acc
                return 0

            lax.fori_loop(0, CT, tok, 0)
            pltpu.async_copy(csum_v.at[b],
                             cout_hbm.at[pl.ds(base + j * CT, CT)],
                             osems[b])
        return 0

    lax.fori_loop(0, NCT // 2, cpair, 0)
    for b in range(2):
        pltpu.make_async_copy(
            csum_v.at[b],
            cout_hbm.at[pl.ds(base + (NCT - 2 + b) * CT, CT)],
            osems[b]).wait()


def _cp_body(ct_ref, wpc_ref, cp_ref):
    ct = ct_ref[...]
    for k in range(CL):
        cp_ref[pl.ds(k * CHAR_VOCAB, CHAR_VOCAB), :] = jnp.dot(
            ct, wpc_ref[k], preferred_element_type=jnp.float32)


_cp_call = pl.pallas_call(
    _cp_body,
    in_specs=[
        pl.BlockSpec((CHAR_VOCAB, CHAR_DIM), lambda: (0, 0)),
        pl.BlockSpec((CL, CHAR_DIM, HIDDEN), lambda: (0, 0, 0)),
    ],
    out_specs=pl.BlockSpec((CL * CHAR_VOCAB, HIDDEN), lambda: (0, 0)),
    out_shape=jax.ShapeDtypeStruct((CL * CHAR_VOCAB, HIDDEN), jnp.float32),
)


BB = 64
TB = BB * L
GRID = B // BB


def _tc_body(wd, cs, wpwT, wg0T, bg0, wt0T, bt0, wg1T, bg1, wt1T, bt1, out):
    x = jnp.dot(wd[...], wpwT[...], preferred_element_type=jnp.float32)
    x += cs[...]
    for wgT, bg, wtT, bt in ((wg0T, bg0, wt0T, bt0), (wg1T, bg1, wt1T, bt1)):
        zg = jnp.dot(x, wgT[...], preferred_element_type=jnp.float32) + bg[...]
        g = 1.0 / (1.0 + jnp.exp(-zg))
        zt = jnp.dot(x, wtT[...], preferred_element_type=jnp.float32) + bt[...]
        x = g * jnp.maximum(zt, 0.0) + (1.0 - g) * x
    out[...] = x.reshape(BB, L, HIDDEN)


def _full(shape):
    return pl.BlockSpec(shape, lambda i: (0, 0))


_tc_call = pl.pallas_call(
    _tc_body,
    grid=(GRID,),
    in_specs=[
        pl.BlockSpec((TB, WORD_DIM), lambda i: (i, 0)),
        pl.BlockSpec((TB, HIDDEN), lambda i: (i, 0)),
        _full((WORD_DIM, HIDDEN)),
        _full((HIDDEN, HIDDEN)), _full((1, HIDDEN)),
        _full((HIDDEN, HIDDEN)), _full((1, HIDDEN)),
        _full((HIDDEN, HIDDEN)), _full((1, HIDDEN)),
        _full((HIDDEN, HIDDEN)), _full((1, HIDDEN)),
    ],
    out_specs=pl.BlockSpec((BB, L, HIDDEN), lambda i: (i, 0, 0)),
    out_shape=jax.ShapeDtypeStruct((B, L, HIDDEN), jnp.float32),
)


@jax.jit
def kernel(w_idx, c_idx, word_table, char_table, W_proj,
           Wg0, bg0, Wt0, bt0, Wg1, bg1, Wt1, bt1):
    widx = w_idx.reshape(NW, NWCH, WCH).astype(jnp.int32)
    cidx = (c_idx.astype(jnp.int32).reshape(NW, NCIR, 128)
            + (jnp.arange(128, dtype=jnp.int32) % CL) * CHAR_VOCAB)
    wpc = W_proj[:, WORD_DIM:].reshape(HIDDEN, CL, CHAR_DIM)
    wpc = jnp.transpose(wpc, (1, 2, 0))
    cp = _cp_call(char_table, wpc)
    word_rows, char_sum = _sc_gather(word_table, cp, widx, cidx)
    out = _tc_call(
        word_rows, char_sum,
        W_proj[:, :WORD_DIM].T,
        Wg0.T, bg0.reshape(1, HIDDEN), Wt0.T, bt0.reshape(1, HIDDEN),
        Wg1.T, bg1.reshape(1, HIDDEN), Wt1.T, bt1.reshape(1, HIDDEN),
    )
    return out

# --- scband reference (transcript-rebuilt; emitter-appended) ---
"""Pipeline reference for scband-embedding-19284403159240 (READ-ONLY COPY).

The authoritative reference and input builder live on the scoring server;
editing this copy changes nothing except your own understanding.
"""

import jax, jax.numpy as jnp
import numpy as np

B, L, CL = 1024, 50, 16
WORD_VOCAB, WORD_DIM = 100000, 128
CHAR_VOCAB, CHAR_DIM = 1000, 64
HIDDEN = 128
EMB_DIM = WORD_DIM + CL * CHAR_DIM  # 128 + 1024 = 1152


def setup_inputs(seed: int = 0) -> dict:
    key = jax.random.key(seed)
    ks = jax.random.split(key, 16)
    w_idx = jax.random.randint(ks[0], (B, L), 0, WORD_VOCAB)
    c_idx = jax.random.randint(ks[1], (B, L, CL), 0, CHAR_VOCAB)
    word_table = jax.random.normal(ks[2], (WORD_VOCAB, WORD_DIM), dtype=jnp.float32) * 0.1
    char_table = jax.random.normal(ks[3], (CHAR_VOCAB, CHAR_DIM), dtype=jnp.float32) * 0.1
    W_proj = jax.random.normal(ks[4], (HIDDEN, EMB_DIM), dtype=jnp.float32) / np.sqrt(EMB_DIM)
    Wg0 = jax.random.normal(ks[5], (HIDDEN, HIDDEN), dtype=jnp.float32) / np.sqrt(HIDDEN)
    bg0 = jax.random.normal(ks[6], (HIDDEN,), dtype=jnp.float32) * 0.01
    Wt0 = jax.random.normal(ks[7], (HIDDEN, HIDDEN), dtype=jnp.float32) / np.sqrt(HIDDEN)
    bt0 = jax.random.normal(ks[8], (HIDDEN,), dtype=jnp.float32) * 0.01
    Wg1 = jax.random.normal(ks[9], (HIDDEN, HIDDEN), dtype=jnp.float32) / np.sqrt(HIDDEN)
    bg1 = jax.random.normal(ks[10], (HIDDEN,), dtype=jnp.float32) * 0.01
    Wt1 = jax.random.normal(ks[11], (HIDDEN, HIDDEN), dtype=jnp.float32) / np.sqrt(HIDDEN)
    bt1 = jax.random.normal(ks[12], (HIDDEN,), dtype=jnp.float32) * 0.01
    return {
        "w_idx": w_idx, "c_idx": c_idx,
        "word_table": word_table, "char_table": char_table, "W_proj": W_proj,
        "Wg0": Wg0, "bg0": bg0, "Wt0": Wt0, "bt0": bt0,
        "Wg1": Wg1, "bg1": bg1, "Wt1": Wt1, "bt1": bt1,
    }


def reference(w_idx, c_idx, word_table, char_table, W_proj,
              Wg0, bg0, Wt0, bt0, Wg1, bg1, Wt1, bt1):
    # Word embedding lookup (dropout is identity in eval mode)
    word_emb = jnp.take(word_table, w_idx, axis=0)            # [B, L, WORD_DIM]
    # Char embedding lookup, use_char_cnn=False path: flatten char dim
    char_emb = jnp.take(char_table, c_idx, axis=0)            # [B, L, CL, CHAR_DIM]
    char_emb = char_emb.reshape(char_emb.shape[0], char_emb.shape[1], -1)  # [B, L, CL*CHAR_DIM]
    # (F.dropout in original forward is not assigned back -> no-op)
    emb = jnp.concatenate((word_emb, char_emb), axis=2)       # [B, L, EMB_DIM]
    emb = emb @ W_proj.T                                      # [B, L, HIDDEN] (no bias)
    # 2-layer highway encoder
    x = emb
    for (Wg, bg, Wt, bt) in ((Wg0, bg0, Wt0, bt0), (Wg1, bg1, Wt1, bt1)):
        g = jax.nn.sigmoid(x @ Wg.T + bg)
        t = jax.nn.relu(x @ Wt.T + bt)
        x = g * t + (1.0 - g) * x
    return x

if __name__ == "__main__":
    import jax
    _d = setup_inputs()
    print(jax.jit(kernel)(*tuple(_d.values())))

</pallas_src>

<mosaic_0001>
#map = affine_map<(d0, d1) -> (0, 0)>
#map1 = affine_map<(d0, d1) -> (0, 0, 0)>
module attributes {stable_mosaic.version = 14 : i64} {
  func.func @_sc_gather(%arg0: i32, %arg1: i32, %arg2: memref<100000x128xf32, #tpu.memory_space<hbm>>, %arg3: memref<16000x128xf32, #tpu.memory_space<hbm>>, %arg4: memref<32x20x80xi32, #tpu.memory_space<hbm>>, %arg5: memref<32x200x128xi32, #tpu.memory_space<hbm>>, %arg6: memref<51200x128xf32, #tpu.memory_space<hbm>>, %arg7: memref<51200x128xf32, #tpu.memory_space<hbm>>, %arg8: memref<20x80xi32, #tpu.memory_space<vmem>>, %arg9: memref<200x128xi32, #tpu.memory_space<vmem>>, %arg10: memref<2x80x128xf32, #tpu.memory_space<vmem>>, %arg11: memref<2x256x128xf32, #tpu.memory_space<vmem>>, %arg12: memref<2x16x128xf32, #tpu.memory_space<vmem>>, %arg13: memref<!tpu.dma_semaphore, #tpu.memory_space<semaphore_mem>>, %arg14: memref<!tpu.dma_semaphore, #tpu.memory_space<semaphore_mem>>, %arg15: memref<!tpu.dma_semaphore, #tpu.memory_space<semaphore_mem>>, %arg16: memref<!tpu.dma_semaphore, #tpu.memory_space<semaphore_mem>>) attributes {dimension_semantics = [#tpu.dimension_semantics<core_parallel>, #tpu.dimension_semantics<subcore_parallel>], iteration_bounds = array<i64: 2, 16>, scalar_prefetch = 0 : i64, scratch_operands = 9 : i64, tpu.core_type = #tpu.core_type<sc_vector_subcore>, window_params = [{transform_indices = #map}, {transform_indices = #map}, {transform_indices = #map1}, {transform_indices = #map1}, {transform_indices = #map}, {transform_indices = #map}]} {
    %mul3A = arith.constant 2 : i32
    %mul3A_0 = arith.muli %arg1, %mul3A : i32
    %add3A = arith.addi %mul3A_0, %arg0 : i32
    "tpu.region"() ({
      %run_scoped3A = tpu.sem_alloc : memref<!tpu.dma_semaphore, #tpu.memory_space<semaphore_mem>>
      %dma_start3A_80 = arith.constant 0 : i32
      %dma_start3A_81 = arith.constant 0 : i32
      %dma_start3A_82 = tpu.memref_slice %arg4[%add3A, %dma_start3A_80, %dma_start3A_81] : memref<32x20x80xi32, #tpu.memory_space<hbm>> -> memref<1x20x80xi32, #tpu.memory_space<hbm>>
      %dma_start3A_83 = tpu.memref_squeeze %dma_start3A_82 : memref<1x20x80xi32, #tpu.memory_space<hbm>> -> memref<20x80xi32, #tpu.memory_space<hbm>>
      %dma_start3A_84 = arith.constant 0 : i32
      %dma_start3A_85 = arith.constant 0 : i32
      %dma_start3A_86 = tpu.memref_slice %arg4[%add3A, %dma_start3A_84, %dma_start3A_85] : memref<32x20x80xi32, #tpu.memory_space<hbm>> -> memref<1x20x80xi32, #tpu.memory_space<hbm>>
      %dma_start3A_87 = tpu.memref_squeeze %dma_start3A_86 : memref<1x20x80xi32, #tpu.memory_space<hbm>> -> memref<20x80xi32, #tpu.memory_space<hbm>>
      tpu.enqueue_dma source(%dma_start3A_87 : memref<20x80xi32, #tpu.memory_space<hbm>>) target(%arg8 : memref<20x80xi32, #tpu.memory_space<vmem>>) target_semaphore(%run_scoped3A : memref<!tpu.dma_semaphore, #tpu.memory_space<semaphore_mem>>)
      %dma_wait3A_88 = arith.constant 0 : i32
      %dma_wait3A_89 = arith.constant 0 : i32
      %dma_wait3A_90 = tpu.memref_slice %arg4[%add3A, %dma_wait3A_88, %dma_wait3A_89] : memref<32x20x80xi32, #tpu.memory_space<hbm>> -> memref<1x20x80xi32, #tpu.memory_space<hbm>>
      %dma_wait3A_91 = tpu.memref_squeeze %dma_wait3A_90 : memref<1x20x80xi32, #tpu.memory_space<hbm>> -> memref<20x80xi32, #tpu.memory_space<hbm>>
      %dma_wait3A_92 = arith.constant 0 : i32
      %dma_wait3A_93 = arith.constant 0 : i32
      %dma_wait3A_94 = tpu.memref_slice %arg4[%add3A, %dma_wait3A_92, %dma_wait3A_93] : memref<32x20x80xi32, #tpu.memory_space<hbm>> -> memref<1x20x80xi32, #tpu.memory_space<hbm>>
      %dma_wait3A_95 = tpu.memref_squeeze %dma_wait3A_94 : memref<1x20x80xi32, #tpu.memory_space<hbm>> -> memref<20x80xi32, #tpu.memory_space<hbm>>
      tpu.wait_dma2 semaphore(%run_scoped3A : memref<!tpu.dma_semaphore, #tpu.memory_space<semaphore_mem>>) src(%dma_wait3A_95 : memref<20x80xi32, #tpu.memory_space<hbm>>) dst(%arg8 : memref<20x80xi32, #tpu.memory_space<vmem>>)
      tpu.yield
    }) : () -> ()
    "tpu.region"() ({
      %run_scoped3A = tpu.sem_alloc : memref<!tpu.dma_semaphore, #tpu.memory_space<semaphore_mem>>
      %dma_start3A_80 = arith.constant 0 : i32
      %dma_start3A_81 = arith.constant 0 : i32
      %dma_start3A_82 = tpu.memref_slice %arg5[%add3A, %dma_start3A_80, %dma_start3A_81] : memref<32x200x128xi32, #tpu.memory_space<hbm>> -> memref<1x200x128xi32, #tpu.memory_space<hbm>>
      %dma_start3A_83 = tpu.memref_squeeze %dma_start3A_82 : memref<1x200x128xi32, #tpu.memory_space<hbm>> -> memref<200x128xi32, #tpu.memory_space<hbm>>
      %dma_start3A_84 = arith.constant 0 : i32
      %dma_start3A_85 = arith.constant 0 : i32
      %dma_start3A_86 = tpu.memref_slice %arg5[%add3A, %dma_start3A_84, %dma_start3A_85] : memref<32x200x128xi32, #tpu.memory_space<hbm>> -> memref<1x200x128xi32, #tpu.memory_space<hbm>>
      %dma_start3A_87 = tpu.memref_squeeze %dma_start3A_86 : memref<1x200x128xi32, #tpu.memory_space<hbm>> -> memref<200x128xi32, #tpu.memory_space<hbm>>
      tpu.enqueue_dma source(%dma_start3A_87 : memref<200x128xi32, #tpu.memory_space<hbm>>) target(%arg9 : memref<200x128xi32, #tpu.memory_space<vmem>>) target_semaphore(%run_scoped3A : memref<!tpu.dma_semaphore, #tpu.memory_space<semaphore_mem>>)
      %dma_wait3A_88 = arith.constant 0 : i32
      %dma_wait3A_89 = arith.constant 0 : i32
      %dma_wait3A_90 = tpu.memref_slice %arg5[%add3A, %dma_wait3A_88, %dma_wait3A_89] : memref<32x200x128xi32, #tpu.memory_space<hbm>> -> memref<1x200x128xi32, #tpu.memory_space<hbm>>
      %dma_wait3A_91 = tpu.memref_squeeze %dma_wait3A_90 : memref<1x200x128xi32, #tpu.memory_space<hbm>> -> memref<200x128xi32, #tpu.memory_space<hbm>>
      %dma_wait3A_92 = arith.constant 0 : i32
      %dma_wait3A_93 = arith.constant 0 : i32
      %dma_wait3A_94 = tpu.memref_slice %arg5[%add3A, %dma_wait3A_92, %dma_wait3A_93] : memref<32x200x128xi32, #tpu.memory_space<hbm>> -> memref<1x200x128xi32, #tpu.memory_space<hbm>>
      %dma_wait3A_95 = tpu.memref_squeeze %dma_wait3A_94 : memref<1x200x128xi32, #tpu.memory_space<hbm>> -> memref<200x128xi32, #tpu.memory_space<hbm>>
      tpu.wait_dma2 semaphore(%run_scoped3A : memref<!tpu.dma_semaphore, #tpu.memory_space<semaphore_mem>>) src(%dma_wait3A_95 : memref<200x128xi32, #tpu.memory_space<hbm>>) dst(%arg9 : memref<200x128xi32, #tpu.memory_space<vmem>>)
      tpu.yield
    }) : () -> ()
    %mul3A_1 = arith.constant 1600 : i32
    %mul3A_2 = arith.muli %add3A, %mul3A_1 : i32
    %dma_start3A = arith.constant 0 : i32
    %dma_start3A_3 = arith.constant 0 : i32
    %dma_start3A_4 = arith.constant 0 : i32
    %dma_start3A_5 = arith.constant 0 : i32
    %dma_start3A_6 = tpu.memref_slice %arg10[%dma_start3A_3, %dma_start3A_4, %dma_start3A_5] : memref<2x80x128xf32, #tpu.memory_space<vmem>> -> memref<1x80x128xf32, #tpu.memory_space<vmem>>
    %dma_start3A_7 = tpu.memref_squeeze %dma_start3A_6 : memref<1x80x128xf32, #tpu.memory_space<vmem>> -> memref<80x128xf32, #tpu.memory_space<vmem>>
    %dma_start3A_8 = arith.constant 0 : i32
    %dma_start3A_9 = tpu.memref_slice %arg8[%dma_start3A, %dma_start3A_8] : memref<20x80xi32, #tpu.memory_space<vmem>> -> memref<1x80xi32, #tpu.memory_space<vmem>>
    %dma_start3A_10 = tpu.memref_squeeze %dma_start3A_9 : memref<1x80xi32, #tpu.memory_space<vmem>> -> memref<80xi32, #tpu.memory_space<vmem>>
    %dma_start3A_11 = arith.constant 0 : i32
    %dma_start3A_12 = arith.constant 0 : i32
    %dma_start3A_13 = tpu.memref_slice %arg2[%dma_start3A_11, %dma_start3A_12] : memref<100000x128xf32, #tpu.memory_space<hbm>> -> memref<100000x128xf32, #tpu.memory_space<hbm>>
    tpu.enqueue_indirect_dma source(%dma_start3A_13 : memref<100000x128xf32, #tpu.memory_space<hbm>>) target(%dma_start3A_7 : memref<80x128xf32, #tpu.memory_space<vmem>>) offsets(%dma_start3A_10 : memref<80xi32, #tpu.memory_space<vmem>>) semaphore(%arg13 : memref<!tpu.dma_semaphore, #tpu.memory_space<semaphore_mem>>)
    %scan3A = arith.constant 0 : i32
    %scan3A_14 = arith.constant 0 : i32
    %scan3A_15 = arith.constant 10 : i32
    %scan3A_16 = arith.addi %scan3A_14, %scan3A_15 : i32
    %scan3A_17 = arith.constant 1 : i32
    %scan3A_18 = scf.for %scan3A_80 = %scan3A_14 to %scan3A_16 step %scan3A_17 iter_args(%scan3A_81 = %scan3A) -> (i32)  : i32 {
      %mul3A_82 = arith.constant 2 : i32
      %mul3A_83 = arith.muli %scan3A_80, %mul3A_82 : i32
      %add3A_84 = arith.constant 0 : i32
      %add3A_85 = arith.addi %mul3A_83, %add3A_84 : i32
      %add3A_86 = arith.constant 1 : i32
      %add3A_87 = arith.addi %add3A_85, %add3A_86 : i32
      %lt3A = arith.constant 20 : i32
      %lt3A_88 = arith.cmpi slt, %add3A_87, %lt3A : i32
      %convert_element_type3A = arith.extui %lt3A_88 : i1 to i32
      %cond3A = arith.constant 0 : i32
      %cond3A_89 = arith.cmpi ne, %convert_element_type3A, %cond3A : i32
      scf.if %cond3A_89 {
        %add3A_131 = arith.constant 1 : i32
        %add3A_132 = arith.addi %add3A_85, %add3A_131 : i32
        %dma_start3A_133 = arith.constant 1 : i32
        %dma_start3A_134 = arith.constant 0 : i32
        %dma_start3A_135 = arith.constant 0 : i32
        %dma_start3A_136 = tpu.memref_slice %arg10[%dma_start3A_133, %dma_start3A_134, %dma_start3A_135] : memref<2x80x128xf32, #tpu.memory_space<vmem>> -> memref<1x80x128xf32, #tpu.memory_space<vmem>>
        %dma_start3A_137 = tpu.memref_squeeze %dma_start3A_136 : memref<1x80x128xf32, #tpu.memory_space<vmem>> -> memref<80x128xf32, #tpu.memory_space<vmem>>
        %dma_start3A_138 = arith.constant 0 : i32
        %dma_start3A_139 = tpu.memref_slice %arg8[%add3A_132, %dma_start3A_138] : memref<20x80xi32, #tpu.memory_space<vmem>> -> memref<1x80xi32, #tpu.memory_space<vmem>>
        %dma_start3A_140 = tpu.memref_squeeze %dma_start3A_139 : memref<1x80xi32, #tpu.memory_space<vmem>> -> memref<80xi32, #tpu.memory_space<vmem>>
        %dma_start3A_141 = arith.constant 0 : i32
        %dma_start3A_142 = arith.constant 0 : i32
        %dma_start3A_143 = tpu.memref_slice %arg2[%dma_start3A_141, %dma_start3A_142] : memref<100000x128xf32, #tpu.memory_space<hbm>> -> memref<100000x128xf32, #tpu.memory_space<hbm>>
        tpu.enqueue_indirect_dma source(%dma_start3A_143 : memref<100000x128xf32, #tpu.memory_space<hbm>>) target(%dma_start3A_137 : memref<80x128xf32, #tpu.memory_space<vmem>>) offsets(%dma_start3A_140 : memref<80xi32, #tpu.memory_space<vmem>>) semaphore(%arg14 : memref<!tpu.dma_semaphore, #tpu.memory_space<semaphore_mem>>)
      } else {
      }
      %dma_wait3A_90 = arith.constant 0 : i32
      %dma_wait3A_91 = arith.constant 0 : i32
      %dma_wait3A_92 = arith.constant 0 : i32
      %dma_wait3A_93 = tpu.memref_slice %arg10[%dma_wait3A_90, %dma_wait3A_91, %dma_wait3A_92] : memref<2x80x128xf32, #tpu.memory_space<vmem>> -> memref<1x80x128xf32, #tpu.memory_space<vmem>>
      %dma_wait3A_94 = tpu.memref_squeeze %dma_wait3A_93 : memref<1x80x128xf32, #tpu.memory_space<vmem>> -> memref<80x128xf32, #tpu.memory_space<vmem>>
      %dma_wait3A_95 = arith.constant 0 : i32
      %dma_wait3A_96 = tpu.memref_slice %arg8[%add3A_85, %dma_wait3A_95] : memref<20x80xi32, #tpu.memory_space<vmem>> -> memref<1x80xi32, #tpu.memory_space<vmem>>
      %dma_wait3A_97 = tpu.memref_squeeze %dma_wait3A_96 : memref<1x80xi32, #tpu.memory_space<vmem>> -> memref<80xi32, #tpu.memory_space<vmem>>
      %dma_wait3A_98 = arith.constant 0 : i32
      %dma_wait3A_99 = arith.constant 0 : i32
      %dma_wait3A_100 = tpu.memref_slice %arg2[%dma_wait3A_98, %dma_wait3A_99] : memref<100000x128xf32, #tpu.memory_space<hbm>> -> memref<100000x128xf32, #tpu.memory_space<hbm>>
      tpu.wait_indirect_dma semaphore(%arg13 : memref<!tpu.dma_semaphore, #tpu.memory_space<semaphore_mem>>) src(%dma_wait3A_100 : memref<100000x128xf32, #tpu.memory_space<hbm>>) dst(%dma_wait3A_94 : memref<80x128xf32, #tpu.memory_space<vmem>>)
      %mul3A_101 = arith.constant 80 : i32
      %mul3A_102 = arith.muli %add3A_85, %mul3A_101 : i32
      %add3A_103 = arith.addi %mul3A_2, %mul3A_102 : i32
      %run_scoped3A = arith.constant 0 : i32
      "tpu.region"() ({
        %run_scoped3A_131 = tpu.sem_alloc : memref<!tpu.dma_semaphore, #tpu.memory_space<semaphore_mem>>
        %dma_start3A_132 = arith.constant 0 : i32
        %dma_start3A_133 = arith.constant 0 : i32
        %dma_start3A_134 = tpu.memref_slice %arg10[%run_scoped3A, %dma_start3A_132, %dma_start3A_133] : memref<2x80x128xf32, #tpu.memory_space<vmem>> -> memref<1x80x128xf32, #tpu.memory_space<vmem>>
        %dma_start3A_135 = tpu.memref_squeeze %dma_start3A_134 : memref<1x80x128xf32, #tpu.memory_space<vmem>> -> memref<80x128xf32, #tpu.memory_space<vmem>>
        %dma_start3A_136 = arith.constant 0 : i32
        %dma_start3A_137 = tpu.memref_slice %arg6[%add3A_103, %dma_start3A_136] : memref<51200x128xf32, #tpu.memory_space<hbm>> -> memref<80x128xf32, #tpu.memory_space<hbm>>
        %dma_start3A_138 = arith.constant 0 : i32
        %dma_start3A_139 = tpu.memref_slice %arg6[%add3A_103, %dma_start3A_138] : memref<51200x128xf32, #tpu.memory_space<hbm>> -> memref<80x128xf32, #tpu.memory_space<hbm>>
        %dma_start3A_140 = arith.constant 0 : i32
        %dma_start3A_141 = arith.constant 0 : i32
        %dma_start3A_142 = tpu.memref_slice %arg10[%run_scoped3A, %dma_start3A_140, %dma_start3A_141] : memref<2x80x128xf32, #tpu.memory_space<vmem>> -> memref<1x80x128xf32, #tpu.memory_space<vmem>>
        %dma_start3A_143 = tpu.memref_squeeze %dma_start3A_142 : memref<1x80x128xf32, #tpu.memory_space<vmem>> -> memref<80x128xf32, #tpu.memory_space<vmem>>
        tpu.enqueue_dma source(%dma_start3A_143 : memref<80x128xf32, #tpu.memory_space<vmem>>) target(%dma_start3A_139 : memref<80x128xf32, #tpu.memory_space<hbm>>) target_semaphore(%run_scoped3A_131 : memref<!tpu.dma_semaphore, #tpu.memory_space<semaphore_mem>>)
        %dma_wait3A_144 = arith.constant 0 : i32
        %dma_wait3A_145 = arith.constant 0 : i32
        %dma_wait3A_146 = tpu.memref_slice %arg10[%run_scoped3A, %dma_wait3A_144, %dma_wait3A_145] : memref<2x80x128xf32, #tpu.memory_space<vmem>> -> memref<1x80x128xf32, #tpu.memory_space<vmem>>
        %dma_wait3A_147 = tpu.memref_squeeze %dma_wait3A_146 : memref<1x80x128xf32, #tpu.memory_space<vmem>> -> memref<80x128xf32, #tpu.memory_space<vmem>>
        %dma_wait3A_148 = arith.constant 0 : i32
        %dma_wait3A_149 = tpu.memref_slice %arg6[%add3A_103, %dma_wait3A_148] : memref<51200x128xf32, #tpu.memory_space<hbm>> -> memref<80x128xf32, #tpu.memory_space<hbm>>
        %dma_wait3A_150 = arith.constant 0 : i32
        %dma_wait3A_151 = tpu.memref_slice %arg6[%add3A_103, %dma_wait3A_150] : memref<51200x128xf32, #tpu.memory_space<hbm>> -> memref<80x128xf32, #tpu.memory_space<hbm>>
        %dma_wait3A_152 = arith.constant 0 : i32
        %dma_wait3A_153 = arith.constant 0 : i32
        %dma_wait3A_154 = tpu.memref_slice %arg10[%run_scoped3A, %dma_wait3A_152, %dma_wait3A_153] : memref<2x80x128xf32, #tpu.memory_space<vmem>> -> memref<1x80x128xf32, #tpu.memory_space<vmem>>
        %dma_wait3A_155 = tpu.memref_squeeze %dma_wait3A_154 : memref<1x80x128xf32, #tpu.memory_space<vmem>> -> memref<80x128xf32, #tpu.memory_space<vmem>>
        tpu.wait_dma2 semaphore(%run_scoped3A_131 : memref<!tpu.dma_semaphore, #tpu.memory_space<semaphore_mem>>) src(%dma_wait3A_155 : memref<80x128xf32, #tpu.memory_space<vmem>>) dst(%dma_wait3A_151 : memref<80x128xf32, #tpu.memory_space<hbm>>)
        tpu.yield
      }) : () -> ()
      %mul3A_104 = arith.constant 2 : i32
      %mul3A_105 = arith.muli %scan3A_80, %mul3A_104 : i32
      %add3A_106 = arith.constant 1 : i32
      %add3A_107 = arith.addi %mul3A_105, %add3A_106 : i32
      %add3A_108 = arith.constant 1 : i32
      %add3A_109 = arith.addi %add3A_107, %add3A_108 : i32
      %lt3A_110 = arith.constant 20 : i32
      %lt3A_111 = arith.cmpi slt, %add3A_109, %lt3A_110 : i32
      %convert_element_type3A_112 = arith.extui %lt3A_111 : i1 to i32
      %cond3A_113 = arith.constant 0 : i32
      %cond3A_114 = arith.cmpi ne, %convert_element_type3A_112, %cond3A_113 : i32
      scf.if %cond3A_114 {
        %add3A_131 = arith.constant 1 : i32
        %add3A_132 = arith.addi %add3A_107, %add3A_131 : i32
        %dma_start3A_133 = arith.constant 0 : i32
        %dma_start3A_134 = arith.constant 0 : i32
        %dma_start3A_135 = arith.constant 0 : i32
        %dma_start3A_136 = tpu.memref_slice %arg10[%dma_start3A_133, %dma_start3A_134, %dma_start3A_135] : memref<2x80x128xf32, #tpu.memory_space<vmem>> -> memref<1x80x128xf32, #tpu.memory_space<vmem>>
        %dma_start3A_137 = tpu.memref_squeeze %dma_start3A_136 : memref<1x80x128xf32, #tpu.memory_space<vmem>> -> memref<80x128xf32, #tpu.memory_space<vmem>>
        %dma_start3A_138 = arith.constant 0 : i32
        %dma_start3A_139 = tpu.memref_slice %arg8[%add3A_132, %dma_start3A_138] : memref<20x80xi32, #tpu.memory_space<vmem>> -> memref<1x80xi32, #tpu.memory_space<vmem>>
        %dma_start3A_140 = tpu.memref_squeeze %dma_start3A_139 : memref<1x80xi32, #tpu.memory_space<vmem>> -> memref<80xi32, #tpu.memory_space<vmem>>
        %dma_start3A_141 = arith.constant 0 : i32
        %dma_start3A_142 = arith.constant 0 : i32
        %dma_start3A_143 = tpu.memref_slice %arg2[%dma_start3A_141, %dma_start3A_142] : memref<100000x128xf32, #tpu.memory_space<hbm>> -> memref<100000x128xf32, #tpu.memory_space<hbm>>
        tpu.enqueue_indirect_dma source(%dma_start3A_143 : memref<100000x128xf32, #tpu.memory_space<hbm>>) target(%dma_start3A_137 : memref<80x128xf32, #tpu.memory_space<vmem>>) offsets(%dma_start3A_140 : memref<80xi32, #tpu.memory_space<vmem>>) semaphore(%arg13 : memref<!tpu.dma_semaphore, #tpu.memory_space<semaphore_mem>>)
      } else {
      }
      %dma_wait3A_115 = arith.constant 1 : i32
      %dma_wait3A_116 = arith.constant 0 : i32
      %dma_wait3A_117 = arith.constant 0 : i32
      %dma_wait3A_118 = tpu.memref_slice %arg10[%dma_wait3A_115, %dma_wait3A_116, %dma_wait3A_117] : memref<2x80x128xf32, #tpu.memory_space<vmem>> -> memref<1x80x128xf32, #tpu.memory_space<vmem>>
      %dma_wait3A_119 = tpu.memref_squeeze %dma_wait3A_118 : memref<1x80x128xf32, #tpu.memory_space<vmem>> -> memref<80x128xf32, #tpu.memory_space<vmem>>
      %dma_wait3A_120 = arith.constant 0 : i32
      %dma_wait3A_121 = tpu.memref_slice %arg8[%add3A_107, %dma_wait3A_120] : memref<20x80xi32, #tpu.memory_space<vmem>> -> memref<1x80xi32, #tpu.memory_space<vmem>>
      %dma_wait3A_122 = tpu.memref_squeeze %dma_wait3A_121 : memref<1x80xi32, #tpu.memory_space<vmem>> -> memref<80xi32, #tpu.memory_space<vmem>>
      %dma_wait3A_123 = arith.constant 0 : i32
      %dma_wait3A_124 = arith.constant 0 : i32
      %dma_wait3A_125 = tpu.memref_slice %arg2[%dma_wait3A_123, %dma_wait3A_124] : memref<100000x128xf32, #tpu.memory_space<hbm>> -> memref<100000x128xf32, #tpu.memory_space<hbm>>
      tpu.wait_indirect_dma semaphore(%arg14 : memref<!tpu.dma_semaphore, #tpu.memory_space<semaphore_mem>>) src(%dma_wait3A_125 : memref<100000x128xf32, #tpu.memory_space<hbm>>) dst(%dma_wait3A_119 : memref<80x128xf32, #tpu.memory_space<vmem>>)
      %mul3A_126 = arith.constant 80 : i32
      %mul3A_127 = arith.muli %add3A_107, %mul3A_126 : i32
      %add3A_128 = arith.addi %mul3A_2, %mul3A_127 : i32
      %run_scoped3A_129 = arith.constant 1 : i32
      "tpu.region"() ({
        %run_scoped3A_131 = tpu.sem_alloc : memref<!tpu.dma_semaphore, #tpu.memory_space<semaphore_mem>>
        %dma_start3A_132 = arith.constant 0 : i32
        %dma_start3A_133 = arith.constant 0 : i32
        %dma_start3A_134 = tpu.memref_slice %arg10[%run_scoped3A_129, %dma_start3A_132, %dma_start3A_133] : memref<2x80x128xf32, #tpu.memory_space<vmem>> -> memref<1x80x128xf32, #tpu.memory_space<vmem>>
        %dma_start3A_135 = tpu.memref_squeeze %dma_start3A_134 : memref<1x80x128xf32, #tpu.memory_space<vmem>> -> memref<80x128xf32, #tpu.memory_space<vmem>>
        %dma_start3A_136 = arith.constant 0 : i32
        %dma_start3A_137 = tpu.memref_slice %arg6[%add3A_128, %dma_start3A_136] : memref<51200x128xf32, #tpu.memory_space<hbm>> -> memref<80x128xf32, #tpu.memory_space<hbm>>
        %dma_start3A_138 = arith.constant 0 : i32
        %dma_start3A_139 = tpu.memref_slice %arg6[%add3A_128, %dma_start3A_138] : memref<51200x128xf32, #tpu.memory_space<hbm>> -> memref<80x128xf32, #tpu.memory_space<hbm>>
        %dma_start3A_140 = arith.constant 0 : i32
        %dma_start3A_141 = arith.constant 0 : i32
        %dma_start3A_142 = tpu.memref_slice %arg10[%run_scoped3A_129, %dma_start3A_140, %dma_start3A_141] : memref<2x80x128xf32, #tpu.memory_space<vmem>> -> memref<1x80x128xf32, #tpu.memory_space<vmem>>
        %dma_start3A_143 = tpu.memref_squeeze %dma_start3A_142 : memref<1x80x128xf32, #tpu.memory_space<vmem>> -> memref<80x128xf32, #tpu.memory_space<vmem>>
        tpu.enqueue_dma source(%dma_start3A_143 : memref<80x128xf32, #tpu.memory_space<vmem>>) target(%dma_start3A_139 : memref<80x128xf32, #tpu.memory_space<hbm>>) target_semaphore(%run_scoped3A_131 : memref<!tpu.dma_semaphore, #tpu.memory_space<semaphore_mem>>)
        %dma_wait3A_144 = arith.constant 0 : i32
        %dma_wait3A_145 = arith.constant 0 : i32
        %dma_wait3A_146 = tpu.memref_slice %arg10[%run_scoped3A_129, %dma_wait3A_144, %dma_wait3A_145] : memref<2x80x128xf32, #tpu.memory_space<vmem>> -> memref<1x80x128xf32, #tpu.memory_space<vmem>>
        %dma_wait3A_147 = tpu.memref_squeeze %dma_wait3A_146 : memref<1x80x128xf32, #tpu.memory_space<vmem>> -> memref<80x128xf32, #tpu.memory_space<vmem>>
        %dma_wait3A_148 = arith.constant 0 : i32
        %dma_wait3A_149 = tpu.memref_slice %arg6[%add3A_128, %dma_wait3A_148] : memref<51200x128xf32, #tpu.memory_space<hbm>> -> memref<80x128xf32, #tpu.memory_space<hbm>>
        %dma_wait3A_150 = arith.constant 0 : i32
        %dma_wait3A_151 = tpu.memref_slice %arg6[%add3A_128, %dma_wait3A_150] : memref<51200x128xf32, #tpu.memory_space<hbm>> -> memref<80x128xf32, #tpu.memory_space<hbm>>
        %dma_wait3A_152 = arith.constant 0 : i32
        %dma_wait3A_153 = arith.constant 0 : i32
        %dma_wait3A_154 = tpu.memref_slice %arg10[%run_scoped3A_129, %dma_wait3A_152, %dma_wait3A_153] : memref<2x80x128xf32, #tpu.memory_space<vmem>> -> memref<1x80x128xf32, #tpu.memory_space<vmem>>
        %dma_wait3A_155 = tpu.memref_squeeze %dma_wait3A_154 : memref<1x80x128xf32, #tpu.memory_space<vmem>> -> memref<80x128xf32, #tpu.memory_space<vmem>>
        tpu.wait_dma2 semaphore(%run_scoped3A_131 : memref<!tpu.dma_semaphore, #tpu.memory_space<semaphore_mem>>) src(%dma_wait3A_155 : memref<80x128xf32, #tpu.memory_space<vmem>>) dst(%dma_wait3A_151 : memref<80x128xf32, #tpu.memory_space<hbm>>)
        tpu.yield
      }) : () -> ()
      %scan3A_130 = arith.constant 0 : i32
      scf.yield %scan3A_130 : i32
    }
    %scan3A_19 = arith.constant 10 : i32
    %dma_start3A_20 = arith.constant 0 : i32
    %dma_start3A_21 = arith.constant 0 : i32
    %dma_start3A_22 = arith.constant 0 : i32
    %dma_start3A_23 = arith.constant 0 : i32
    %dma_start3A_24 = tpu.memref_slice %arg11[%dma_start3A_21, %dma_start3A_22, %dma_start3A_23] : memref<2x256x128xf32, #tpu.memory_space<vmem>> -> memref<1x128x128xf32, #tpu.memory_space<vmem>>
    %dma_start3A_25 = tpu.memref_squeeze %dma_start3A_24 : memref<1x128x128xf32, #tpu.memory_space<vmem>> -> memref<128x128xf32, #tpu.memory_space<vmem>>
    %dma_start3A_26 = arith.constant 0 : i32
    %dma_start3A_27 = tpu.memref_slice %arg9[%dma_start3A_20, %dma_start3A_26] : memref<200x128xi32, #tpu.memory_space<vmem>> -> memref<1x128xi32, #tpu.memory_space<vmem>>
    %dma_start3A_28 = tpu.memref_squeeze %dma_start3A_27 : memref<1x128xi32, #tpu.memory_space<vmem>> -> memref<128xi32, #tpu.memory_space<vmem>>
    %dma_start3A_29 = arith.constant 0 : i32
    %dma_start3A_30 = arith.constant 0 : i32
    %dma_start3A_31 = tpu.memref_slice %arg3[%dma_start3A_29, %dma_start3A_30] : memref<16000x128xf32, #tpu.memory_space<hbm>> -> memref<16000x128xf32, #tpu.memory_space<hbm>>
    tpu.enqueue_indirect_dma source(%dma_start3A_31 : memref<16000x128xf32, #tpu.memory_space<hbm>>) target(%dma_start3A_25 : memref<128x128xf32, #tpu.memory_space<vmem>>) offsets(%dma_start3A_28 : memref<128xi32, #tpu.memory_space<vmem>>) semaphore(%arg13 : memref<!tpu.dma_semaphore, #tpu.memory_space<semaphore_mem>>)
    %dma_start3A_32 = arith.constant 1 : i32
    %dma_start3A_33 = arith.constant 0 : i32
    %dma_start3A_34 = arith.constant 128 : i32
    %dma_start3A_35 = arith.constant 0 : i32
    %dma_start3A_36 = tpu.memref_slice %arg11[%dma_start3A_33, %dma_start3A_34, %dma_start3A_35] : memref<2x256x128xf32, #tpu.memory_space<vmem>> -> memref<1x128x128xf32, #tpu.memory_space<vmem>>
    %dma_start3A_37 = tpu.memref_squeeze %dma_start3A_36 : memref<1x128x128xf32, #tpu.memory_space<vmem>> -> memref<128x128xf32, #tpu.memory_space<vmem>>
    %dma_start3A_38 = arith.constant 0 : i32
    %dma_start3A_39 = tpu.memref_slice %arg9[%dma_start3A_32, %dma_start3A_38] : memref<200x128xi32, #tpu.memory_space<vmem>> -> memref<1x128xi32, #tpu.memory_space<vmem>>
    %dma_start3A_40 = tpu.memref_squeeze %dma_start3A_39 : memref<1x128xi32, #tpu.memory_space<vmem>> -> memref<128xi32, #tpu.memory_space<vmem>>
    %dma_start3A_41 = arith.constant 0 : i32
    %dma_start3A_42 = arith.constant 0 : i32
    %dma_start3A_43 = tpu.memref_slice %arg3[%dma_start3A_41, %dma_start3A_42] : memref<16000x128xf32, #tpu.memory_space<hbm>> -> memref<16000x128xf32, #tpu.memory_space<hbm>>
    tpu.enqueue_indirect_dma source(%dma_start3A_43 : memref<16000x128xf32, #tpu.memory_space<hbm>>) target(%dma_start3A_37 : memref<128x128xf32, #tpu.memory_space<vmem>>) offsets(%dma_start3A_40 : memref<128xi32, #tpu.memory_space<vmem>>) semaphore(%arg13 : memref<!tpu.dma_semaphore, #tpu.memory_space<semaphore_mem>>)
    %scan3A_44 = arith.constant 0 : i32
    %scan3A_45 = arith.constant 0 : i32
    %scan3A_46 = arith.constant 50 : i32
    %scan3A_47 = arith.addi %scan3A_45, %scan3A_46 : i32
    %scan3A_48 = arith.constant 1 : i32
    %scan3A_49 = scf.for %scan3A_80 = %scan3A_45 to %scan3A_47 step %scan3A_48 iter_args(%scan3A_81 = %scan3A_44) -> (i32)  : i32 {
      %mul3A_82 = arith.constant 2 : i32
      %mul3A_83 = arith.muli %scan3A_80, %mul3A_82 : i32
      %add3A_84 = arith.constant 0 : i32
      %add3A_85 = arith.addi %mul3A_83, %add3A_84 : i32
      %add3A_86 = arith.constant 1 : i32
      %add3A_87 = arith.addi %add3A_85, %add3A_86 : i32
      %lt3A = arith.constant 100 : i32
      %lt3A_88 = arith.cmpi slt, %add3A_87, %lt3A : i32
      %convert_element_type3A = arith.extui %lt3A_88 : i1 to i32
      %cond3A = arith.constant 0 : i32
      %cond3A_89 = arith.cmpi ne, %convert_element_type3A, %cond3A : i32
      scf.if %cond3A_89 {
        %add3A_217 = arith.constant 1 : i32
        %add3A_218 = arith.addi %add3A_85, %add3A_217 : i32
        %mul3A_219 = arith.constant 2 : i32
        %mul3A_220 = arith.muli %add3A_218, %mul3A_219 : i32
        %add3A_221 = arith.constant 0 : i32
        %add3A_222 = arith.addi %mul3A_220, %add3A_221 : i32
        %dma_start3A_223 = arith.constant 1 : i32
        %dma_start3A_224 = arith.constant 0 : i32
        %dma_start3A_225 = arith.constant 0 : i32
        %dma_start3A_226 = tpu.memref_slice %arg11[%dma_start3A_223, %dma_start3A_224, %dma_start3A_225] : memref<2x256x128xf32, #tpu.memory_space<vmem>> -> memref<1x128x128xf32, #tpu.memory_space<vmem>>
        %dma_start3A_227 = tpu.memref_squeeze %dma_start3A_226 : memref<1x128x128xf32, #tpu.memory_space<vmem>> -> memref<128x128xf32, #tpu.memory_space<vmem>>
        %dma_start3A_228 = arith.constant 0 : i32
        %dma_start3A_229 = tpu.memref_slice %arg9[%add3A_222, %dma_start3A_228] : memref<200x128xi32, #tpu.memory_space<vmem>> -> memref<1x128xi32, #tpu.memory_space<vmem>>
        %dma_start3A_230 = tpu.memref_squeeze %dma_start3A_229 : memref<1x128xi32, #tpu.memory_space<vmem>> -> memref<128xi32, #tpu.memory_space<vmem>>
        %dma_start3A_231 = arith.constant 0 : i32
        %dma_start3A_232 = arith.constant 0 : i32
        %dma_start3A_233 = tpu.memref_slice %arg3[%dma_start3A_231, %dma_start3A_232] : memref<16000x128xf32, #tpu.memory_space<hbm>> -> memref<16000x128xf32, #tpu.memory_space<hbm>>
        tpu.enqueue_indirect_dma source(%dma_start3A_233 : memref<16000x128xf32, #tpu.memory_space<hbm>>) target(%dma_start3A_227 : memref<128x128xf32, #tpu.memory_space<vmem>>) offsets(%dma_start3A_230 : memref<128xi32, #tpu.memory_space<vmem>>) semaphore(%arg14 : memref<!tpu.dma_semaphore, #tpu.memory_space<semaphore_mem>>)
        %add3A_234 = arith.constant 1 : i32
        %add3A_235 = arith.addi %add3A_85, %add3A_234 : i32
        %mul3A_236 = arith.constant 2 : i32
        %mul3A_237 = arith.muli %add3A_235, %mul3A_236 : i32
        %add3A_238 = arith.constant 1 : i32
        %add3A_239 = arith.addi %mul3A_237, %add3A_238 : i32
        %dma_start3A_240 = arith.constant 1 : i32
        %dma_start3A_241 = arith.constant 128 : i32
        %dma_start3A_242 = arith.constant 0 : i32
        %dma_start3A_243 = tpu.memref_slice %arg11[%dma_start3A_240, %dma_start3A_241, %dma_start3A_242] : memref<2x256x128xf32, #tpu.memory_space<vmem>> -> memref<1x128x128xf32, #tpu.memory_space<vmem>>
        %dma_start3A_244 = tpu.memref_squeeze %dma_start3A_243 : memref<1x128x128xf32, #tpu.memory_space<vmem>> -> memref<128x128xf32, #tpu.memory_space<vmem>>
        %dma_start3A_245 = arith.constant 0 : i32
        %dma_start3A_246 = tpu.memref_slice %arg9[%add3A_239, %dma_start3A_245] : memref<200x128xi32, #tpu.memory_space<vmem>> -> memref<1x128xi32, #tpu.memory_space<vmem>>
        %dma_start3A_247 = tpu.memref_squeeze %dma_start3A_246 : memref<1x128xi32, #tpu.memory_space<vmem>> -> memref<128xi32, #tpu.memory_space<vmem>>
        %dma_start3A_248 = arith.constant 0 : i32
        %dma_start3A_249 = arith.constant 0 : i32
        %dma_start3A_250 = tpu.memref_slice %arg3[%dma_start3A_248, %dma_start3A_249] : memref<16000x128xf32, #tpu.memory_space<hbm>> -> memref<16000x128xf32, #tpu.memory_space<hbm>>
        tpu.enqueue_indirect_dma source(%dma_start3A_250 : memref<16000x128xf32, #tpu.memory_space<hbm>>) target(%dma_start3A_244 : memref<128x128xf32, #tpu.memory_space<vmem>>) offsets(%dma_start3A_247 : memref<128xi32, #tpu.memory_space<vmem>>) semaphore(%arg14 : memref<!tpu.dma_semaphore, #tpu.memory_space<semaphore_mem>>)
      } else {
      }
      %mul3A_90 = arith.constant 2 : i32
      %mul3A_91 = arith.muli %add3A_85, %mul3A_90 : i32
      %add3A_92 = arith.constant 0 : i32
      %add3A_93 = arith.addi %mul3A_91, %add3A_92 : i32
      %dma_wait3A_94 = arith.constant 0 : i32
      %dma_wait3A_95 = arith.constant 0 : i32
      %dma_wait3A_96 = arith.constant 0 : i32
      %dma_wait3A_97 = tpu.memref_slice %arg11[%dma_wait3A_94, %dma_wait3A_95, %dma_wait3A_96] : memref<2x256x128xf32, #tpu.memory_space<vmem>> -> memref<1x128x128xf32, #tpu.memory_space<vmem>>
      %dma_wait3A_98 = tpu.memref_squeeze %dma_wait3A_97 : memref<1x128x128xf32, #tpu.memory_space<vmem>> -> memref<128x128xf32, #tpu.memory_space<vmem>>
      %dma_wait3A_99 = arith.constant 0 : i32
      %dma_wait3A_100 = tpu.memref_slice %arg9[%add3A_93, %dma_wait3A_99] : memref<200x128xi32, #tpu.memory_space<vmem>> -> memref<1x128xi32, #tpu.memory_space<vmem>>
      %dma_wait3A_101 = tpu.memref_squeeze %dma_wait3A_100 : memref<1x128xi32, #tpu.memory_space<vmem>> -> memref<128xi32, #tpu.memory_space<vmem>>
      %dma_wait3A_102 = arith.constant 0 : i32
      %dma_wait3A_103 = arith.constant 0 : i32
      %dma_wait3A_104 = tpu.memref_slice %arg3[%dma_wait3A_102, %dma_wait3A_103] : memref<16000x128xf32, #tpu.memory_space<hbm>> -> memref<16000x128xf32, #tpu.memory_space<hbm>>
      tpu.wait_indirect_dma semaphore(%arg13 : memref<!tpu.dma_semaphore, #tpu.memory_space<semaphore_mem>>) src(%dma_wait3A_104 : memref<16000x128xf32, #tpu.memory_space<hbm>>) dst(%dma_wait3A_98 : memref<128x128xf32, #tpu.memory_space<vmem>>)
      %mul3A_105 = arith.constant 2 : i32
      %mul3A_106 = arith.muli %add3A_85, %mul3A_105 : i32
      %add3A_107 = arith.constant 1 : i32
      %add3A_108 = arith.addi %mul3A_106, %add3A_107 : i32
      %dma_wait3A_109 = arith.constant 0 : i32
      %dma_wait3A_110 = arith.constant 128 : i32
      %dma_wait3A_111 = arith.constant 0 : i32
      %dma_wait3A_112 = tpu.memref_slice %arg11[%dma_wait3A_109, %dma_wait3A_110, %dma_wait3A_111] : memref<2x256x128xf32, #tpu.memory_space<vmem>> -> memref<1x128x128xf32, #tpu.memory_space<vmem>>
      %dma_wait3A_113 = tpu.memref_squeeze %dma_wait3A_112 : memref<1x128x128xf32, #tpu.memory_space<vmem>> -> memref<128x128xf32, #tpu.memory_space<vmem>>
      %dma_wait3A_114 = arith.constant 0 : i32
      %dma_wait3A_115 = tpu.memref_slice %arg9[%add3A_108, %dma_wait3A_114] : memref<200x128xi32, #tpu.memory_space<vmem>> -> memref<1x128xi32, #tpu.memory_space<vmem>>
      %dma_wait3A_116 = tpu.memref_squeeze %dma_wait3A_115 : memref<1x128xi32, #tpu.memory_space<vmem>> -> memref<128xi32, #tpu.memory_space<vmem>>
      %dma_wait3A_117 = arith.constant 0 : i32
      %dma_wait3A_118 = arith.constant 0 : i32
      %dma_wait3A_119 = tpu.memref_slice %arg3[%dma_wait3A_117, %dma_wait3A_118] : memref<16000x128xf32, #tpu.memory_space<hbm>> -> memref<16000x128xf32, #tpu.memory_space<hbm>>
      tpu.wait_indirect_dma semaphore(%arg13 : memref<!tpu.dma_semaphore, #tpu.memory_space<semaphore_mem>>) src(%dma_wait3A_119 : memref<16000x128xf32, #tpu.memory_space<hbm>>) dst(%dma_wait3A_113 : memref<128x128xf32, #tpu.memory_space<vmem>>)
      %ge3A = arith.constant 2 : i32
      %ge3A_120 = arith.cmpi sge, %add3A_85, %ge3A : i32
      %convert_element_type3A_121 = arith.extui %ge3A_120 : i1 to i32
      %cond3A_122 = arith.constant 0 : i32
      %cond3A_123 = arith.cmpi ne, %convert_element_type3A_121, %cond3A_122 : i32
      scf.if %cond3A_123 {
        %sub3A = arith.constant 2 : i32
        %sub3A_217 = arith.subi %add3A_85, %sub3A : i32
        %mul3A_218 = arith.constant 16 : i32
        %mul3A_219 = arith.muli %sub3A_217, %mul3A_218 : i32
        %add3A_220 = arith.addi %mul3A_2, %mul3A_219 : i32
        %dma_wait3A_221 = arith.constant 0 : i32
        %dma_wait3A_222 = arith.constant 0 : i32
        %dma_wait3A_223 = arith.constant 0 : i32
        %dma_wait3A_224 = tpu.memref_slice %arg12[%dma_wait3A_221, %dma_wait3A_222, %dma_wait3A_223] : memref<2x16x128xf32, #tpu.memory_space<vmem>> -> memref<1x16x128xf32, #tpu.memory_space<vmem>>
        %dma_wait3A_225 = tpu.memref_squeeze %dma_wait3A_224 : memref<1x16x128xf32, #tpu.memory_space<vmem>> -> memref<16x128xf32, #tpu.memory_space<vmem>>
        %dma_wait3A_226 = arith.constant 0 : i32
        %dma_wait3A_227 = tpu.memref_slice %arg7[%add3A_220, %dma_wait3A_226] : memref<51200x128xf32, #tpu.memory_space<hbm>> -> memref<16x128xf32, #tpu.memory_space<hbm>>
        %dma_wait3A_228 = arith.constant 0 : i32
        %dma_wait3A_229 = tpu.memref_slice %arg7[%add3A_220, %dma_wait3A_228] : memref<51200x128xf32, #tpu.memory_space<hbm>> -> memref<16x128xf32, #tpu.memory_space<hbm>>
        %dma_wait3A_230 = arith.constant 0 : i32
        %dma_wait3A_231 = arith.constant 0 : i32
        %dma_wait3A_232 = tpu.memref_slice %arg12[%dma_wait3A_221, %dma_wait3A_230, %dma_wait3A_231] : memref<2x16x128xf32, #tpu.memory_space<vmem>> -> memref<1x16x128xf32, #tpu.memory_space<vmem>>
        %dma_wait3A_233 = tpu.memref_squeeze %dma_wait3A_232 : memref<1x16x128xf32, #tpu.memory_space<vmem>> -> memref<16x128xf32, #tpu.memory_space<vmem>>
        tpu.wait_dma2 semaphore(%arg15 : memref<!tpu.dma_semaphore, #tpu.memory_space<semaphore_mem>>) src(%dma_wait3A_233 : memref<16x128xf32, #tpu.memory_space<vmem>>) dst(%dma_wait3A_229 : memref<16x128xf32, #tpu.memory_space<hbm>>)
      } else {
      }
      %scan3A_124 = arith.constant 0 : i32
      %scan3A_125 = arith.constant 0 : i32
      %scan3A_126 = arith.constant 16 : i32
      %scan3A_127 = arith.addi %scan3A_125, %scan3A_126 : i32
      %scan3A_128 = arith.constant 1 : i32
      %scan3A_129 = scf.for %scan3A_217 = %scan3A_125 to %scan3A_127 step %scan3A_128 iter_args(%scan3A_218 = %scan3A_124) -> (i32)  : i32 {
        %mul3A_219 = arith.constant 16 : i32
        %mul3A_220 = arith.muli %scan3A_217, %mul3A_219 : i32
        %get3A = arith.constant 0 : i32
        %get3A_221 = arith.index_cast %get3A : i32 to index
        %get3A_222 = arith.index_cast %mul3A_220 : i32 to index
        %get3A_223 = arith.constant 0 : index
        %get3A_224 = tpu.vector_load %arg11[%get3A_221, %get3A_222, %get3A_223] {strides = array<i32>} : memref<2x256x128xf32, #tpu.memory_space<vmem>>, vector<1x1x16xf32>,
        %get3A_225 = vector.shape_cast %get3A_224 : vector<1x1x16xf32> to vector<16xf32>
        %mul3A_226 = arith.constant 16 : i32
        %mul3A_227 = arith.muli %scan3A_217, %mul3A_226 : i32
        %add3A_228 = arith.constant 1 : i32
        %add3A_229 = arith.addi %mul3A_227, %add3A_228 : i32
        %get3A_230 = arith.constant 0 : i32
        %get3A_231 = arith.index_cast %get3A_230 : i32 to index
        %get3A_232 = arith.index_cast %add3A_229 : i32 to index
        %get3A_233 = arith.constant 0 : index
        %get3A_234 = tpu.vector_load %arg11[%get3A_231, %get3A_232, %get3A_233] {strides = array<i32>} : memref<2x256x128xf32, #tpu.memory_space<vmem>>, vector<1x1x16xf32>,
        %get3A_235 = vector.shape_cast %get3A_234 : vector<1x1x16xf32> to vector<16xf32>
        %add3A_236 = arith.addf %get3A_225, %get3A_235 : vector<16xf32>
        %mul3A_237 = arith.constant 16 : i32
        %mul3A_238 = arith.muli %scan3A_217, %mul3A_237 : i32
        %add3A_239 = arith.constant 2 : i32
        %add3A_240 = arith.addi %mul3A_238, %add3A_239 : i32
        %get3A_241 = arith.constant 0 : i32
        %get3A_242 = arith.index_cast %get3A_241 : i32 to index
        %get3A_243 = arith.index_cast %add3A_240 : i32 to index
        %get3A_244 = arith.constant 0 : index
        %get3A_245 = tpu.vector_load %arg11[%get3A_242, %get3A_243, %get3A_244] {strides = array<i32>} : memref<2x256x128xf32, #tpu.memory_space<vmem>>, vector<1x1x16xf32>,
        %get3A_246 = vector.shape_cast %get3A_245 : vector<1x1x16xf32> to vector<16xf32>
        %add3A_247 = arith.addf %add3A_236, %get3A_246 : vector<16xf32>
        %mul3A_248 = arith.constant 16 : i32
        %mul3A_249 = arith.muli %scan3A_217, %mul3A_248 : i32
        %add3A_250 = arith.constant 3 : i32
        %add3A_251 = arith.addi %mul3A_249, %add3A_250 : i32
        %get3A_252 = arith.constant 0 : i32
        %get3A_253 = arith.index_cast %get3A_252 : i32 to index
        %get3A_254 = arith.index_cast %add3A_251 : i32 to index
        %get3A_255 = arith.constant 0 : index
        %get3A_256 = tpu.vector_load %arg11[%get3A_253, %get3A_254, %get3A_255] {strides = array<i32>} : memref<2x256x128xf32, #tpu.memory_space<vmem>>, vector<1x1x16xf32>,
        %get3A_257 = vector.shape_cast %get3A_256 : vector<1x1x16xf32> to vector<16xf32>
        %add3A_258 = arith.addf %add3A_247, %get3A_257 : vector<16xf32>
        %mul3A_259 = arith.constant 16 : i32
        %mul3A_260 = arith.muli %scan3A_217, %mul3A_259 : i32
        %add3A_261 = arith.constant 4 : i32
        %add3A_262 = arith.addi %mul3A_260, %add3A_261 : i32
        %get3A_263 = arith.constant 0 : i32
        %get3A_264 = arith.index_cast %get3A_263 : i32 to index
        %get3A_265 = arith.index_cast %add3A_262 : i32 to index
        %get3A_266 = arith.constant 0 : index
        %get3A_267 = tpu.vector_load %arg11[%get3A_264, %get3A_265, %get3A_266] {strides = array<i32>} : memref<2x256x128xf32, #tpu.memory_space<vmem>>, vector<1x1x16xf32>,
        %get3A_268 = vector.shape_cast %get3A_267 : vector<1x1x16xf32> to vector<16xf32>
        %add3A_269 = arith.addf %add3A_258, %get3A_268 : vector<16xf32>
        %mul3A_270 = arith.constant 16 : i32
        %mul3A_271 = arith.muli %scan3A_217, %mul3A_270 : i32
        %add3A_272 = arith.constant 5 : i32
        %add3A_273 = arith.addi %mul3A_271, %add3A_272 : i32
        %get3A_274 = arith.constant 0 : i32
        %get3A_275 = arith.index_cast %get3A_274 : i32 to index
        %get3A_276 = arith.index_cast %add3A_273 : i32 to index
        %get3A_277 = arith.constant 0 : index
        %get3A_278 = tpu.vector_load %arg11[%get3A_275, %get3A_276, %get3A_277] {strides = array<i32>} : memref<2x256x128xf32, #tpu.memory_space<vmem>>, vector<1x1x16xf32>,
        %get3A_279 = vector.shape_cast %get3A_278 : vector<1x1x16xf32> to vector<16xf32>
        %add3A_280 = arith.addf %add3A_269, %get3A_279 : vector<16xf32>
        %mul3A_281 = arith.constant 16 : i32
        %mul3A_282 = arith.muli %scan3A_217, %mul3A_281 : i32
        %add3A_283 = arith.constant 6 : i32
        %add3A_284 = arith.addi %mul3A_282, %add3A_283 : i32
        %get3A_285 = arith.constant 0 : i32
        %get3A_286 = arith.index_cast %get3A_285 : i32 to index
        %get3A_287 = arith.index_cast %add3A_284 : i32 to index
        %get3A_288 = arith.constant 0 : index
        %get3A_289 = tpu.vector_load %arg11[%get3A_286, %get3A_287, %get3A_288] {strides = array<i32>} : memref<2x256x128xf32, #tpu.memory_space<vmem>>, vector<1x1x16xf32>,
        %get3A_290 = vector.shape_cast %get3A_289 : vector<1x1x16xf32> to vector<16xf32>
        %add3A_291 = arith.addf %add3A_280, %get3A_290 : vector<16xf32>
        %mul3A_292 = arith.constant 16 : i32
        %mul3A_293 = arith.muli %scan3A_217, %mul3A_292 : i32
        %add3A_294 = arith.constant 7 : i32
        %add3A_295 = arith.addi %mul3A_293, %add3A_294 : i32
        %get3A_296 = arith.constant 0 : i32
        %get3A_297 = arith.index_cast %get3A_296 : i32 to index
        %get3A_298 = arith.index_cast %add3A_295 : i32 to index
        %get3A_299 = arith.constant 0 : index
        %get3A_300 = tpu.vector_load %arg11[%get3A_297, %get3A_298, %get3A_299] {strides = array<i32>} : memref<2x256x128xf32, #tpu.memory_space<vmem>>, vector<1x1x16xf32>,
        %get3A_301 = vector.shape_cast %get3A_300 : vector<1x1x16xf32> to vector<16xf32>
        %add3A_302 = arith.addf %add3A_291, %get3A_301 : vector<16xf32>
        %mul3A_303 = arith.constant 16 : i32
        %mul3A_304 = arith.muli %scan3A_217, %mul3A_303 : i32
        %add3A_305 = arith.constant 8 : i32
        %add3A_306 = arith.addi %mul3A_304, %add3A_305 : i32
        %get3A_307 = arith.constant 0 : i32
        %get3A_308 = arith.index_cast %get3A_307 : i32 to index
        %get3A_309 = arith.index_cast %add3A_306 : i32 to index
        %get3A_310 = arith.constant 0 : index
        %get3A_311 = tpu.vector_load %arg11[%get3A_308, %get3A_309, %get3A_310] {strides = array<i32>} : memref<2x256x128xf32, #tpu.memory_space<vmem>>, vector<1x1x16xf32>,
        %get3A_312 = vector.shape_cast %get3A_311 : vector<1x1x16xf32> to vector<16xf32>
        %add3A_313 = arith.addf %add3A_302, %get3A_312 : vector<16xf32>
        %mul3A_314 = arith.constant 16 : i32
        %mul3A_315 = arith.muli %scan3A_217, %mul3A_314 : i32
        %add3A_316 = arith.constant 9 : i32
        %add3A_317 = arith.addi %mul3A_315, %add3A_316 : i32
        %get3A_318 = arith.constant 0 : i32
        %get3A_319 = arith.index_cast %get3A_318 : i32 to index
        %get3A_320 = arith.index_cast %add3A_317 : i32 to index
        %get3A_321 = arith.constant 0 : index
        %get3A_322 = tpu.vector_load %arg11[%get3A_319, %get3A_320, %get3A_321] {strides = array<i32>} : memref<2x256x128xf32, #tpu.memory_space<vmem>>, vector<1x1x16xf32>,
        %get3A_323 = vector.shape_cast %get3A_322 : vector<1x1x16xf32> to vector<16xf32>
        %add3A_324 = arith.addf %add3A_313, %get3A_323 : vector<16xf32>
        %mul3A_325 = arith.constant 16 : i32
        %mul3A_326 = arith.muli %scan3A_217, %mul3A_325 : i32
        %add3A_327 = arith.constant 10 : i32
        %add3A_328 = arith.addi %mul3A_326, %add3A_327 : i32
        %get3A_329 = arith.constant 0 : i32
        %get3A_330 = arith.index_cast %get3A_329 : i32 to index
        %get3A_331 = arith.index_cast %add3A_328 : i32 to index
        %get3A_332 = arith.constant 0 : index
        %get3A_333 = tpu.vector_load %arg11[%get3A_330, %get3A_331, %get3A_332] {strides = array<i32>} : memref<2x256x128xf32, #tpu.memory_space<vmem>>, vector<1x1x16xf32>,
        %get3A_334 = vector.shape_cast %get3A_333 : vector<1x1x16xf32> to vector<16xf32>
        %add3A_335 = arith.addf %add3A_324, %get3A_334 : vector<16xf32>
        %mul3A_336 = arith.constant 16 : i32
        %mul3A_337 = arith.muli %scan3A_217, %mul3A_336 : i32
        %add3A_338 = arith.constant 11 : i32
        %add3A_339 = arith.addi %mul3A_337, %add3A_338 : i32
        %get3A_340 = arith.constant 0 : i32
        %get3A_341 = arith.index_cast %get3A_340 : i32 to index
        %get3A_342 = arith.index_cast %add3A_339 : i32 to index
        %get3A_343 = arith.constant 0 : index
        %get3A_344 = tpu.vector_load %arg11[%get3A_341, %get3A_342, %get3A_343] {strides = array<i32>} : memref<2x256x128xf32, #tpu.memory_space<vmem>>, vector<1x1x16xf32>,
        %get3A_345 = vector.shape_cast %get3A_344 : vector<1x1x16xf32> to vector<16xf32>
        %add3A_346 = arith.addf %add3A_335, %get3A_345 : vector<16xf32>
        %mul3A_347 = arith.constant 16 : i32
        %mul3A_348 = arith.muli %scan3A_217, %mul3A_347 : i32
        %add3A_349 = arith.constant 12 : i32
        %add3A_350 = arith.addi %mul3A_348, %add3A_349 : i32
        %get3A_351 = arith.constant 0 : i32
        %get3A_352 = arith.index_cast %get3A_351 : i32 to index
        %get3A_353 = arith.index_cast %add3A_350 : i32 to index
        %get3A_354 = arith.constant 0 : index
        %get3A_355 = tpu.vector_load %arg11[%get3A_352, %get3A_353, %get3A_354] {strides = array<i32>} : memref<2x256x128xf32, #tpu.memory_space<vmem>>, vector<1x1x16xf32>,
        %get3A_356 = vector.shape_cast %get3A_355 : vector<1x1x16xf32> to vector<16xf32>
        %add3A_357 = arith.addf %add3A_346, %get3A_356 : vector<16xf32>
        %mul3A_358 = arith.constant 16 : i32
        %mul3A_359 = arith.muli %scan3A_217, %mul3A_358 : i32
        %add3A_360 = arith.constant 13 : i32
        %add3A_361 = arith.addi %mul3A_359, %add3A_360 : i32
        %get3A_362 = arith.constant 0 : i32
        %get3A_363 = arith.index_cast %get3A_362 : i32 to index
        %get3A_364 = arith.index_cast %add3A_361 : i32 to index
        %get3A_365 = arith.constant 0 : index
        %get3A_366 = tpu.vector_load %arg11[%get3A_363, %get3A_364, %get3A_365] {strides = array<i32>} : memref<2x256x128xf32, #tpu.memory_space<vmem>>, vector<1x1x16xf32>,
        %get3A_367 = vector.shape_cast %get3A_366 : vector<1x1x16xf32> to vector<16xf32>
        %add3A_368 = arith.addf %add3A_357, %get3A_367 : vector<16xf32>
        %mul3A_369 = arith.constant 16 : i32
        %mul3A_370 = arith.muli %scan3A_217, %mul3A_369 : i32
        %add3A_371 = arith.constant 14 : i32
        %add3A_372 = arith.addi %mul3A_370, %add3A_371 : i32
        %get3A_373 = arith.constant 0 : i32
        %get3A_374 = arith.index_cast %get3A_373 : i32 to index
        %get3A_375 = arith.index_cast %add3A_372 : i32 to index
        %get3A_376 = arith.constant 0 : index
        %get3A_377 = tpu.vector_load %arg11[%get3A_374, %get3A_375, %get3A_376] {strides = array<i32>} : memref<2x256x128xf32, #tpu.memory_space<vmem>>, vector<1x1x16xf32>,
        %get3A_378 = vector.shape_cast %get3A_377 : vector<1x1x16xf32> to vector<16xf32>
        %add3A_379 = arith.addf %add3A_368, %get3A_378 : vector<16xf32>
        %mul3A_380 = arith.constant 16 : i32
        %mul3A_381 = arith.muli %scan3A_217, %mul3A_380 : i32
        %add3A_382 = arith.constant 15 : i32
        %add3A_383 = arith.addi %mul3A_381, %add3A_382 : i32
        %get3A_384 = arith.constant 0 : i32
        %get3A_385 = arith.index_cast %get3A_384 : i32 to index
        %get3A_386 = arith.index_cast %add3A_383 : i32 to index
        %get3A_387 = arith.constant 0 : index
        %get3A_388 = tpu.vector_load %arg11[%get3A_385, %get3A_386, %get3A_387] {strides = array<i32>} : memref<2x256x128xf32, #tpu.memory_space<vmem>>, vector<1x1x16xf32>,
        %get3A_389 = vector.shape_cast %get3A_388 : vector<1x1x16xf32> to vector<16xf32>
        %add3A_390 = arith.addf %add3A_379, %get3A_389 : vector<16xf32>
        %swap3A = arith.constant 0 : i32
        %swap3A_391 = arith.index_cast %swap3A : i32 to index
        %swap3A_392 = arith.index_cast %scan3A_217 : i32 to index
        %swap3A_393 = arith.constant 0 : index
        %swap3A_394 = tpu.vector_load %arg12[%swap3A_391, %swap3A_392, %swap3A_393] {strides = array<i32>} : memref<2x16x128xf32, #tpu.memory_space<vmem>>, vector<1x1x16xf32>,
        %swap3A_395 = vector.shape_cast %swap3A_394 : vector<1x1x16xf32> to vector<16xf32>
        %swap3A_396 = vector.shape_cast %add3A_390 : vector<16xf32> to vector<1x1x16xf32>
        tpu.vector_store %arg12[%swap3A_391, %swap3A_392, %swap3A_393], %swap3A_396 {strides = array<i32>} : memref<2x16x128xf32, #tpu.memory_space<vmem>>, vector<1x1x16xf32>,
        %mul3A_397 = arith.constant 16 : i32
        %mul3A_398 = arith.muli %scan3A_217, %mul3A_397 : i32
        %get3A_399 = arith.constant 0 : i32
        %get3A_400 = arith.index_cast %get3A_399 : i32 to index
        %get3A_401 = arith.index_cast %mul3A_398 : i32 to index
        %get3A_402 = arith.constant 16 : index
        %get3A_403 = tpu.vector_load %arg11[%get3A_400, %get3A_401, %get3A_402] {strides = array<i32>} : memref<2x256x128xf32, #tpu.memory_space<vmem>>, vector<1x1x16xf32>,
        %get3A_404 = vector.shape_cast %get3A_403 : vector<1x1x16xf32> to vector<16xf32>
        %mul3A_405 = arith.constant 16 : i32
        %mul3A_406 = arith.muli %scan3A_217, %mul3A_405 : i32
        %add3A_407 = arith.constant 1 : i32
        %add3A_408 = arith.addi %mul3A_406, %add3A_407 : i32
        %get3A_409 = arith.constant 0 : i32
        %get3A_410 = arith.index_cast %get3A_409 : i32 to index
        %get3A_411 = arith.index_cast %add3A_408 : i32 to index
        %get3A_412 = arith.constant 16 : index
        %get3A_413 = tpu.vector_load %arg11[%get3A_410, %get3A_411, %get3A_412] {strides = array<i32>} : memref<2x256x128xf32, #tpu.memory_space<vmem>>, vector<1x1x16xf32>,
        %get3A_414 = vector.shape_cast %get3A_413 : vector<1x1x16xf32> to vector<16xf32>
        %add3A_415 = arith.addf %get3A_404, %get3A_414 : vector<16xf32>
        %mul3A_416 = arith.constant 16 : i32
        %mul3A_417 = arith.muli %scan3A_217, %mul3A_416 : i32
        %add3A_418 = arith.constant 2 : i32
        %add3A_419 = arith.addi %mul3A_417, %add3A_418 : i32
        %get3A_420 = arith.constant 0 : i32
        %get3A_421 = arith.index_cast %get3A_420 : i32 to index
        %get3A_422 = arith.index_cast %add3A_419 : i32 to index
        %get3A_423 = arith.constant 16 : index
        %get3A_424 = tpu.vector_load %arg11[%get3A_421, %get3A_422, %get3A_423] {strides = array<i32>} : memref<2x256x128xf32, #tpu.memory_space<vmem>>, vector<1x1x16xf32>,
        %get3A_425 = vector.shape_cast %get3A_424 : vector<1x1x16xf32> to vector<16xf32>
        %add3A_426 = arith.addf %add3A_415, %get3A_425 : vector<16xf32>
        %mul3A_427 = arith.constant 16 : i32
        %mul3A_428 = arith.muli %scan3A_217, %mul3A_427 : i32
        %add3A_429 = arith.constant 3 : i32
        %add3A_430 = arith.addi %mul3A_428, %add3A_429 : i32
        %get3A_431 = arith.constant 0 : i32
        %get3A_432 = arith.index_cast %get3A_431 : i32 to index
        %get3A_433 = arith.index_cast %add3A_430 : i32 to index
        %get3A_434 = arith.constant 16 : index
        %get3A_435 = tpu.vector_load %arg11[%get3A_432, %get3A_433, %get3A_434] {strides = array<i32>} : memref<2x256x128xf32, #tpu.memory_space<vmem>>, vector<1x1x16xf32>,
        %get3A_436 = vector.shape_cast %get3A_435 : vector<1x1x16xf32> to vector<16xf32>
        %add3A_437 = arith.addf %add3A_426, %get3A_436 : vector<16xf32>
        %mul3A_438 = arith.constant 16 : i32
        %mul3A_439 = arith.muli %scan3A_217, %mul3A_438 : i32
        %add3A_440 = arith.constant 4 : i32
        %add3A_441 = arith.addi %mul3A_439, %add3A_440 : i32
        %get3A_442 = arith.constant 0 : i32
        %get3A_443 = arith.index_cast %get3A_442 : i32 to index
        %get3A_444 = arith.index_cast %add3A_441 : i32 to index
        %get3A_445 = arith.constant 16 : index
        %get3A_446 = tpu.vector_load %arg11[%get3A_443, %get3A_444, %get3A_445] {strides = array<i32>} : memref<2x256x128xf32, #tpu.memory_space<vmem>>, vector<1x1x16xf32>,
        %get3A_447 = vector.shape_cast %get3A_446 : vector<1x1x16xf32> to vector<16xf32>
        %add3A_448 = arith.addf %add3A_437, %get3A_447 : vector<16xf32>
        %mul3A_449 = arith.constant 16 : i32
        %mul3A_450 = arith.muli %scan3A_217, %mul3A_449 : i32
        %add3A_451 = arith.constant 5 : i32
        %add3A_452 = arith.addi %mul3A_450, %add3A_451 : i32
        %get3A_453 = arith.constant 0 : i32
        %get3A_454 = arith.index_cast %get3A_453 : i32 to index
        %get3A_455 = arith.index_cast %add3A_452 : i32 to index
        %get3A_456 = arith.constant 16 : index
        %get3A_457 = tpu.vector_load %arg11[%get3A_454, %get3A_455, %get3A_456] {strides = array<i32>} : memref<2x256x128xf32, #tpu.memory_space<vmem>>, vector<1x1x16xf32>,
        %get3A_458 = vector.shape_cast %get3A_457 : vector<1x1x16xf32> to vector<16xf32>
        %add3A_459 = arith.addf %add3A_448, %get3A_458 : vector<16xf32>
        %mul3A_460 = arith.constant 16 : i32
        %mul3A_461 = arith.muli %scan3A_217, %mul3A_460 : i32
        %add3A_462 = arith.constant 6 : i32
        %add3A_463 = arith.addi %mul3A_461, %add3A_462 : i32
        %get3A_464 = arith.constant 0 : i32
        %get3A_465 = arith.index_cast %get3A_464 : i32 to index
        %get3A_466 = arith.index_cast %add3A_463 : i32 to index
        %get3A_467 = arith.constant 16 : index
        %get3A_468 = tpu.vector_load %arg11[%get3A_465, %get3A_466, %get3A_467] {strides = array<i32>} : memref<2x256x128xf32, #tpu.memory_space<vmem>>, vector<1x1x16xf32>,
        %get3A_469 = vector.shape_cast %get3A_468 : vector<1x1x16xf32> to vector<16xf32>
        %add3A_470 = arith.addf %add3A_459, %get3A_469 : vector<16xf32>
        %mul3A_471 = arith.constant 16 : i32
        %mul3A_472 = arith.muli %scan3A_217, %mul3A_471 : i32
        %add3A_473 = arith.constant 7 : i32
        %add3A_474 = arith.addi %mul3A_472, %add3A_473 : i32
        %get3A_475 = arith.constant 0 : i32
        %get3A_476 = arith.index_cast %get3A_475 : i32 to index
        %get3A_477 = arith.index_cast %add3A_474 : i32 to index
        %get3A_478 = arith.constant 16 : index
        %get3A_479 = tpu.vector_load %arg11[%get3A_476, %get3A_477, %get3A_478] {strides = array<i32>} : memref<2x256x128xf32, #tpu.memory_space<vmem>>, vector<1x1x16xf32>,
        %get3A_480 = vector.shape_cast %get3A_479 : vector<1x1x16xf32> to vector<16xf32>
        %add3A_481 = arith.addf %add3A_470, %get3A_480 : vector<16xf32>
        %mul3A_482 = arith.constant 16 : i32
        %mul3A_483 = arith.muli %scan3A_217, %mul3A_482 : i32
        %add3A_484 = arith.constant 8 : i32
        %add3A_485 = arith.addi %mul3A_483, %add3A_484 : i32
        %get3A_486 = arith.constant 0 : i32
        %get3A_487 = arith.index_cast %get3A_486 : i32 to index
        %get3A_488 = arith.index_cast %add3A_485 : i32 to index
        %get3A_489 = arith.constant 16 : index
        %get3A_490 = tpu.vector_load %arg11[%get3A_487, %get3A_488, %get3A_489] {strides = array<i32>} : memref<2x256x128xf32, #tpu.memory_space<vmem>>, vector<1x1x16xf32>,
        %get3A_491 = vector.shape_cast %get3A_490 : vector<1x1x16xf32> to vector<16xf32>
        %add3A_492 = arith.addf %add3A_481, %get3A_491 : vector<16xf32>
        %mul3A_493 = arith.constant 16 : i32
        %mul3A_494 = arith.muli %scan3A_217, %mul3A_493 : i32
        %add3A_495 = arith.constant 9 : i32
        %add3A_496 = arith.addi %mul3A_494, %add3A_495 : i32
        %get3A_497 = arith.constant 0 : i32
        %get3A_498 = arith.index_cast %get3A_497 : i32 to index
        %get3A_499 = arith.index_cast %add3A_496 : i32 to index
        %get3A_500 = arith.constant 16 : index
        %get3A_501 = tpu.vector_load %arg11[%get3A_498, %get3A_499, %get3A_500] {strides = array<i32>} : memref<2x256x128xf32, #tpu.memory_space<vmem>>, vector<1x1x16xf32>,
        %get3A_502 = vector.shape_cast %get3A_501 : vector<1x1x16xf32> to vector<16xf32>
        %add3A_503 = arith.addf %add3A_492, %get3A_502 : vector<16xf32>
        %mul3A_504 = arith.constant 16 : i32
        %mul3A_505 = arith.muli %scan3A_217, %mul3A_504 : i32
        %add3A_506 = arith.constant 10 : i32
        %add3A_507 = arith.addi %mul3A_505, %add3A_506 : i32
        %get3A_508 = arith.constant 0 : i32
        %get3A_509 = arith.index_cast %get3A_508 : i32 to index
        %get3A_510 = arith.index_cast %add3A_507 : i32 to index
        %get3A_511 = arith.constant 16 : index
        %get3A_512 = tpu.vector_load %arg11[%get3A_509, %get3A_510, %get3A_511] {strides = array<i32>} : memref<2x256x128xf32, #tpu.memory_space<vmem>>, vector<1x1x16xf32>,
        %get3A_513 = vector.shape_cast %get3A_512 : vector<1x1x16xf32> to vector<16xf32>
        %add3A_514 = arith.addf %add3A_503, %get3A_513 : vector<16xf32>
        %mul3A_515 = arith.constant 16 : i32
        %mul3A_516 = arith.muli %scan3A_217, %mul3A_515 : i32
        %add3A_517 = arith.constant 11 : i32
        %add3A_518 = arith.addi %mul3A_516, %add3A_517 : i32
        %get3A_519 = arith.constant 0 : i32
        %get3A_520 = arith.index_cast %get3A_519 : i32 to index
        %get3A_521 = arith.index_cast %add3A_518 : i32 to index
        %get3A_522 = arith.constant 16 : index
        %get3A_523 = tpu.vector_load %arg11[%get3A_520, %get3A_521, %get3A_522] {strides = array<i32>} : memref<2x256x128xf32, #tpu.memory_space<vmem>>, vector<1x1x16xf32>,
        %get3A_524 = vector.shape_cast %get3A_523 : vector<1x1x16xf32> to vector<16xf32>
        %add3A_525 = arith.addf %add3A_514, %get3A_524 : vector<16xf32>
        %mul3A_526 = arith.constant 16 : i32
        %mul3A_527 = arith.muli %scan3A_217, %mul3A_526 : i32
        %add3A_528 = arith.constant 12 : i32
        %add3A_529 = arith.addi %mul3A_527, %add3A_528 : i32
        %get3A_530 = arith.constant 0 : i32
        %get3A_531 = arith.index_cast %get3A_530 : i32 to index
        %get3A_532 = arith.index_cast %add3A_529 : i32 to index
        %get3A_533 = arith.constant 16 : index
        %get3A_534 = tpu.vector_load %arg11[%get3A_531, %get3A_532, %get3A_533] {strides = array<i32>} : memref<2x256x128xf32, #tpu.memory_space<vmem>>, vector<1x1x16xf32>,
        %get3A_535 = vector.shape_cast %get3A_534 : vector<1x1x16xf32> to vector<16xf32>
        %add3A_536 = arith.addf %add3A_525, %get3A_535 : vector<16xf32>
        %mul3A_537 = arith.constant 16 : i32
        %mul3A_538 = arith.muli %scan3A_217, %mul3A_537 : i32
        %add3A_539 = arith.constant 13 : i32
        %add3A_540 = arith.addi %mul3A_538, %add3A_539 : i32
        %get3A_541 = arith.constant 0 : i32
        %get3A_542 = arith.index_cast %get3A_541 : i32 to index
        %get3A_543 = arith.index_cast %add3A_540 : i32 to index
        %get3A_544 = arith.constant 16 : index
        %get3A_545 = tpu.vector_load %arg11[%get3A_542, %get3A_543, %get3A_544] {strides = array<i32>} : memref<2x256x128xf32, #tpu.memory_space<vmem>>, vector<1x1x16xf32>,
        %get3A_546 = vector.shape_cast %get3A_545 : vector<1x1x16xf32> to vector<16xf32>
        %add3A_547 = arith.addf %add3A_536, %get3A_546 : vector<16xf32>
        %mul3A_548 = arith.constant 16 : i32
        %mul3A_549 = arith.muli %scan3A_217, %mul3A_548 : i32
        %add3A_550 = arith.constant 14 : i32
        %add3A_551 = arith.addi %mul3A_549, %add3A_550 : i32
        %get3A_552 = arith.constant 0 : i32
        %get3A_553 = arith.index_cast %get3A_552 : i32 to index
        %get3A_554 = arith.index_cast %add3A_551 : i32 to index
        %get3A_555 = arith.constant 16 : index
        %get3A_556 = tpu.vector_load %arg11[%get3A_553, %get3A_554, %get3A_555] {strides = array<i32>} : memref<2x256x128xf32, #tpu.memory_space<vmem>>, vector<1x1x16xf32>,
        %get3A_557 = vector.shape_cast %get3A_556 : vector<1x1x16xf32> to vector<16xf32>
        %add3A_558 = arith.addf %add3A_547, %get3A_557 : vector<16xf32>
        %mul3A_559 = arith.constant 16 : i32
        %mul3A_560 = arith.muli %scan3A_217, %mul3A_559 : i32
        %add3A_561 = arith.constant 15 : i32
        %add3A_562 = arith.addi %mul3A_560, %add3A_561 : i32
        %get3A_563 = arith.constant 0 : i32
        %get3A_564 = arith.index_cast %get3A_563 : i32 to index
        %get3A_565 = arith.index_cast %add3A_562 : i32 to index
        %get3A_566 = arith.constant 16 : index
        %get3A_567 = tpu.vector_load %arg11[%get3A_564, %get3A_565, %get3A_566] {strides = array<i32>} : memref<2x256x128xf32, #tpu.memory_space<vmem>>, vector<1x1x16xf32>,
        %get3A_568 = vector.shape_cast %get3A_567 : vector<1x1x16xf32> to vector<16xf32>
        %add3A_569 = arith.addf %add3A_558, %get3A_568 : vector<16xf32>
        %swap3A_570 = arith.constant 0 : i32
        %swap3A_571 = arith.index_cast %swap3A_570 : i32 to index
        %swap3A_572 = arith.index_cast %scan3A_217 : i32 to index
        %swap3A_573 = arith.constant 16 : index
        %swap3A_574 = tpu.vector_load %arg12[%swap3A_571, %swap3A_572, %swap3A_573] {strides = array<i32>} : memref<2x16x128xf32, #tpu.memory_space<vmem>>, vector<1x1x16xf32>,
        %swap3A_575 = vector.shape_cast %swap3A_574 : vector<1x1x16xf32> to vector<16xf32>
        %swap3A_576 = vector.shape_cast %add3A_569 : vector<16xf32> to vector<1x1x16xf32>
        tpu.vector_store %arg12[%swap3A_571, %swap3A_572, %swap3A_573], %swap3A_576 {strides = array<i32>} : memref<2x16x128xf32, #tpu.memory_space<vmem>>, vector<1x1x16xf32>,
        %mul3A_577 = arith.constant 16 : i32
        %mul3A_578 = arith.muli %scan3A_217, %mul3A_577 : i32
        %get3A_579 = arith.constant 0 : i32
        %get3A_580 = arith.index_cast %get3A_579 : i32 to index
        %get3A_581 = arith.index_cast %mul3A_578 : i32 to index
        %get3A_582 = arith.constant 32 : index
        %get3A_583 = tpu.vector_load %arg11[%get3A_580, %get3A_581, %get3A_582] {strides = array<i32>} : memref<2x256x128xf32, #tpu.memory_space<vmem>>, vector<1x1x16xf32>,
        %get3A_584 = vector.shape_cast %get3A_583 : vector<1x1x16xf32> to vector<16xf32>
        %mul3A_585 = arith.constant 16 : i32
        %mul3A_586 = arith.muli %scan3A_217, %mul3A_585 : i32
        %add3A_587 = arith.constant 1 : i32
        %add3A_588 = arith.addi %mul3A_586, %add3A_587 : i32
        %get3A_589 = arith.constant 0 : i32
        %get3A_590 = arith.index_cast %get3A_589 : i32 to index
        %get3A_591 = arith.index_cast %add3A_588 : i32 to index
        %get3A_592 = arith.constant 32 : index
        %get3A_593 = tpu.vector_load %arg11[%get3A_590, %get3A_591, %get3A_592] {strides = array<i32>} : memref<2x256x128xf32, #tpu.memory_space<vmem>>, vector<1x1x16xf32>,
        %get3A_594 = vector.shape_cast %get3A_593 : vector<1x1x16xf32> to vector<16xf32>
        %add3A_595 = arith.addf %get3A_584, %get3A_594 : vector<16xf32>
        %mul3A_596 = arith.constant 16 : i32
        %mul3A_597 = arith.muli %scan3A_217, %mul3A_596 : i32
        %add3A_598 = arith.constant 2 : i32
        %add3A_599 = arith.addi %mul3A_597, %add3A_598 : i32
        %get3A_600 = arith.constant 0 : i32
        %get3A_601 = arith.index_cast %get3A_600 : i32 to index
        %get3A_602 = arith.index_cast %add3A_599 : i32 to index
        %get3A_603 = arith.constant 32 : index
        %get3A_604 = tpu.vector_load %arg11[%get3A_601, %get3A_602, %get3A_603] {strides = array<i32>} : memref<2x256x128xf32, #tpu.memory_space<vmem>>, vector<1x1x16xf32>,
        %get3A_605 = vector.shape_cast %get3A_604 : vector<1x1x16xf32> to vector<16xf32>
        %add3A_606 = arith.addf %add3A_595, %get3A_605 : vector<16xf32>
        %mul3A_607 = arith.constant 16 : i32
        %mul3A_608 = arith.muli %scan3A_217, %mul3A_607 : i32
        %add3A_609 = arith.constant 3 : i32
        %add3A_610 = arith.addi %mul3A_608, %add3A_609 : i32
        %get3A_611 = arith.constant 0 : i32
        %get3A_612 = arith.index_cast %get3A_611 : i32 to index
        %get3A_613 = arith.index_cast %add3A_610 : i32 to index
        %get3A_614 = arith.constant 32 : index
        %get3A_615 = tpu.vector_load %arg11[%get3A_612, %get3A_613, %get3A_614] {strides = array<i32>} : memref<2x256x128xf32, #tpu.memory_space<vmem>>, vector<1x1x16xf32>,
        %get3A_616 = vector.shape_cast %get3A_615 : vector<1x1x16xf32> to vector<16xf32>
        %add3A_617 = arith.addf %add3A_606, %get3A_616 : vector<16xf32>
        %mul3A_618 = arith.constant 16 : i32
        %mul3A_619 = arith.muli %scan3A_217, %mul3A_618 : i32
        %add3A_620 = arith.constant 4 : i32
        %add3A_621 = arith.addi %mul3A_619, %add3A_620 : i32
        %get3A_622 = arith.constant 0 : i32
        %get3A_623 = arith.index_cast %get3A_622 : i32 to index
        %get3A_624 = arith.index_cast %add3A_621 : i32 to index
        %get3A_625 = arith.constant 32 : index
        %get3A_626 = tpu.vector_load %arg11[%get3A_623, %get3A_624, %get3A_625] {strides = array<i32>} : memref<2x256x128xf32, #tpu.memory_space<vmem>>, vector<1x1x16xf32>,
        %get3A_627 = vector.shape_cast %get3A_626 : vector<1x1x16xf32> to vector<16xf32>
        %add3A_628 = arith.addf %add3A_617, %get3A_627 : vector<16xf32>
        %mul3A_629 = arith.constant 16 : i32
        %mul3A_630 = arith.muli %scan3A_217, %mul3A_629 : i32
        %add3A_631 = arith.constant 5 : i32
        %add3A_632 = arith.addi %mul3A_630, %add3A_631 : i32
        %get3A_633 = arith.constant 0 : i32
        %get3A_634 = arith.index_cast %get3A_633 : i32 to index
        %get3A_635 = arith.index_cast %add3A_632 : i32 to index
        %get3A_636 = arith.constant 32 : index
        %get3A_637 = tpu.vector_load %arg11[%get3A_634, %get3A_635, %get3A_636] {strides = array<i32>} : memref<2x256x128xf32, #tpu.memory_space<vmem>>, vector<1x1x16xf32>,
        %get3A_638 = vector.shape_cast %get3A_637 : vector<1x1x16xf32> to vector<16xf32>
        %add3A_639 = arith.addf %add3A_628, %get3A_638 : vector<16xf32>
        %mul3A_640 = arith.constant 16 : i32
        %mul3A_641 = arith.muli %scan3A_217, %mul3A_640 : i32
        %add3A_642 = arith.constant 6 : i32
        %add3A_643 = arith.addi %mul3A_641, %add3A_642 : i32
        %get3A_644 = arith.constant 0 : i32
        %get3A_645 = arith.index_cast %get3A_644 : i32 to index
        %get3A_646 = arith.index_cast %add3A_643 : i32 to index
        %get3A_647 = arith.constant 32 : index
        %get3A_648 = tpu.vector_load %arg11[%get3A_645, %get3A_646, %get3A_647] {strides = array<i32>} : memref<2x256x128xf32, #tpu.memory_space<vmem>>, vector<1x1x16xf32>,
        %get3A_649 = vector.shape_cast %get3A_648 : vector<1x1x16xf32> to vector<16xf32>
        %add3A_650 = arith.addf %add3A_639, %get3A_649 : vector<16xf32>
        %mul3A_651 = arith.constant 16 : i32
        %mul3A_652 = arith.muli %scan3A_217, %mul3A_651 : i32
        %add3A_653 = arith.constant 7 : i32
        %add3A_654 = arith.addi %mul3A_652, %add3A_653 : i32
        %get3A_655 = arith.constant 0 : i32
        %get3A_656 = arith.index_cast %get3A_655 : i32 to index
        %get3A_657 = arith.index_cast %add3A_654 : i32 to index
        %get3A_658 = arith.constant 32 : index
        %get3A_659 = tpu.vector_load %arg11[%get3A_656, %get3A_657, %get3A_658] {strides = array<i32>} : memref<2x256x128xf32, #tpu.memory_space<vmem>>, vector<1x1x16xf32>,
        %get3A_660 = vector.shape_cast %get3A_659 : vector<1x1x16xf32> to vector<16xf32>
        %add3A_661 = arith.addf %add3A_650, %get3A_660 : vector<16xf32>
        %mul3A_662 = arith.constant 16 : i32
        %mul3A_663 = arith.muli %scan3A_217, %mul3A_662 : i32
        %add3A_664 = arith.constant 8 : i32
        %add3A_665 = arith.addi %mul3A_663, %add3A_664 : i32
        %get3A_666 = arith.constant 0 : i32
        %get3A_667 = arith.index_cast %get3A_666 : i32 to index
        %get3A_668 = arith.index_cast %add3A_665 : i32 to index
        %get3A_669 = arith.constant 32 : index
        %get3A_670 = tpu.vector_load %arg11[%get3A_667, %get3A_668, %get3A_669] {strides = array<i32>} : memref<2x256x128xf32, #tpu.memory_space<vmem>>, vector<1x1x16xf32>,
        %get3A_671 = vector.shape_cast %get3A_670 : vector<1x1x16xf32> to vector<16xf32>
        %add3A_672 = arith.addf %add3A_661, %get3A_671 : vector<16xf32>
        %mul3A_673 = arith.constant 16 : i32
        %mul3A_674 = arith.muli %scan3A_217, %mul3A_673 : i32
        %add3A_675 = arith.constant 9 : i32
        %add3A_676 = arith.addi %mul3A_674, %add3A_675 : i32
        %get3A_677 = arith.constant 0 : i32
        %get3A_678 = arith.index_cast %get3A_677 : i32 to index
        %get3A_679 = arith.index_cast %add3A_676 : i32 to index
        %get3A_680 = arith.constant 32 : index
        %get3A_681 = tpu.vector_load %arg11[%get3A_678, %get3A_679, %get3A_680] {strides = array<i32>} : memref<2x256x128xf32, #tpu.memory_space<vmem>>, vector<1x1x16xf32>,
        %get3A_682 = vector.shape_cast %get3A_681 : vector<1x1x16xf32> to vector<16xf32>
        %add3A_683 = arith.addf %add3A_672, %get3A_682 : vector<16xf32>
        %mul3A_684 = arith.constant 16 : i32
        %mul3A_685 = arith.muli %scan3A_217, %mul3A_684 : i32
        %add3A_686 = arith.constant 10 : i32
        %add3A_687 = arith.addi %mul3A_685, %add3A_686 : i32
        %get3A_688 = arith.constant 0 : i32
        %get3A_689 = arith.index_cast %get3A_688 : i32 to index
        %get3A_690 = arith.index_cast %add3A_687 : i32 to index
        %get3A_691 = arith.constant 32 : index
        %get3A_692 = tpu.vector_load %arg11[%get3A_689, %get3A_690, %get3A_691] {strides = array<i32>} : memref<2x256x128xf32, #tpu.memory_space<vmem>>, vector<1x1x16xf32>,
        %get3A_693 = vector.shape_cast %get3A_692 : vector<1x1x16xf32> to vector<16xf32>
        %add3A_694 = arith.addf %add3A_683, %get3A_693 : vector<16xf32>
        %mul3A_695 = arith.constant 16 : i32
        %mul3A_696 = arith.muli %scan3A_217, %mul3A_695 : i32
        %add3A_697 = arith.constant 11 : i32
        %add3A_698 = arith.addi %mul3A_696, %add3A_697 : i32
        %get3A_699 = arith.constant 0 : i32
        %get3A_700 = arith.index_cast %get3A_699 : i32 to index
        %get3A_701 = arith.index_cast %add3A_698 : i32 to index
        %get3A_702 = arith.constant 32 : index
        %get3A_703 = tpu.vector_load %arg11[%get3A_700, %get3A_701, %get3A_702] {strides = array<i32>} : memref<2x256x128xf32, #tpu.memory_space<vmem>>, vector<1x1x16xf32>,
        %get3A_704 = vector.shape_cast %get3A_703 : vector<1x1x16xf32> to vector<16xf32>
        %add3A_705 = arith.addf %add3A_694, %get3A_704 : vector<16xf32>
        %mul3A_706 = arith.constant 16 : i32
        %mul3A_707 = arith.muli %scan3A_217, %mul3A_706 : i32
        %add3A_708 = arith.constant 12 : i32
        %add3A_709 = arith.addi %mul3A_707, %add3A_708 : i32
        %get3A_710 = arith.constant 0 : i32
        %get3A_711 = arith.index_cast %get3A_710 : i32 to index
        %get3A_712 = arith.index_cast %add3A_709 : i32 to index
        %get3A_713 = arith.constant 32 : index
        %get3A_714 = tpu.vector_load %arg11[%get3A_711, %get3A_712, %get3A_713] {strides = array<i32>} : memref<2x256x128xf32, #tpu.memory_space<vmem>>, vector<1x1x16xf32>,
        %get3A_715 = vector.shape_cast %get3A_714 : vector<1x1x16xf32> to vector<16xf32>
        %add3A_716 = arith.addf %add3A_705, %get3A_715 : vector<16xf32>
        %mul3A_717 = arith.constant 16 : i32
        %mul3A_718 = arith.muli %scan3A_217, %mul3A_717 : i32
        %add3A_719 = arith.constant 13 : i32
        %add3A_720 = arith.addi %mul3A_718, %add3A_719 : i32
        %get3A_721 = arith.constant 0 : i32
        %get3A_722 = arith.index_cast %get3A_721 : i32 to index
        %get3A_723 = arith.index_cast %add3A_720 : i32 to index
        %get3A_724 = arith.constant 32 : index
        %get3A_725 = tpu.vector_load %arg11[%get3A_722, %get3A_723, %get3A_724] {strides = array<i32>} : memref<2x256x128xf32, #tpu.memory_space<vmem>>, vector<1x1x16xf32>,
        %get3A_726 = vector.shape_cast %get3A_725 : vector<1x1x16xf32> to vector<16xf32>
        %add3A_727 = arith.addf %add3A_716, %get3A_726 : vector<16xf32>
        %mul3A_728 = arith.constant 16 : i32
        %mul3A_729 = arith.muli %scan3A_217, %mul3A_728 : i32
        %add3A_730 = arith.constant 14 : i32
        %add3A_731 = arith.addi %mul3A_729, %add3A_730 : i32
        %get3A_732 = arith.constant 0 : i32
        %get3A_733 = arith.index_cast %get3A_732 : i32 to index
        %get3A_734 = arith.index_cast %add3A_731 : i32 to index
        %get3A_735 = arith.constant 32 : index
        %get3A_736 = tpu.vector_load %arg11[%get3A_733, %get3A_734, %get3A_735] {strides = array<i32>} : memref<2x256x128xf32, #tpu.memory_space<vmem>>, vector<1x1x16xf32>,
        %get3A_737 = vector.shape_cast %get3A_736 : vector<1x1x16xf32> to vector<16xf32>
        %add3A_738 = arith.addf %add3A_727, %get3A_737 : vector<16xf32>
        %mul3A_739 = arith.constant 16 : i32
        %mul3A_740 = arith.muli %scan3A_217, %mul3A_739 : i32
        %add3A_741 = arith.constant 15 : i32
        %add3A_742 = arith.addi %mul3A_740, %add3A_741 : i32
        %get3A_743 = arith.constant 0 : i32
        %get3A_744 = arith.index_cast %get3A_743 : i32 to index
        %get3A_745 = arith.index_cast %add3A_742 : i32 to index
        %get3A_746 = arith.constant 32 : index
        %get3A_747 = tpu.vector_load %arg11[%get3A_744, %get3A_745, %get3A_746] {strides = array<i32>} : memref<2x256x128xf32, #tpu.memory_space<vmem>>, vector<1x1x16xf32>,
        %get3A_748 = vector.shape_cast %get3A_747 : vector<1x1x16xf32> to vector<16xf32>
        %add3A_749 = arith.addf %add3A_738, %get3A_748 : vector<16xf32>
        %swap3A_750 = arith.constant 0 : i32
        %swap3A_751 = arith.index_cast %swap3A_750 : i32 to index
        %swap3A_752 = arith.index_cast %scan3A_217 : i32 to index
        %swap3A_753 = arith.constant 32 : index
        %swap3A_754 = tpu.vector_load %arg12[%swap3A_751, %swap3A_752, %swap3A_753] {strides = array<i32>} : memref<2x16x128xf32, #tpu.memory_space<vmem>>, vector<1x1x16xf32>,
        %swap3A_755 = vector.shape_cast %swap3A_754 : vector<1x1x16xf32> to vector<16xf32>
        %swap3A_756 = vector.shape_cast %add3A_749 : vector<16xf32> to vector<1x1x16xf32>
        tpu.vector_store %arg12[%swap3A_751, %swap3A_752, %swap3A_753], %swap3A_756 {strides = array<i32>} : memref<2x16x128xf32, #tpu.memory_space<vmem>>, vector<1x1x16xf32>,
        %mul3A_757 = arith.constant 16 : i32
        %mul3A_758 = arith.muli %scan3A_217, %mul3A_757 : i32
        %get3A_759 = arith.constant 0 : i32
        %get3A_760 = arith.index_cast %get3A_759 : i32 to index
        %get3A_761 = arith.index_cast %mul3A_758 : i32 to index
        %get3A_762 = arith.constant 48 : index
        %get3A_763 = tpu.vector_load %arg11[%get3A_760, %get3A_761, %get3A_762] {strides = array<i32>} : memref<2x256x128xf32, #tpu.memory_space<vmem>>, vector<1x1x16xf32>,
        %get3A_764 = vector.shape_cast %get3A_763 : vector<1x1x16xf32> to vector<16xf32>
        %mul3A_765 = arith.constant 16 : i32
        %mul3A_766 = arith.muli %scan3A_217, %mul3A_765 : i32
        %add3A_767 = arith.constant 1 : i32
        %add3A_768 = arith.addi %mul3A_766, %add3A_767 : i32
        %get3A_769 = arith.constant 0 : i32
        %get3A_770 = arith.index_cast %get3A_769 : i32 to index
        %get3A_771 = arith.index_cast %add3A_768 : i32 to index
        %get3A_772 = arith.constant 48 : index
        %get3A_773 = tpu.vector_load %arg11[%get3A_770, %get3A_771, %get3A_772] {strides = array<i32>} : memref<2x256x128xf32, #tpu.memory_space<vmem>>, vector<1x1x16xf32>,
        %get3A_774 = vector.shape_cast %get3A_773 : vector<1x1x16xf32> to vector<16xf32>
        %add3A_775 = arith.addf %get3A_764, %get3A_774 : vector<16xf32>
        %mul3A_776 = arith.constant 16 : i32
        %mul3A_777 = arith.muli %scan3A_217, %mul3A_776 : i32
        %add3A_778 = arith.constant 2 : i32
        %add3A_779 = arith.addi %mul3A_777, %add3A_778 : i32
        %get3A_780 = arith.constant 0 : i32
        %get3A_781 = arith.index_cast %get3A_780 : i32 to index
        %get3A_782 = arith.index_cast %add3A_779 : i32 to index
        %get3A_783 = arith.constant 48 : index
        %get3A_784 = tpu.vector_load %arg11[%get3A_781, %get3A_782, %get3A_783] {strides = array<i32>} : memref<2x256x128xf32, #tpu.memory_space<vmem>>, vector<1x1x16xf32>,
        %get3A_785 = vector.shape_cast %get3A_784 : vector<1x1x16xf32> to vector<16xf32>
        %add3A_786 = arith.addf %add3A_775, %get3A_785 : vector<16xf32>
        %mul3A_787 = arith.constant 16 : i32
        %mul3A_788 = arith.muli %scan3A_217, %mul3A_787 : i32
        %add3A_789 = arith.constant 3 : i32
        %add3A_790 = arith.addi %mul3A_788, %add3A_789 : i32
        %get3A_791 = arith.constant 0 : i32
        %get3A_792 = arith.index_cast %get3A_791 : i32 to index
        %get3A_793 = arith.index_cast %add3A_790 : i32 to index
        %get3A_794 = arith.constant 48 : index
        %get3A_795 = tpu.vector_load %arg11[%get3A_792, %get3A_793, %get3A_794] {strides = array<i32>} : memref<2x256x128xf32, #tpu.memory_space<vmem>>, vector<1x1x16xf32>,
        %get3A_796 = vector.shape_cast %get3A_795 : vector<1x1x16xf32> to vector<16xf32>
        %add3A_797 = arith.addf %add3A_786, %get3A_796 : vector<16xf32>
        %mul3A_798 = arith.constant 16 : i32
        %mul3A_799 = arith.muli %scan3A_217, %mul3A_798 : i32
        %add3A_800 = arith.constant 4 : i32
        %add3A_801 = arith.addi %mul3A_799, %add3A_800 : i32
        %get3A_802 = arith.constant 0 : i32
        %get3A_803 = arith.index_cast %get3A_802 : i32 to index
        %get3A_804 = arith.index_cast %add3A_801 : i32 to index
        %get3A_805 = arith.constant 48 : index
        %get3A_806 = tpu.vector_load %arg11[%get3A_803, %get3A_804, %get3A_805] {strides = array<i32>} : memref<2x256x128xf32, #tpu.memory_space<vmem>>, vector<1x1x16xf32>,
        %get3A_807 = vector.shape_cast %get3A_806 : vector<1x1x16xf32> to vector<16xf32>
        %add3A_808 = arith.addf %add3A_797, %get3A_807 : vector<16xf32>
        %mul3A_809 = arith.constant 16 : i32
        %mul3A_810 = arith.muli %scan3A_217, %mul3A_809 : i32
        %add3A_811 = arith.constant 5 : i32
        %add3A_812 = arith.addi %mul3A_810, %add3A_811 : i32
        %get3A_813 = arith.constant 0 : i32
        %get3A_814 = arith.index_cast %get3A_813 : i32 to index
        %get3A_815 = arith.index_cast %add3A_812 : i32 to index
        %get3A_816 = arith.constant 48 : index
        %get3A_817 = tpu.vector_load %arg11[%get3A_814, %get3A_815, %get3A_816] {strides = array<i32>} : memref<2x256x128xf32, #tpu.memory_space<vmem>>, vector<1x1x16xf32>,
        %get3A_818 = vector.shape_cast %get3A_817 : vector<1x1x16xf32> to vector<16xf32>
        %add3A_819 = arith.addf %add3A_808, %get3A_818 : vector<16xf32>
        %mul3A_820 = arith.constant 16 : i32
        %mul3A_821 = arith.muli %scan3A_217, %mul3A_820 : i32
        %add3A_822 = arith.constant 6 : i32
        %add3A_823 = arith.addi %mul3A_821, %add3A_822 : i32
        %get3A_824 = arith.constant 0 : i32
        %get3A_825 = arith.index_cast %get3A_824 : i32 to index
        %get3A_826 = arith.index_cast %add3A_823 : i32 to index
        %get3A_827 = arith.constant 48 : index
        %get3A_828 = tpu.vector_load %arg11[%get3A_825, %get3A_826, %get3A_827] {strides = array<i32>} : memref<2x256x128xf32, #tpu.memory_space<vmem>>, vector<1x1x16xf32>,
        %get3A_829 = vector.shape_cast %get3A_828 : vector<1x1x16xf32> to vector<16xf32>
        %add3A_830 = arith.addf %add3A_819, %get3A_829 : vector<16xf32>
        %mul3A_831 = arith.constant 16 : i32
        %mul3A_832 = arith.muli %scan3A_217, %mul3A_831 : i32
        %add3A_833 = arith.constant 7 : i32
        %add3A_834 = arith.addi %mul3A_832, %add3A_833 : i32
        %get3A_835 = arith.constant 0 : i32
        %get3A_836 = arith.index_cast %get3A_835 : i32 to index
        %get3A_837 = arith.index_cast %add3A_834 : i32 to index
        %get3A_838 = arith.constant 48 : index
        %get3A_839 = tpu.vector_load %arg11[%get3A_836, %get3A_837, %get3A_838] {strides = array<i32>} : memref<2x256x128xf32, #tpu.memory_space<vmem>>, vector<1x1x16xf32>,
        %get3A_840 = vector.shape_cast %get3A_839 : vector<1x1x16xf32> to vector<16xf32>
        %add3A_841 = arith.addf %add3A_830, %get3A_840 : vector<16xf32>
        %mul3A_842 = arith.constant 16 : i32
        %mul3A_843 = arith.muli %scan3A_217, %mul3A_842 : i32
        %add3A_844 = arith.constant 8 : i32
        %add3A_845 = arith.addi %mul3A_843, %add3A_844 : i32
        %get3A_846 = arith.constant 0 : i32
        %get3A_847 = arith.index_cast %get3A_846 : i32 to index
        %get3A_848 = arith.index_cast %add3A_845 : i32 to index
        %get3A_849 = arith.constant 48 : index
        %get3A_850 = tpu.vector_load %arg11[%get3A_847, %get3A_848, %get3A_849] {strides = array<i32>} : memref<2x256x128xf32, #tpu.memory_space<vmem>>, vector<1x1x16xf32>,
        %get3A_851 = vector.shape_cast %get3A_850 : vector<1x1x16xf32> to vector<16xf32>
        %add3A_852 = arith.addf %add3A_841, %get3A_851 : vector<16xf32>
        %mul3A_853 = arith.constant 16 : i32
        %mul3A_854 = arith.muli %scan3A_217, %mul3A_853 : i32
        %add3A_855 = arith.constant 9 : i32
        %add3A_856 = arith.addi %mul3A_854, %add3A_855 : i32
        %get3A_857 = arith.constant 0 : i32
        %get3A_858 = arith.index_cast %get3A_857 : i32 to index
        %get3A_859 = arith.index_cast %add3A_856 : i32 to index
        %get3A_860 = arith.constant 48 : index
        %get3A_861 = tpu.vector_load %arg11[%get3A_858, %get3A_859, %get3A_860] {strides = array<i32>} : memref<2x256x128xf32, #tpu.memory_space<vmem>>, vector<1x1x16xf32>,
        %get3A_862 = vector.shape_cast %get3A_861 : vector<1x1x16xf32> to vector<16xf32>
        %add3A_863 = arith.addf %add3A_852, %get3A_862 : vector<16xf32>
        %mul3A_864 = arith.constant 16 : i32
        %mul3A_865 = arith.muli %scan3A_217, %mul3A_864 : i32
        %add3A_866 = arith.constant 10 : i32
        %add3A_867 = arith.addi %mul3A_865, %add3A_866 : i32
        %get3A_868 = arith.constant 0 : i32
        %get3A_869 = arith.index_cast %get3A_868 : i32 to index
        %get3A_870 = arith.index_cast %add3A_867 : i32 to index
        %get3A_871 = arith.constant 48 : index
        %get3A_872 = tpu.vector_load %arg11[%get3A_869, %get3A_870, %get3A_871] {strides = array<i32>} : memref<2x256x128xf32, #tpu.memory_space<vmem>>, vector<1x1x16xf32>,
        %get3A_873 = vector.shape_cast %get3A_872 : vector<1x1x16xf32> to vector<16xf32>
        %add3A_874 = arith.addf %add3A_863, %get3A_873 : vector<16xf32>
        %mul3A_875 = arith.constant 16 : i32
        %mul3A_876 = arith.muli %scan3A_217, %mul3A_875 : i32
        %add3A_877 = arith.constant 11 : i32
        %add3A_878 = arith.addi %mul3A_876, %add3A_877 : i32
        %get3A_879 = arith.constant 0 : i32
        %get3A_880 = arith.index_cast %get3A_879 : i32 to index
        %get3A_881 = arith.index_cast %add3A_878 : i32 to index
        %get3A_882 = arith.constant 48 : index
        %get3A_883 = tpu.vector_load %arg11[%get3A_880, %get3A_881, %get3A_882] {strides = array<i32>} : memref<2x256x128xf32, #tpu.memory_space<vmem>>, vector<1x1x16xf32>,
        %get3A_884 = vector.shape_cast %get3A_883 : vector<1x1x16xf32> to vector<16xf32>
        %add3A_885 = arith.addf %add3A_874, %get3A_884 : vector<16xf32>
        %mul3A_886 = arith.constant 16 : i32
        %mul3A_887 = arith.muli %scan3A_217, %mul3A_886 : i32
        %add3A_888 = arith.constant 12 : i32
        %add3A_889 = arith.addi %mul3A_887, %add3A_888 : i32
        %get3A_890 = arith.constant 0 : i32
        %get3A_891 = arith.index_cast %get3A_890 : i32 to index
        %get3A_892 = arith.index_cast %add3A_889 : i32 to index
        %get3A_893 = arith.constant 48 : index
        %get3A_894 = tpu.vector_load %arg11[%get3A_891, %get3A_892, %get3A_893] {strides = array<i32>} : memref<2x256x128xf32, #tpu.memory_space<vmem>>, vector<1x1x16xf32>,
        %get3A_895 = vector.shape_cast %get3A_894 : vector<1x1x16xf32> to vector<16xf32>
        %add3A_896 = arith.addf %add3A_885, %get3A_895 : vector<16xf32>
        %mul3A_897 = arith.constant 16 : i32
        %mul3A_898 = arith.muli %scan3A_217, %mul3A_897 : i32
        %add3A_899 = arith.constant 13 : i32
        %add3A_900 = arith.addi %mul3A_898, %add3A_899 : i32
        %get3A_901 = arith.constant 0 : i32
        %get3A_902 = arith.index_cast %get3A_901 : i32 to index
        %get3A_903 = arith.index_cast %add3A_900 : i32 to index
        %get3A_904 = arith.constant 48 : index
        %get3A_905 = tpu.vector_load %arg11[%get3A_902, %get3A_903, %get3A_904] {strides = array<i32>} : memref<2x256x128xf32, #tpu.memory_space<vmem>>, vector<1x1x16xf32>,
        %get3A_906 = vector.shape_cast %get3A_905 : vector<1x1x16xf32> to vector<16xf32>
        %add3A_907 = arith.addf %add3A_896, %get3A_906 : vector<16xf32>
        %mul3A_908 = arith.constant 16 : i32
        %mul3A_909 = arith.muli %scan3A_217, %mul3A_908 : i32
        %add3A_910 = arith.constant 14 : i32
        %add3A_911 = arith.addi %mul3A_909, %add3A_910 : i32
        %get3A_912 = arith.constant 0 : i32
        %get3A_913 = arith.index_cast %get3A_912 : i32 to index
        %get3A_914 = arith.index_cast %add3A_911 : i32 to index
        %get3A_915 = arith.constant 48 : index
        %get3A_916 = tpu.vector_load %arg11[%get3A_913, %get3A_914, %get3A_915] {strides = array<i32>} : memref<2x256x128xf32, #tpu.memory_space<vmem>>, vector<1x1x16xf32>,
        %get3A_917 = vector.shape_cast %get3A_916 : vector<1x1x16xf32> to vector<16xf32>
        %add3A_918 = arith.addf %add3A_907, %get3A_917 : vector<16xf32>
        %mul3A_919 = arith.constant 16 : i32
        %mul3A_920 = arith.muli %scan3A_217, %mul3A_919 : i32
        %add3A_921 = arith.constant 15 : i32
        %add3A_922 = arith.addi %mul3A_920, %add3A_921 : i32
        %get3A_923 = arith.constant 0 : i32
        %get3A_924 = arith.index_cast %get3A_923 : i32 to index
        %get3A_925 = arith.index_cast %add3A_922 : i32 to index
        %get3A_926 = arith.constant 48 : index
        %get3A_927 = tpu.vector_load %arg11[%get3A_924, %get3A_925, %get3A_926] {strides = array<i32>} : memref<2x256x128xf32, #tpu.memory_space<vmem>>, vector<1x1x16xf32>,
        %get3A_928 = vector.shape_cast %get3A_927 : vector<1x1x16xf32> to vector<16xf32>
        %add3A_929 = arith.addf %add3A_918, %get3A_928 : vector<16xf32>
        %swap3A_930 = arith.constant 0 : i32
        %swap3A_931 = arith.index_cast %swap3A_930 : i32 to index
        %swap3A_932 = arith.index_cast %scan3A_217 : i32 to index
        %swap3A_933 = arith.constant 48 : index
        %swap3A_934 = tpu.vector_load %arg12[%swap3A_931, %swap3A_932, %swap3A_933] {strides = array<i32>} : memref<2x16x128xf32, #tpu.memory_space<vmem>>, vector<1x1x16xf32>,
        %swap3A_935 = vector.shape_cast %swap3A_934 : vector<1x1x16xf32> to vector<16xf32>
        %swap3A_936 = vector.shape_cast %add3A_929 : vector<16xf32> to vector<1x1x16xf32>
        tpu.vector_store %arg12[%swap3A_931, %swap3A_932, %swap3A_933], %swap3A_936 {strides = array<i32>} : memref<2x16x128xf32, #tpu.memory_space<vmem>>, vector<1x1x16xf32>,
        %mul3A_937 = arith.constant 16 : i32
        %mul3A_938 = arith.muli %scan3A_217, %mul3A_937 : i32
        %get3A_939 = arith.constant 0 : i32
        %get3A_940 = arith.index_cast %get3A_939 : i32 to index
        %get3A_941 = arith.index_cast %mul3A_938 : i32 to index
        %get3A_942 = arith.constant 64 : index
        %get3A_943 = tpu.vector_load %arg11[%get3A_940, %get3A_941, %get3A_942] {strides = array<i32>} : memref<2x256x128xf32, #tpu.memory_space<vmem>>, vector<1x1x16xf32>,
        %get3A_944 = vector.shape_cast %get3A_943 : vector<1x1x16xf32> to vector<16xf32>
        %mul3A_945 = arith.constant 16 : i32
        %mul3A_946 = arith.muli %scan3A_217, %mul3A_945 : i32
        %add3A_947 = arith.constant 1 : i32
        %add3A_948 = arith.addi %mul3A_946, %add3A_947 : i32
        %get3A_949 = arith.constant 0 : i32
        %get3A_950 = arith.index_cast %get3A_949 : i32 to index
        %get3A_951 = arith.index_cast %add3A_948 : i32 to index
        %get3A_952 = arith.constant 64 : index
        %get3A_953 = tpu.vector_load %arg11[%get3A_950, %get3A_951, %get3A_952] {strides = array<i32>} : memref<2x256x128xf32, #tpu.memory_space<vmem>>, vector<1x1x16xf32>,
        %get3A_954 = vector.shape_cast %get3A_953 : vector<1x1x16xf32> to vector<16xf32>
        %add3A_955 = arith.addf %get3A_944, %get3A_954 : vector<16xf32>
        %mul3A_956 = arith.constant 16 : i32
        %mul3A_957 = arith.muli %scan3A_217, %mul3A_956 : i32
        %add3A_958 = arith.constant 2 : i32
        %add3A_959 = arith.addi %mul3A_957, %add3A_958 : i32
        %get3A_960 = arith.constant 0 : i32
        %get3A_961 = arith.index_cast %get3A_960 : i32 to index
        %get3A_962 = arith.index_cast %add3A_959 : i32 to index
        %get3A_963 = arith.constant 64 : index
        %get3A_964 = tpu.vector_load %arg11[%get3A_961, %get3A_962, %get3A_963] {strides = array<i32>} : memref<2x256x128xf32, #tpu.memory_space<vmem>>, vector<1x1x16xf32>,
        %get3A_965 = vector.shape_cast %get3A_964 : vector<1x1x16xf32> to vector<16xf32>
        %add3A_966 = arith.addf %add3A_955, %get3A_965 : vector<16xf32>
        %mul3A_967 = arith.constant 16 : i32
        %mul3A_968 = arith.muli %scan3A_217, %mul3A_967 : i32
        %add3A_969 = arith.constant 3 : i32
        %add3A_970 = arith.addi %mul3A_968, %add3A_969 : i32
        %get3A_971 = arith.constant 0 : i32
        %get3A_972 = arith.index_cast %get3A_971 : i32 to index
        %get3A_973 = arith.index_cast %add3A_970 : i32 to index
        %get3A_974 = arith.constant 64 : index
        %get3A_975 = tpu.vector_load %arg11[%get3A_972, %get3A_973, %get3A_974] {strides = array<i32>} : memref<2x256x128xf32, #tpu.memory_space<vmem>>, vector<1x1x16xf32>,
        %get3A_976 = vector.shape_cast %get3A_975 : vector<1x1x16xf32> to vector<16xf32>
        %add3A_977 = arith.addf %add3A_966, %get3A_976 : vector<16xf32>
        %mul3A_978 = arith.constant 16 : i32
        %mul3A_979 = arith.muli %scan3A_217, %mul3A_978 : i32
        %add3A_980 = arith.constant 4 : i32
        %add3A_981 = arith.addi %mul3A_979, %add3A_980 : i32
        %get3A_982 = arith.constant 0 : i32
        %get3A_983 = arith.index_cast %get3A_982 : i32 to index
        %get3A_984 = arith.index_cast %add3A_981 : i32 to index
        %get3A_985 = arith.constant 64 : index
        %get3A_986 = tpu.vector_load %arg11[%get3A_983, %get3A_984, %get3A_985] {strides = array<i32>} : memref<2x256x128xf32, #tpu.memory_space<vmem>>, vector<1x1x16xf32>,
        %get3A_987 = vector.shape_cast %get3A_986 : vector<1x1x16xf32> to vector<16xf32>
        %add3A_988 = arith.addf %add3A_977, %get3A_987 : vector<16xf32>
        %mul3A_989 = arith.constant 16 : i32
        %mul3A_990 = arith.muli %scan3A_217, %mul3A_989 : i32
        %add3A_991 = arith.constant 5 : i32
        %add3A_992 = arith.addi %mul3A_990, %add3A_991 : i32
        %get3A_993 = arith.constant 0 : i32
        %get3A_994 = arith.index_cast %get3A_993 : i32 to index
        %get3A_995 = arith.index_cast %add3A_992 : i32 to index
        %get3A_996 = arith.constant 64 : index
        %get3A_997 = tpu.vector_load %arg11[%get3A_994, %get3A_995, %get3A_996] {strides = array<i32>} : memref<2x256x128xf32, #tpu.memory_space<vmem>>, vector<1x1x16xf32>,
        %get3A_998 = vector.shape_cast %get3A_997 : vector<1x1x16xf32> to vector<16xf32>
        %add3A_999 = arith.addf %add3A_988, %get3A_998 : vector<16xf32>
        %mul3A_1000 = arith.constant 16 : i32
        %mul3A_1001 = arith.muli %scan3A_217, %mul3A_1000 : i32
        %add3A_1002 = arith.constant 6 : i32
        %add3A_1003 = arith.addi %mul3A_1001, %add3A_1002 : i32
        %get3A_1004 = arith.constant 0 : i32
        %get3A_1005 = arith.index_cast %get3A_1004 : i32 to index
        %get3A_1006 = arith.index_cast %add3A_1003 : i32 to index
        %get3A_1007 = arith.constant 64 : index
        %get3A_1008 = tpu.vector_load %arg11[%get3A_1005, %get3A_1006, %get3A_1007] {strides = array<i32>} : memref<2x256x128xf32, #tpu.memory_space<vmem>>, vector<1x1x16xf32>,
        %get3A_1009 = vector.shape_cast %get3A_1008 : vector<1x1x16xf32> to vector<16xf32>
        %add3A_1010 = arith.addf %add3A_999, %get3A_1009 : vector<16xf32>
        %mul3A_1011 = arith.constant 16 : i32
        %mul3A_1012 = arith.muli %scan3A_217, %mul3A_1011 : i32
        %add3A_1013 = arith.constant 7 : i32
        %add3A_1014 = arith.addi %mul3A_1012, %add3A_1013 : i32
        %get3A_1015 = arith.constant 0 : i32
        %get3A_1016 = arith.index_cast %get3A_1015 : i32 to index
        %get3A_1017 = arith.index_cast %add3A_1014 : i32 to index
        %get3A_1018 = arith.constant 64 : index
        %get3A_1019 = tpu.vector_load %arg11[%get3A_1016, %get3A_1017, %get3A_1018] {strides = array<i32>} : memref<2x256x128xf32, #tpu.memory_space<vmem>>, vector<1x1x16xf32>,
        %get3A_1020 = vector.shape_cast %get3A_1019 : vector<1x1x16xf32> to vector<16xf32>
        %add3A_1021 = arith.addf %add3A_1010, %get3A_1020 : vector<16xf32>
        %mul3A_1022 = arith.constant 16 : i32
        %mul3A_1023 = arith.muli %scan3A_217, %mul3A_1022 : i32
        %add3A_1024 = arith.constant 8 : i32
        %add3A_1025 = arith.addi %mul3A_1023, %add3A_1024 : i32
        %get3A_1026 = arith.constant 0 : i32
        %get3A_1027 = arith.index_cast %get3A_1026 : i32 to index
        %get3A_1028 = arith.index_cast %add3A_1025 : i32 to index
        %get3A_1029 = arith.constant 64 : index
        %get3A_1030 = tpu.vector_load %arg11[%get3A_1027, %get3A_1028, %get3A_1029] {strides = array<i32>} : memref<2x256x128xf32, #tpu.memory_space<vmem>>, vector<1x1x16xf32>,
        %get3A_1031 = vector.shape_cast %get3A_1030 : vector<1x1x16xf32> to vector<16xf32>
        %add3A_1032 = arith.addf %add3A_1021, %get3A_1031 : vector<16xf32>
        %mul3A_1033 = arith.constant 16 : i32
        %mul3A_1034 = arith.muli %scan3A_217, %mul3A_1033 : i32
        %add3A_1035 = arith.constant 9 : i32
        %add3A_1036 = arith.addi %mul3A_1034, %add3A_1035 : i32
        %get3A_1037 = arith.constant 0 : i32
        %get3A_1038 = arith.index_cast %get3A_1037 : i32 to index
        %get3A_1039 = arith.index_cast %add3A_1036 : i32 to index
        %get3A_1040 = arith.constant 64 : index
        %get3A_1041 = tpu.vector_load %arg11[%get3A_1038, %get3A_1039, %get3A_1040] {strides = array<i32>} : memref<2x256x128xf32, #tpu.memory_space<vmem>>, vector<1x1x16xf32>,
        %get3A_1042 = vector.shape_cast %get3A_1041 : vector<1x1x16xf32> to vector<16xf32>
        %add3A_1043 = arith.addf %add3A_1032, %get3A_1042 : vector<16xf32>
        %mul3A_1044 = arith.constant 16 : i32
        %mul3A_1045 = arith.muli %scan3A_217, %mul3A_1044 : i32
        %add3A_1046 = arith.constant 10 : i32
        %add3A_1047 = arith.addi %mul3A_1045, %add3A_1046 : i32
        %get3A_1048 = arith.constant 0 : i32
        %get3A_1049 = arith.index_cast %get3A_1048 : i32 to index
        %get3A_1050 = arith.index_cast %add3A_1047 : i32 to index
        %get3A_1051 = arith.constant 64 : index
        %get3A_1052 = tpu.vector_load %arg11[%get3A_1049, %get3A_1050, %get3A_1051] {strides = array<i32>} : memref<2x256x128xf32, #tpu.memory_space<vmem>>, vector<1x1x16xf32>,
        %get3A_1053 = vector.shape_cast %get3A_1052 : vector<1x1x16xf32> to vector<16xf32>
        %add3A_1054 = arith.addf %add3A_1043, %get3A_1053 : vector<16xf32>
        %mul3A_1055 = arith.constant 16 : i32
        %mul3A_1056 = arith.muli %scan3A_217, %mul3A_1055 : i32
        %add3A_1057 = arith.constant 11 : i32
        %add3A_1058 = arith.addi %mul3A_1056, %add3A_1057 : i32
        %get3A_1059 = arith.constant 0 : i32
        %get3A_1060 = arith.index_cast %get3A_1059 : i32 to index
        %get3A_1061 = arith.index_cast %add3A_1058 : i32 to index
        %get3A_1062 = arith.constant 64 : index
        %get3A_1063 = tpu.vector_load %arg11[%get3A_1060, %get3A_1061, %get3A_1062] {strides = array<i32>} : memref<2x256x128xf32, #tpu.memory_space<vmem>>, vector<1x1x16xf32>,
        %get3A_1064 = vector.shape_cast %get3A_1063 : vector<1x1x16xf32> to vector<16xf32>
        %add3A_1065 = arith.addf %add3A_1054, %get3A_1064 : vector<16xf32>
        %mul3A_1066 = arith.constant 16 : i32
        %mul3A_1067 = arith.muli %scan3A_217, %mul3A_1066 : i32
        %add3A_1068 = arith.constant 12 : i32
        %add3A_1069 = arith.addi %mul3A_1067, %add3A_1068 : i32
        %get3A_1070 = arith.constant 0 : i32
        %get3A_1071 = arith.index_cast %get3A_1070 : i32 to index
        %get3A_1072 = arith.index_cast %add3A_1069 : i32 to index
        %get3A_1073 = arith.constant 64 : index
        %get3A_1074 = tpu.vector_load %arg11[%get3A_1071, %get3A_1072, %get3A_1073] {strides = array<i32>} : memref<2x256x128xf32, #tpu.memory_space<vmem>>, vector<1x1x16xf32>,
        %get3A_1075 = vector.shape_cast %get3A_1074 : vector<1x1x16xf32> to vector<16xf32>
        %add3A_1076 = arith.addf %add3A_1065, %get3A_1075 : vector<16xf32>
        %mul3A_1077 = arith.constant 16 : i32
        %mul3A_1078 = arith.muli %scan3A_217, %mul3A_1077 : i32
        %add3A_1079 = arith.constant 13 : i32
        %add3A_1080 = arith.addi %mul3A_1078, %add3A_1079 : i32
        %get3A_1081 = arith.constant 0 : i32
        %get3A_1082 = arith.index_cast %get3A_1081 : i32 to index
        %get3A_1083 = arith.index_cast %add3A_1080 : i32 to index
        %get3A_1084 = arith.constant 64 : index
        %get3A_1085 = tpu.vector_load %arg11[%get3A_1082, %get3A_1083, %get3A_1084] {strides = array<i32>} : memref<2x256x128xf32, #tpu.memory_space<vmem>>, vector<1x1x16xf32>,
        %get3A_1086 = vector.shape_cast %get3A_1085 : vector<1x1x16xf32> to vector<16xf32>
        %add3A_1087 = arith.addf %add3A_1076, %get3A_1086 : vector<16xf32>
        %mul3A_1088 = arith.constant 16 : i32
        %mul3A_1089 = arith.muli %scan3A_217, %mul3A_1088 : i32
        %add3A_1090 = arith.constant 14 : i32
        %add3A_1091 = arith.addi %mul3A_1089, %add3A_1090 : i32
        %get3A_1092 = arith.constant 0 : i32
        %get3A_1093 = arith.index_cast %get3A_1092 : i32 to index
        %get3A_1094 = arith.index_cast %add3A_1091 : i32 to index
        %get3A_1095 = arith.constant 64 : index
        %get3A_1096 = tpu.vector_load %arg11[%get3A_1093, %get3A_1094, %get3A_1095] {strides = array<i32>} : memref<2x256x128xf32, #tpu.memory_space<vmem>>, vector<1x1x16xf32>,
        %get3A_1097 = vector.shape_cast %get3A_1096 : vector<1x1x16xf32> to vector<16xf32>
        %add3A_1098 = arith.addf %add3A_1087, %get3A_1097 : vector<16xf32>
        %mul3A_1099 = arith.constant 16 : i32
        %mul3A_1100 = arith.muli %scan3A_217, %mul3A_1099 : i32
        %add3A_1101 = arith.constant 15 : i32
        %add3A_1102 = arith.addi %mul3A_1100, %add3A_1101 : i32
        %get3A_1103 = arith.constant 0 : i32
        %get3A_1104 = arith.index_cast %get3A_1103 : i32 to index
        %get3A_1105 = arith.index_cast %add3A_1102 : i32 to index
        %get3A_1106 = arith.constant 64 : index
        %get3A_1107 = tpu.vector_load %arg11[%get3A_1104, %get3A_1105, %get3A_1106] {strides = array<i32>} : memref<2x256x128xf32, #tpu.memory_space<vmem>>, vector<1x1x16xf32>,
        %get3A_1108 = vector.shape_cast %get3A_1107 : vector<1x1x16xf32> to vector<16xf32>
        %add3A_1109 = arith.addf %add3A_1098, %get3A_1108 : vector<16xf32>
        %swap3A_1110 = arith.constant 0 : i32
        %swap3A_1111 = arith.index_cast %swap3A_1110 : i32 to index
        %swap3A_1112 = arith.index_cast %scan3A_217 : i32 to index
        %swap3A_1113 = arith.constant 64 : index
        %swap3A_1114 = tpu.vector_load %arg12[%swap3A_1111, %swap3A_1112, %swap3A_1113] {strides = array<i32>} : memref<2x16x128xf32, #tpu.memory_space<vmem>>, vector<1x1x16xf32>,
        %swap3A_1115 = vector.shape_cast %swap3A_1114 : vector<1x1x16xf32> to vector<16xf32>
        %swap3A_1116 = vector.shape_cast %add3A_1109 : vector<16xf32> to vector<1x1x16xf32>
        tpu.vector_store %arg12[%swap3A_1111, %swap3A_1112, %swap3A_1113], %swap3A_1116 {strides = array<i32>} : memref<2x16x128xf32, #tpu.memory_space<vmem>>, vector<1x1x16xf32>,
        %mul3A_1117 = arith.constant 16 : i32
        %mul3A_1118 = arith.muli %scan3A_217, %mul3A_1117 : i32
        %get3A_1119 = arith.constant 0 : i32
        %get3A_1120 = arith.index_cast %get3A_1119 : i32 to index
        %get3A_1121 = arith.index_cast %mul3A_1118 : i32 to index
        %get3A_1122 = arith.constant 80 : index
        %get3A_1123 = tpu.vector_load %arg11[%get3A_1120, %get3A_1121, %get3A_1122] {strides = array<i32>} : memref<2x256x128xf32, #tpu.memory_space<vmem>>, vector<1x1x16xf32>,
        %get3A_1124 = vector.shape_cast %get3A_1123 : vector<1x1x16xf32> to vector<16xf32>
        %mul3A_1125 = arith.constant 16 : i32
        %mul3A_1126 = arith.muli %scan3A_217, %mul3A_1125 : i32
        %add3A_1127 = arith.constant 1 : i32
        %add3A_1128 = arith.addi %mul3A_1126, %add3A_1127 : i32
        %get3A_1129 = arith.constant 0 : i32
        %get3A_1130 = arith.index_cast %get3A_1129 : i32 to index
        %get3A_1131 = arith.index_cast %add3A_1128 : i32 to index
        %get3A_1132 = arith.constant 80 : index
        %get3A_1133 = tpu.vector_load %arg11[%get3A_1130, %get3A_1131, %get3A_1132] {strides = array<i32>} : memref<2x256x128xf32, #tpu.memory_space<vmem>>, vector<1x1x16xf32>,
        %get3A_1134 = vector.shape_cast %get3A_1133 : vector<1x1x16xf32> to vector<16xf32>
        %add3A_1135 = arith.addf %get3A_1124, %get3A_1134 : vector<16xf32>
        %mul3A_1136 = arith.constant 16 : i32
        %mul3A_1137 = arith.muli %scan3A_217, %mul3A_1136 : i32
        %add3A_1138 = arith.constant 2 : i32
        %add3A_1139 = arith.addi %mul3A_1137, %add3A_1138 : i32
        %get3A_1140 = arith.constant 0 : i32
        %get3A_1141 = arith.index_cast %get3A_1140 : i32 to index
        %get3A_1142 = arith.index_cast %add3A_1139 : i32 to index
        %get3A_1143 = arith.constant 80 : index
        %get3A_1144 = tpu.vector_load %arg11[%get3A_1141, %get3A_1142, %get3A_1143] {strides = array<i32>} : memref<2x256x128xf32, #tpu.memory_space<vmem>>, vector<1x1x16xf32>,
        %get3A_1145 = vector.shape_cast %get3A_1144 : vector<1x1x16xf32> to vector<16xf32>
        %add3A_1146 = arith.addf %add3A_1135, %get3A_1145 : vector<16xf32>
        %mul3A_1147 = arith.constant 16 : i32
        %mul3A_1148 = arith.muli %scan3A_217, %mul3A_1147 : i32
        %add3A_1149 = arith.constant 3 : i32
        %add3A_1150 = arith.addi %mul3A_1148, %add3A_1149 : i32
        %get3A_1151 = arith.constant 0 : i32
        %get3A_1152 = arith.index_cast %get3A_1151 : i32 to index
        %get3A_1153 = arith.index_cast %add3A_1150 : i32 to index
        %get3A_1154 = arith.constant 80 : index
        %get3A_1155 = tpu.vector_load %arg11[%get3A_1152, %get3A_1153, %get3A_1154] {strides = array<i32>} : memref<2x256x128xf32, #tpu.memory_space<vmem>>, vector<1x1x16xf32>,
        %get3A_1156 = vector.shape_cast %get3A_1155 : vector<1x1x16xf32> to vector<16xf32>
        %add3A_1157 = arith.addf %add3A_1146, %get3A_1156 : vector<16xf32>
        %mul3A_1158 = arith.constant 16 : i32
        %mul3A_1159 = arith.muli %scan3A_217, %mul3A_1158 : i32
        %add3A_1160 = arith.constant 4 : i32
        %add3A_1161 = arith.addi %mul3A_1159, %add3A_1160 : i32
        %get3A_1162 = arith.constant 0 : i32
        %get3A_1163 = arith.index_cast %get3A_1162 : i32 to index
        %get3A_1164 = arith.index_cast %add3A_1161 : i32 to index
        %get3A_1165 = arith.constant 80 : index
        %get3A_1166 = tpu.vector_load %arg11[%get3A_1163, %get3A_1164, %get3A_1165] {strides = array<i32>} : memref<2x256x128xf32, #tpu.memory_space<vmem>>, vector<1x1x16xf32>,
        %get3A_1167 = vector.shape_cast %get3A_1166 : vector<1x1x16xf32> to vector<16xf32>
        %add3A_1168 = arith.addf %add3A_1157, %get3A_1167 : vector<16xf32>
        %mul3A_1169 = arith.constant 16 : i32
        %mul3A_1170 = arith.muli %scan3A_217, %mul3A_1169 : i32
        %add3A_1171 = arith.constant 5 : i32
        %add3A_1172 = arith.addi %mul3A_1170, %add3A_1171 : i32
        %get3A_1173 = arith.constant 0 : i32
        %get3A_1174 = arith.index_cast %get3A_1173 : i32 to index
        %get3A_1175 = arith.index_cast %add3A_1172 : i32 to index
        %get3A_1176 = arith.constant 80 : index
        %get3A_1177 = tpu.vector_load %arg11[%get3A_1174, %get3A_1175, %get3A_1176] {strides = array<i32>} : memref<2x256x128xf32, #tpu.memory_space<vmem>>, vector<1x1x16xf32>,
        %get3A_1178 = vector.shape_cast %get3A_1177 : vector<1x1x16xf32> to vector<16xf32>
        %add3A_1179 = arith.addf %add3A_1168, %get3A_1178 : vector<16xf32>
        %mul3A_1180 = arith.constant 16 : i32
        %mul3A_1181 = arith.muli %scan3A_217, %mul3A_1180 : i32
        %add3A_1182 = arith.constant 6 : i32
        %add3A_1183 = arith.addi %mul3A_1181, %add3A_1182 : i32
        %get3A_1184 = arith.constant 0 : i32
        %get3A_1185 = arith.index_cast %get3A_1184 : i32 to index
        %get3A_1186 = arith.index_cast %add3A_1183 : i32 to index
        %get3A_1187 = arith.constant 80 : index
        %get3A_1188 = tpu.vector_load %arg11[%get3A_1185, %get3A_1186, %get3A_1187] {strides = array<i32>} : memref<2x256x128xf32, #tpu.memory_space<vmem>>, vector<1x1x16xf32>,
        %get3A_1189 = vector.shape_cast %get3A_1188 : vector<1x1x16xf32> to vector<16xf32>
        %add3A_1190 = arith.addf %add3A_1179, %get3A_1189 : vector<16xf32>
        %mul3A_1191 = arith.constant 16 : i32
        %mul3A_1192 = arith.muli %scan3A_217, %mul3A_1191 : i32
        %add3A_1193 = arith.constant 7 : i32
        %add3A_1194 = arith.addi %mul3A_1192, %add3A_1193 : i32
        %get3A_1195 = arith.constant 0 : i32
        %get3A_1196 = arith.index_cast %get3A_1195 : i32 to index
        %get3A_1197 = arith.index_cast %add3A_1194 : i32 to index
        %get3A_1198 = arith.constant 80 : index
        %get3A_1199 = tpu.vector_load %arg11[%get3A_1196, %get3A_1197, %get3A_1198] {strides = array<i32>} : memref<2x256x128xf32, #tpu.memory_space<vmem>>, vector<1x1x16xf32>,
        %get3A_1200 = vector.shape_cast %get3A_1199 : vector<1x1x16xf32> to vector<16xf32>
        %add3A_1201 = arith.addf %add3A_1190, %get3A_1200 : vector<16xf32>
        %mul3A_1202 = arith.constant 16 : i32
        %mul3A_1203 = arith.muli %scan3A_217, %mul3A_1202 : i32
        %add3A_1204 = arith.constant 8 : i32
        %add3A_1205 = arith.addi %mul3A_1203, %add3A_1204 : i32
        %get3A_1206 = arith.constant 0 : i32
        %get3A_1207 = arith.index_cast %get3A_1206 : i32 to index
        %get3A_1208 = arith.index_cast %add3A_1205 : i32 to index
        %get3A_1209 = arith.constant 80 : index
        %get3A_1210 = tpu.vector_load %arg11[%get3A_1207, %get3A_1208, %get3A_1209] {strides = array<i32>} : memref<2x256x128xf32, #tpu.memory_space<vmem>>, vector<1x1x16xf32>,
        %get3A_1211 = vector.shape_cast %get3A_1210 : vector<1x1x16xf32> to vector<16xf32>
        %add3A_1212 = arith.addf %add3A_1201, %get3A_1211 : vector<16xf32>
        %mul3A_1213 = arith.constant 16 : i32
        %mul3A_1214 = arith.muli %scan3A_217, %mul3A_1213 : i32
        %add3A_1215 = arith.constant 9 : i32
        %add3A_1216 = arith.addi %mul3A_1214, %add3A_1215 : i32
        %get3A_1217 = arith.constant 0 : i32
        %get3A_1218 = arith.index_cast %get3A_1217 : i32 to index
        %get3A_1219 = arith.index_cast %add3A_1216 : i32 to index
        %get3A_1220 = arith.constant 80 : index
        %get3A_1221 = tpu.vector_load %arg11[%get3A_1218, %get3A_1219, %get3A_1220] {strides = array<i32>} : memref<2x256x128xf32, #tpu.memory_space<vmem>>, vector<1x1x16xf32>,
        %get3A_1222 = vector.shape_cast %get3A_1221 : vector<1x1x16xf32> to vector<16xf32>
        %add3A_1223 = arith.addf %add3A_1212, %get3A_1222 : vector<16xf32>
        %mul3A_1224 = arith.constant 16 : i32
        %mul3A_1225 = arith.muli %scan3A_217, %mul3A_1224 : i32
        %add3A_1226 = arith.constant 10 : i32
        %add3A_1227 = arith.addi %mul3A_1225, %add3A_1226 : i32
        %get3A_1228 = arith.constant 0 : i32
        %get3A_1229 = arith.index_cast %get3A_1228 : i32 to index
        %get3A_1230 = arith.index_cast %add3A_1227 : i32 to index
        %get3A_1231 = arith.constant 80 : index
        %get3A_1232 = tpu.vector_load %arg11[%get3A_1229, %get3A_1230, %get3A_1231] {strides = array<i32>} : memref<2x256x128xf32, #tpu.memory_space<vmem>>, vector<1x1x16xf32>,
        %get3A_1233 = vector.shape_cast %get3A_1232 : vector<1x1x16xf32> to vector<16xf32>
        %add3A_1234 = arith.addf %add3A_1223, %get3A_1233 : vector<16xf32>
        %mul3A_1235 = arith.constant 16 : i32
        %mul3A_1236 = arith.muli %scan3A_217, %mul3A_1235 : i32
        %add3A_1237 = arith.constant 11 : i32
        %add3A_1238 = arith.addi %mul3A_1236, %add3A_1237 : i32
        %get3A_1239 = arith.constant 0 : i32
        %get3A_1240 = arith.index_cast %get3A_1239 : i32 to index
        %get3A_1241 = arith.index_cast %add3A_1238 : i32 to index
        %get3A_1242 = arith.constant 80 : index
        %get3A_1243 = tpu.vector_load %arg11[%get3A_1240, %get3A_1241, %get3A_1242] {strides = array<i32>} : memref<2x256x128xf32, #tpu.memory_space<vmem>>, vector<1x1x16xf32>,
        %get3A_1244 = vector.shape_cast %get3A_1243 : vector<1x1x16xf32> to vector<16xf32>
        %add3A_1245 = arith.addf %add3A_1234, %get3A_1244 : vector<16xf32>
        %mul3A_1246 = arith.constant 16 : i32
        %mul3A_1247 = arith.muli %scan3A_217, %mul3A_1246 : i32
        %add3A_1248 = arith.constant 12 : i32
        %add3A_1249 = arith.addi %mul3A_1247, %add3A_1248 : i32
        %get3A_1250 = arith.constant 0 : i32
        %get3A_1251 = arith.index_cast %get3A_1250 : i32 to index
        %get3A_1252 = arith.index_cast %add3A_1249 : i32 to index
        %get3A_1253 = arith.constant 80 : index
        %get3A_1254 = tpu.vector_load %arg11[%get3A_1251, %get3A_1252, %get3A_1253] {strides = array<i32>} : memref<2x256x128xf32, #tpu.memory_space<vmem>>, vector<1x1x16xf32>,
        %get3A_1255 = vector.shape_cast %get3A_1254 : vector<1x1x16xf32> to vector<16xf32>
        %add3A_1256 = arith.addf %add3A_1245, %get3A_1255 : vector<16xf32>
        %mul3A_1257 = arith.constant 16 : i32
        %mul3A_1258 = arith.muli %scan3A_217, %mul3A_1257 : i32
        %add3A_1259 = arith.constant 13 : i32
        %add3A_1260 = arith.addi %mul3A_1258, %add3A_1259 : i32
        %get3A_1261 = arith.constant 0 : i32
        %get3A_1262 = arith.index_cast %get3A_1261 : i32 to index
        %get3A_1263 = arith.index_cast %add3A_1260 : i32 to index
        %get3A_1264 = arith.constant 80 : index
        %get3A_1265 = tpu.vector_load %arg11[%get3A_1262, %get3A_1263, %get3A_1264] {strides = array<i32>} : memref<2x256x128xf32, #tpu.memory_space<vmem>>, vector<1x1x16xf32>,
        %get3A_1266 = vector.shape_cast %get3A_1265 : vector<1x1x16xf32> to vector<16xf32>
        %add3A_1267 = arith.addf %add3A_1256, %get3A_1266 : vector<16xf32>
        %mul3A_1268 = arith.constant 16 : i32
        %mul3A_1269 = arith.muli %scan3A_217, %mul3A_1268 : i32
        %add3A_1270 = arith.constant 14 : i32
        %add3A_1271 = arith.addi %mul3A_1269, %add3A_1270 : i32
        %get3A_1272 = arith.constant 0 : i32
        %get3A_1273 = arith.index_cast %get3A_1272 : i32 to index
        %get3A_1274 = arith.index_cast %add3A_1271 : i32 to index
        %get3A_1275 = arith.constant 80 : index
        %get3A_1276 = tpu.vector_load %arg11[%get3A_1273, %get3A_1274, %get3A_1275] {strides = array<i32>} : memref<2x256x128xf32, #tpu.memory_space<vmem>>, vector<1x1x16xf32>,
        %get3A_1277 = vector.shape_cast %get3A_1276 : vector<1x1x16xf32> to vector<16xf32>
        %add3A_1278 = arith.addf %add3A_1267, %get3A_1277 : vector<16xf32>
        %mul3A_1279 = arith.constant 16 : i32
        %mul3A_1280 = arith.muli %scan3A_217, %mul3A_1279 : i32
        %add3A_1281 = arith.constant 15 : i32
        %add3A_1282 = arith.addi %mul3A_1280, %add3A_1281 : i32
        %get3A_1283 = arith.constant 0 : i32
        %get3A_1284 = arith.index_cast %get3A_1283 : i32 to index
        %get3A_1285 = arith.index_cast %add3A_1282 : i32 to index
        %get3A_1286 = arith.constant 80 : index
        %get3A_1287 = tpu.vector_load %arg11[%get3A_1284, %get3A_1285, %get3A_1286] {strides = array<i32>} : memref<2x256x128xf32, #tpu.memory_space<vmem>>, vector<1x1x16xf32>,
        %get3A_1288 = vector.shape_cast %get3A_1287 : vector<1x1x16xf32> to vector<16xf32>
        %add3A_1289 = arith.addf %add3A_1278, %get3A_1288 : vector<16xf32>
        %swap3A_1290 = arith.constant 0 : i32
        %swap3A_1291 = arith.index_cast %swap3A_1290 : i32 to index
        %swap3A_1292 = arith.index_cast %scan3A_217 : i32 to index
        %swap3A_1293 = arith.constant 80 : index
        %swap3A_1294 = tpu.vector_load %arg12[%swap3A_1291, %swap3A_1292, %swap3A_1293] {strides = array<i32>} : memref<2x16x128xf32, #tpu.memory_space<vmem>>, vector<1x1x16xf32>,
        %swap3A_1295 = vector.shape_cast %swap3A_1294 : vector<1x1x16xf32> to vector<16xf32>
        %swap3A_1296 = vector.shape_cast %add3A_1289 : vector<16xf32> to vector<1x1x16xf32>
        tpu.vector_store %arg12[%swap3A_1291, %swap3A_1292, %swap3A_1293], %swap3A_1296 {strides = array<i32>} : memref<2x16x128xf32, #tpu.memory_space<vmem>>, vector<1x1x16xf32>,
        %mul3A_1297 = arith.constant 16 : i32
        %mul3A_1298 = arith.muli %scan3A_217, %mul3A_1297 : i32
        %get3A_1299 = arith.constant 0 : i32
        %get3A_1300 = arith.index_cast %get3A_1299 : i32 to index
        %get3A_1301 = arith.index_cast %mul3A_1298 : i32 to index
        %get3A_1302 = arith.constant 96 : index
        %get3A_1303 = tpu.vector_load %arg11[%get3A_1300, %get3A_1301, %get3A_1302] {strides = array<i32>} : memref<2x256x128xf32, #tpu.memory_space<vmem>>, vector<1x1x16xf32>,
        %get3A_1304 = vector.shape_cast %get3A_1303 : vector<1x1x16xf32> to vector<16xf32>
        %mul3A_1305 = arith.constant 16 : i32
        %mul3A_1306 = arith.muli %scan3A_217, %mul3A_1305 : i32
        %add3A_1307 = arith.constant 1 : i32
        %add3A_1308 = arith.addi %mul3A_1306, %add3A_1307 : i32
        %get3A_1309 = arith.constant 0 : i32
        %get3A_1310 = arith.index_cast %get3A_1309 : i32 to index
        %get3A_1311 = arith.index_cast %add3A_1308 : i32 to index
        %get3A_1312 = arith.constant 96 : index
        %get3A_1313 = tpu.vector_load %arg11[%get3A_1310, %get3A_1311, %get3A_1312] {strides = array<i32>} : memref<2x256x128xf32, #tpu.memory_space<vmem>>, vector<1x1x16xf32>,
        %get3A_1314 = vector.shape_cast %get3A_1313 : vector<1x1x16xf32> to vector<16xf32>
        %add3A_1315 = arith.addf %get3A_1304, %get3A_1314 : vector<16xf32>
        %mul3A_1316 = arith.constant 16 : i32
        %mul3A_1317 = arith.muli %scan3A_217, %mul3A_1316 : i32
        %add3A_1318 = arith.constant 2 : i32
        %add3A_1319 = arith.addi %mul3A_1317, %add3A_1318 : i32
        %get3A_1320 = arith.constant 0 : i32
        %get3A_1321 = arith.index_cast %get3A_1320 : i32 to index
        %get3A_1322 = arith.index_cast %add3A_1319 : i32 to index
        %get3A_1323 = arith.constant 96 : index
        %get3A_1324 = tpu.vector_load %arg11[%get3A_1321, %get3A_1322, %get3A_1323] {strides = array<i32>} : memref<2x256x128xf32, #tpu.memory_space<vmem>>, vector<1x1x16xf32>,
        %get3A_1325 = vector.shape_cast %get3A_1324 : vector<1x1x16xf32> to vector<16xf32>
        %add3A_1326 = arith.addf %add3A_1315, %get3A_1325 : vector<16xf32>
        %mul3A_1327 = arith.constant 16 : i32
        %mul3A_1328 = arith.muli %scan3A_217, %mul3A_1327 : i32
        %add3A_1329 = arith.constant 3 : i32
        %add3A_1330 = arith.addi %mul3A_1328, %add3A_1329 : i32
        %get3A_1331 = arith.constant 0 : i32
        %get3A_1332 = arith.index_cast %get3A_1331 : i32 to index
        %get3A_1333 = arith.index_cast %add3A_1330 : i32 to index
        %get3A_1334 = arith.constant 96 : index
        %get3A_1335 = tpu.vector_load %arg11[%get3A_1332, %get3A_1333, %get3A_1334] {strides = array<i32>} : memref<2x256x128xf32, #tpu.memory_space<vmem>>, vector<1x1x16xf32>,
        %get3A_1336 = vector.shape_cast %get3A_1335 : vector<1x1x16xf32> to vector<16xf32>
        %add3A_1337 = arith.addf %add3A_1326, %get3A_1336 : vector<16xf32>
        %mul3A_1338 = arith.constant 16 : i32
        %mul3A_1339 = arith.muli %scan3A_217, %mul3A_1338 : i32
        %add3A_1340 = arith.constant 4 : i32
        %add3A_1341 = arith.addi %mul3A_1339, %add3A_1340 : i32
        %get3A_1342 = arith.constant 0 : i32
        %get3A_1343 = arith.index_cast %get3A_1342 : i32 to index
        %get3A_1344 = arith.index_cast %add3A_1341 : i32 to index
        %get3A_1345 = arith.constant 96 : index
        %get3A_1346 = tpu.vector_load %arg11[%get3A_1343, %get3A_1344, %get3A_1345] {strides = array<i32>} : memref<2x256x128xf32, #tpu.memory_space<vmem>>, vector<1x1x16xf32>,
        %get3A_1347 = vector.shape_cast %get3A_1346 : vector<1x1x16xf32> to vector<16xf32>
        %add3A_1348 = arith.addf %add3A_1337, %get3A_1347 : vector<16xf32>
        %mul3A_1349 = arith.constant 16 : i32
        %mul3A_1350 = arith.muli %scan3A_217, %mul3A_1349 : i32
        %add3A_1351 = arith.constant 5 : i32
        %add3A_1352 = arith.addi %mul3A_1350, %add3A_1351 : i32
        %get3A_1353 = arith.constant 0 : i32
        %get3A_1354 = arith.index_cast %get3A_1353 : i32 to index
        %get3A_1355 = arith.index_cast %add3A_1352 : i32 to index
        %get3A_1356 = arith.constant 96 : index
        %get3A_1357 = tpu.vector_load %arg11[%get3A_1354, %get3A_1355, %get3A_1356] {strides = array<i32>} : memref<2x256x128xf32, #tpu.memory_space<vmem>>, vector<1x1x16xf32>,
        %get3A_1358 = vector.shape_cast %get3A_1357 : vector<1x1x16xf32> to vector<16xf32>
        %add3A_1359 = arith.addf %add3A_1348, %get3A_1358 : vector<16xf32>
        %mul3A_1360 = arith.constant 16 : i32
        %mul3A_1361 = arith.muli %scan3A_217, %mul3A_1360 : i32
        %add3A_1362 = arith.constant 6 : i32
        %add3A_1363 = arith.addi %mul3A_1361, %add3A_1362 : i32
        %get3A_1364 = arith.constant 0 : i32
        %get3A_1365 = arith.index_cast %get3A_1364 : i32 to index
        %get3A_1366 = arith.index_cast %add3A_1363 : i32 to index
        %get3A_1367 = arith.constant 96 : index
        %get3A_1368 = tpu.vector_load %arg11[%get3A_1365, %get3A_1366, %get3A_1367] {strides = array<i32>} : memref<2x256x128xf32, #tpu.memory_space<vmem>>, vector<1x1x16xf32>,
        %get3A_1369 = vector.shape_cast %get3A_1368 : vector<1x1x16xf32> to vector<16xf32>
        %add3A_1370 = arith.addf %add3A_1359, %get3A_1369 : vector<16xf32>
        %mul3A_1371 = arith.constant 16 : i32
        %mul3A_1372 = arith.muli %scan3A_217, %mul3A_1371 : i32
        %add3A_1373 = arith.constant 7 : i32
        %add3A_1374 = arith.addi %mul3A_1372, %add3A_1373 : i32
        %get3A_1375 = arith.constant 0 : i32
        %get3A_1376 = arith.index_cast %get3A_1375 : i32 to index
        %get3A_1377 = arith.index_cast %add3A_1374 : i32 to index
        %get3A_1378 = arith.constant 96 : index
        %get3A_1379 = tpu.vector_load %arg11[%get3A_1376, %get3A_1377, %get3A_1378] {strides = array<i32>} : memref<2x256x128xf32, #tpu.memory_space<vmem>>, vector<1x1x16xf32>,
        %get3A_1380 = vector.shape_cast %get3A_1379 : vector<1x1x16xf32> to vector<16xf32>
        %add3A_1381 = arith.addf %add3A_1370, %get3A_1380 : vector<16xf32>
        %mul3A_1382 = arith.constant 16 : i32
        %mul3A_1383 = arith.muli %scan3A_217, %mul3A_1382 : i32
        %add3A_1384 = arith.constant 8 : i32
        %add3A_1385 = arith.addi %mul3A_1383, %add3A_1384 : i32
        %get3A_1386 = arith.constant 0 : i32
        %get3A_1387 = arith.index_cast %get3A_1386 : i32 to index
        %get3A_1388 = arith.index_cast %add3A_1385 : i32 to index
        %get3A_1389 = arith.constant 96 : index
        %get3A_1390 = tpu.vector_load %arg11[%get3A_1387, %get3A_1388, %get3A_1389] {strides = array<i32>} : memref<2x256x128xf32, #tpu.memory_space<vmem>>, vector<1x1x16xf32>,
        %get3A_1391 = vector.shape_cast %get3A_1390 : vector<1x1x16xf32> to vector<16xf32>
        %add3A_1392 = arith.addf %add3A_1381, %get3A_1391 : vector<16xf32>
        %mul3A_1393 = arith.constant 16 : i32
        %mul3A_1394 = arith.muli %scan3A_217, %mul3A_1393 : i32
        %add3A_1395 = arith.constant 9 : i32
        %add3A_1396 = arith.addi %mul3A_1394, %add3A_1395 : i32
        %get3A_1397 = arith.constant 0 : i32
        %get3A_1398 = arith.index_cast %get3A_1397 : i32 to index
        %get3A_1399 = arith.index_cast %add3A_1396 : i32 to index
        %get3A_1400 = arith.constant 96 : index
        %get3A_1401 = tpu.vector_load %arg11[%get3A_1398, %get3A_1399, %get3A_1400] {strides = array<i32>} : memref<2x256x128xf32, #tpu.memory_space<vmem>>, vector<1x1x16xf32>,
        %get3A_1402 = vector.shape_cast %get3A_1401 : vector<1x1x16xf32> to vector<16xf32>
        %add3A_1403 = arith.addf %add3A_1392, %get3A_1402 : vector<16xf32>
        %mul3A_1404 = arith.constant 16 : i32
        %mul3A_1405 = arith.muli %scan3A_217, %mul3A_1404 : i32
        %add3A_1406 = arith.constant 10 : i32
        %add3A_1407 = arith.addi %mul3A_1405, %add3A_1406 : i32
        %get3A_1408 = arith.constant 0 : i32
        %get3A_1409 = arith.index_cast %get3A_1408 : i32 to index
        %get3A_1410 = arith.index_cast %add3A_1407 : i32 to index
        %get3A_1411 = arith.constant 96 : index
        %get3A_1412 = tpu.vector_load %arg11[%get3A_1409, %get3A_1410, %get3A_1411] {strides = array<i32>} : memref<2x256x128xf32, #tpu.memory_space<vmem>>, vector<1x1x16xf32>,
        %get3A_1413 = vector.shape_cast %get3A_1412 : vector<1x1x16xf32> to vector<16xf32>
        %add3A_1414 = arith.addf %add3A_1403, %get3A_1413 : vector<16xf32>
        %mul3A_1415 = arith.constant 16 : i32
        %mul3A_1416 = arith.muli %scan3A_217, %mul3A_1415 : i32
        %add3A_1417 = arith.constant 11 : i32
        %add3A_1418 = arith.addi %mul3A_1416, %add3A_1417 : i32
        %get3A_1419 = arith.constant 0 : i32
        %get3A_1420 = arith.index_cast %get3A_1419 : i32 to index
        %get3A_1421 = arith.index_cast %add3A_1418 : i32 to index
        %get3A_1422 = arith.constant 96 : index
        %get3A_1423 = tpu.vector_load %arg11[%get3A_1420, %get3A_1421, %get3A_1422] {strides = array<i32>} : memref<2x256x128xf32, #tpu.memory_space<vmem>>, vector<1x1x16xf32>,
        %get3A_1424 = vector.shape_cast %get3A_1423 : vector<1x1x16xf32> to vector<16xf32>
        %add3A_1425 = arith.addf %add3A_1414, %get3A_1424 : vector<16xf32>
        %mul3A_1426 = arith.constant 16 : i32
        %mul3A_1427 = arith.muli %scan3A_217, %mul3A_1426 : i32
        %add3A_1428 = arith.constant 12 : i32
        %add3A_1429 = arith.addi %mul3A_1427, %add3A_1428 : i32
        %get3A_1430 = arith.constant 0 : i32
        %get3A_1431 = arith.index_cast %get3A_1430 : i32 to index
        %get3A_1432 = arith.index_cast %add3A_1429 : i32 to index
        %get3A_1433 = arith.constant 96 : index
        %get3A_1434 = tpu.vector_load %arg11[%get3A_1431, %get3A_1432, %get3A_1433] {strides = array<i32>} : memref<2x256x128xf32, #tpu.memory_space<vmem>>, vector<1x1x16xf32>,
        %get3A_1435 = vector.shape_cast %get3A_1434 : vector<1x1x16xf32> to vector<16xf32>
        %add3A_1436 = arith.addf %add3A_1425, %get3A_1435 : vector<16xf32>
        %mul3A_1437 = arith.constant 16 : i32
        %mul3A_1438 = arith.muli %scan3A_217, %mul3A_1437 : i32
        %add3A_1439 = arith.constant 13 : i32
        %add3A_1440 = arith.addi %mul3A_1438, %add3A_1439 : i32
        %get3A_1441 = arith.constant 0 : i32
        %get3A_1442 = arith.index_cast %get3A_1441 : i32 to index
        %get3A_1443 = arith.index_cast %add3A_1440 : i32 to index
        %get3A_1444 = arith.constant 96 : index
        %get3A_1445 = tpu.vector_load %arg11[%get3A_1442, %get3A_1443, %get3A_1444] {strides = array<i32>} : memref<2x256x128xf32, #tpu.memory_space<vmem>>, vector<1x1x16xf32>,
        %get3A_1446 = vector.shape_cast %get3A_1445 : vector<1x1x16xf32> to vector<16xf32>
        %add3A_1447 = arith.addf %add3A_1436, %get3A_1446 : vector<16xf32>
        %mul3A_1448 = arith.constant 16 : i32
        %mul3A_1449 = arith.muli %scan3A_217, %mul3A_1448 : i32
        %add3A_1450 = arith.constant 14 : i32
        %add3A_1451 = arith.addi %mul3A_1449, %add3A_1450 : i32
        %get3A_1452 = arith.constant 0 : i32
        %get3A_1453 = arith.index_cast %get3A_1452 : i32 to index
        %get3A_1454 = arith.index_cast %add3A_1451 : i32 to index
        %get3A_1455 = arith.constant 96 : index
        %get3A_1456 = tpu.vector_load %arg11[%get3A_1453, %get3A_1454, %get3A_1455] {strides = array<i32>} : memref<2x256x128xf32, #tpu.memory_space<vmem>>, vector<1x1x16xf32>,
        %get3A_1457 = vector.shape_cast %get3A_1456 : vector<1x1x16xf32> to vector<16xf32>
        %add3A_1458 = arith.addf %add3A_1447, %get3A_1457 : vector<16xf32>
        %mul3A_1459 = arith.constant 16 : i32
        %mul3A_1460 = arith.muli %scan3A_217, %mul3A_1459 : i32
        %add3A_1461 = arith.constant 15 : i32
        %add3A_1462 = arith.addi %mul3A_1460, %add3A_1461 : i32
        %get3A_1463 = arith.constant 0 : i32
        %get3A_1464 = arith.index_cast %get3A_1463 : i32 to index
        %get3A_1465 = arith.index_cast %add3A_1462 : i32 to index
        %get3A_1466 = arith.constant 96 : index
        %get3A_1467 = tpu.vector_load %arg11[%get3A_1464, %get3A_1465, %get3A_1466] {strides = array<i32>} : memref<2x256x128xf32, #tpu.memory_space<vmem>>, vector<1x1x16xf32>,
        %get3A_1468 = vector.shape_cast %get3A_1467 : vector<1x1x16xf32> to vector<16xf32>
        %add3A_1469 = arith.addf %add3A_1458, %get3A_1468 : vector<16xf32>
        %swap3A_1470 = arith.constant 0 : i32
        %swap3A_1471 = arith.index_cast %swap3A_1470 : i32 to index
        %swap3A_1472 = arith.index_cast %scan3A_217 : i32 to index
        %swap3A_1473 = arith.constant 96 : index
        %swap3A_1474 = tpu.vector_load %arg12[%swap3A_1471, %swap3A_1472, %swap3A_1473] {strides = array<i32>} : memref<2x16x128xf32, #tpu.memory_space<vmem>>, vector<1x1x16xf32>,
        %swap3A_1475 = vector.shape_cast %swap3A_1474 : vector<1x1x16xf32> to vector<16xf32>
        %swap3A_1476 = vector.shape_cast %add3A_1469 : vector<16xf32> to vector<1x1x16xf32>
        tpu.vector_store %arg12[%swap3A_1471, %swap3A_1472, %swap3A_1473], %swap3A_1476 {strides = array<i32>} : memref<2x16x128xf32, #tpu.memory_space<vmem>>, vector<1x1x16xf32>,
        %mul3A_1477 = arith.constant 16 : i32
        %mul3A_1478 = arith.muli %scan3A_217, %mul3A_1477 : i32
        %get3A_1479 = arith.constant 0 : i32
        %get3A_1480 = arith.index_cast %get3A_1479 : i32 to index
        %get3A_1481 = arith.index_cast %mul3A_1478 : i32 to index
        %get3A_1482 = arith.constant 112 : index
        %get3A_1483 = tpu.vector_load %arg11[%get3A_1480, %get3A_1481, %get3A_1482] {strides = array<i32>} : memref<2x256x128xf32, #tpu.memory_space<vmem>>, vector<1x1x16xf32>,
        %get3A_1484 = vector.shape_cast %get3A_1483 : vector<1x1x16xf32> to vector<16xf32>
        %mul3A_1485 = arith.constant 16 : i32
        %mul3A_1486 = arith.muli %scan3A_217, %mul3A_1485 : i32
        %add3A_1487 = arith.constant 1 : i32
        %add3A_1488 = arith.addi %mul3A_1486, %add3A_1487 : i32
        %get3A_1489 = arith.constant 0 : i32
        %get3A_1490 = arith.index_cast %get3A_1489 : i32 to index
        %get3A_1491 = arith.index_cast %add3A_1488 : i32 to index
        %get3A_1492 = arith.constant 112 : index
        %get3A_1493 = tpu.vector_load %arg11[%get3A_1490, %get3A_1491, %get3A_1492] {strides = array<i32>} : memref<2x256x128xf32, #tpu.memory_space<vmem>>, vector<1x1x16xf32>,
        %get3A_1494 = vector.shape_cast %get3A_1493 : vector<1x1x16xf32> to vector<16xf32>
        %add3A_1495 = arith.addf %get3A_1484, %get3A_1494 : vector<16xf32>
        %mul3A_1496 = arith.constant 16 : i32
        %mul3A_1497 = arith.muli %scan3A_217, %mul3A_1496 : i32
        %add3A_1498 = arith.constant 2 : i32
        %add3A_1499 = arith.addi %mul3A_1497, %add3A_1498 : i32
        %get3A_1500 = arith.constant 0 : i32
        %get3A_1501 = arith.index_cast %get3A_1500 : i32 to index
        %get3A_1502 = arith.index_cast %add3A_1499 : i32 to index
        %get3A_1503 = arith.constant 112 : index
        %get3A_1504 = tpu.vector_load %arg11[%get3A_1501, %get3A_1502, %get3A_1503] {strides = array<i32>} : memref<2x256x128xf32, #tpu.memory_space<vmem>>, vector<1x1x16xf32>,
        %get3A_1505 = vector.shape_cast %get3A_1504 : vector<1x1x16xf32> to vector<16xf32>
        %add3A_1506 = arith.addf %add3A_1495, %get3A_1505 : vector<16xf32>
        %mul3A_1507 = arith.constant 16 : i32
        %mul3A_1508 = arith.muli %scan3A_217, %mul3A_1507 : i32
        %add3A_1509 = arith.constant 3 : i32
        %add3A_1510 = arith.addi %mul3A_1508, %add3A_1509 : i32
        %get3A_1511 = arith.constant 0 : i32
        %get3A_1512 = arith.index_cast %get3A_1511 : i32 to index
        %get3A_1513 = arith.index_cast %add3A_1510 : i32 to index
        %get3A_1514 = arith.constant 112 : index
        %get3A_1515 = tpu.vector_load %arg11[%get3A_1512, %get3A_1513, %get3A_1514] {strides = array<i32>} : memref<2x256x128xf32, #tpu.memory_space<vmem>>, vector<1x1x16xf32>,
        %get3A_1516 = vector.shape_cast %get3A_1515 : vector<1x1x16xf32> to vector<16xf32>
        %add3A_1517 = arith.addf %add3A_1506, %get3A_1516 : vector<16xf32>
        %mul3A_1518 = arith.constant 16 : i32
        %mul3A_1519 = arith.muli %scan3A_217, %mul3A_1518 : i32
        %add3A_1520 = arith.constant 4 : i32
        %add3A_1521 = arith.addi %mul3A_1519, %add3A_1520 : i32
        %get3A_1522 = arith.constant 0 : i32
        %get3A_1523 = arith.index_cast %get3A_1522 : i32 to index
        %get3A_1524 = arith.index_cast %add3A_1521 : i32 to index
        %get3A_1525 = arith.constant 112 : index
        %get3A_1526 = tpu.vector_load %arg11[%get3A_1523, %get3A_1524, %get3A_1525] {strides = array<i32>} : memref<2x256x128xf32, #tpu.memory_space<vmem>>, vector<1x1x16xf32>,
        %get3A_1527 = vector.shape_cast %get3A_1526 : vector<1x1x16xf32> to vector<16xf32>
        %add3A_1528 = arith.addf %add3A_1517, %get3A_1527 : vector<16xf32>
        %mul3A_1529 = arith.constant 16 : i32
        %mul3A_1530 = arith.muli %scan3A_217, %mul3A_1529 : i32
        %add3A_1531 = arith.constant 5 : i32
        %add3A_1532 = arith.addi %mul3A_1530, %add3A_1531 : i32
        %get3A_1533 = arith.constant 0 : i32
        %get3A_1534 = arith.index_cast %get3A_1533 : i32 to index
        %get3A_1535 = arith.index_cast %add3A_1532 : i32 to index
        %get3A_1536 = arith.constant 112 : index
        %get3A_1537 = tpu.vector_load %arg11[%get3A_1534, %get3A_1535, %get3A_1536] {strides = array<i32>} : memref<2x256x128xf32, #tpu.memory_space<vmem>>, vector<1x1x16xf32>,
        %get3A_1538 = vector.shape_cast %get3A_1537 : vector<1x1x16xf32> to vector<16xf32>
        %add3A_1539 = arith.addf %add3A_1528, %get3A_1538 : vector<16xf32>
        %mul3A_1540 = arith.constant 16 : i32
        %mul3A_1541 = arith.muli %scan3A_217, %mul3A_1540 : i32
        %add3A_1542 = arith.constant 6 : i32
        %add3A_1543 = arith.addi %mul3A_1541, %add3A_1542 : i32
        %get3A_1544 = arith.constant 0 : i32
        %get3A_1545 = arith.index_cast %get3A_1544 : i32 to index
        %get3A_1546 = arith.index_cast %add3A_1543 : i32 to index
        %get3A_1547 = arith.constant 112 : index
        %get3A_1548 = tpu.vector_load %arg11[%get3A_1545, %get3A_1546, %get3A_1547] {strides = array<i32>} : memref<2x256x128xf32, #tpu.memory_space<vmem>>, vector<1x1x16xf32>,
        %get3A_1549 = vector.shape_cast %get3A_1548 : vector<1x1x16xf32> to vector<16xf32>
        %add3A_1550 = arith.addf %add3A_1539, %get3A_1549 : vector<16xf32>
        %mul3A_1551 = arith.constant 16 : i32
        %mul3A_1552 = arith.muli %scan3A_217, %mul3A_1551 : i32
        %add3A_1553 = arith.constant 7 : i32
        %add3A_1554 = arith.addi %mul3A_1552, %add3A_1553 : i32
        %get3A_1555 = arith.constant 0 : i32
        %get3A_1556 = arith.index_cast %get3A_1555 : i32 to index
        %get3A_1557 = arith.index_cast %add3A_1554 : i32 to index
        %get3A_1558 = arith.constant 112 : index
        %get3A_1559 = tpu.vector_load %arg11[%get3A_1556, %get3A_1557, %get3A_1558] {strides = array<i32>} : memref<2x256x128xf32, #tpu.memory_space<vmem>>, vector<1x1x16xf32>,
        %get3A_1560 = vector.shape_cast %get3A_1559 : vector<1x1x16xf32> to vector<16xf32>
        %add3A_1561 = arith.addf %add3A_1550, %get3A_1560 : vector<16xf32>
        %mul3A_1562 = arith.constant 16 : i32
        %mul3A_1563 = arith.muli %scan3A_217, %mul3A_1562 : i32
        %add3A_1564 = arith.constant 8 : i32
        %add3A_1565 = arith.addi %mul3A_1563, %add3A_1564 : i32
        %get3A_1566 = arith.constant 0 : i32
        %get3A_1567 = arith.index_cast %get3A_1566 : i32 to index
        %get3A_1568 = arith.index_cast %add3A_1565 : i32 to index
        %get3A_1569 = arith.constant 112 : index
        %get3A_1570 = tpu.vector_load %arg11[%get3A_1567, %get3A_1568, %get3A_1569] {strides = array<i32>} : memref<2x256x128xf32, #tpu.memory_space<vmem>>, vector<1x1x16xf32>,
        %get3A_1571 = vector.shape_cast %get3A_1570 : vector<1x1x16xf32> to vector<16xf32>
        %add3A_1572 = arith.addf %add3A_1561, %get3A_1571 : vector<16xf32>
        %mul3A_1573 = arith.constant 16 : i32
        %mul3A_1574 = arith.muli %scan3A_217, %mul3A_1573 : i32
        %add3A_1575 = arith.constant 9 : i32
        %add3A_1576 = arith.addi %mul3A_1574, %add3A_1575 : i32
        %get3A_1577 = arith.constant 0 : i32
        %get3A_1578 = arith.index_cast %get3A_1577 : i32 to index
        %get3A_1579 = arith.index_cast %add3A_1576 : i32 to index
        %get3A_1580 = arith.constant 112 : index
        %get3A_1581 = tpu.vector_load %arg11[%get3A_1578, %get3A_1579, %get3A_1580] {strides = array<i32>} : memref<2x256x128xf32, #tpu.memory_space<vmem>>, vector<1x1x16xf32>,
        %get3A_1582 = vector.shape_cast %get3A_1581 : vector<1x1x16xf32> to vector<16xf32>
        %add3A_1583 = arith.addf %add3A_1572, %get3A_1582 : vector<16xf32>
        %mul3A_1584 = arith.constant 16 : i32
        %mul3A_1585 = arith.muli %scan3A_217, %mul3A_1584 : i32
        %add3A_1586 = arith.constant 10 : i32
        %add3A_1587 = arith.addi %mul3A_1585, %add3A_1586 : i32
        %get3A_1588 = arith.constant 0 : i32
        %get3A_1589 = arith.index_cast %get3A_1588 : i32 to index
        %get3A_1590 = arith.index_cast %add3A_1587 : i32 to index
        %get3A_1591 = arith.constant 112 : index
        %get3A_1592 = tpu.vector_load %arg11[%get3A_1589, %get3A_1590, %get3A_1591] {strides = array<i32>} : memref<2x256x128xf32, #tpu.memory_space<vmem>>, vector<1x1x16xf32>,
        %get3A_1593 = vector.shape_cast %get3A_1592 : vector<1x1x16xf32> to vector<16xf32>
        %add3A_1594 = arith.addf %add3A_1583, %get3A_1593 : vector<16xf32>
        %mul3A_1595 = arith.constant 16 : i32
        %mul3A_1596 = arith.muli %scan3A_217, %mul3A_1595 : i32
        %add3A_1597 = arith.constant 11 : i32
        %add3A_1598 = arith.addi %mul3A_1596, %add3A_1597 : i32
        %get3A_1599 = arith.constant 0 : i32
        %get3A_1600 = arith.index_cast %get3A_1599 : i32 to index
        %get3A_1601 = arith.index_cast %add3A_1598 : i32 to index
        %get3A_1602 = arith.constant 112 : index
        %get3A_1603 = tpu.vector_load %arg11[%get3A_1600, %get3A_1601, %get3A_1602] {strides = array<i32>} : memref<2x256x128xf32, #tpu.memory_space<vmem>>, vector<1x1x16xf32>,
        %get3A_1604 = vector.shape_cast %get3A_1603 : vector<1x1x16xf32> to vector<16xf32>
        %add3A_1605 = arith.addf %add3A_1594, %get3A_1604 : vector<16xf32>
        %mul3A_1606 = arith.constant 16 : i32
        %mul3A_1607 = arith.muli %scan3A_217, %mul3A_1606 : i32
        %add3A_1608 = arith.constant 12 : i32
        %add3A_1609 = arith.addi %mul3A_1607, %add3A_1608 : i32
        %get3A_1610 = arith.constant 0 : i32
        %get3A_1611 = arith.index_cast %get3A_1610 : i32 to index
        %get3A_1612 = arith.index_cast %add3A_1609 : i32 to index
        %get3A_1613 = arith.constant 112 : index
        %get3A_1614 = tpu.vector_load %arg11[%get3A_1611, %get3A_1612, %get3A_1613] {strides = array<i32>} : memref<2x256x128xf32, #tpu.memory_space<vmem>>, vector<1x1x16xf32>,
        %get3A_1615 = vector.shape_cast %get3A_1614 : vector<1x1x16xf32> to vector<16xf32>
        %add3A_1616 = arith.addf %add3A_1605, %get3A_1615 : vector<16xf32>
        %mul3A_1617 = arith.constant 16 : i32
        %mul3A_1618 = arith.muli %scan3A_217, %mul3A_1617 : i32
        %add3A_1619 = arith.constant 13 : i32
        %add3A_1620 = arith.addi %mul3A_1618, %add3A_1619 : i32
        %get3A_1621 = arith.constant 0 : i32
        %get3A_1622 = arith.index_cast %get3A_1621 : i32 to index
        %get3A_1623 = arith.index_cast %add3A_1620 : i32 to index
        %get3A_1624 = arith.constant 112 : index
        %get3A_1625 = tpu.vector_load %arg11[%get3A_1622, %get3A_1623, %get3A_1624] {strides = array<i32>} : memref<2x256x128xf32, #tpu.memory_space<vmem>>, vector<1x1x16xf32>,
        %get3A_1626 = vector.shape_cast %get3A_1625 : vector<1x1x16xf32> to vector<16xf32>
        %add3A_1627 = arith.addf %add3A_1616, %get3A_1626 : vector<16xf32>
        %mul3A_1628 = arith.constant 16 : i32
        %mul3A_1629 = arith.muli %scan3A_217, %mul3A_1628 : i32
        %add3A_1630 = arith.constant 14 : i32
        %add3A_1631 = arith.addi %mul3A_1629, %add3A_1630 : i32
        %get3A_1632 = arith.constant 0 : i32
        %get3A_1633 = arith.index_cast %get3A_1632 : i32 to index
        %get3A_1634 = arith.index_cast %add3A_1631 : i32 to index
        %get3A_1635 = arith.constant 112 : index
        %get3A_1636 = tpu.vector_load %arg11[%get3A_1633, %get3A_1634, %get3A_1635] {strides = array<i32>} : memref<2x256x128xf32, #tpu.memory_space<vmem>>, vector<1x1x16xf32>,
        %get3A_1637 = vector.shape_cast %get3A_1636 : vector<1x1x16xf32> to vector<16xf32>
        %add3A_1638 = arith.addf %add3A_1627, %get3A_1637 : vector<16xf32>
        %mul3A_1639 = arith.constant 16 : i32
        %mul3A_1640 = arith.muli %scan3A_217, %mul3A_1639 : i32
        %add3A_1641 = arith.constant 15 : i32
        %add3A_1642 = arith.addi %mul3A_1640, %add3A_1641 : i32
        %get3A_1643 = arith.constant 0 : i32
        %get3A_1644 = arith.index_cast %get3A_1643 : i32 to index
        %get3A_1645 = arith.index_cast %add3A_1642 : i32 to index
        %get3A_1646 = arith.constant 112 : index
        %get3A_1647 = tpu.vector_load %arg11[%get3A_1644, %get3A_1645, %get3A_1646] {strides = array<i32>} : memref<2x256x128xf32, #tpu.memory_space<vmem>>, vector<1x1x16xf32>,
        %get3A_1648 = vector.shape_cast %get3A_1647 : vector<1x1x16xf32> to vector<16xf32>
        %add3A_1649 = arith.addf %add3A_1638, %get3A_1648 : vector<16xf32>
        %swap3A_1650 = arith.constant 0 : i32
        %swap3A_1651 = arith.index_cast %swap3A_1650 : i32 to index
        %swap3A_1652 = arith.index_cast %scan3A_217 : i32 to index
        %swap3A_1653 = arith.constant 112 : index
        %swap3A_1654 = tpu.vector_load %arg12[%swap3A_1651, %swap3A_1652, %swap3A_1653] {strides = array<i32>} : memref<2x16x128xf32, #tpu.memory_space<vmem>>, vector<1x1x16xf32>,
        %swap3A_1655 = vector.shape_cast %swap3A_1654 : vector<1x1x16xf32> to vector<16xf32>
        %swap3A_1656 = vector.shape_cast %add3A_1649 : vector<16xf32> to vector<1x1x16xf32>
        tpu.vector_store %arg12[%swap3A_1651, %swap3A_1652, %swap3A_1653], %swap3A_1656 {strides = array<i32>} : memref<2x16x128xf32, #tpu.memory_space<vmem>>, vector<1x1x16xf32>,
        %scan3A_1657 = arith.constant 0 : i32
        scf.yield %scan3A_1657 : i32
      }
      %scan3A_130 = arith.constant 16 : i32
      %mul3A_131 = arith.constant 16 : i32
      %mul3A_132 = arith.muli %add3A_85, %mul3A_131 : i32
      %add3A_133 = arith.addi %mul3A_2, %mul3A_132 : i32
      %dma_start3A_134 = arith.constant 0 : i32
      %dma_start3A_135 = arith.constant 0 : i32
      %dma_start3A_136 = arith.constant 0 : i32
      %dma_start3A_137 = tpu.memref_slice %arg12[%dma_start3A_134, %dma_start3A_135, %dma_start3A_136] : memref<2x16x128xf32, #tpu.memory_space<vmem>> -> memref<1x16x128xf32, #tpu.memory_space<vmem>>
      %dma_start3A_138 = tpu.memref_squeeze %dma_start3A_137 : memref<1x16x128xf32, #tpu.memory_space<vmem>> -> memref<16x128xf32, #tpu.memory_space<vmem>>
      %dma_start3A_139 = arith.constant 0 : i32
      %dma_start3A_140 = tpu.memref_slice %arg7[%add3A_133, %dma_start3A_139] : memref<51200x128xf32, #tpu.memory_space<hbm>> -> memref<16x128xf32, #tpu.memory_space<hbm>>
      %dma_start3A_141 = arith.constant 0 : i32
      %dma_start3A_142 = tpu.memref_slice %arg7[%add3A_133, %dma_start3A_141] : memref<51200x128xf32, #tpu.memory_space<hbm>> -> memref<16x128xf32, #tpu.memory_space<hbm>>
      %dma_start3A_143 = arith.constant 0 : i32
      %dma_start3A_144 = arith.constant 0 : i32
      %dma_start3A_145 = tpu.memref_slice %arg12[%dma_start3A_134, %dma_start3A_143, %dma_start3A_144] : memref<2x16x128xf32, #tpu.memory_space<vmem>> -> memref<1x16x128xf32, #tpu.memory_space<vmem>>
      %dma_start3A_146 = tpu.memref_squeeze %dma_start3A_145 : memref<1x16x128xf32, #tpu.memory_space<vmem>> -> memref<16x128xf32, #tpu.memory_space<vmem>>
      tpu.enqueue_dma source(%dma_start3A_146 : memref<16x128xf32, #tpu.memory_space<vmem>>) target(%dma_start3A_142 : memref<16x128xf32, #tpu.memory_space<hbm>>) target_semaphore(%arg15 : memref<!tpu.dma_semaphore, #tpu.memory_space<semaphore_mem>>)
      %mul3A_147 = arith.constant 2 : i32
      %mul3A_148 = arith.muli %scan3A_80, %mul3A_147 : i32
      %add3A_149 = arith.constant 1 : i32
      %add3A_150 = arith.addi %mul3A_148, %add3A_149 : i32
      %add3A_151 = arith.constant 1 : i32
      %add3A_152 = arith.addi %add3A_150, %add3A_151 : i32
      %lt3A_153 = arith.constant 100 : i32
      %lt3A_154 = arith.cmpi slt, %add3A_152, %lt3A_153 : i32
      %convert_element_type3A_155 = arith.extui %lt3A_154 : i1 to i32
      %cond3A_156 = arith.constant 0 : i32
      %cond3A_157 = arith.cmpi ne, %convert_element_type3A_155, %cond3A_156 : i32
      scf.if %cond3A_157 {
        %add3A_217 = arith.constant 1 : i32
        %add3A_218 = arith.addi %add3A_150, %add3A_217 : i32
        %mul3A_219 = arith.constant 2 : i32
        %mul3A_220 = arith.muli %add3A_218, %mul3A_219 : i32
        %add3A_221 = arith.constant 0 : i32
        %add3A_222 = arith.addi %mul3A_220, %add3A_221 : i32
        %dma_start3A_223 = arith.constant 0 : i32
        %dma_start3A_224 = arith.constant 0 : i32
        %dma_start3A_225 = arith.constant 0 : i32
        %dma_start3A_226 = tpu.memref_slice %arg11[%dma_start3A_223, %dma_start3A_224, %dma_start3A_225] : memref<2x256x128xf32, #tpu.memory_space<vmem>> -> memref<1x128x128xf32, #tpu.memory_space<vmem>>
        %dma_start3A_227 = tpu.memref_squeeze %dma_start3A_226 : memref<1x128x128xf32, #tpu.memory_space<vmem>> -> memref<128x128xf32, #tpu.memory_space<vmem>>
        %dma_start3A_228 = arith.constant 0 : i32
        %dma_start3A_229 = tpu.memref_slice %arg9[%add3A_222, %dma_start3A_228] : memref<200x128xi32, #tpu.memory_space<vmem>> -> memref<1x128xi32, #tpu.memory_space<vmem>>
        %dma_start3A_230 = tpu.memref_squeeze %dma_start3A_229 : memref<1x128xi32, #tpu.memory_space<vmem>> -> memref<128xi32, #tpu.memory_space<vmem>>
        %dma_start3A_231 = arith.constant 0 : i32
        %dma_start3A_232 = arith.constant 0 : i32
        %dma_start3A_233 = tpu.memref_slice %arg3[%dma_start3A_231, %dma_start3A_232] : memref<16000x128xf32, #tpu.memory_space<hbm>> -> memref<16000x128xf32, #tpu.memory_space<hbm>>
        tpu.enqueue_indirect_dma source(%dma_start3A_233 : memref<16000x128xf32, #tpu.memory_space<hbm>>) target(%dma_start3A_227 : memref<128x128xf32, #tpu.memory_space<vmem>>) offsets(%dma_start3A_230 : memref<128xi32, #tpu.memory_space<vmem>>) semaphore(%arg13 : memref<!tpu.dma_semaphore, #tpu.memory_space<semaphore_mem>>)
        %add3A_234 = arith.constant 1 : i32
        %add3A_235 = arith.addi %add3A_150, %add3A_234 : i32
        %mul3A_236 = arith.constant 2 : i32
        %mul3A_237 = arith.muli %add3A_235, %mul3A_236 : i32
        %add3A_238 = arith.constant 1 : i32
        %add3A_239 = arith.addi %mul3A_237, %add3A_238 : i32
        %dma_start3A_240 = arith.constant 0 : i32
        %dma_start3A_241 = arith.constant 128 : i32
        %dma_start3A_242 = arith.constant 0 : i32
        %dma_start3A_243 = tpu.memref_slice %arg11[%dma_start3A_240, %dma_start3A_241, %dma_start3A_242] : memref<2x256x128xf32, #tpu.memory_space<vmem>> -> memref<1x128x128xf32, #tpu.memory_space<vmem>>
        %dma_start3A_244 = tpu.memref_squeeze %dma_start3A_243 : memref<1x128x128xf32, #tpu.memory_space<vmem>> -> memref<128x128xf32, #tpu.memory_space<vmem>>
        %dma_start3A_245 = arith.constant 0 : i32
        %dma_start3A_246 = tpu.memref_slice %arg9[%add3A_239, %dma_start3A_245] : memref<200x128xi32, #tpu.memory_space<vmem>> -> memref<1x128xi32, #tpu.memory_space<vmem>>
        %dma_start3A_247 = tpu.memref_squeeze %dma_start3A_246 : memref<1x128xi32, #tpu.memory_space<vmem>> -> memref<128xi32, #tpu.memory_space<vmem>>
        %dma_start3A_248 = arith.constant 0 : i32
        %dma_start3A_249 = arith.constant 0 : i32
        %dma_start3A_250 = tpu.memref_slice %arg3[%dma_start3A_248, %dma_start3A_249] : memref<16000x128xf32, #tpu.memory_space<hbm>> -> memref<16000x128xf32, #tpu.memory_space<hbm>>
        tpu.enqueue_indirect_dma source(%dma_start3A_250 : memref<16000x128xf32, #tpu.memory_space<hbm>>) target(%dma_start3A_244 : memref<128x128xf32, #tpu.memory_space<vmem>>) offsets(%dma_start3A_247 : memref<128xi32, #tpu.memory_space<vmem>>) semaphore(%arg13 : memref<!tpu.dma_semaphore, #tpu.memory_space<semaphore_mem>>)
      } else {
      }
      %mul3A_158 = arith.constant 2 : i32
      %mul3A_159 = arith.muli %add3A_150, %mul3A_158 : i32
      %add3A_160 = arith.constant 0 : i32
      %add3A_161 = arith.addi %mul3A_159, %add3A_160 : i32
      %dma_wait3A_162 = arith.constant 1 : i32
      %dma_wait3A_163 = arith.constant 0 : i32
      %dma_wait3A_164 = arith.constant 0 : i32
      %dma_wait3A_165 = tpu.memref_slice %arg11[%dma_wait3A_162, %dma_wait3A_163, %dma_wait3A_164] : memref<2x256x128xf32, #tpu.memory_space<vmem>> -> memref<1x128x128xf32, #tpu.memory_space<vmem>>
      %dma_wait3A_166 = tpu.memref_squeeze %dma_wait3A_165 : memref<1x128x128xf32, #tpu.memory_space<vmem>> -> memref<128x128xf32, #tpu.memory_space<vmem>>
      %dma_wait3A_167 = arith.constant 0 : i32
      %dma_wait3A_168 = tpu.memref_slice %arg9[%add3A_161, %dma_wait3A_167] : memref<200x128xi32, #tpu.memory_space<vmem>> -> memref<1x128xi32, #tpu.memory_space<vmem>>
      %dma_wait3A_169 = tpu.memref_squeeze %dma_wait3A_168 : memref<1x128xi32, #tpu.memory_space<vmem>> -> memref<128xi32, #tpu.memory_space<vmem>>
      %dma_wait3A_170 = arith.constant 0 : i32
      %dma_wait3A_171 = arith.constant 0 : i32
      %dma_wait3A_172 = tpu.memref_slice %arg3[%dma_wait3A_170, %dma_wait3A_171] : memref<16000x128xf32, #tpu.memory_space<hbm>> -> memref<16000x128xf32, #tpu.memory_space<hbm>>
      tpu.wait_indirect_dma semaphore(%arg14 : memref<!tpu.dma_semaphore, #tpu.memory_space<semaphore_mem>>) src(%dma_wait3A_172 : memref<16000x128xf32, #tpu.memory_space<hbm>>) dst(%dma_wait3A_166 : memref<128x128xf32, #tpu.memory_space<vmem>>)
      %mul3A_173 = arith.constant 2 : i32
      %mul3A_174 = arith.muli %add3A_150, %mul3A_173 : i32
      %add3A_175 = arith.constant 1 : i32
      %add3A_176 = arith.addi %mul3A_174, %add3A_175 : i32
      %dma_wait3A_177 = arith.constant 1 : i32
      %dma_wait3A_178 = arith.constant 128 : i32
      %dma_wait3A_179 = arith.constant 0 : i32
      %dma_wait3A_180 = tpu.memref_slice %arg11[%dma_wait3A_177, %dma_wait3A_178, %dma_wait3A_179] : memref<2x256x128xf32, #tpu.memory_space<vmem>> -> memref<1x128x128xf32, #tpu.memory_space<vmem>>
      %dma_wait3A_181 = tpu.memref_squeeze %dma_wait3A_180 : memref<1x128x128xf32, #tpu.memory_space<vmem>> -> memref<128x128xf32, #tpu.memory_space<vmem>>
      %dma_wait3A_182 = arith.constant 0 : i32
      %dma_wait3A_183 = tpu.memref_slice %arg9[%add3A_176, %dma_wait3A_182] : memref<200x128xi32, #tpu.memory_space<vmem>> -> memref<1x128xi32, #tpu.memory_space<vmem>>
      %dma_wait3A_184 = tpu.memref_squeeze %dma_wait3A_183 : memref<1x128xi32, #tpu.memory_space<vmem>> -> memref<128xi32, #tpu.memory_space<vmem>>
      %dma_wait3A_185 = arith.constant 0 : i32
      %dma_wait3A_186 = arith.constant 0 : i32
      %dma_wait3A_187 = tpu.memref_slice %arg3[%dma_wait3A_185, %dma_wait3A_186] : memref<16000x128xf32, #tpu.memory_space<hbm>> -> memref<16000x128xf32, #tpu.memory_space<hbm>>
      tpu.wait_indirect_dma semaphore(%arg14 : memref<!tpu.dma_semaphore, #tpu.memory_space<semaphore_mem>>) src(%dma_wait3A_187 : memref<16000x128xf32, #tpu.memory_space<hbm>>) dst(%dma_wait3A_181 : memref<128x128xf32, #tpu.memory_space<vmem>>)
      %ge3A_188 = arith.constant 2 : i32
      %ge3A_189 = arith.cmpi sge, %add3A_150, %ge3A_188 : i32
      %convert_element_type3A_190 = arith.extui %ge3A_189 : i1 to i32
      %cond3A_191 = arith.constant 0 : i32
      %cond3A_192 = arith.cmpi ne, %convert_element_type3A_190, %cond3A_191 : i32
      scf.if %cond3A_192 {
        %sub3A = arith.constant 2 : i32
        %sub3A_217 = arith.subi %add3A_150, %sub3A : i32
        %mul3A_218 = arith.constant 16 : i32
        %mul3A_219 = arith.muli %sub3A_217, %mul3A_218 : i32
        %add3A_220 = arith.addi %mul3A_2, %mul3A_219 : i32
        %dma_wait3A_221 = arith.constant 1 : i32
        %dma_wait3A_222 = arith.constant 0 : i32
        %dma_wait3A_223 = arith.constant 0 : i32
        %dma_wait3A_224 = tpu.memref_slice %arg12[%dma_wait3A_221, %dma_wait3A_222, %dma_wait3A_223] : memref<2x16x128xf32, #tpu.memory_space<vmem>> -> memref<1x16x128xf32, #tpu.memory_space<vmem>>
        %dma_wait3A_225 = tpu.memref_squeeze %dma_wait3A_224 : memref<1x16x128xf32, #tpu.memory_space<vmem>> -> memref<16x128xf32, #tpu.memory_space<vmem>>
        %dma_wait3A_226 = arith.constant 0 : i32
        %dma_wait3A_227 = tpu.memref_slice %arg7[%add3A_220, %dma_wait3A_226] : memref<51200x128xf32, #tpu.memory_space<hbm>> -> memref<16x128xf32, #tpu.memory_space<hbm>>
        %dma_wait3A_228 = arith.constant 0 : i32
        %dma_wait3A_229 = tpu.memref_slice %arg7[%add3A_220, %dma_wait3A_228] : memref<51200x128xf32, #tpu.memory_space<hbm>> -> memref<16x128xf32, #tpu.memory_space<hbm>>
        %dma_wait3A_230 = arith.constant 0 : i32
        %dma_wait3A_231 = arith.constant 0 : i32
        %dma_wait3A_232 = tpu.memref_slice %arg12[%dma_wait3A_221, %dma_wait3A_230, %dma_wait3A_231] : memref<2x16x128xf32, #tpu.memory_space<vmem>> -> memref<1x16x128xf32, #tpu.memory_space<vmem>>
        %dma_wait3A_233 = tpu.memref_squeeze %dma_wait3A_232 : memref<1x16x128xf32, #tpu.memory_space<vmem>> -> memref<16x128xf32, #tpu.memory_space<vmem>>
        tpu.wait_dma2 semaphore(%arg16 : memref<!tpu.dma_semaphore, #tpu.memory_space<semaphore_mem>>) src(%dma_wait3A_233 : memref<16x128xf32, #tpu.memory_space<vmem>>) dst(%dma_wait3A_229 : memref<16x128xf32, #tpu.memory_space<hbm>>)
      } else {
      }
      %scan3A_193 = arith.constant 0 : i32
      %scan3A_194 = arith.constant 0 : i32
      %scan3A_195 = arith.constant 16 : i32
      %scan3A_196 = arith.addi %scan3A_194, %scan3A_195 : i32
      %scan3A_197 = arith.constant 1 : i32
      %scan3A_198 = scf.for %scan3A_217 = %scan3A_194 to %scan3A_196 step %scan3A_197 iter_args(%scan3A_218 = %scan3A_193) -> (i32)  : i32 {
        %mul3A_219 = arith.constant 16 : i32
        %mul3A_220 = arith.muli %scan3A_217, %mul3A_219 : i32
        %get3A = arith.constant 1 : i32
        %get3A_221 = arith.index_cast %get3A : i32 to index
        %get3A_222 = arith.index_cast %mul3A_220 : i32 to index
        %get3A_223 = arith.constant 0 : index
        %get3A_224 = tpu.vector_load %arg11[%get3A_221, %get3A_222, %get3A_223] {strides = array<i32>} : memref<2x256x128xf32, #tpu.memory_space<vmem>>, vector<1x1x16xf32>,
        %get3A_225 = vector.shape_cast %get3A_224 : vector<1x1x16xf32> to vector<16xf32>
        %mul3A_226 = arith.constant 16 : i32
        %mul3A_227 = arith.muli %scan3A_217, %mul3A_226 : i32
        %add3A_228 = arith.constant 1 : i32
        %add3A_229 = arith.addi %mul3A_227, %add3A_228 : i32
        %get3A_230 = arith.constant 1 : i32
        %get3A_231 = arith.index_cast %get3A_230 : i32 to index
        %get3A_232 = arith.index_cast %add3A_229 : i32 to index
        %get3A_233 = arith.constant 0 : index
        %get3A_234 = tpu.vector_load %arg11[%get3A_231, %get3A_232, %get3A_233] {strides = array<i32>} : memref<2x256x128xf32, #tpu.memory_space<vmem>>, vector<1x1x16xf32>,
        %get3A_235 = vector.shape_cast %get3A_234 : vector<1x1x16xf32> to vector<16xf32>
        %add3A_236 = arith.addf %get3A_225, %get3A_235 : vector<16xf32>
        %mul3A_237 = arith.constant 16 : i32
        %mul3A_238 = arith.muli %scan3A_217, %mul3A_237 : i32
        %add3A_239 = arith.constant 2 : i32
        %add3A_240 = arith.addi %mul3A_238, %add3A_239 : i32
        %get3A_241 = arith.constant 1 : i32
        %get3A_242 = arith.index_cast %get3A_241 : i32 to index
        %get3A_243 = arith.index_cast %add3A_240 : i32 to index
        %get3A_244 = arith.constant 0 : index
        %get3A_245 = tpu.vector_load %arg11[%get3A_242, %get3A_243, %get3A_244] {strides = array<i32>} : memref<2x256x128xf32, #tpu.memory_space<vmem>>, vector<1x1x16xf32>,
        %get3A_246 = vector.shape_cast %get3A_245 : vector<1x1x16xf32> to vector<16xf32>
        %add3A_247 = arith.addf %add3A_236, %get3A_246 : vector<16xf32>
        %mul3A_248 = arith.constant 16 : i32
        %mul3A_249 = arith.muli %scan3A_217, %mul3A_248 : i32
        %add3A_250 = arith.constant 3 : i32
        %add3A_251 = arith.addi %mul3A_249, %add3A_250 : i32
        %get3A_252 = arith.constant 1 : i32
        %get3A_253 = arith.index_cast %get3A_252 : i32 to index
        %get3A_254 = arith.index_cast %add3A_251 : i32 to index
        %get3A_255 = arith.constant 0 : index
        %get3A_256 = tpu.vector_load %arg11[%get3A_253, %get3A_254, %get3A_255] {strides = array<i32>} : memref<2x256x128xf32, #tpu.memory_space<vmem>>, vector<1x1x16xf32>,
        %get3A_257 = vector.shape_cast %get3A_256 : vector<1x1x16xf32> to vector<16xf32>
        %add3A_258 = arith.addf %add3A_247, %get3A_257 : vector<16xf32>
        %mul3A_259 = arith.constant 16 : i32
        %mul3A_260 = arith.muli %scan3A_217, %mul3A_259 : i32
        %add3A_261 = arith.constant 4 : i32
        %add3A_262 = arith.addi %mul3A_260, %add3A_261 : i32
        %get3A_263 = arith.constant 1 : i32
        %get3A_264 = arith.index_cast %get3A_263 : i32 to index
        %get3A_265 = arith.index_cast %add3A_262 : i32 to index
        %get3A_266 = arith.constant 0 : index
        %get3A_267 = tpu.vector_load %arg11[%get3A_264, %get3A_265, %get3A_266] {strides = array<i32>} : memref<2x256x128xf32, #tpu.memory_space<vmem>>, vector<1x1x16xf32>,
        %get3A_268 = vector.shape_cast %get3A_267 : vector<1x1x16xf32> to vector<16xf32>
        %add3A_269 = arith.addf %add3A_258, %get3A_268 : vector<16xf32>
        %mul3A_270 = arith.constant 16 : i32
        %mul3A_271 = arith.muli %scan3A_217, %mul3A_270 : i32
        %add3A_272 = arith.constant 5 : i32
        %add3A_273 = arith.addi %mul3A_271, %add3A_272 : i32
        %get3A_274 = arith.constant 1 : i32
        %get3A_275 = arith.index_cast %get3A_274 : i32 to index
        %get3A_276 = arith.index_cast %add3A_273 : i32 to index
        %get3A_277 = arith.constant 0 : index
        %get3A_278 = tpu.vector_load %arg11[%get3A_275, %get3A_276, %get3A_277] {strides = array<i32>} : memref<2x256x128xf32, #tpu.memory_space<vmem>>, vector<1x1x16xf32>,
        %get3A_279 = vector.shape_cast %get3A_278 : vector<1x1x16xf32> to vector<16xf32>
        %add3A_280 = arith.addf %add3A_269, %get3A_279 : vector<16xf32>
        %mul3A_281 = arith.constant 16 : i32
        %mul3A_282 = arith.muli %scan3A_217, %mul3A_281 : i32
        %add3A_283 = arith.constant 6 : i32
        %add3A_284 = arith.addi %mul3A_282, %add3A_283 : i32
        %get3A_285 = arith.constant 1 : i32
        %get3A_286 = arith.index_cast %get3A_285 : i32 to index
        %get3A_287 = arith.index_cast %add3A_284 : i32 to index
        %get3A_288 = arith.constant 0 : index
        %get3A_289 = tpu.vector_load %arg11[%get3A_286, %get3A_287, %get3A_288] {strides = array<i32>} : memref<2x256x128xf32, #tpu.memory_space<vmem>>, vector<1x1x16xf32>,
        %get3A_290 = vector.shape_cast %get3A_289 : vector<1x1x16xf32> to vector<16xf32>
        %add3A_291 = arith.addf %add3A_280, %get3A_290 : vector<16xf32>
        %mul3A_292 = arith.constant 16 : i32
        %mul3A_293 = arith.muli %scan3A_217, %mul3A_292 : i32
        %add3A_294 = arith.constant 7 : i32
        %add3A_295 = arith.addi %mul3A_293, %add3A_294 : i32
        %get3A_296 = arith.constant 1 : i32
        %get3A_297 = arith.index_cast %get3A_296 : i32 to index
        %get3A_298 = arith.index_cast %add3A_295 : i32 to index
        %get3A_299 = arith.constant 0 : index
        %get3A_300 = tpu.vector_load %arg11[%get3A_297, %get3A_298, %get3A_299] {strides = array<i32>} : memref<2x256x128xf32, #tpu.memory_space<vmem>>, vector<1x1x16xf32>,
        %get3A_301 = vector.shape_cast %get3A_300 : vector<1x1x16xf32> to vector<16xf32>
        %add3A_302 = arith.addf %add3A_291, %get3A_301 : vector<16xf32>
        %mul3A_303 = arith.constant 16 : i32
        %mul3A_304 = arith.muli %scan3A_217, %mul3A_303 : i32
        %add3A_305 = arith.constant 8 : i32
        %add3A_306 = arith.addi %mul3A_304, %add3A_305 : i32
        %get3A_307 = arith.constant 1 : i32
        %get3A_308 = arith.index_cast %get3A_307 : i32 to index
        %get3A_309 = arith.index_cast %add3A_306 : i32 to index
        %get3A_310 = arith.constant 0 : index
        %get3A_311 = tpu.vector_load %arg11[%get3A_308, %get3A_309, %get3A_310] {strides = array<i32>} : memref<2x256x128xf32, #tpu.memory_space<vmem>>, vector<1x1x16xf32>,
        %get3A_312 = vector.shape_cast %get3A_311 : vector<1x1x16xf32> to vector<16xf32>
        %add3A_313 = arith.addf %add3A_302, %get3A_312 : vector<16xf32>
        %mul3A_314 = arith.constant 16 : i32
        %mul3A_315 = arith.muli %scan3A_217, %mul3A_314 : i32
        %add3A_316 = arith.constant 9 : i32
        %add3A_317 = arith.addi %mul3A_315, %add3A_316 : i32
        %get3A_318 = arith.constant 1 : i32
        %get3A_319 = arith.index_cast %get3A_318 : i32 to index
        %get3A_320 = arith.index_cast %add3A_317 : i32 to index
        %get3A_321 = arith.constant 0 : index
        %get3A_322 = tpu.vector_load %arg11[%get3A_319, %get3A_320, %get3A_321] {strides = array<i32>} : memref<2x256x128xf32, #tpu.memory_space<vmem>>, vector<1x1x16xf32>,
        %get3A_323 = vector.shape_cast %get3A_322 : vector<1x1x16xf32> to vector<16xf32>
        %add3A_324 = arith.addf %add3A_313, %get3A_323 : vector<16xf32>
        %mul3A_325 = arith.constant 16 : i32
        %mul3A_326 = arith.muli %scan3A_217, %mul3A_325 : i32
        %add3A_327 = arith.constant 10 : i32
        %add3A_328 = arith.addi %mul3A_326, %add3A_327 : i32
        %get3A_329 = arith.constant 1 : i32
        %get3A_330 = arith.index_cast %get3A_329 : i32 to index
        %get3A_331 = arith.index_cast %add3A_328 : i32 to index
        %get3A_332 = arith.constant 0 : index
        %get3A_333 = tpu.vector_load %arg11[%get3A_330, %get3A_331, %get3A_332] {strides = array<i32>} : memref<2x256x128xf32, #tpu.memory_space<vmem>>, vector<1x1x16xf32>,
        %get3A_334 = vector.shape_cast %get3A_333 : vector<1x1x16xf32> to vector<16xf32>
        %add3A_335 = arith.addf %add3A_324, %get3A_334 : vector<16xf32>
        %mul3A_336 = arith.constant 16 : i32
        %mul3A_337 = arith.muli %scan3A_217, %mul3A_336 : i32
        %add3A_338 = arith.constant 11 : i32
        %add3A_339 = arith.addi %mul3A_337, %add3A_338 : i32
        %get3A_340 = arith.constant 1 : i32
        %get3A_341 = arith.index_cast %get3A_340 : i32 to index
        %get3A_342 = arith.index_cast %add3A_339 : i32 to index
        %get3A_343 = arith.constant 0 : index
        %get3A_344 = tpu.vector_load %arg11[%get3A_341, %get3A_342, %get3A_343] {strides = array<i32>} : memref<2x256x128xf32, #tpu.memory_space<vmem>>, vector<1x1x16xf32>,
        %get3A_345 = vector.shape_cast %get3A_344 : vector<1x1x16xf32> to vector<16xf32>
        %add3A_346 = arith.addf %add3A_335, %get3A_345 : vector<16xf32>
        %mul3A_347 = arith.constant 16 : i32
        %mul3A_348 = arith.muli %scan3A_217, %mul3A_347 : i32
        %add3A_349 = arith.constant 12 : i32
        %add3A_350 = arith.addi %mul3A_348, %add3A_349 : i32
        %get3A_351 = arith.constant 1 : i32
        %get3A_352 = arith.index_cast %get3A_351 : i32 to index
        %get3A_353 = arith.index_cast %add3A_350 : i32 to index
        %get3A_354 = arith.constant 0 : index
        %get3A_355 = tpu.vector_load %arg11[%get3A_352, %get3A_353, %get3A_354] {strides = array<i32>} : memref<2x256x128xf32, #tpu.memory_space<vmem>>, vector<1x1x16xf32>,
        %get3A_356 = vector.shape_cast %get3A_355 : vector<1x1x16xf32> to vector<16xf32>
        %add3A_357 = arith.addf %add3A_346, %get3A_356 : vector<16xf32>
        %mul3A_358 = arith.constant 16 : i32
        %mul3A_359 = arith.muli %scan3A_217, %mul3A_358 : i32
        %add3A_360 = arith.constant 13 : i32
        %add3A_361 = arith.addi %mul3A_359, %add3A_360 : i32
        %get3A_362 = arith.constant 1 : i32
        %get3A_363 = arith.index_cast %get3A_362 : i32 to index
        %get3A_364 = arith.index_cast %add3A_361 : i32 to index
        %get3A_365 = arith.constant 0 : index
        %get3A_366 = tpu.vector_load %arg11[%get3A_363, %get3A_364, %get3A_365] {strides = array<i32>} : memref<2x256x128xf32, #tpu.memory_space<vmem>>, vector<1x1x16xf32>,
        %get3A_367 = vector.shape_cast %get3A_366 : vector<1x1x16xf32> to vector<16xf32>
        %add3A_368 = arith.addf %add3A_357, %get3A_367 : vector<16xf32>
        %mul3A_369 = arith.constant 16 : i32
        %mul3A_370 = arith.muli %scan3A_217, %mul3A_369 : i32
        %add3A_371 = arith.constant 14 : i32
        %add3A_372 = arith.addi %mul3A_370, %add3A_371 : i32
        %get3A_373 = arith.constant 1 : i32
        %get3A_374 = arith.index_cast %get3A_373 : i32 to index
        %get3A_375 = arith.index_cast %add3A_372 : i32 to index
        %get3A_376 = arith.constant 0 : index
        %get3A_377 = tpu.vector_load %arg11[%get3A_374, %get3A_375, %get3A_376] {strides = array<i32>} : memref<2x256x128xf32, #tpu.memory_space<vmem>>, vector<1x1x16xf32>,
        %get3A_378 = vector.shape_cast %get3A_377 : vector<1x1x16xf32> to vector<16xf32>
        %add3A_379 = arith.addf %add3A_368, %get3A_378 : vector<16xf32>
        %mul3A_380 = arith.constant 16 : i32
        %mul3A_381 = arith.muli %scan3A_217, %mul3A_380 : i32
        %add3A_382 = arith.constant 15 : i32
        %add3A_383 = arith.addi %mul3A_381, %add3A_382 : i32
        %get3A_384 = arith.constant 1 : i32
        %get3A_385 = arith.index_cast %get3A_384 : i32 to index
        %get3A_386 = arith.index_cast %add3A_383 : i32 to index
        %get3A_387 = arith.constant 0 : index
        %get3A_388 = tpu.vector_load %arg11[%get3A_385, %get3A_386, %get3A_387] {strides = array<i32>} : memref<2x256x128xf32, #tpu.memory_space<vmem>>, vector<1x1x16xf32>,
        %get3A_389 = vector.shape_cast %get3A_388 : vector<1x1x16xf32> to vector<16xf32>
        %add3A_390 = arith.addf %add3A_379, %get3A_389 : vector<16xf32>
        %swap3A = arith.constant 1 : i32
        %swap3A_391 = arith.index_cast %swap3A : i32 to index
        %swap3A_392 = arith.index_cast %scan3A_217 : i32 to index
        %swap3A_393 = arith.constant 0 : index
        %swap3A_394 = tpu.vector_load %arg12[%swap3A_391, %swap3A_392, %swap3A_393] {strides = array<i32>} : memref<2x16x128xf32, #tpu.memory_space<vmem>>, vector<1x1x16xf32>,
        %swap3A_395 = vector.shape_cast %swap3A_394 : vector<1x1x16xf32> to vector<16xf32>
        %swap3A_396 = vector.shape_cast %add3A_390 : vector<16xf32> to vector<1x1x16xf32>
        tpu.vector_store %arg12[%swap3A_391, %swap3A_392, %swap3A_393], %swap3A_396 {strides = array<i32>} : memref<2x16x128xf32, #tpu.memory_space<vmem>>, vector<1x1x16xf32>,
        %mul3A_397 = arith.constant 16 : i32
        %mul3A_398 = arith.muli %scan3A_217, %mul3A_397 : i32
        %get3A_399 = arith.constant 1 : i32
        %get3A_400 = arith.index_cast %get3A_399 : i32 to index
        %get3A_401 = arith.index_cast %mul3A_398 : i32 to index
        %get3A_402 = arith.constant 16 : index
        %get3A_403 = tpu.vector_load %arg11[%get3A_400, %get3A_401, %get3A_402] {strides = array<i32>} : memref<2x256x128xf32, #tpu.memory_space<vmem>>, vector<1x1x16xf32>,
        %get3A_404 = vector.shape_cast %get3A_403 : vector<1x1x16xf32> to vector<16xf32>
        %mul3A_405 = arith.constant 16 : i32
        %mul3A_406 = arith.muli %scan3A_217, %mul3A_405 : i32
        %add3A_407 = arith.constant 1 : i32
        %add3A_408 = arith.addi %mul3A_406, %add3A_407 : i32
        %get3A_409 = arith.constant 1 : i32
        %get3A_410 = arith.index_cast %get3A_409 : i32 to index
        %get3A_411 = arith.index_cast %add3A_408 : i32 to index
        %get3A_412 = arith.constant 16 : index
        %get3A_413 = tpu.vector_load %arg11[%get3A_410, %get3A_411, %get3A_412] {strides = array<i32>} : memref<2x256x128xf32, #tpu.memory_space<vmem>>, vector<1x1x16xf32>,
        %get3A_414 = vector.shape_cast %get3A_413 : vector<1x1x16xf32> to vector<16xf32>
        %add3A_415 = arith.addf %get3A_404, %get3A_414 : vector<16xf32>
        %mul3A_416 = arith.constant 16 : i32
        %mul3A_417 = arith.muli %scan3A_217, %mul3A_416 : i32
        %add3A_418 = arith.constant 2 : i32
        %add3A_419 = arith.addi %mul3A_417, %add3A_418 : i32
        %get3A_420 = arith.constant 1 : i32
        %get3A_421 = arith.index_cast %get3A_420 : i32 to index
        %get3A_422 = arith.index_cast %add3A_419 : i32 to index
        %get3A_423 = arith.constant 16 : index
        %get3A_424 = tpu.vector_load %arg11[%get3A_421, %get3A_422, %get3A_423] {strides = array<i32>} : memref<2x256x128xf32, #tpu.memory_space<vmem>>, vector<1x1x16xf32>,
        %get3A_425 = vector.shape_cast %get3A_424 : vector<1x1x16xf32> to vector<16xf32>
        %add3A_426 = arith.addf %add3A_415, %get3A_425 : vector<16xf32>
        %mul3A_427 = arith.constant 16 : i32
        %mul3A_428 = arith.muli %scan3A_217, %mul3A_427 : i32
        %add3A_429 = arith.constant 3 : i32
        %add3A_430 = arith.addi %mul3A_428, %add3A_429 : i32
        %get3A_431 = arith.constant 1 : i32
        %get3A_432 = arith.index_cast %get3A_431 : i32 to index
        %get3A_433 = arith.index_cast %add3A_430 : i32 to index
        %get3A_434 = arith.constant 16 : index
        %get3A_435 = tpu.vector_load %arg11[%get3A_432, %get3A_433, %get3A_434] {strides = array<i32>} : memref<2x256x128xf32, #tpu.memory_space<vmem>>, vector<1x1x16xf32>,
        %get3A_436 = vector.shape_cast %get3A_435 : vector<1x1x16xf32> to vector<16xf32>
        %add3A_437 = arith.addf %add3A_426, %get3A_436 : vector<16xf32>
        %mul3A_438 = arith.constant 16 : i32
        %mul3A_439 = arith.muli %scan3A_217, %mul3A_438 : i32
        %add3A_440 = arith.constant 4 : i32
        %add3A_441 = arith.addi %mul3A_439, %add3A_440 : i32
        %get3A_442 = arith.constant 1 : i32
        %get3A_443 = arith.index_cast %get3A_442 : i32 to index
        %get3A_444 = arith.index_cast %add3A_441 : i32 to index
        %get3A_445 = arith.constant 16 : index
        %get3A_446 = tpu.vector_load %arg11[%get3A_443, %get3A_444, %get3A_445] {strides = array<i32>} : memref<2x256x128xf32, #tpu.memory_space<vmem>>, vector<1x1x16xf32>,
        %get3A_447 = vector.shape_cast %get3A_446 : vector<1x1x16xf32> to vector<16xf32>
        %add3A_448 = arith.addf %add3A_437, %get3A_447 : vector<16xf32>
        %mul3A_449 = arith.constant 16 : i32
        %mul3A_450 = arith.muli %scan3A_217, %mul3A_449 : i32
        %add3A_451 = arith.constant 5 : i32
        %add3A_452 = arith.addi %mul3A_450, %add3A_451 : i32
        %get3A_453 = arith.constant 1 : i32
        %get3A_454 = arith.index_cast %get3A_453 : i32 to index
        %get3A_455 = arith.index_cast %add3A_452 : i32 to index
        %get3A_456 = arith.constant 16 : index
        %get3A_457 = tpu.vector_load %arg11[%get3A_454, %get3A_455, %get3A_456] {strides = array<i32>} : memref<2x256x128xf32, #tpu.memory_space<vmem>>, vector<1x1x16xf32>,
        %get3A_458 = vector.shape_cast %get3A_457 : vector<1x1x16xf32> to vector<16xf32>
        %add3A_459 = arith.addf %add3A_448, %get3A_458 : vector<16xf32>
        %mul3A_460 = arith.constant 16 : i32
        %mul3A_461 = arith.muli %scan3A_217, %mul3A_460 : i32
        %add3A_462 = arith.constant 6 : i32
        %add3A_463 = arith.addi %mul3A_461, %add3A_462 : i32
        %get3A_464 = arith.constant 1 : i32
        %get3A_465 = arith.index_cast %get3A_464 : i32 to index
        %get3A_466 = arith.index_cast %add3A_463 : i32 to index
        %get3A_467 = arith.constant 16 : index
        %get3A_468 = tpu.vector_load %arg11[%get3A_465, %get3A_466, %get3A_467] {strides = array<i32>} : memref<2x256x128xf32, #tpu.memory_space<vmem>>, vector<1x1x16xf32>,
        %get3A_469 = vector.shape_cast %get3A_468 : vector<1x1x16xf32> to vector<16xf32>
        %add3A_470 = arith.addf %add3A_459, %get3A_469 : vector<16xf32>
        %mul3A_471 = arith.constant 16 : i32
        %mul3A_472 = arith.muli %scan3A_217, %mul3A_471 : i32
        %add3A_473 = arith.constant 7 : i32
        %add3A_474 = arith.addi %mul3A_472, %add3A_473 : i32
        %get3A_475 = arith.constant 1 : i32
        %get3A_476 = arith.index_cast %get3A_475 : i32 to index
        %get3A_477 = arith.index_cast %add3A_474 : i32 to index
        %get3A_478 = arith.constant 16 : index
        %get3A_479 = tpu.vector_load %arg11[%get3A_476, %get3A_477, %get3A_478] {strides = array<i32>} : memref<2x256x128xf32, #tpu.memory_space<vmem>>, vector<1x1x16xf32>,
        %get3A_480 = vector.shape_cast %get3A_479 : vector<1x1x16xf32> to vector<16xf32>
        %add3A_481 = arith.addf %add3A_470, %get3A_480 : vector<16xf32>
        %mul3A_482 = arith.constant 16 : i32
        %mul3A_483 = arith.muli %scan3A_217, %mul3A_482 : i32
        %add3A_484 = arith.constant 8 : i32
        %add3A_485 = arith.addi %mul3A_483, %add3A_484 : i32
        %get3A_486 = arith.constant 1 : i32
        %get3A_487 = arith.index_cast %get3A_486 : i32 to index
        %get3A_488 = arith.index_cast %add3A_485 : i32 to index
        %get3A_489 = arith.constant 16 : index
        %get3A_490 = tpu.vector_load %arg11[%get3A_487, %get3A_488, %get3A_489] {strides = array<i32>} : memref<2x256x128xf32, #tpu.memory_space<vmem>>, vector<1x1x16xf32>,
        %get3A_491 = vector.shape_cast %get3A_490 : vector<1x1x16xf32> to vector<16xf32>
        %add3A_492 = arith.addf %add3A_481, %get3A_491 : vector<16xf32>
        %mul3A_493 = arith.constant 16 : i32
        %mul3A_494 = arith.muli %scan3A_217, %mul3A_493 : i32
        %add3A_495 = arith.constant 9 : i32
        %add3A_496 = arith.addi %mul3A_494, %add3A_495 : i32
        %get3A_497 = arith.constant 1 : i32
        %get3A_498 = arith.index_cast %get3A_497 : i32 to index
        %get3A_499 = arith.index_cast %add3A_496 : i32 to index
        %get3A_500 = arith.constant 16 : index
        %get3A_501 = tpu.vector_load %arg11[%get3A_498, %get3A_499, %get3A_500] {strides = array<i32>} : memref<2x256x128xf32, #tpu.memory_space<vmem>>, vector<1x1x16xf32>,
        %get3A_502 = vector.shape_cast %get3A_501 : vector<1x1x16xf32> to vector<16xf32>
        %add3A_503 = arith.addf %add3A_492, %get3A_502 : vector<16xf32>
        %mul3A_504 = arith.constant 16 : i32
        %mul3A_505 = arith.muli %scan3A_217, %mul3A_504 : i32
        %add3A_506 = arith.constant 10 : i32
        %add3A_507 = arith.addi %mul3A_505, %add3A_506 : i32
        %get3A_508 = arith.constant 1 : i32
        %get3A_509 = arith.index_cast %get3A_508 : i32 to index
        %get3A_510 = arith.index_cast %add3A_507 : i32 to index
        %get3A_511 = arith.constant 16 : index
        %get3A_512 = tpu.vector_load %arg11[%get3A_509, %get3A_510, %get3A_511] {strides = array<i32>} : memref<2x256x128xf32, #tpu.memory_space<vmem>>, vector<1x1x16xf32>,
        %get3A_513 = vector.shape_cast %get3A_512 : vector<1x1x16xf32> to vector<16xf32>
        %add3A_514 = arith.addf %add3A_503, %get3A_513 : vector<16xf32>
        %mul3A_515 = arith.constant 16 : i32
        %mul3A_516 = arith.muli %scan3A_217, %mul3A_515 : i32
        %add3A_517 = arith.constant 11 : i32
        %add3A_518 = arith.addi %mul3A_516, %add3A_517 : i32
        %get3A_519 = arith.constant 1 : i32
        %get3A_520 = arith.index_cast %get3A_519 : i32 to index
        %get3A_521 = arith.index_cast %add3A_518 : i32 to index
        %get3A_522 = arith.constant 16 : index
        %get3A_523 = tpu.vector_load %arg11[%get3A_520, %get3A_521, %get3A_522] {strides = array<i32>} : memref<2x256x128xf32, #tpu.memory_space<vmem>>, vector<1x1x16xf32>,
        %get3A_524 = vector.shape_cast %get3A_523 : vector<1x1x16xf32> to vector<16xf32>
        %add3A_525 = arith.addf %add3A_514, %get3A_524 : vector<16xf32>
        %mul3A_526 = arith.constant 16 : i32
        %mul3A_527 = arith.muli %scan3A_217, %mul3A_526 : i32
        %add3A_528 = arith.constant 12 : i32
        %add3A_529 = arith.addi %mul3A_527, %add3A_528 : i32
        %get3A_530 = arith.constant 1 : i32
        %get3A_531 = arith.index_cast %get3A_530 : i32 to index
        %get3A_532 = arith.index_cast %add3A_529 : i32 to index
        %get3A_533 = arith.constant 16 : index
        %get3A_534 = tpu.vector_load %arg11[%get3A_531, %get3A_532, %get3A_533] {strides = array<i32>} : memref<2x256x128xf32, #tpu.memory_space<vmem>>, vector<1x1x16xf32>,
        %get3A_535 = vector.shape_cast %get3A_534 : vector<1x1x16xf32> to vector<16xf32>
        %add3A_536 = arith.addf %add3A_525, %get3A_535 : vector<16xf32>
        %mul3A_537 = arith.constant 16 : i32
        %mul3A_538 = arith.muli %scan3A_217, %mul3A_537 : i32
        %add3A_539 = arith.constant 13 : i32
        %add3A_540 = arith.addi %mul3A_538, %add3A_539 : i32
        %get3A_541 = arith.constant 1 : i32
        %get3A_542 = arith.index_cast %get3A_541 : i32 to index
        %get3A_543 = arith.index_cast %add3A_540 : i32 to index
        %get3A_544 = arith.constant 16 : index
        %get3A_545 = tpu.vector_load %arg11[%get3A_542, %get3A_543, %get3A_544] {strides = array<i32>} : memref<2x256x128xf32, #tpu.memory_space<vmem>>, vector<1x1x16xf32>,
        %get3A_546 = vector.shape_cast %get3A_545 : vector<1x1x16xf32> to vector<16xf32>
        %add3A_547 = arith.addf %add3A_536, %get3A_546 : vector<16xf32>
        %mul3A_548 = arith.constant 16 : i32
        %mul3A_549 = arith.muli %scan3A_217, %mul3A_548 : i32
        %add3A_550 = arith.constant 14 : i32
        %add3A_551 = arith.addi %mul3A_549, %add3A_550 : i32
        %get3A_552 = arith.constant 1 : i32
        %get3A_553 = arith.index_cast %get3A_552 : i32 to index
        %get3A_554 = arith.index_cast %add3A_551 : i32 to index
        %get3A_555 = arith.constant 16 : index
        %get3A_556 = tpu.vector_load %arg11[%get3A_553, %get3A_554, %get3A_555] {strides = array<i32>} : memref<2x256x128xf32, #tpu.memory_space<vmem>>, vector<1x1x16xf32>,
        %get3A_557 = vector.shape_cast %get3A_556 : vector<1x1x16xf32> to vector<16xf32>
        %add3A_558 = arith.addf %add3A_547, %get3A_557 : vector<16xf32>
        %mul3A_559 = arith.constant 16 : i32
        %mul3A_560 = arith.muli %scan3A_217, %mul3A_559 : i32
        %add3A_561 = arith.constant 15 : i32
        %add3A_562 = arith.addi %mul3A_560, %add3A_561 : i32
        %get3A_563 = arith.constant 1 : i32
        %get3A_564 = arith.index_cast %get3A_563 : i32 to index
        %get3A_565 = arith.index_cast %add3A_562 : i32 to index
        %get3A_566 = arith.constant 16 : index
        %get3A_567 = tpu.vector_load %arg11[%get3A_564, %get3A_565, %get3A_566] {strides = array<i32>} : memref<2x256x128xf32, #tpu.memory_space<vmem>>, vector<1x1x16xf32>,
        %get3A_568 = vector.shape_cast %get3A_567 : vector<1x1x16xf32> to vector<16xf32>
        %add3A_569 = arith.addf %add3A_558, %get3A_568 : vector<16xf32>
        %swap3A_570 = arith.constant 1 : i32
        %swap3A_571 = arith.index_cast %swap3A_570 : i32 to index
        %swap3A_572 = arith.index_cast %scan3A_217 : i32 to index
        %swap3A_573 = arith.constant 16 : index
        %swap3A_574 = tpu.vector_load %arg12[%swap3A_571, %swap3A_572, %swap3A_573] {strides = array<i32>} : memref<2x16x128xf32, #tpu.memory_space<vmem>>, vector<1x1x16xf32>,
        %swap3A_575 = vector.shape_cast %swap3A_574 : vector<1x1x16xf32> to vector<16xf32>
        %swap3A_576 = vector.shape_cast %add3A_569 : vector<16xf32> to vector<1x1x16xf32>
        tpu.vector_store %arg12[%swap3A_571, %swap3A_572, %swap3A_573], %swap3A_576 {strides = array<i32>} : memref<2x16x128xf32, #tpu.memory_space<vmem>>, vector<1x1x16xf32>,
        %mul3A_577 = arith.constant 16 : i32
        %mul3A_578 = arith.muli %scan3A_217, %mul3A_577 : i32
        %get3A_579 = arith.constant 1 : i32
        %get3A_580 = arith.index_cast %get3A_579 : i32 to index
        %get3A_581 = arith.index_cast %mul3A_578 : i32 to index
        %get3A_582 = arith.constant 32 : index
        %get3A_583 = tpu.vector_load %arg11[%get3A_580, %get3A_581, %get3A_582] {strides = array<i32>} : memref<2x256x128xf32, #tpu.memory_space<vmem>>, vector<1x1x16xf32>,
        %get3A_584 = vector.shape_cast %get3A_583 : vector<1x1x16xf32> to vector<16xf32>
        %mul3A_585 = arith.constant 16 : i32
        %mul3A_586 = arith.muli %scan3A_217, %mul3A_585 : i32
        %add3A_587 = arith.constant 1 : i32
        %add3A_588 = arith.addi %mul3A_586, %add3A_587 : i32
        %get3A_589 = arith.constant 1 : i32
        %get3A_590 = arith.index_cast %get3A_589 : i32 to index
        %get3A_591 = arith.index_cast %add3A_588 : i32 to index
        %get3A_592 = arith.constant 32 : index
        %get3A_593 = tpu.vector_load %arg11[%get3A_590, %get3A_591, %get3A_592] {strides = array<i32>} : memref<2x256x128xf32, #tpu.memory_space<vmem>>, vector<1x1x16xf32>,
        %get3A_594 = vector.shape_cast %get3A_593 : vector<1x1x16xf32> to vector<16xf32>
        %add3A_595 = arith.addf %get3A_584, %get3A_594 : vector<16xf32>
        %mul3A_596 = arith.constant 16 : i32
        %mul3A_597 = arith.muli %scan3A_217, %mul3A_596 : i32
        %add3A_598 = arith.constant 2 : i32
        %add3A_599 = arith.addi %mul3A_597, %add3A_598 : i32
        %get3A_600 = arith.constant 1 : i32
        %get3A_601 = arith.index_cast %get3A_600 : i32 to index
        %get3A_602 = arith.index_cast %add3A_599 : i32 to index
        %get3A_603 = arith.constant 32 : index
        %get3A_604 = tpu.vector_load %arg11[%get3A_601, %get3A_602, %get3A_603] {strides = array<i32>} : memref<2x256x128xf32, #tpu.memory_space<vmem>>, vector<1x1x16xf32>,
        %get3A_605 = vector.shape_cast %get3A_604 : vector<1x1x16xf32> to vector<16xf32>
        %add3A_606 = arith.addf %add3A_595, %get3A_605 : vector<16xf32>
        %mul3A_607 = arith.constant 16 : i32
        %mul3A_608 = arith.muli %scan3A_217, %mul3A_607 : i32
        %add3A_609 = arith.constant 3 : i32
        %add3A_610 = arith.addi %mul3A_608, %add3A_609 : i32
        %get3A_611 = arith.constant 1 : i32
        %get3A_612 = arith.index_cast %get3A_611 : i32 to index
        %get3A_613 = arith.index_cast %add3A_610 : i32 to index
        %get3A_614 = arith.constant 32 : index
        %get3A_615 = tpu.vector_load %arg11[%get3A_612, %get3A_613, %get3A_614] {strides = array<i32>} : memref<2x256x128xf32, #tpu.memory_space<vmem>>, vector<1x1x16xf32>,
        %get3A_616 = vector.shape_cast %get3A_615 : vector<1x1x16xf32> to vector<16xf32>
        %add3A_617 = arith.addf %add3A_606, %get3A_616 : vector<16xf32>
        %mul3A_618 = arith.constant 16 : i32
        %mul3A_619 = arith.muli %scan3A_217, %mul3A_618 : i32
        %add3A_620 = arith.constant 4 : i32
        %add3A_621 = arith.addi %mul3A_619, %add3A_620 : i32
        %get3A_622 = arith.constant 1 : i32
        %get3A_623 = arith.index_cast %get3A_622 : i32 to index
        %get3A_624 = arith.index_cast %add3A_621 : i32 to index
        %get3A_625 = arith.constant 32 : index
        %get3A_626 = tpu.vector_load %arg11[%get3A_623, %get3A_624, %get3A_625] {strides = array<i32>} : memref<2x256x128xf32, #tpu.memory_space<vmem>>, vector<1x1x16xf32>,
        %get3A_627 = vector.shape_cast %get3A_626 : vector<1x1x16xf32> to vector<16xf32>
        %add3A_628 = arith.addf %add3A_617, %get3A_627 : vector<16xf32>
        %mul3A_629 = arith.constant 16 : i32
        %mul3A_630 = arith.muli %scan3A_217, %mul3A_629 : i32
        %add3A_631 = arith.constant 5 : i32
        %add3A_632 = arith.addi %mul3A_630, %add3A_631 : i32
        %get3A_633 = arith.constant 1 : i32
        %get3A_634 = arith.index_cast %get3A_633 : i32 to index
        %get3A_635 = arith.index_cast %add3A_632 : i32 to index
        %get3A_636 = arith.constant 32 : index
        %get3A_637 = tpu.vector_load %arg11[%get3A_634, %get3A_635, %get3A_636] {strides = array<i32>} : memref<2x256x128xf32, #tpu.memory_space<vmem>>, vector<1x1x16xf32>,
        %get3A_638 = vector.shape_cast %get3A_637 : vector<1x1x16xf32> to vector<16xf32>
        %add3A_639 = arith.addf %add3A_628, %get3A_638 : vector<16xf32>
        %mul3A_640 = arith.constant 16 : i32
        %mul3A_641 = arith.muli %scan3A_217, %mul3A_640 : i32
        %add3A_642 = arith.constant 6 : i32
        %add3A_643 = arith.addi %mul3A_641, %add3A_642 : i32
        %get3A_644 = arith.constant 1 : i32
        %get3A_645 = arith.index_cast %get3A_644 : i32 to index
        %get3A_646 = arith.index_cast %add3A_643 : i32 to index
        %get3A_647 = arith.constant 32 : index
        %get3A_648 = tpu.vector_load %arg11[%get3A_645, %get3A_646, %get3A_647] {strides = array<i32>} : memref<2x256x128xf32, #tpu.memory_space<vmem>>, vector<1x1x16xf32>,
        %get3A_649 = vector.shape_cast %get3A_648 : vector<1x1x16xf32> to vector<16xf32>
        %add3A_650 = arith.addf %add3A_639, %get3A_649 : vector<16xf32>
        %mul3A_651 = arith.constant 16 : i32
        %mul3A_652 = arith.muli %scan3A_217, %mul3A_651 : i32
        %add3A_653 = arith.constant 7 : i32
        %add3A_654 = arith.addi %mul3A_652, %add3A_653 : i32
        %get3A_655 = arith.constant 1 : i32
        %get3A_656 = arith.index_cast %get3A_655 : i32 to index
        %get3A_657 = arith.index_cast %add3A_654 : i32 to index
        %get3A_658 = arith.constant 32 : index
        %get3A_659 = tpu.vector_load %arg11[%get3A_656, %get3A_657, %get3A_658] {strides = array<i32>} : memref<2x256x128xf32, #tpu.memory_space<vmem>>, vector<1x1x16xf32>,
        %get3A_660 = vector.shape_cast %get3A_659 : vector<1x1x16xf32> to vector<16xf32>
        %add3A_661 = arith.addf %add3A_650, %get3A_660 : vector<16xf32>
        %mul3A_662 = arith.constant 16 : i32
        %mul3A_663 = arith.muli %scan3A_217, %mul3A_662 : i32
        %add3A_664 = arith.constant 8 : i32
        %add3A_665 = arith.addi %mul3A_663, %add3A_664 : i32
        %get3A_666 = arith.constant 1 : i32
        %get3A_667 = arith.index_cast %get3A_666 : i32 to index
        %get3A_668 = arith.index_cast %add3A_665 : i32 to index
        %get3A_669 = arith.constant 32 : index
        %get3A_670 = tpu.vector_load %arg11[%get3A_667, %get3A_668, %get3A_669] {strides = array<i32>} : memref<2x256x128xf32, #tpu.memory_space<vmem>>, vector<1x1x16xf32>,
        %get3A_671 = vector.shape_cast %get3A_670 : vector<1x1x16xf32> to vector<16xf32>
        %add3A_672 = arith.addf %add3A_661, %get3A_671 : vector<16xf32>
        %mul3A_673 = arith.constant 16 : i32
        %mul3A_674 = arith.muli %scan3A_217, %mul3A_673 : i32
        %add3A_675 = arith.constant 9 : i32
        %add3A_676 = arith.addi %mul3A_674, %add3A_675 : i32
        %get3A_677 = arith.constant 1 : i32
        %get3A_678 = arith.index_cast %get3A_677 : i32 to index
        %get3A_679 = arith.index_cast %add3A_676 : i32 to index
        %get3A_680 = arith.constant 32 : index
        %get3A_681 = tpu.vector_load %arg11[%get3A_678, %get3A_679, %get3A_680] {strides = array<i32>} : memref<2x256x128xf32, #tpu.memory_space<vmem>>, vector<1x1x16xf32>,
        %get3A_682 = vector.shape_cast %get3A_681 : vector<1x1x16xf32> to vector<16xf32>
        %add3A_683 = arith.addf %add3A_672, %get3A_682 : vector<16xf32>
        %mul3A_684 = arith.constant 16 : i32
        %mul3A_685 = arith.muli %scan3A_217, %mul3A_684 : i32
        %add3A_686 = arith.constant 10 : i32
        %add3A_687 = arith.addi %mul3A_685, %add3A_686 : i32
        %get3A_688 = arith.constant 1 : i32
        %get3A_689 = arith.index_cast %get3A_688 : i32 to index
        %get3A_690 = arith.index_cast %add3A_687 : i32 to index
        %get3A_691 = arith.constant 32 : index
        %get3A_692 = tpu.vector_load %arg11[%get3A_689, %get3A_690, %get3A_691] {strides = array<i32>} : memref<2x256x128xf32, #tpu.memory_space<vmem>>, vector<1x1x16xf32>,
        %get3A_693 = vector.shape_cast %get3A_692 : vector<1x1x16xf32> to vector<16xf32>
        %add3A_694 = arith.addf %add3A_683, %get3A_693 : vector<16xf32>
        %mul3A_695 = arith.constant 16 : i32
        %mul3A_696 = arith.muli %scan3A_217, %mul3A_695 : i32
        %add3A_697 = arith.constant 11 : i32
        %add3A_698 = arith.addi %mul3A_696, %add3A_697 : i32
        %get3A_699 = arith.constant 1 : i32
        %get3A_700 = arith.index_cast %get3A_699 : i32 to index
        %get3A_701 = arith.index_cast %add3A_698 : i32 to index
        %get3A_702 = arith.constant 32 : index
        %get3A_703 = tpu.vector_load %arg11[%get3A_700, %get3A_701, %get3A_702] {strides = array<i32>} : memref<2x256x128xf32, #tpu.memory_space<vmem>>, vector<1x1x16xf32>,
        %get3A_704 = vector.shape_cast %get3A_703 : vector<1x1x16xf32> to vector<16xf32>
        %add3A_705 = arith.addf %add3A_694, %get3A_704 : vector<16xf32>
        %mul3A_706 = arith.constant 16 : i32
        %mul3A_707 = arith.muli %scan3A_217, %mul3A_706 : i32
        %add3A_708 = arith.constant 12 : i32
        %add3A_709 = arith.addi %mul3A_707, %add3A_708 : i32
        %get3A_710 = arith.constant 1 : i32
        %get3A_711 = arith.index_cast %get3A_710 : i32 to index
        %get3A_712 = arith.index_cast %add3A_709 : i32 to index
        %get3A_713 = arith.constant 32 : index
        %get3A_714 = tpu.vector_load %arg11[%get3A_711, %get3A_712, %get3A_713] {strides = array<i32>} : memref<2x256x128xf32, #tpu.memory_space<vmem>>, vector<1x1x16xf32>,
        %get3A_715 = vector.shape_cast %get3A_714 : vector<1x1x16xf32> to vector<16xf32>
        %add3A_716 = arith.addf %add3A_705, %get3A_715 : vector<16xf32>
        %mul3A_717 = arith.constant 16 : i32
        %mul3A_718 = arith.muli %scan3A_217, %mul3A_717 : i32
        %add3A_719 = arith.constant 13 : i32
        %add3A_720 = arith.addi %mul3A_718, %add3A_719 : i32
        %get3A_721 = arith.constant 1 : i32
        %get3A_722 = arith.index_cast %get3A_721 : i32 to index
        %get3A_723 = arith.index_cast %add3A_720 : i32 to index
        %get3A_724 = arith.constant 32 : index
        %get3A_725 = tpu.vector_load %arg11[%get3A_722, %get3A_723, %get3A_724] {strides = array<i32>} : memref<2x256x128xf32, #tpu.memory_space<vmem>>, vector<1x1x16xf32>,
        %get3A_726 = vector.shape_cast %get3A_725 : vector<1x1x16xf32> to vector<16xf32>
        %add3A_727 = arith.addf %add3A_716, %get3A_726 : vector<16xf32>
        %mul3A_728 = arith.constant 16 : i32
        %mul3A_729 = arith.muli %scan3A_217, %mul3A_728 : i32
        %add3A_730 = arith.constant 14 : i32
        %add3A_731 = arith.addi %mul3A_729, %add3A_730 : i32
        %get3A_732 = arith.constant 1 : i32
        %get3A_733 = arith.index_cast %get3A_732 : i32 to index
        %get3A_734 = arith.index_cast %add3A_731 : i32 to index
        %get3A_735 = arith.constant 32 : index
        %get3A_736 = tpu.vector_load %arg11[%get3A_733, %get3A_734, %get3A_735] {strides = array<i32>} : memref<2x256x128xf32, #tpu.memory_space<vmem>>, vector<1x1x16xf32>,
        %get3A_737 = vector.shape_cast %get3A_736 : vector<1x1x16xf32> to vector<16xf32>
        %add3A_738 = arith.addf %add3A_727, %get3A_737 : vector<16xf32>
        %mul3A_739 = arith.constant 16 : i32
        %mul3A_740 = arith.muli %scan3A_217, %mul3A_739 : i32
        %add3A_741 = arith.constant 15 : i32
        %add3A_742 = arith.addi %mul3A_740, %add3A_741 : i32
        %get3A_743 = arith.constant 1 : i32
        %get3A_744 = arith.index_cast %get3A_743 : i32 to index
        %get3A_745 = arith.index_cast %add3A_742 : i32 to index
        %get3A_746 = arith.constant 32 : index
        %get3A_747 = tpu.vector_load %arg11[%get3A_744, %get3A_745, %get3A_746] {strides = array<i32>} : memref<2x256x128xf32, #tpu.memory_space<vmem>>, vector<1x1x16xf32>,
        %get3A_748 = vector.shape_cast %get3A_747 : vector<1x1x16xf32> to vector<16xf32>
        %add3A_749 = arith.addf %add3A_738, %get3A_748 : vector<16xf32>
        %swap3A_750 = arith.constant 1 : i32
        %swap3A_751 = arith.index_cast %swap3A_750 : i32 to index
        %swap3A_752 = arith.index_cast %scan3A_217 : i32 to index
        %swap3A_753 = arith.constant 32 : index
        %swap3A_754 = tpu.vector_load %arg12[%swap3A_751, %swap3A_752, %swap3A_753] {strides = array<i32>} : memref<2x16x128xf32, #tpu.memory_space<vmem>>, vector<1x1x16xf32>,
        %swap3A_755 = vector.shape_cast %swap3A_754 : vector<1x1x16xf32> to vector<16xf32>
        %swap3A_756 = vector.shape_cast %add3A_749 : vector<16xf32> to vector<1x1x16xf32>
        tpu.vector_store %arg12[%swap3A_751, %swap3A_752, %swap3A_753], %swap3A_756 {strides = array<i32>} : memref<2x16x128xf32, #tpu.memory_space<vmem>>, vector<1x1x16xf32>,
        %mul3A_757 = arith.constant 16 : i32
        %mul3A_758 = arith.muli %scan3A_217, %mul3A_757 : i32
        %get3A_759 = arith.constant 1 : i32
        %get3A_760 = arith.index_cast %get3A_759 : i32 to index
        %get3A_761 = arith.index_cast %mul3A_758 : i32 to index
        %get3A_762 = arith.constant 48 : index
        %get3A_763 = tpu.vector_load %arg11[%get3A_760, %get3A_761, %get3A_762] {strides = array<i32>} : memref<2x256x128xf32, #tpu.memory_space<vmem>>, vector<1x1x16xf32>,
        %get3A_764 = vector.shape_cast %get3A_763 : vector<1x1x16xf32> to vector<16xf32>
        %mul3A_765 = arith.constant 16 : i32
        %mul3A_766 = arith.muli %scan3A_217, %mul3A_765 : i32
        %add3A_767 = arith.constant 1 : i32
        %add3A_768 = arith.addi %mul3A_766, %add3A_767 : i32
        %get3A_769 = arith.constant 1 : i32
        %get3A_770 = arith.index_cast %get3A_769 : i32 to index
        %get3A_771 = arith.index_cast %add3A_768 : i32 to index
        %get3A_772 = arith.constant 48 : index
        %get3A_773 = tpu.vector_load %arg11[%get3A_770, %get3A_771, %get3A_772] {strides = array<i32>} : memref<2x256x128xf32, #tpu.memory_space<vmem>>, vector<1x1x16xf32>,
        %get3A_774 = vector.shape_cast %get3A_773 : vector<1x1x16xf32> to vector<16xf32>
        %add3A_775 = arith.addf %get3A_764, %get3A_774 : vector<16xf32>
        %mul3A_776 = arith.constant 16 : i32
        %mul3A_777 = arith.muli %scan3A_217, %mul3A_776 : i32
        %add3A_778 = arith.constant 2 : i32
        %add3A_779 = arith.addi %mul3A_777, %add3A_778 : i32
        %get3A_780 = arith.constant 1 : i32
        %get3A_781 = arith.index_cast %get3A_780 : i32 to index
        %get3A_782 = arith.index_cast %add3A_779 : i32 to index
        %get3A_783 = arith.constant 48 : index
        %get3A_784 = tpu.vector_load %arg11[%get3A_781, %get3A_782, %get3A_783] {strides = array<i32>} : memref<2x256x128xf32, #tpu.memory_space<vmem>>, vector<1x1x16xf32>,
        %get3A_785 = vector.shape_cast %get3A_784 : vector<1x1x16xf32> to vector<16xf32>
        %add3A_786 = arith.addf %add3A_775, %get3A_785 : vector<16xf32>
        %mul3A_787 = arith.constant 16 : i32
        %mul3A_788 = arith.muli %scan3A_217, %mul3A_787 : i32
        %add3A_789 = arith.constant 3 : i32
        %add3A_790 = arith.addi %mul3A_788, %add3A_789 : i32
        %get3A_791 = arith.constant 1 : i32
        %get3A_792 = arith.index_cast %get3A_791 : i32 to index
        %get3A_793 = arith.index_cast %add3A_790 : i32 to index
        %get3A_794 = arith.constant 48 : index
        %get3A_795 = tpu.vector_load %arg11[%get3A_792, %get3A_793, %get3A_794] {strides = array<i32>} : memref<2x256x128xf32, #tpu.memory_space<vmem>>, vector<1x1x16xf32>,
        %get3A_796 = vector.shape_cast %get3A_795 : vector<1x1x16xf32> to vector<16xf32>
        %add3A_797 = arith.addf %add3A_786, %get3A_796 : vector<16xf32>
        %mul3A_798 = arith.constant 16 : i32
        %mul3A_799 = arith.muli %scan3A_217, %mul3A_798 : i32
        %add3A_800 = arith.constant 4 : i32
        %add3A_801 = arith.addi %mul3A_799, %add3A_800 : i32
        %get3A_802 = arith.constant 1 : i32
        %get3A_803 = arith.index_cast %get3A_802 : i32 to index
        %get3A_804 = arith.index_cast %add3A_801 : i32 to index
        %get3A_805 = arith.constant 48 : index
        %get3A_806 = tpu.vector_load %arg11[%get3A_803, %get3A_804, %get3A_805] {strides = array<i32>} : memref<2x256x128xf32, #tpu.memory_space<vmem>>, vector<1x1x16xf32>,
        %get3A_807 = vector.shape_cast %get3A_806 : vector<1x1x16xf32> to vector<16xf32>
        %add3A_808 = arith.addf %add3A_797, %get3A_807 : vector<16xf32>
        %mul3A_809 = arith.constant 16 : i32
        %mul3A_810 = arith.muli %scan3A_217, %mul3A_809 : i32
        %add3A_811 = arith.constant 5 : i32
        %add3A_812 = arith.addi %mul3A_810, %add3A_811 : i32
        %get3A_813 = arith.constant 1 : i32
        %get3A_814 = arith.index_cast %get3A_813 : i32 to index
        %get3A_815 = arith.index_cast %add3A_812 : i32 to index
        %get3A_816 = arith.constant 48 : index
        %get3A_817 = tpu.vector_load %arg11[%get3A_814, %get3A_815, %get3A_816] {strides = array<i32>} : memref<2x256x128xf32, #tpu.memory_space<vmem>>, vector<1x1x16xf32>,
        %get3A_818 = vector.shape_cast %get3A_817 : vector<1x1x16xf32> to vector<16xf32>
        %add3A_819 = arith.addf %add3A_808, %get3A_818 : vector<16xf32>
        %mul3A_820 = arith.constant 16 : i32
        %mul3A_821 = arith.muli %scan3A_217, %mul3A_820 : i32
        %add3A_822 = arith.constant 6 : i32
        %add3A_823 = arith.addi %mul3A_821, %add3A_822 : i32
        %get3A_824 = arith.constant 1 : i32
        %get3A_825 = arith.index_cast %get3A_824 : i32 to index
        %get3A_826 = arith.index_cast %add3A_823 : i32 to index
        %get3A_827 = arith.constant 48 : index
        %get3A_828 = tpu.vector_load %arg11[%get3A_825, %get3A_826, %get3A_827] {strides = array<i32>} : memref<2x256x128xf32, #tpu.memory_space<vmem>>, vector<1x1x16xf32>,
        %get3A_829 = vector.shape_cast %get3A_828 : vector<1x1x16xf32> to vector<16xf32>
        %add3A_830 = arith.addf %add3A_819, %get3A_829 : vector<16xf32>
        %mul3A_831 = arith.constant 16 : i32
        %mul3A_832 = arith.muli %scan3A_217, %mul3A_831 : i32
        %add3A_833 = arith.constant 7 : i32
        %add3A_834 = arith.addi %mul3A_832, %add3A_833 : i32
        %get3A_835 = arith.constant 1 : i32
        %get3A_836 = arith.index_cast %get3A_835 : i32 to index
        %get3A_837 = arith.index_cast %add3A_834 : i32 to index
        %get3A_838 = arith.constant 48 : index
        %get3A_839 = tpu.vector_load %arg11[%get3A_836, %get3A_837, %get3A_838] {strides = array<i32>} : memref<2x256x128xf32, #tpu.memory_space<vmem>>, vector<1x1x16xf32>,
        %get3A_840 = vector.shape_cast %get3A_839 : vector<1x1x16xf32> to vector<16xf32>
        %add3A_841 = arith.addf %add3A_830, %get3A_840 : vector<16xf32>
        %mul3A_842 = arith.constant 16 : i32
        %mul3A_843 = arith.muli %scan3A_217, %mul3A_842 : i32
        %add3A_844 = arith.constant 8 : i32
        %add3A_845 = arith.addi %mul3A_843, %add3A_844 : i32
        %get3A_846 = arith.constant 1 : i32
        %get3A_847 = arith.index_cast %get3A_846 : i32 to index
        %get3A_848 = arith.index_cast %add3A_845 : i32 to index
        %get3A_849 = arith.constant 48 : index
        %get3A_850 = tpu.vector_load %arg11[%get3A_847, %get3A_848, %get3A_849] {strides = array<i32>} : memref<2x256x128xf32, #tpu.memory_space<vmem>>, vector<1x1x16xf32>,
        %get3A_851 = vector.shape_cast %get3A_850 : vector<1x1x16xf32> to vector<16xf32>
        %add3A_852 = arith.addf %add3A_841, %get3A_851 : vector<16xf32>
        %mul3A_853 = arith.constant 16 : i32
        %mul3A_854 = arith.muli %scan3A_217, %mul3A_853 : i32
        %add3A_855 = arith.constant 9 : i32
        %add3A_856 = arith.addi %mul3A_854, %add3A_855 : i32
        %get3A_857 = arith.constant 1 : i32
        %get3A_858 = arith.index_cast %get3A_857 : i32 to index
        %get3A_859 = arith.index_cast %add3A_856 : i32 to index
        %get3A_860 = arith.constant 48 : index
        %get3A_861 = tpu.vector_load %arg11[%get3A_858, %get3A_859, %get3A_860] {strides = array<i32>} : memref<2x256x128xf32, #tpu.memory_space<vmem>>, vector<1x1x16xf32>,
        %get3A_862 = vector.shape_cast %get3A_861 : vector<1x1x16xf32> to vector<16xf32>
        %add3A_863 = arith.addf %add3A_852, %get3A_862 : vector<16xf32>
        %mul3A_864 = arith.constant 16 : i32
        %mul3A_865 = arith.muli %scan3A_217, %mul3A_864 : i32
        %add3A_866 = arith.constant 10 : i32
        %add3A_867 = arith.addi %mul3A_865, %add3A_866 : i32
        %get3A_868 = arith.constant 1 : i32
        %get3A_869 = arith.index_cast %get3A_868 : i32 to index
        %get3A_870 = arith.index_cast %add3A_867 : i32 to index
        %get3A_871 = arith.constant 48 : index
        %get3A_872 = tpu.vector_load %arg11[%get3A_869, %get3A_870, %get3A_871] {strides = array<i32>} : memref<2x256x128xf32, #tpu.memory_space<vmem>>, vector<1x1x16xf32>,
        %get3A_873 = vector.shape_cast %get3A_872 : vector<1x1x16xf32> to vector<16xf32>
        %add3A_874 = arith.addf %add3A_863, %get3A_873 : vector<16xf32>
        %mul3A_875 = arith.constant 16 : i32
        %mul3A_876 = arith.muli %scan3A_217, %mul3A_875 : i32
        %add3A_877 = arith.constant 11 : i32
        %add3A_878 = arith.addi %mul3A_876, %add3A_877 : i32
        %get3A_879 = arith.constant 1 : i32
        %get3A_880 = arith.index_cast %get3A_879 : i32 to index
        %get3A_881 = arith.index_cast %add3A_878 : i32 to index
        %get3A_882 = arith.constant 48 : index
        %get3A_883 = tpu.vector_load %arg11[%get3A_880, %get3A_881, %get3A_882] {strides = array<i32>} : memref<2x256x128xf32, #tpu.memory_space<vmem>>, vector<1x1x16xf32>,
        %get3A_884 = vector.shape_cast %get3A_883 : vector<1x1x16xf32> to vector<16xf32>
        %add3A_885 = arith.addf %add3A_874, %get3A_884 : vector<16xf32>
        %mul3A_886 = arith.constant 16 : i32
        %mul3A_887 = arith.muli %scan3A_217, %mul3A_886 : i32
        %add3A_888 = arith.constant 12 : i32
        %add3A_889 = arith.addi %mul3A_887, %add3A_888 : i32
        %get3A_890 = arith.constant 1 : i32
        %get3A_891 = arith.index_cast %get3A_890 : i32 to index
        %get3A_892 = arith.index_cast %add3A_889 : i32 to index
        %get3A_893 = arith.constant 48 : index
        %get3A_894 = tpu.vector_load %arg11[%get3A_891, %get3A_892, %get3A_893] {strides = array<i32>} : memref<2x256x128xf32, #tpu.memory_space<vmem>>, vector<1x1x16xf32>,
        %get3A_895 = vector.shape_cast %get3A_894 : vector<1x1x16xf32> to vector<16xf32>
        %add3A_896 = arith.addf %add3A_885, %get3A_895 : vector<16xf32>
        %mul3A_897 = arith.constant 16 : i32
        %mul3A_898 = arith.muli %scan3A_217, %mul3A_897 : i32
        %add3A_899 = arith.constant 13 : i32
        %add3A_900 = arith.addi %mul3A_898, %add3A_899 : i32
        %get3A_901 = arith.constant 1 : i32
        %get3A_902 = arith.index_cast %get3A_901 : i32 to index
        %get3A_903 = arith.index_cast %add3A_900 : i32 to index
        %get3A_904 = arith.constant 48 : index
        %get3A_905 = tpu.vector_load %arg11[%get3A_902, %get3A_903, %get3A_904] {strides = array<i32>} : memref<2x256x128xf32, #tpu.memory_space<vmem>>, vector<1x1x16xf32>,
        %get3A_906 = vector.shape_cast %get3A_905 : vector<1x1x16xf32> to vector<16xf32>
        %add3A_907 = arith.addf %add3A_896, %get3A_906 : vector<16xf32>
        %mul3A_908 = arith.constant 16 : i32
        %mul3A_909 = arith.muli %scan3A_217, %mul3A_908 : i32
        %add3A_910 = arith.constant 14 : i32
        %add3A_911 = arith.addi %mul3A_909, %add3A_910 : i32
        %get3A_912 = arith.constant 1 : i32
        %get3A_913 = arith.index_cast %get3A_912 : i32 to index
        %get3A_914 = arith.index_cast %add3A_911 : i32 to index
        %get3A_915 = arith.constant 48 : index
        %get3A_916 = tpu.vector_load %arg11[%get3A_913, %get3A_914, %get3A_915] {strides = array<i32>} : memref<2x256x128xf32, #tpu.memory_space<vmem>>, vector<1x1x16xf32>,
        %get3A_917 = vector.shape_cast %get3A_916 : vector<1x1x16xf32> to vector<16xf32>
        %add3A_918 = arith.addf %add3A_907, %get3A_917 : vector<16xf32>
        %mul3A_919 = arith.constant 16 : i32
        %mul3A_920 = arith.muli %scan3A_217, %mul3A_919 : i32
        %add3A_921 = arith.constant 15 : i32
        %add3A_922 = arith.addi %mul3A_920, %add3A_921 : i32
        %get3A_923 = arith.constant 1 : i32
        %get3A_924 = arith.index_cast %get3A_923 : i32 to index
        %get3A_925 = arith.index_cast %add3A_922 : i32 to index
        %get3A_926 = arith.constant 48 : index
        %get3A_927 = tpu.vector_load %arg11[%get3A_924, %get3A_925, %get3A_926] {strides = array<i32>} : memref<2x256x128xf32, #tpu.memory_space<vmem>>, vector<1x1x16xf32>,
        %get3A_928 = vector.shape_cast %get3A_927 : vector<1x1x16xf32> to vector<16xf32>
        %add3A_929 = arith.addf %add3A_918, %get3A_928 : vector<16xf32>
        %swap3A_930 = arith.constant 1 : i32
        %swap3A_931 = arith.index_cast %swap3A_930 : i32 to index
        %swap3A_932 = arith.index_cast %scan3A_217 : i32 to index
        %swap3A_933 = arith.constant 48 : index
        %swap3A_934 = tpu.vector_load %arg12[%swap3A_931, %swap3A_932, %swap3A_933] {strides = array<i32>} : memref<2x16x128xf32, #tpu.memory_space<vmem>>, vector<1x1x16xf32>,
        %swap3A_935 = vector.shape_cast %swap3A_934 : vector<1x1x16xf32> to vector<16xf32>
        %swap3A_936 = vector.shape_cast %add3A_929 : vector<16xf32> to vector<1x1x16xf32>
        tpu.vector_store %arg12[%swap3A_931, %swap3A_932, %swap3A_933], %swap3A_936 {strides = array<i32>} : memref<2x16x128xf32, #tpu.memory_space<vmem>>, vector<1x1x16xf32>,
        %mul3A_937 = arith.constant 16 : i32
        %mul3A_938 = arith.muli %scan3A_217, %mul3A_937 : i32
        %get3A_939 = arith.constant 1 : i32
        %get3A_940 = arith.index_cast %get3A_939 : i32 to index
        %get3A_941 = arith.index_cast %mul3A_938 : i32 to index
        %get3A_942 = arith.constant 64 : index
        %get3A_943 = tpu.vector_load %arg11[%get3A_940, %get3A_941, %get3A_942] {strides = array<i32>} : memref<2x256x128xf32, #tpu.memory_space<vmem>>, vector<1x1x16xf32>,
        %get3A_944 = vector.shape_cast %get3A_943 : vector<1x1x16xf32> to vector<16xf32>
        %mul3A_945 = arith.constant 16 : i32
        %mul3A_946 = arith.muli %scan3A_217, %mul3A_945 : i32
        %add3A_947 = arith.constant 1 : i32
        %add3A_948 = arith.addi %mul3A_946, %add3A_947 : i32
        %get3A_949 = arith.constant 1 : i32
        %get3A_950 = arith.index_cast %get3A_949 : i32 to index
        %get3A_951 = arith.index_cast %add3A_948 : i32 to index
        %get3A_952 = arith.constant 64 : index
        %get3A_953 = tpu.vector_load %arg11[%get3A_950, %get3A_951, %get3A_952] {strides = array<i32>} : memref<2x256x128xf32, #tpu.memory_space<vmem>>, vector<1x1x16xf32>,
        %get3A_954 = vector.shape_cast %get3A_953 : vector<1x1x16xf32> to vector<16xf32>
        %add3A_955 = arith.addf %get3A_944, %get3A_954 : vector<16xf32>
        %mul3A_956 = arith.constant 16 : i32
        %mul3A_957 = arith.muli %scan3A_217, %mul3A_956 : i32
        %add3A_958 = arith.constant 2 : i32
        %add3A_959 = arith.addi %mul3A_957, %add3A_958 : i32
        %get3A_960 = arith.constant 1 : i32
        %get3A_961 = arith.index_cast %get3A_960 : i32 to index
        %get3A_962 = arith.index_cast %add3A_959 : i32 to index
        %get3A_963 = arith.constant 64 : index
        %get3A_964 = tpu.vector_load %arg11[%get3A_961, %get3A_962, %get3A_963] {strides = array<i32>} : memref<2x256x128xf32, #tpu.memory_space<vmem>>, vector<1x1x16xf32>,
        %get3A_965 = vector.shape_cast %get3A_964 : vector<1x1x16xf32> to vector<16xf32>
        %add3A_966 = arith.addf %add3A_955, %get3A_965 : vector<16xf32>
        %mul3A_967 = arith.constant 16 : i32
        %mul3A_968 = arith.muli %scan3A_217, %mul3A_967 : i32
        %add3A_969 = arith.constant 3 : i32
        %add3A_970 = arith.addi %mul3A_968, %add3A_969 : i32
        %get3A_971 = arith.constant 1 : i32
        %get3A_972 = arith.index_cast %get3A_971 : i32 to index
        %get3A_973 = arith.index_cast %add3A_970 : i32 to index
        %get3A_974 = arith.constant 64 : index
        %get3A_975 = tpu.vector_load %arg11[%get3A_972, %get3A_973, %get3A_974] {strides = array<i32>} : memref<2x256x128xf32, #tpu.memory_space<vmem>>, vector<1x1x16xf32>,
        %get3A_976 = vector.shape_cast %get3A_975 : vector<1x1x16xf32> to vector<16xf32>
        %add3A_977 = arith.addf %add3A_966, %get3A_976 : vector<16xf32>
        %mul3A_978 = arith.constant 16 : i32
        %mul3A_979 = arith.muli %scan3A_217, %mul3A_978 : i32
        %add3A_980 = arith.constant 4 : i32
        %add3A_981 = arith.addi %mul3A_979, %add3A_980 : i32
        %get3A_982 = arith.constant 1 : i32
        %get3A_983 = arith.index_cast %get3A_982 : i32 to index
        %get3A_984 = arith.index_cast %add3A_981 : i32 to index
        %get3A_985 = arith.constant 64 : index
        %get3A_986 = tpu.vector_load %arg11[%get3A_983, %get3A_984, %get3A_985] {strides = array<i32>} : memref<2x256x128xf32, #tpu.memory_space<vmem>>, vector<1x1x16xf32>,
        %get3A_987 = vector.shape_cast %get3A_986 : vector<1x1x16xf32> to vector<16xf32>
        %add3A_988 = arith.addf %add3A_977, %get3A_987 : vector<16xf32>
        %mul3A_989 = arith.constant 16 : i32
        %mul3A_990 = arith.muli %scan3A_217, %mul3A_989 : i32
        %add3A_991 = arith.constant 5 : i32
        %add3A_992 = arith.addi %mul3A_990, %add3A_991 : i32
        %get3A_993 = arith.constant 1 : i32
        %get3A_994 = arith.index_cast %get3A_993 : i32 to index
        %get3A_995 = arith.index_cast %add3A_992 : i32 to index
        %get3A_996 = arith.constant 64 : index
        %get3A_997 = tpu.vector_load %arg11[%get3A_994, %get3A_995, %get3A_996] {strides = array<i32>} : memref<2x256x128xf32, #tpu.memory_space<vmem>>, vector<1x1x16xf32>,
        %get3A_998 = vector.shape_cast %get3A_997 : vector<1x1x16xf32> to vector<16xf32>
        %add3A_999 = arith.addf %add3A_988, %get3A_998 : vector<16xf32>
        %mul3A_1000 = arith.constant 16 : i32
        %mul3A_1001 = arith.muli %scan3A_217, %mul3A_1000 : i32
        %add3A_1002 = arith.constant 6 : i32
        %add3A_1003 = arith.addi %mul3A_1001, %add3A_1002 : i32
        %get3A_1004 = arith.constant 1 : i32
        %get3A_1005 = arith.index_cast %get3A_1004 : i32 to index
        %get3A_1006 = arith.index_cast %add3A_1003 : i32 to index
        %get3A_1007 = arith.constant 64 : index
        %get3A_1008 = tpu.vector_load %arg11[%get3A_1005, %get3A_1006, %get3A_1007] {strides = array<i32>} : memref<2x256x128xf32, #tpu.memory_space<vmem>>, vector<1x1x16xf32>,
        %get3A_1009 = vector.shape_cast %get3A_1008 : vector<1x1x16xf32> to vector<16xf32>
        %add3A_1010 = arith.addf %add3A_999, %get3A_1009 : vector<16xf32>
        %mul3A_1011 = arith.constant 16 : i32
        %mul3A_1012 = arith.muli %scan3A_217, %mul3A_1011 : i32
        %add3A_1013 = arith.constant 7 : i32
        %add3A_1014 = arith.addi %mul3A_1012, %add3A_1013 : i32
        %get3A_1015 = arith.constant 1 : i32
        %get3A_1016 = arith.index_cast %get3A_1015 : i32 to index
        %get3A_1017 = arith.index_cast %add3A_1014 : i32 to index
        %get3A_1018 = arith.constant 64 : index
        %get3A_1019 = tpu.vector_load %arg11[%get3A_1016, %get3A_1017, %get3A_1018] {strides = array<i32>} : memref<2x256x128xf32, #tpu.memory_space<vmem>>, vector<1x1x16xf32>,
        %get3A_1020 = vector.shape_cast %get3A_1019 : vector<1x1x16xf32> to vector<16xf32>
        %add3A_1021 = arith.addf %add3A_1010, %get3A_1020 : vector<16xf32>
        %mul3A_1022 = arith.constant 16 : i32
        %mul3A_1023 = arith.muli %scan3A_217, %mul3A_1022 : i32
        %add3A_1024 = arith.constant 8 : i32
        %add3A_1025 = arith.addi %mul3A_1023, %add3A_1024 : i32
        %get3A_1026 = arith.constant 1 : i32
        %get3A_1027 = arith.index_cast %get3A_1026 : i32 to index
        %get3A_1028 = arith.index_cast %add3A_1025 : i32 to index
        %get3A_1029 = arith.constant 64 : index
        %get3A_1030 = tpu.vector_load %arg11[%get3A_1027, %get3A_1028, %get3A_1029] {strides = array<i32>} : memref<2x256x128xf32, #tpu.memory_space<vmem>>, vector<1x1x16xf32>,
        %get3A_1031 = vector.shape_cast %get3A_1030 : vector<1x1x16xf32> to vector<16xf32>
        %add3A_1032 = arith.addf %add3A_1021, %get3A_1031 : vector<16xf32>
        %mul3A_1033 = arith.constant 16 : i32
        %mul3A_1034 = arith.muli %scan3A_217, %mul3A_1033 : i32
        %add3A_1035 = arith.constant 9 : i32
        %add3A_1036 = arith.addi %mul3A_1034, %add3A_1035 : i32
        %get3A_1037 = arith.constant 1 : i32
        %get3A_1038 = arith.index_cast %get3A_1037 : i32 to index
        %get3A_1039 = arith.index_cast %add3A_1036 : i32 to index
        %get3A_1040 = arith.constant 64 : index
        %get3A_1041 = tpu.vector_load %arg11[%get3A_1038, %get3A_1039, %get3A_1040] {strides = array<i32>} : memref<2x256x128xf32, #tpu.memory_space<vmem>>, vector<1x1x16xf32>,
        %get3A_1042 = vector.shape_cast %get3A_1041 : vector<1x1x16xf32> to vector<16xf32>
        %add3A_1043 = arith.addf %add3A_1032, %get3A_1042 : vector<16xf32>
        %mul3A_1044 = arith.constant 16 : i32
        %mul3A_1045 = arith.muli %scan3A_217, %mul3A_1044 : i32
        %add3A_1046 = arith.constant 10 : i32
        %add3A_1047 = arith.addi %mul3A_1045, %add3A_1046 : i32
        %get3A_1048 = arith.constant 1 : i32
        %get3A_1049 = arith.index_cast %get3A_1048 : i32 to index
        %get3A_1050 = arith.index_cast %add3A_1047 : i32 to index
        %get3A_1051 = arith.constant 64 : index
        %get3A_1052 = tpu.vector_load %arg11[%get3A_1049, %get3A_1050, %get3A_1051] {strides = array<i32>} : memref<2x256x128xf32, #tpu.memory_space<vmem>>, vector<1x1x16xf32>,
        %get3A_1053 = vector.shape_cast %get3A_1052 : vector<1x1x16xf32> to vector<16xf32>
        %add3A_1054 = arith.addf %add3A_1043, %get3A_1053 : vector<16xf32>
        %mul3A_1055 = arith.constant 16 : i32
        %mul3A_1056 = arith.muli %scan3A_217, %mul3A_1055 : i32
        %add3A_1057 = arith.constant 11 : i32
        %add3A_1058 = arith.addi %mul3A_1056, %add3A_1057 : i32
        %get3A_1059 = arith.constant 1 : i32
        %get3A_1060 = arith.index_cast %get3A_1059 : i32 to index
        %get3A_1061 = arith.index_cast %add3A_1058 : i32 to index
        %get3A_1062 = arith.constant 64 : index
        %get3A_1063 = tpu.vector_load %arg11[%get3A_1060, %get3A_1061, %get3A_1062] {strides = array<i32>} : memref<2x256x128xf32, #tpu.memory_space<vmem>>, vector<1x1x16xf32>,
        %get3A_1064 = vector.shape_cast %get3A_1063 : vector<1x1x16xf32> to vector<16xf32>
        %add3A_1065 = arith.addf %add3A_1054, %get3A_1064 : vector<16xf32>
        %mul3A_1066 = arith.constant 16 : i32
        %mul3A_1067 = arith.muli %scan3A_217, %mul3A_1066 : i32
        %add3A_1068 = arith.constant 12 : i32
        %add3A_1069 = arith.addi %mul3A_1067, %add3A_1068 : i32
        %get3A_1070 = arith.constant 1 : i32
        %get3A_1071 = arith.index_cast %get3A_1070 : i32 to index
        %get3A_1072 = arith.index_cast %add3A_1069 : i32 to index
        %get3A_1073 = arith.constant 64 : index
        %get3A_1074 = tpu.vector_load %arg11[%get3A_1071, %get3A_1072, %get3A_1073] {strides = array<i32>} : memref<2x256x128xf32, #tpu.memory_space<vmem>>, vector<1x1x16xf32>,
        %get3A_1075 = vector.shape_cast %get3A_1074 : vector<1x1x16xf32> to vector<16xf32>
        %add3A_1076 = arith.addf %add3A_1065, %get3A_1075 : vector<16xf32>
        %mul3A_1077 = arith.constant 16 : i32
        %mul3A_1078 = arith.muli %scan3A_217, %mul3A_1077 : i32
        %add3A_1079 = arith.constant 13 : i32
        %add3A_1080 = arith.addi %mul3A_1078, %add3A_1079 : i32
        %get3A_1081 = arith.constant 1 : i32
        %get3A_1082 = arith.index_cast %get3A_1081 : i32 to index
        %get3A_1083 = arith.index_cast %add3A_1080 : i32 to index
        %get3A_1084 = arith.constant 64 : index
        %get3A_1085 = tpu.vector_load %arg11[%get3A_1082, %get3A_1083, %get3A_1084] {strides = array<i32>} : memref<2x256x128xf32, #tpu.memory_space<vmem>>, vector<1x1x16xf32>,
        %get3A_1086 = vector.shape_cast %get3A_1085 : vector<1x1x16xf32> to vector<16xf32>
        %add3A_1087 = arith.addf %add3A_1076, %get3A_1086 : vector<16xf32>
        %mul3A_1088 = arith.constant 16 : i32
        %mul3A_1089 = arith.muli %scan3A_217, %mul3A_1088 : i32
        %add3A_1090 = arith.constant 14 : i32
        %add3A_1091 = arith.addi %mul3A_1089, %add3A_1090 : i32
        %get3A_1092 = arith.constant 1 : i32
        %get3A_1093 = arith.index_cast %get3A_1092 : i32 to index
        %get3A_1094 = arith.index_cast %add3A_1091 : i32 to index
        %get3A_1095 = arith.constant 64 : index
        %get3A_1096 = tpu.vector_load %arg11[%get3A_1093, %get3A_1094, %get3A_1095] {strides = array<i32>} : memref<2x256x128xf32, #tpu.memory_space<vmem>>, vector<1x1x16xf32>,
        %get3A_1097 = vector.shape_cast %get3A_1096 : vector<1x1x16xf32> to vector<16xf32>
        %add3A_1098 = arith.addf %add3A_1087, %get3A_1097 : vector<16xf32>
        %mul3A_1099 = arith.constant 16 : i32
        %mul3A_1100 = arith.muli %scan3A_217, %mul3A_1099 : i32
        %add3A_1101 = arith.constant 15 : i32
        %add3A_1102 = arith.addi %mul3A_1100, %add3A_1101 : i32
        %get3A_1103 = arith.constant 1 : i32
        %get3A_1104 = arith.index_cast %get3A_1103 : i32 to index
        %get3A_1105 = arith.index_cast %add3A_1102 : i32 to index
        %get3A_1106 = arith.constant 64 : index
        %get3A_1107 = tpu.vector_load %arg11[%get3A_1104, %get3A_1105, %get3A_1106] {strides = array<i32>} : memref<2x256x128xf32, #tpu.memory_space<vmem>>, vector<1x1x16xf32>,
        %get3A_1108 = vector.shape_cast %get3A_1107 : vector<1x1x16xf32> to vector<16xf32>
        %add3A_1109 = arith.addf %add3A_1098, %get3A_1108 : vector<16xf32>
        %swap3A_1110 = arith.constant 1 : i32
        %swap3A_1111 = arith.index_cast %swap3A_1110 : i32 to index
        %swap3A_1112 = arith.index_cast %scan3A_217 : i32 to index
        %swap3A_1113 = arith.constant 64 : index
        %swap3A_1114 = tpu.vector_load %arg12[%swap3A_1111, %swap3A_1112, %swap3A_1113] {strides = array<i32>} : memref<2x16x128xf32, #tpu.memory_space<vmem>>, vector<1x1x16xf32>,
        %swap3A_1115 = vector.shape_cast %swap3A_1114 : vector<1x1x16xf32> to vector<16xf32>
        %swap3A_1116 = vector.shape_cast %add3A_1109 : vector<16xf32> to vector<1x1x16xf32>
        tpu.vector_store %arg12[%swap3A_1111, %swap3A_1112, %swap3A_1113], %swap3A_1116 {strides = array<i32>} : memref<2x16x128xf32, #tpu.memory_space<vmem>>, vector<1x1x16xf32>,
        %mul3A_1117 = arith.constant 16 : i32
        %mul3A_1118 = arith.muli %scan3A_217, %mul3A_1117 : i32
        %get3A_1119 = arith.constant 1 : i32
        %get3A_1120 = arith.index_cast %get3A_1119 : i32 to index
        %get3A_1121 = arith.index_cast %mul3A_1118 : i32 to index
        %get3A_1122 = arith.constant 80 : index
        %get3A_1123 = tpu.vector_load %arg11[%get3A_1120, %get3A_1121, %get3A_1122] {strides = array<i32>} : memref<2x256x128xf32, #tpu.memory_space<vmem>>, vector<1x1x16xf32>,
        %get3A_1124 = vector.shape_cast %get3A_1123 : vector<1x1x16xf32> to vector<16xf32>
        %mul3A_1125 = arith.constant 16 : i32
        %mul3A_1126 = arith.muli %scan3A_217, %mul3A_1125 : i32
        %add3A_1127 = arith.constant 1 : i32
        %add3A_1128 = arith.addi %mul3A_1126, %add3A_1127 : i32
        %get3A_1129 = arith.constant 1 : i32
        %get3A_1130 = arith.index_cast %get3A_1129 : i32 to index
        %get3A_1131 = arith.index_cast %add3A_1128 : i32 to index
        %get3A_1132 = arith.constant 80 : index
        %get3A_1133 = tpu.vector_load %arg11[%get3A_1130, %get3A_1131, %get3A_1132] {strides = array<i32>} : memref<2x256x128xf32, #tpu.memory_space<vmem>>, vector<1x1x16xf32>,
        %get3A_1134 = vector.shape_cast %get3A_1133 : vector<1x1x16xf32> to vector<16xf32>
        %add3A_1135 = arith.addf %get3A_1124, %get3A_1134 : vector<16xf32>
        %mul3A_1136 = arith.constant 16 : i32
        %mul3A_1137 = arith.muli %scan3A_217, %mul3A_1136 : i32
        %add3A_1138 = arith.constant 2 : i32
        %add3A_1139 = arith.addi %mul3A_1137, %add3A_1138 : i32
        %get3A_1140 = arith.constant 1 : i32
        %get3A_1141 = arith.index_cast %get3A_1140 : i32 to index
        %get3A_1142 = arith.index_cast %add3A_1139 : i32 to index
        %get3A_1143 = arith.constant 80 : index
        %get3A_1144 = tpu.vector_load %arg11[%get3A_1141, %get3A_1142, %get3A_1143] {strides = array<i32>} : memref<2x256x128xf32, #tpu.memory_space<vmem>>, vector<1x1x16xf32>,
        %get3A_1145 = vector.shape_cast %get3A_1144 : vector<1x1x16xf32> to vector<16xf32>
        %add3A_1146 = arith.addf %add3A_1135, %get3A_1145 : vector<16xf32>
        %mul3A_1147 = arith.constant 16 : i32
        %mul3A_1148 = arith.muli %scan3A_217, %mul3A_1147 : i32
        %add3A_1149 = arith.constant 3 : i32
        %add3A_1150 = arith.addi %mul3A_1148, %add3A_1149 : i32
        %get3A_1151 = arith.constant 1 : i32
        %get3A_1152 = arith.index_cast %get3A_1151 : i32 to index
        %get3A_1153 = arith.index_cast %add3A_1150 : i32 to index
        %get3A_1154 = arith.constant 80 : index
        %get3A_1155 = tpu.vector_load %arg11[%get3A_1152, %get3A_1153, %get3A_1154] {strides = array<i32>} : memref<2x256x128xf32, #tpu.memory_space<vmem>>, vector<1x1x16xf32>,
        %get3A_1156 = vector.shape_cast %get3A_1155 : vector<1x1x16xf32> to vector<16xf32>
        %add3A_1157 = arith.addf %add3A_1146, %get3A_1156 : vector<16xf32>
        %mul3A_1158 = arith.constant 16 : i32
        %mul3A_1159 = arith.muli %scan3A_217, %mul3A_1158 : i32
        %add3A_1160 = arith.constant 4 : i32
        %add3A_1161 = arith.addi %mul3A_1159, %add3A_1160 : i32
        %get3A_1162 = arith.constant 1 : i32
        %get3A_1163 = arith.index_cast %get3A_1162 : i32 to index
        %get3A_1164 = arith.index_cast %add3A_1161 : i32 to index
        %get3A_1165 = arith.constant 80 : index
        %get3A_1166 = tpu.vector_load %arg11[%get3A_1163, %get3A_1164, %get3A_1165] {strides = array<i32>} : memref<2x256x128xf32, #tpu.memory_space<vmem>>, vector<1x1x16xf32>,
        %get3A_1167 = vector.shape_cast %get3A_1166 : vector<1x1x16xf32> to vector<16xf32>
        %add3A_1168 = arith.addf %add3A_1157, %get3A_1167 : vector<16xf32>
        %mul3A_1169 = arith.constant 16 : i32
        %mul3A_1170 = arith.muli %scan3A_217, %mul3A_1169 : i32
        %add3A_1171 = arith.constant 5 : i32
        %add3A_1172 = arith.addi %mul3A_1170, %add3A_1171 : i32
        %get3A_1173 = arith.constant 1 : i32
        %get3A_1174 = arith.index_cast %get3A_1173 : i32 to index
        %get3A_1175 = arith.index_cast %add3A_1172 : i32 to index
        %get3A_1176 = arith.constant 80 : index
        %get3A_1177 = tpu.vector_load %arg11[%get3A_1174, %get3A_1175, %get3A_1176] {strides = array<i32>} : memref<2x256x128xf32, #tpu.memory_space<vmem>>, vector<1x1x16xf32>,
        %get3A_1178 = vector.shape_cast %get3A_1177 : vector<1x1x16xf32> to vector<16xf32>
        %add3A_1179 = arith.addf %add3A_1168, %get3A_1178 : vector<16xf32>
        %mul3A_1180 = arith.constant 16 : i32
        %mul3A_1181 = arith.muli %scan3A_217, %mul3A_1180 : i32
        %add3A_1182 = arith.constant 6 : i32
        %add3A_1183 = arith.addi %mul3A_1181, %add3A_1182 : i32
        %get3A_1184 = arith.constant 1 : i32
        %get3A_1185 = arith.index_cast %get3A_1184 : i32 to index
        %get3A_1186 = arith.index_cast %add3A_1183 : i32 to index
        %get3A_1187 = arith.constant 80 : index
        %get3A_1188 = tpu.vector_load %arg11[%get3A_1185, %get3A_1186, %get3A_1187] {strides = array<i32>} : memref<2x256x128xf32, #tpu.memory_space<vmem>>, vector<1x1x16xf32>,
        %get3A_1189 = vector.shape_cast %get3A_1188 : vector<1x1x16xf32> to vector<16xf32>
        %add3A_1190 = arith.addf %add3A_1179, %get3A_1189 : vector<16xf32>
        %mul3A_1191 = arith.constant 16 : i32
        %mul3A_1192 = arith.muli %scan3A_217, %mul3A_1191 : i32
        %add3A_1193 = arith.constant 7 : i32
        %add3A_1194 = arith.addi %mul3A_1192, %add3A_1193 : i32
        %get3A_1195 = arith.constant 1 : i32
        %get3A_1196 = arith.index_cast %get3A_1195 : i32 to index
        %get3A_1197 = arith.index_cast %add3A_1194 : i32 to index
        %get3A_1198 = arith.constant 80 : index
        %get3A_1199 = tpu.vector_load %arg11[%get3A_1196, %get3A_1197, %get3A_1198] {strides = array<i32>} : memref<2x256x128xf32, #tpu.memory_space<vmem>>, vector<1x1x16xf32>,
        %get3A_1200 = vector.shape_cast %get3A_1199 : vector<1x1x16xf32> to vector<16xf32>
        %add3A_1201 = arith.addf %add3A_1190, %get3A_1200 : vector<16xf32>
        %mul3A_1202 = arith.constant 16 : i32
        %mul3A_1203 = arith.muli %scan3A_217, %mul3A_1202 : i32
        %add3A_1204 = arith.constant 8 : i32
        %add3A_1205 = arith.addi %mul3A_1203, %add3A_1204 : i32
        %get3A_1206 = arith.constant 1 : i32
        %get3A_1207 = arith.index_cast %get3A_1206 : i32 to index
        %get3A_1208 = arith.index_cast %add3A_1205 : i32 to index
        %get3A_1209 = arith.constant 80 : index
        %get3A_1210 = tpu.vector_load %arg11[%get3A_1207, %get3A_1208, %get3A_1209] {strides = array<i32>} : memref<2x256x128xf32, #tpu.memory_space<vmem>>, vector<1x1x16xf32>,
        %get3A_1211 = vector.shape_cast %get3A_1210 : vector<1x1x16xf32> to vector<16xf32>
        %add3A_1212 = arith.addf %add3A_1201, %get3A_1211 : vector<16xf32>
        %mul3A_1213 = arith.constant 16 : i32
        %mul3A_1214 = arith.muli %scan3A_217, %mul3A_1213 : i32
        %add3A_1215 = arith.constant 9 : i32
        %add3A_1216 = arith.addi %mul3A_1214, %add3A_1215 : i32
        %get3A_1217 = arith.constant 1 : i32
        %get3A_1218 = arith.index_cast %get3A_1217 : i32 to index
        %get3A_1219 = arith.index_cast %add3A_1216 : i32 to index
        %get3A_1220 = arith.constant 80 : index
        %get3A_1221 = tpu.vector_load %arg11[%get3A_1218, %get3A_1219, %get3A_1220] {strides = array<i32>} : memref<2x256x128xf32, #tpu.memory_space<vmem>>, vector<1x1x16xf32>,
        %get3A_1222 = vector.shape_cast %get3A_1221 : vector<1x1x16xf32> to vector<16xf32>
        %add3A_1223 = arith.addf %add3A_1212, %get3A_1222 : vector<16xf32>
        %mul3A_1224 = arith.constant 16 : i32
        %mul3A_1225 = arith.muli %scan3A_217, %mul3A_1224 : i32
        %add3A_1226 = arith.constant 10 : i32
        %add3A_1227 = arith.addi %mul3A_1225, %add3A_1226 : i32
        %get3A_1228 = arith.constant 1 : i32
        %get3A_1229 = arith.index_cast %get3A_1228 : i32 to index
        %get3A_1230 = arith.index_cast %add3A_1227 : i32 to index
        %get3A_1231 = arith.constant 80 : index
        %get3A_1232 = tpu.vector_load %arg11[%get3A_1229, %get3A_1230, %get3A_1231] {strides = array<i32>} : memref<2x256x128xf32, #tpu.memory_space<vmem>>, vector<1x1x16xf32>,
        %get3A_1233 = vector.shape_cast %get3A_1232 : vector<1x1x16xf32> to vector<16xf32>
        %add3A_1234 = arith.addf %add3A_1223, %get3A_1233 : vector<16xf32>
        %mul3A_1235 = arith.constant 16 : i32
        %mul3A_1236 = arith.muli %scan3A_217, %mul3A_1235 : i32
        %add3A_1237 = arith.constant 11 : i32
        %add3A_1238 = arith.addi %mul3A_1236, %add3A_1237 : i32
        %get3A_1239 = arith.constant 1 : i32
        %get3A_1240 = arith.index_cast %get3A_1239 : i32 to index
        %get3A_1241 = arith.index_cast %add3A_1238 : i32 to index
        %get3A_1242 = arith.constant 80 : index
        %get3A_1243 = tpu.vector_load %arg11[%get3A_1240, %get3A_1241, %get3A_1242] {strides = array<i32>} : memref<2x256x128xf32, #tpu.memory_space<vmem>>, vector<1x1x16xf32>,
        %get3A_1244 = vector.shape_cast %get3A_1243 : vector<1x1x16xf32> to vector<16xf32>
        %add3A_1245 = arith.addf %add3A_1234, %get3A_1244 : vector<16xf32>
        %mul3A_1246 = arith.constant 16 : i32
        %mul3A_1247 = arith.muli %scan3A_217, %mul3A_1246 : i32
        %add3A_1248 = arith.constant 12 : i32
        %add3A_1249 = arith.addi %mul3A_1247, %add3A_1248 : i32
        %get3A_1250 = arith.constant 1 : i32
        %get3A_1251 = arith.index_cast %get3A_1250 : i32 to index
        %get3A_1252 = arith.index_cast %add3A_1249 : i32 to index
        %get3A_1253 = arith.constant 80 : index
        %get3A_1254 = tpu.vector_load %arg11[%get3A_1251, %get3A_1252, %get3A_1253] {strides = array<i32>} : memref<2x256x128xf32, #tpu.memory_space<vmem>>, vector<1x1x16xf32>,
        %get3A_1255 = vector.shape_cast %get3A_1254 : vector<1x1x16xf32> to vector<16xf32>
        %add3A_1256 = arith.addf %add3A_1245, %get3A_1255 : vector<16xf32>
        %mul3A_1257 = arith.constant 16 : i32
        %mul3A_1258 = arith.muli %scan3A_217, %mul3A_1257 : i32
        %add3A_1259 = arith.constant 13 : i32
        %add3A_1260 = arith.addi %mul3A_1258, %add3A_1259 : i32
        %get3A_1261 = arith.constant 1 : i32
        %get3A_1262 = arith.index_cast %get3A_1261 : i32 to index
        %get3A_1263 = arith.index_cast %add3A_1260 : i32 to index
        %get3A_1264 = arith.constant 80 : index
        %get3A_1265 = tpu.vector_load %arg11[%get3A_1262, %get3A_1263, %get3A_1264] {strides = array<i32>} : memref<2x256x128xf32, #tpu.memory_space<vmem>>, vector<1x1x16xf32>,
        %get3A_1266 = vector.shape_cast %get3A_1265 : vector<1x1x16xf32> to vector<16xf32>
        %add3A_1267 = arith.addf %add3A_1256, %get3A_1266 : vector<16xf32>
        %mul3A_1268 = arith.constant 16 : i32
        %mul3A_1269 = arith.muli %scan3A_217, %mul3A_1268 : i32
        %add3A_1270 = arith.constant 14 : i32
        %add3A_1271 = arith.addi %mul3A_1269, %add3A_1270 : i32
        %get3A_1272 = arith.constant 1 : i32
        %get3A_1273 = arith.index_cast %get3A_1272 : i32 to index
        %get3A_1274 = arith.index_cast %add3A_1271 : i32 to index
        %get3A_1275 = arith.constant 80 : index
        %get3A_1276 = tpu.vector_load %arg11[%get3A_1273, %get3A_1274, %get3A_1275] {strides = array<i32>} : memref<2x256x128xf32, #tpu.memory_space<vmem>>, vector<1x1x16xf32>,
        %get3A_1277 = vector.shape_cast %get3A_1276 : vector<1x1x16xf32> to vector<16xf32>
        %add3A_1278 = arith.addf %add3A_1267, %get3A_1277 : vector<16xf32>
        %mul3A_1279 = arith.constant 16 : i32
        %mul3A_1280 = arith.muli %scan3A_217, %mul3A_1279 : i32
        %add3A_1281 = arith.constant 15 : i32
        %add3A_1282 = arith.addi %mul3A_1280, %add3A_1281 : i32
        %get3A_1283 = arith.constant 1 : i32
        %get3A_1284 = arith.index_cast %get3A_1283 : i32 to index
        %get3A_1285 = arith.index_cast %add3A_1282 : i32 to index
        %get3A_1286 = arith.constant 80 : index
        %get3A_1287 = tpu.vector_load %arg11[%get3A_1284, %get3A_1285, %get3A_1286] {strides = array<i32>} : memref<2x256x128xf32, #tpu.memory_space<vmem>>, vector<1x1x16xf32>,
        %get3A_1288 = vector.shape_cast %get3A_1287 : vector<1x1x16xf32> to vector<16xf32>
        %add3A_1289 = arith.addf %add3A_1278, %get3A_1288 : vector<16xf32>
        %swap3A_1290 = arith.constant 1 : i32
        %swap3A_1291 = arith.index_cast %swap3A_1290 : i32 to index
        %swap3A_1292 = arith.index_cast %scan3A_217 : i32 to index
        %swap3A_1293 = arith.constant 80 : index
        %swap3A_1294 = tpu.vector_load %arg12[%swap3A_1291, %swap3A_1292, %swap3A_1293] {strides = array<i32>} : memref<2x16x128xf32, #tpu.memory_space<vmem>>, vector<1x1x16xf32>,
        %swap3A_1295 = vector.shape_cast %swap3A_1294 : vector<1x1x16xf32> to vector<16xf32>
        %swap3A_1296 = vector.shape_cast %add3A_1289 : vector<16xf32> to vector<1x1x16xf32>
        tpu.vector_store %arg12[%swap3A_1291, %swap3A_1292, %swap3A_1293], %swap3A_1296 {strides = array<i32>} : memref<2x16x128xf32, #tpu.memory_space<vmem>>, vector<1x1x16xf32>,
        %mul3A_1297 = arith.constant 16 : i32
        %mul3A_1298 = arith.muli %scan3A_217, %mul3A_1297 : i32
        %get3A_1299 = arith.constant 1 : i32
        %get3A_1300 = arith.index_cast %get3A_1299 : i32 to index
        %get3A_1301 = arith.index_cast %mul3A_1298 : i32 to index
        %get3A_1302 = arith.constant 96 : index
        %get3A_1303 = tpu.vector_load %arg11[%get3A_1300, %get3A_1301, %get3A_1302] {strides = array<i32>} : memref<2x256x128xf32, #tpu.memory_space<vmem>>, vector<1x1x16xf32>,
        %get3A_1304 = vector.shape_cast %get3A_1303 : vector<1x1x16xf32> to vector<16xf32>
        %mul3A_1305 = arith.constant 16 : i32
        %mul3A_1306 = arith.muli %scan3A_217, %mul3A_1305 : i32
        %add3A_1307 = arith.constant 1 : i32
        %add3A_1308 = arith.addi %mul3A_1306, %add3A_1307 : i32
        %get3A_1309 = arith.constant 1 : i32
        %get3A_1310 = arith.index_cast %get3A_1309 : i32 to index
        %get3A_1311 = arith.index_cast %add3A_1308 : i32 to index
        %get3A_1312 = arith.constant 96 : index
        %get3A_1313 = tpu.vector_load %arg11[%get3A_1310, %get3A_1311, %get3A_1312] {strides = array<i32>} : memref<2x256x128xf32, #tpu.memory_space<vmem>>, vector<1x1x16xf32>,
        %get3A_1314 = vector.shape_cast %get3A_1313 : vector<1x1x16xf32> to vector<16xf32>
        %add3A_1315 = arith.addf %get3A_1304, %get3A_1314 : vector<16xf32>
        %mul3A_1316 = arith.constant 16 : i32
        %mul3A_1317 = arith.muli %scan3A_217, %mul3A_1316 : i32
        %add3A_1318 = arith.constant 2 : i32
        %add3A_1319 = arith.addi %mul3A_1317, %add3A_1318 : i32
        %get3A_1320 = arith.constant 1 : i32
        %get3A_1321 = arith.index_cast %get3A_1320 : i32 to index
        %get3A_1322 = arith.index_cast %add3A_1319 : i32 to index
        %get3A_1323 = arith.constant 96 : index
        %get3A_1324 = tpu.vector_load %arg11[%get3A_1321, %get3A_1322, %get3A_1323] {strides = array<i32>} : memref<2x256x128xf32, #tpu.memory_space<vmem>>, vector<1x1x16xf32>,
        %get3A_1325 = vector.shape_cast %get3A_1324 : vector<1x1x16xf32> to vector<16xf32>
        %add3A_1326 = arith.addf %add3A_1315, %get3A_1325 : vector<16xf32>
        %mul3A_1327 = arith.constant 16 : i32
        %mul3A_1328 = arith.muli %scan3A_217, %mul3A_1327 : i32
        %add3A_1329 = arith.constant 3 : i32
        %add3A_1330 = arith.addi %mul3A_1328, %add3A_1329 : i32
        %get3A_1331 = arith.constant 1 : i32
        %get3A_1332 = arith.index_cast %get3A_1331 : i32 to index
        %get3A_1333 = arith.index_cast %add3A_1330 : i32 to index
        %get3A_1334 = arith.constant 96 : index
        %get3A_1335 = tpu.vector_load %arg11[%get3A_1332, %get3A_1333, %get3A_1334] {strides = array<i32>} : memref<2x256x128xf32, #tpu.memory_space<vmem>>, vector<1x1x16xf32>,
        %get3A_1336 = vector.shape_cast %get3A_1335 : vector<1x1x16xf32> to vector<16xf32>
        %add3A_1337 = arith.addf %add3A_1326, %get3A_1336 : vector<16xf32>
        %mul3A_1338 = arith.constant 16 : i32
        %mul3A_1339 = arith.muli %scan3A_217, %mul3A_1338 : i32
        %add3A_1340 = arith.constant 4 : i32
        %add3A_1341 = arith.addi %mul3A_1339, %add3A_1340 : i32
        %get3A_1342 = arith.constant 1 : i32
        %get3A_1343 = arith.index_cast %get3A_1342 : i32 to index
        %get3A_1344 = arith.index_cast %add3A_1341 : i32 to index
        %get3A_1345 = arith.constant 96 : index
        %get3A_1346 = tpu.vector_load %arg11[%get3A_1343, %get3A_1344, %get3A_1345] {strides = array<i32>} : memref<2x256x128xf32, #tpu.memory_space<vmem>>, vector<1x1x16xf32>,
        %get3A_1347 = vector.shape_cast %get3A_1346 : vector<1x1x16xf32> to vector<16xf32>
        %add3A_1348 = arith.addf %add3A_1337, %get3A_1347 : vector<16xf32>
        %mul3A_1349 = arith.constant 16 : i32
        %mul3A_1350 = arith.muli %scan3A_217, %mul3A_1349 : i32
        %add3A_1351 = arith.constant 5 : i32
        %add3A_1352 = arith.addi %mul3A_1350, %add3A_1351 : i32
        %get3A_1353 = arith.constant 1 : i32
        %get3A_1354 = arith.index_cast %get3A_1353 : i32 to index
        %get3A_1355 = arith.index_cast %add3A_1352 : i32 to index
        %get3A_1356 = arith.constant 96 : index
        %get3A_1357 = tpu.vector_load %arg11[%get3A_1354, %get3A_1355, %get3A_1356] {strides = array<i32>} : memref<2x256x128xf32, #tpu.memory_space<vmem>>, vector<1x1x16xf32>,
        %get3A_1358 = vector.shape_cast %get3A_1357 : vector<1x1x16xf32> to vector<16xf32>
        %add3A_1359 = arith.addf %add3A_1348, %get3A_1358 : vector<16xf32>
        %mul3A_1360 = arith.constant 16 : i32
        %mul3A_1361 = arith.muli %scan3A_217, %mul3A_1360 : i32
        %add3A_1362 = arith.constant 6 : i32
        %add3A_1363 = arith.addi %mul3A_1361, %add3A_1362 : i32
        %get3A_1364 = arith.constant 1 : i32
        %get3A_1365 = arith.index_cast %get3A_1364 : i32 to index
        %get3A_1366 = arith.index_cast %add3A_1363 : i32 to index
        %get3A_1367 = arith.constant 96 : index
        %get3A_1368 = tpu.vector_load %arg11[%get3A_1365, %get3A_1366, %get3A_1367] {strides = array<i32>} : memref<2x256x128xf32, #tpu.memory_space<vmem>>, vector<1x1x16xf32>,
        %get3A_1369 = vector.shape_cast %get3A_1368 : vector<1x1x16xf32> to vector<16xf32>
        %add3A_1370 = arith.addf %add3A_1359, %get3A_1369 : vector<16xf32>
        %mul3A_1371 = arith.constant 16 : i32
        %mul3A_1372 = arith.muli %scan3A_217, %mul3A_1371 : i32
        %add3A_1373 = arith.constant 7 : i32
        %add3A_1374 = arith.addi %mul3A_1372, %add3A_1373 : i32
        %get3A_1375 = arith.constant 1 : i32
        %get3A_1376 = arith.index_cast %get3A_1375 : i32 to index
        %get3A_1377 = arith.index_cast %add3A_1374 : i32 to index
        %get3A_1378 = arith.constant 96 : index
        %get3A_1379 = tpu.vector_load %arg11[%get3A_1376, %get3A_1377, %get3A_1378] {strides = array<i32>} : memref<2x256x128xf32, #tpu.memory_space<vmem>>, vector<1x1x16xf32>,
        %get3A_1380 = vector.shape_cast %get3A_1379 : vector<1x1x16xf32> to vector<16xf32>
        %add3A_1381 = arith.addf %add3A_1370, %get3A_1380 : vector<16xf32>
        %mul3A_1382 = arith.constant 16 : i32
        %mul3A_1383 = arith.muli %scan3A_217, %mul3A_1382 : i32
        %add3A_1384 = arith.constant 8 : i32
        %add3A_1385 = arith.addi %mul3A_1383, %add3A_1384 : i32
        %get3A_1386 = arith.constant 1 : i32
        %get3A_1387 = arith.index_cast %get3A_1386 : i32 to index
        %get3A_1388 = arith.index_cast %add3A_1385 : i32 to index
        %get3A_1389 = arith.constant 96 : index
        %get3A_1390 = tpu.vector_load %arg11[%get3A_1387, %get3A_1388, %get3A_1389] {strides = array<i32>} : memref<2x256x128xf32, #tpu.memory_space<vmem>>, vector<1x1x16xf32>,
        %get3A_1391 = vector.shape_cast %get3A_1390 : vector<1x1x16xf32> to vector<16xf32>
        %add3A_1392 = arith.addf %add3A_1381, %get3A_1391 : vector<16xf32>
        %mul3A_1393 = arith.constant 16 : i32
        %mul3A_1394 = arith.muli %scan3A_217, %mul3A_1393 : i32
        %add3A_1395 = arith.constant 9 : i32
        %add3A_1396 = arith.addi %mul3A_1394, %add3A_1395 : i32
        %get3A_1397 = arith.constant 1 : i32
        %get3A_1398 = arith.index_cast %get3A_1397 : i32 to index
        %get3A_1399 = arith.index_cast %add3A_1396 : i32 to index
        %get3A_1400 = arith.constant 96 : index
        %get3A_1401 = tpu.vector_load %arg11[%get3A_1398, %get3A_1399, %get3A_1400] {strides = array<i32>} : memref<2x256x128xf32, #tpu.memory_space<vmem>>, vector<1x1x16xf32>,
        %get3A_1402 = vector.shape_cast %get3A_1401 : vector<1x1x16xf32> to vector<16xf32>
        %add3A_1403 = arith.addf %add3A_1392, %get3A_1402 : vector<16xf32>
        %mul3A_1404 = arith.constant 16 : i32
        %mul3A_1405 = arith.muli %scan3A_217, %mul3A_1404 : i32
        %add3A_1406 = arith.constant 10 : i32
        %add3A_1407 = arith.addi %mul3A_1405, %add3A_1406 : i32
        %get3A_1408 = arith.constant 1 : i32
        %get3A_1409 = arith.index_cast %get3A_1408 : i32 to index
        %get3A_1410 = arith.index_cast %add3A_1407 : i32 to index
        %get3A_1411 = arith.constant 96 : index
        %get3A_1412 = tpu.vector_load %arg11[%get3A_1409, %get3A_1410, %get3A_1411] {strides = array<i32>} : memref<2x256x128xf32, #tpu.memory_space<vmem>>, vector<1x1x16xf32>,
        %get3A_1413 = vector.shape_cast %get3A_1412 : vector<1x1x16xf32> to vector<16xf32>
        %add3A_1414 = arith.addf %add3A_1403, %get3A_1413 : vector<16xf32>
        %mul3A_1415 = arith.constant 16 : i32
        %mul3A_1416 = arith.muli %scan3A_217, %mul3A_1415 : i32
        %add3A_1417 = arith.constant 11 : i32
        %add3A_1418 = arith.addi %mul3A_1416, %add3A_1417 : i32
        %get3A_1419 = arith.constant 1 : i32
        %get3A_1420 = arith.index_cast %get3A_1419 : i32 to index
        %get3A_1421 = arith.index_cast %add3A_1418 : i32 to index
        %get3A_1422 = arith.constant 96 : index
        %get3A_1423 = tpu.vector_load %arg11[%get3A_1420, %get3A_1421, %get3A_1422] {strides = array<i32>} : memref<2x256x128xf32, #tpu.memory_space<vmem>>, vector<1x1x16xf32>,
        %get3A_1424 = vector.shape_cast %get3A_1423 : vector<1x1x16xf32> to vector<16xf32>
        %add3A_1425 = arith.addf %add3A_1414, %get3A_1424 : vector<16xf32>
        %mul3A_1426 = arith.constant 16 : i32
        %mul3A_1427 = arith.muli %scan3A_217, %mul3A_1426 : i32
        %add3A_1428 = arith.constant 12 : i32
        %add3A_1429 = arith.addi %mul3A_1427, %add3A_1428 : i32
        %get3A_1430 = arith.constant 1 : i32
        %get3A_1431 = arith.index_cast %get3A_1430 : i32 to index
        %get3A_1432 = arith.index_cast %add3A_1429 : i32 to index
        %get3A_1433 = arith.constant 96 : index
        %get3A_1434 = tpu.vector_load %arg11[%get3A_1431, %get3A_1432, %get3A_1433] {strides = array<i32>} : memref<2x256x128xf32, #tpu.memory_space<vmem>>, vector<1x1x16xf32>,
        %get3A_1435 = vector.shape_cast %get3A_1434 : vector<1x1x16xf32> to vector<16xf32>
        %add3A_1436 = arith.addf %add3A_1425, %get3A_1435 : vector<16xf32>
        %mul3A_1437 = arith.constant 16 : i32
        %mul3A_1438 = arith.muli %scan3A_217, %mul3A_1437 : i32
        %add3A_1439 = arith.constant 13 : i32
        %add3A_1440 = arith.addi %mul3A_1438, %add3A_1439 : i32
        %get3A_1441 = arith.constant 1 : i32
        %get3A_1442 = arith.index_cast %get3A_1441 : i32 to index
        %get3A_1443 = arith.index_cast %add3A_1440 : i32 to index
        %get3A_1444 = arith.constant 96 : index
        %get3A_1445 = tpu.vector_load %arg11[%get3A_1442, %get3A_1443, %get3A_1444] {strides = array<i32>} : memref<2x256x128xf32, #tpu.memory_space<vmem>>, vector<1x1x16xf32>,
        %get3A_1446 = vector.shape_cast %get3A_1445 : vector<1x1x16xf32> to vector<16xf32>
        %add3A_1447 = arith.addf %add3A_1436, %get3A_1446 : vector<16xf32>
        %mul3A_1448 = arith.constant 16 : i32
        %mul3A_1449 = arith.muli %scan3A_217, %mul3A_1448 : i32
        %add3A_1450 = arith.constant 14 : i32
        %add3A_1451 = arith.addi %mul3A_1449, %add3A_1450 : i32
        %get3A_1452 = arith.constant 1 : i32
        %get3A_1453 = arith.index_cast %get3A_1452 : i32 to index
        %get3A_1454 = arith.index_cast %add3A_1451 : i32 to index
        %get3A_1455 = arith.constant 96 : index
        %get3A_1456 = tpu.vector_load %arg11[%get3A_1453, %get3A_1454, %get3A_1455] {strides = array<i32>} : memref<2x256x128xf32, #tpu.memory_space<vmem>>, vector<1x1x16xf32>,
        %get3A_1457 = vector.shape_cast %get3A_1456 : vector<1x1x16xf32> to vector<16xf32>
        %add3A_1458 = arith.addf %add3A_1447, %get3A_1457 : vector<16xf32>
        %mul3A_1459 = arith.constant 16 : i32
        %mul3A_1460 = arith.muli %scan3A_217, %mul3A_1459 : i32
        %add3A_1461 = arith.constant 15 : i32
        %add3A_1462 = arith.addi %mul3A_1460, %add3A_1461 : i32
        %get3A_1463 = arith.constant 1 : i32
        %get3A_1464 = arith.index_cast %get3A_1463 : i32 to index
        %get3A_1465 = arith.index_cast %add3A_1462 : i32 to index
        %get3A_1466 = arith.constant 96 : index
        %get3A_1467 = tpu.vector_load %arg11[%get3A_1464, %get3A_1465, %get3A_1466] {strides = array<i32>} : memref<2x256x128xf32, #tpu.memory_space<vmem>>, vector<1x1x16xf32>,
        %get3A_1468 = vector.shape_cast %get3A_1467 : vector<1x1x16xf32> to vector<16xf32>
        %add3A_1469 = arith.addf %add3A_1458, %get3A_1468 : vector<16xf32>
        %swap3A_1470 = arith.constant 1 : i32
        %swap3A_1471 = arith.index_cast %swap3A_1470 : i32 to index
        %swap3A_1472 = arith.index_cast %scan3A_217 : i32 to index
        %swap3A_1473 = arith.constant 96 : index
        %swap3A_1474 = tpu.vector_load %arg12[%swap3A_1471, %swap3A_1472, %swap3A_1473] {strides = array<i32>} : memref<2x16x128xf32, #tpu.memory_space<vmem>>, vector<1x1x16xf32>,
        %swap3A_1475 = vector.shape_cast %swap3A_1474 : vector<1x1x16xf32> to vector<16xf32>
        %swap3A_1476 = vector.shape_cast %add3A_1469 : vector<16xf32> to vector<1x1x16xf32>
        tpu.vector_store %arg12[%swap3A_1471, %swap3A_1472, %swap3A_1473], %swap3A_1476 {strides = array<i32>} : memref<2x16x128xf32, #tpu.memory_space<vmem>>, vector<1x1x16xf32>,
        %mul3A_1477 = arith.constant 16 : i32
        %mul3A_1478 = arith.muli %scan3A_217, %mul3A_1477 : i32
        %get3A_1479 = arith.constant 1 : i32
        %get3A_1480 = arith.index_cast %get3A_1479 : i32 to index
        %get3A_1481 = arith.index_cast %mul3A_1478 : i32 to index
        %get3A_1482 = arith.constant 112 : index
        %get3A_1483 = tpu.vector_load %arg11[%get3A_1480, %get3A_1481, %get3A_1482] {strides = array<i32>} : memref<2x256x128xf32, #tpu.memory_space<vmem>>, vector<1x1x16xf32>,
        %get3A_1484 = vector.shape_cast %get3A_1483 : vector<1x1x16xf32> to vector<16xf32>
        %mul3A_1485 = arith.constant 16 : i32
        %mul3A_1486 = arith.muli %scan3A_217, %mul3A_1485 : i32
        %add3A_1487 = arith.constant 1 : i32
        %add3A_1488 = arith.addi %mul3A_1486, %add3A_1487 : i32
        %get3A_1489 = arith.constant 1 : i32
        %get3A_1490 = arith.index_cast %get3A_1489 : i32 to index
        %get3A_1491 = arith.index_cast %add3A_1488 : i32 to index
        %get3A_1492 = arith.constant 112 : index
        %get3A_1493 = tpu.vector_load %arg11[%get3A_1490, %get3A_1491, %get3A_1492] {strides = array<i32>} : memref<2x256x128xf32, #tpu.memory_space<vmem>>, vector<1x1x16xf32>,
        %get3A_1494 = vector.shape_cast %get3A_1493 : vector<1x1x16xf32> to vector<16xf32>
        %add3A_1495 = arith.addf %get3A_1484, %get3A_1494 : vector<16xf32>
        %mul3A_1496 = arith.constant 16 : i32
        %mul3A_1497 = arith.muli %scan3A_217, %mul3A_1496 : i32
        %add3A_1498 = arith.constant 2 : i32
        %add3A_1499 = arith.addi %mul3A_1497, %add3A_1498 : i32
        %get3A_1500 = arith.constant 1 : i32
        %get3A_1501 = arith.index_cast %get3A_1500 : i32 to index
        %get3A_1502 = arith.index_cast %add3A_1499 : i32 to index
        %get3A_1503 = arith.constant 112 : index
        %get3A_1504 = tpu.vector_load %arg11[%get3A_1501, %get3A_1502, %get3A_1503] {strides = array<i32>} : memref<2x256x128xf32, #tpu.memory_space<vmem>>, vector<1x1x16xf32>,
        %get3A_1505 = vector.shape_cast %get3A_1504 : vector<1x1x16xf32> to vector<16xf32>
        %add3A_1506 = arith.addf %add3A_1495, %get3A_1505 : vector<16xf32>
        %mul3A_1507 = arith.constant 16 : i32
        %mul3A_1508 = arith.muli %scan3A_217, %mul3A_1507 : i32
        %add3A_1509 = arith.constant 3 : i32
        %add3A_1510 = arith.addi %mul3A_1508, %add3A_1509 : i32
        %get3A_1511 = arith.constant 1 : i32
        %get3A_1512 = arith.index_cast %get3A_1511 : i32 to index
        %get3A_1513 = arith.index_cast %add3A_1510 : i32 to index
        %get3A_1514 = arith.constant 112 : index
        %get3A_1515 = tpu.vector_load %arg11[%get3A_1512, %get3A_1513, %get3A_1514] {strides = array<i32>} : memref<2x256x128xf32, #tpu.memory_space<vmem>>, vector<1x1x16xf32>,
        %get3A_1516 = vector.shape_cast %get3A_1515 : vector<1x1x16xf32> to vector<16xf32>
        %add3A_1517 = arith.addf %add3A_1506, %get3A_1516 : vector<16xf32>
        %mul3A_1518 = arith.constant 16 : i32
        %mul3A_1519 = arith.muli %scan3A_217, %mul3A_1518 : i32
        %add3A_1520 = arith.constant 4 : i32
        %add3A_1521 = arith.addi %mul3A_1519, %add3A_1520 : i32
        %get3A_1522 = arith.constant 1 : i32
        %get3A_1523 = arith.index_cast %get3A_1522 : i32 to index
        %get3A_1524 = arith.index_cast %add3A_1521 : i32 to index
        %get3A_1525 = arith.constant 112 : index
        %get3A_1526 = tpu.vector_load %arg11[%get3A_1523, %get3A_1524, %get3A_1525] {strides = array<i32>} : memref<2x256x128xf32, #tpu.memory_space<vmem>>, vector<1x1x16xf32>,
        %get3A_1527 = vector.shape_cast %get3A_1526 : vector<1x1x16xf32> to vector<16xf32>
        %add3A_1528 = arith.addf %add3A_1517, %get3A_1527 : vector<16xf32>
        %mul3A_1529 = arith.constant 16 : i32
        %mul3A_1530 = arith.muli %scan3A_217, %mul3A_1529 : i32
        %add3A_1531 = arith.constant 5 : i32
        %add3A_1532 = arith.addi %mul3A_1530, %add3A_1531 : i32
        %get3A_1533 = arith.constant 1 : i32
        %get3A_1534 = arith.index_cast %get3A_1533 : i32 to index
        %get3A_1535 = arith.index_cast %add3A_1532 : i32 to index
        %get3A_1536 = arith.constant 112 : index
        %get3A_1537 = tpu.vector_load %arg11[%get3A_1534, %get3A_1535, %get3A_1536] {strides = array<i32>} : memref<2x256x128xf32, #tpu.memory_space<vmem>>, vector<1x1x16xf32>,
        %get3A_1538 = vector.shape_cast %get3A_1537 : vector<1x1x16xf32> to vector<16xf32>
        %add3A_1539 = arith.addf %add3A_1528, %get3A_1538 : vector<16xf32>
        %mul3A_1540 = arith.constant 16 : i32
        %mul3A_1541 = arith.muli %scan3A_217, %mul3A_1540 : i32
        %add3A_1542 = arith.constant 6 : i32
        %add3A_1543 = arith.addi %mul3A_1541, %add3A_1542 : i32
        %get3A_1544 = arith.constant 1 : i32
        %get3A_1545 = arith.index_cast %get3A_1544 : i32 to index
        %get3A_1546 = arith.index_cast %add3A_1543 : i32 to index
        %get3A_1547 = arith.constant 112 : index
        %get3A_1548 = tpu.vector_load %arg11[%get3A_1545, %get3A_1546, %get3A_1547] {strides = array<i32>} : memref<2x256x128xf32, #tpu.memory_space<vmem>>, vector<1x1x16xf32>,
        %get3A_1549 = vector.shape_cast %get3A_1548 : vector<1x1x16xf32> to vector<16xf32>
        %add3A_1550 = arith.addf %add3A_1539, %get3A_1549 : vector<16xf32>
        %mul3A_1551 = arith.constant 16 : i32
        %mul3A_1552 = arith.muli %scan3A_217, %mul3A_1551 : i32
        %add3A_1553 = arith.constant 7 : i32
        %add3A_1554 = arith.addi %mul3A_1552, %add3A_1553 : i32
        %get3A_1555 = arith.constant 1 : i32
        %get3A_1556 = arith.index_cast %get3A_1555 : i32 to index
        %get3A_1557 = arith.index_cast %add3A_1554 : i32 to index
        %get3A_1558 = arith.constant 112 : index
        %get3A_1559 = tpu.vector_load %arg11[%get3A_1556, %get3A_1557, %get3A_1558] {strides = array<i32>} : memref<2x256x128xf32, #tpu.memory_space<vmem>>, vector<1x1x16xf32>,
        %get3A_1560 = vector.shape_cast %get3A_1559 : vector<1x1x16xf32> to vector<16xf32>
        %add3A_1561 = arith.addf %add3A_1550, %get3A_1560 : vector<16xf32>
        %mul3A_1562 = arith.constant 16 : i32
        %mul3A_1563 = arith.muli %scan3A_217, %mul3A_1562 : i32
        %add3A_1564 = arith.constant 8 : i32
        %add3A_1565 = arith.addi %mul3A_1563, %add3A_1564 : i32
        %get3A_1566 = arith.constant 1 : i32
        %get3A_1567 = arith.index_cast %get3A_1566 : i32 to index
        %get3A_1568 = arith.index_cast %add3A_1565 : i32 to index
        %get3A_1569 = arith.constant 112 : index
        %get3A_1570 = tpu.vector_load %arg11[%get3A_1567, %get3A_1568, %get3A_1569] {strides = array<i32>} : memref<2x256x128xf32, #tpu.memory_space<vmem>>, vector<1x1x16xf32>,
        %get3A_1571 = vector.shape_cast %get3A_1570 : vector<1x1x16xf32> to vector<16xf32>
        %add3A_1572 = arith.addf %add3A_1561, %get3A_1571 : vector<16xf32>
        %mul3A_1573 = arith.constant 16 : i32
        %mul3A_1574 = arith.muli %scan3A_217, %mul3A_1573 : i32
        %add3A_1575 = arith.constant 9 : i32
        %add3A_1576 = arith.addi %mul3A_1574, %add3A_1575 : i32
        %get3A_1577 = arith.constant 1 : i32
        %get3A_1578 = arith.index_cast %get3A_1577 : i32 to index
        %get3A_1579 = arith.index_cast %add3A_1576 : i32 to index
        %get3A_1580 = arith.constant 112 : index
        %get3A_1581 = tpu.vector_load %arg11[%get3A_1578, %get3A_1579, %get3A_1580] {strides = array<i32>} : memref<2x256x128xf32, #tpu.memory_space<vmem>>, vector<1x1x16xf32>,
        %get3A_1582 = vector.shape_cast %get3A_1581 : vector<1x1x16xf32> to vector<16xf32>
        %add3A_1583 = arith.addf %add3A_1572, %get3A_1582 : vector<16xf32>
        %mul3A_1584 = arith.constant 16 : i32
        %mul3A_1585 = arith.muli %scan3A_217, %mul3A_1584 : i32
        %add3A_1586 = arith.constant 10 : i32
        %add3A_1587 = arith.addi %mul3A_1585, %add3A_1586 : i32
        %get3A_1588 = arith.constant 1 : i32
        %get3A_1589 = arith.index_cast %get3A_1588 : i32 to index
        %get3A_1590 = arith.index_cast %add3A_1587 : i32 to index
        %get3A_1591 = arith.constant 112 : index
        %get3A_1592 = tpu.vector_load %arg11[%get3A_1589, %get3A_1590, %get3A_1591] {strides = array<i32>} : memref<2x256x128xf32, #tpu.memory_space<vmem>>, vector<1x1x16xf32>,
        %get3A_1593 = vector.shape_cast %get3A_1592 : vector<1x1x16xf32> to vector<16xf32>
        %add3A_1594 = arith.addf %add3A_1583, %get3A_1593 : vector<16xf32>
        %mul3A_1595 = arith.constant 16 : i32
        %mul3A_1596 = arith.muli %scan3A_217, %mul3A_1595 : i32
        %add3A_1597 = arith.constant 11 : i32
        %add3A_1598 = arith.addi %mul3A_1596, %add3A_1597 : i32
        %get3A_1599 = arith.constant 1 : i32
        %get3A_1600 = arith.index_cast %get3A_1599 : i32 to index
        %get3A_1601 = arith.index_cast %add3A_1598 : i32 to index
        %get3A_1602 = arith.constant 112 : index
        %get3A_1603 = tpu.vector_load %arg11[%get3A_1600, %get3A_1601, %get3A_1602] {strides = array<i32>} : memref<2x256x128xf32, #tpu.memory_space<vmem>>, vector<1x1x16xf32>,
        %get3A_1604 = vector.shape_cast %get3A_1603 : vector<1x1x16xf32> to vector<16xf32>
        %add3A_1605 = arith.addf %add3A_1594, %get3A_1604 : vector<16xf32>
        %mul3A_1606 = arith.constant 16 : i32
        %mul3A_1607 = arith.muli %scan3A_217, %mul3A_1606 : i32
        %add3A_1608 = arith.constant 12 : i32
        %add3A_1609 = arith.addi %mul3A_1607, %add3A_1608 : i32
        %get3A_1610 = arith.constant 1 : i32
        %get3A_1611 = arith.index_cast %get3A_1610 : i32 to index
        %get3A_1612 = arith.index_cast %add3A_1609 : i32 to index
        %get3A_1613 = arith.constant 112 : index
        %get3A_1614 = tpu.vector_load %arg11[%get3A_1611, %get3A_1612, %get3A_1613] {strides = array<i32>} : memref<2x256x128xf32, #tpu.memory_space<vmem>>, vector<1x1x16xf32>,
        %get3A_1615 = vector.shape_cast %get3A_1614 : vector<1x1x16xf32> to vector<16xf32>
        %add3A_1616 = arith.addf %add3A_1605, %get3A_1615 : vector<16xf32>
        %mul3A_1617 = arith.constant 16 : i32
        %mul3A_1618 = arith.muli %scan3A_217, %mul3A_1617 : i32
        %add3A_1619 = arith.constant 13 : i32
        %add3A_1620 = arith.addi %mul3A_1618, %add3A_1619 : i32
        %get3A_1621 = arith.constant 1 : i32
        %get3A_1622 = arith.index_cast %get3A_1621 : i32 to index
        %get3A_1623 = arith.index_cast %add3A_1620 : i32 to index
        %get3A_1624 = arith.constant 112 : index
        %get3A_1625 = tpu.vector_load %arg11[%get3A_1622, %get3A_1623, %get3A_1624] {strides = array<i32>} : memref<2x256x128xf32, #tpu.memory_space<vmem>>, vector<1x1x16xf32>,
        %get3A_1626 = vector.shape_cast %get3A_1625 : vector<1x1x16xf32> to vector<16xf32>
        %add3A_1627 = arith.addf %add3A_1616, %get3A_1626 : vector<16xf32>
        %mul3A_1628 = arith.constant 16 : i32
        %mul3A_1629 = arith.muli %scan3A_217, %mul3A_1628 : i32
        %add3A_1630 = arith.constant 14 : i32
        %add3A_1631 = arith.addi %mul3A_1629, %add3A_1630 : i32
        %get3A_1632 = arith.constant 1 : i32
        %get3A_1633 = arith.index_cast %get3A_1632 : i32 to index
        %get3A_1634 = arith.index_cast %add3A_1631 : i32 to index
        %get3A_1635 = arith.constant 112 : index
        %get3A_1636 = tpu.vector_load %arg11[%get3A_1633, %get3A_1634, %get3A_1635] {strides = array<i32>} : memref<2x256x128xf32, #tpu.memory_space<vmem>>, vector<1x1x16xf32>,
        %get3A_1637 = vector.shape_cast %get3A_1636 : vector<1x1x16xf32> to vector<16xf32>
        %add3A_1638 = arith.addf %add3A_1627, %get3A_1637 : vector<16xf32>
        %mul3A_1639 = arith.constant 16 : i32
        %mul3A_1640 = arith.muli %scan3A_217, %mul3A_1639 : i32
        %add3A_1641 = arith.constant 15 : i32
        %add3A_1642 = arith.addi %mul3A_1640, %add3A_1641 : i32
        %get3A_1643 = arith.constant 1 : i32
        %get3A_1644 = arith.index_cast %get3A_1643 : i32 to index
        %get3A_1645 = arith.index_cast %add3A_1642 : i32 to index
        %get3A_1646 = arith.constant 112 : index
        %get3A_1647 = tpu.vector_load %arg11[%get3A_1644, %get3A_1645, %get3A_1646] {strides = array<i32>} : memref<2x256x128xf32, #tpu.memory_space<vmem>>, vector<1x1x16xf32>,
        %get3A_1648 = vector.shape_cast %get3A_1647 : vector<1x1x16xf32> to vector<16xf32>
        %add3A_1649 = arith.addf %add3A_1638, %get3A_1648 : vector<16xf32>
        %swap3A_1650 = arith.constant 1 : i32
        %swap3A_1651 = arith.index_cast %swap3A_1650 : i32 to index
        %swap3A_1652 = arith.index_cast %scan3A_217 : i32 to index
        %swap3A_1653 = arith.constant 112 : index
        %swap3A_1654 = tpu.vector_load %arg12[%swap3A_1651, %swap3A_1652, %swap3A_1653] {strides = array<i32>} : memref<2x16x128xf32, #tpu.memory_space<vmem>>, vector<1x1x16xf32>,
        %swap3A_1655 = vector.shape_cast %swap3A_1654 : vector<1x1x16xf32> to vector<16xf32>
        %swap3A_1656 = vector.shape_cast %add3A_1649 : vector<16xf32> to vector<1x1x16xf32>
        tpu.vector_store %arg12[%swap3A_1651, %swap3A_1652, %swap3A_1653], %swap3A_1656 {strides = array<i32>} : memref<2x16x128xf32, #tpu.memory_space<vmem>>, vector<1x1x16xf32>,
        %scan3A_1657 = arith.constant 0 : i32
        scf.yield %scan3A_1657 : i32
      }
      %scan3A_199 = arith.constant 16 : i32
      %mul3A_200 = arith.constant 16 : i32
      %mul3A_201 = arith.muli %add3A_150, %mul3A_200 : i32
      %add3A_202 = arith.addi %mul3A_2, %mul3A_201 : i32
      %dma_start3A_203 = arith.constant 1 : i32
      %dma_start3A_204 = arith.constant 0 : i32
      %dma_start3A_205 = arith.constant 0 : i32
      %dma_start3A_206 = tpu.memref_slice %arg12[%dma_start3A_203, %dma_start3A_204, %dma_start3A_205] : memref<2x16x128xf32, #tpu.memory_space<vmem>> -> memref<1x16x128xf32, #tpu.memory_space<vmem>>
      %dma_start3A_207 = tpu.memref_squeeze %dma_start3A_206 : memref<1x16x128xf32, #tpu.memory_space<vmem>> -> memref<16x128xf32, #tpu.memory_space<vmem>>
      %dma_start3A_208 = arith.constant 0 : i32
      %dma_start3A_209 = tpu.memref_slice %arg7[%add3A_202, %dma_start3A_208] : memref<51200x128xf32, #tpu.memory_space<hbm>> -> memref<16x128xf32, #tpu.memory_space<hbm>>
      %dma_start3A_210 = arith.constant 0 : i32
      %dma_start3A_211 = tpu.memref_slice %arg7[%add3A_202, %dma_start3A_210] : memref<51200x128xf32, #tpu.memory_space<hbm>> -> memref<16x128xf32, #tpu.memory_space<hbm>>
      %dma_start3A_212 = arith.constant 0 : i32
      %dma_start3A_213 = arith.constant 0 : i32
      %dma_start3A_214 = tpu.memref_slice %arg12[%dma_start3A_203, %dma_start3A_212, %dma_start3A_213] : memref<2x16x128xf32, #tpu.memory_space<vmem>> -> memref<1x16x128xf32, #tpu.memory_space<vmem>>
      %dma_start3A_215 = tpu.memref_squeeze %dma_start3A_214 : memref<1x16x128xf32, #tpu.memory_space<vmem>> -> memref<16x128xf32, #tpu.memory_space<vmem>>
      tpu.enqueue_dma source(%dma_start3A_215 : memref<16x128xf32, #tpu.memory_space<vmem>>) target(%dma_start3A_211 : memref<16x128xf32, #tpu.memory_space<hbm>>) target_semaphore(%arg16 : memref<!tpu.dma_semaphore, #tpu.memory_space<semaphore_mem>>)
      %scan3A_216 = arith.constant 0 : i32
      scf.yield %scan3A_216 : i32
    }
    %scan3A_50 = arith.constant 50 : i32
    %add3A_51 = arith.constant 1568 : i32
    %add3A_52 = arith.addi %mul3A_2, %add3A_51 : i32
    %dma_wait3A = arith.constant 0 : i32
    %dma_wait3A_53 = arith.constant 0 : i32
    %dma_wait3A_54 = arith.constant 0 : i32
    %dma_wait3A_55 = tpu.memref_slice %arg12[%dma_wait3A, %dma_wait3A_53, %dma_wait3A_54] : memref<2x16x128xf32, #tpu.memory_space<vmem>> -> memref<1x16x128xf32, #tpu.memory_space<vmem>>
    %dma_wait3A_56 = tpu.memref_squeeze %dma_wait3A_55 : memref<1x16x128xf32, #tpu.memory_space<vmem>> -> memref<16x128xf32, #tpu.memory_space<vmem>>
    %dma_wait3A_57 = arith.constant 0 : i32
    %dma_wait3A_58 = tpu.memref_slice %arg7[%add3A_52, %dma_wait3A_57] : memref<51200x128xf32, #tpu.memory_space<hbm>> -> memref<16x128xf32, #tpu.memory_space<hbm>>
    %dma_wait3A_59 = arith.constant 0 : i32
    %dma_wait3A_60 = tpu.memref_slice %arg7[%add3A_52, %dma_wait3A_59] : memref<51200x128xf32, #tpu.memory_space<hbm>> -> memref<16x128xf32, #tpu.memory_space<hbm>>
    %dma_wait3A_61 = arith.constant 0 : i32
    %dma_wait3A_62 = arith.constant 0 : i32
    %dma_wait3A_63 = tpu.memref_slice %arg12[%dma_wait3A, %dma_wait3A_61, %dma_wait3A_62] : memref<2x16x128xf32, #tpu.memory_space<vmem>> -> memref<1x16x128xf32, #tpu.memory_space<vmem>>
    %dma_wait3A_64 = tpu.memref_squeeze %dma_wait3A_63 : memref<1x16x128xf32, #tpu.memory_space<vmem>> -> memref<16x128xf32, #tpu.memory_space<vmem>>
    tpu.wait_dma2 semaphore(%arg15 : memref<!tpu.dma_semaphore, #tpu.memory_space<semaphore_mem>>) src(%dma_wait3A_64 : memref<16x128xf32, #tpu.memory_space<vmem>>) dst(%dma_wait3A_60 : memref<16x128xf32, #tpu.memory_space<hbm>>)
    %add3A_65 = arith.constant 1584 : i32
    %add3A_66 = arith.addi %mul3A_2, %add3A_65 : i32
    %dma_wait3A_67 = arith.constant 1 : i32
    %dma_wait3A_68 = arith.constant 0 : i32
    %dma_wait3A_69 = arith.constant 0 : i32
    %dma_wait3A_70 = tpu.memref_slice %arg12[%dma_wait3A_67, %dma_wait3A_68, %dma_wait3A_69] : memref<2x16x128xf32, #tpu.memory_space<vmem>> -> memref<1x16x128xf32, #tpu.memory_space<vmem>>
    %dma_wait3A_71 = tpu.memref_squeeze %dma_wait3A_70 : memref<1x16x128xf32, #tpu.memory_space<vmem>> -> memref<16x128xf32, #tpu.memory_space<vmem>>
    %dma_wait3A_72 = arith.constant 0 : i32
    %dma_wait3A_73 = tpu.memref_slice %arg7[%add3A_66, %dma_wait3A_72] : memref<51200x128xf32, #tpu.memory_space<hbm>> -> memref<16x128xf32, #tpu.memory_space<hbm>>
    %dma_wait3A_74 = arith.constant 0 : i32
    %dma_wait3A_75 = tpu.memref_slice %arg7[%add3A_66, %dma_wait3A_74] : memref<51200x128xf32, #tpu.memory_space<hbm>> -> memref<16x128xf32, #tpu.memory_space<hbm>>
    %dma_wait3A_76 = arith.constant 0 : i32
    %dma_wait3A_77 = arith.constant 0 : i32
    %dma_wait3A_78 = tpu.memref_slice %arg12[%dma_wait3A_67, %dma_wait3A_76, %dma_wait3A_77] : memref<2x16x128xf32, #tpu.memory_space<vmem>> -> memref<1x16x128xf32, #tpu.memory_space<vmem>>
    %dma_wait3A_79 = tpu.memref_squeeze %dma_wait3A_78 : memref<1x16x128xf32, #tpu.memory_space<vmem>> -> memref<16x128xf32, #tpu.memory_space<vmem>>
    tpu.wait_dma2 semaphore(%arg16 : memref<!tpu.dma_semaphore, #tpu.memory_space<semaphore_mem>>) src(%dma_wait3A_79 : memref<16x128xf32, #tpu.memory_space<vmem>>) dst(%dma_wait3A_75 : memref<16x128xf32, #tpu.memory_space<hbm>>)
    return
  }
}

module attributes {stable_mosaic.version = 14 : i64} {
  func.func @_cp_body(%arg0: memref<1000x64xf32, #tpu.memory_space<vmem>>, %arg1: memref<16x64x128xf32, #tpu.memory_space<vmem>>, %arg2: memref<16000x128xf32, #tpu.memory_space<vmem>>) attributes {dimension_semantics = [], scalar_prefetch = 0 : i64, scratch_operands = 0 : i64, tpu.core_type = #tpu.core_type<tc>} {
    %get3A = arith.constant 0 : index
    %get3A_0 = arith.constant 0 : index
    %get3A_1 = vector.load %arg0[%get3A, %get3A_0] : memref<1000x64xf32, #tpu.memory_space<vmem>>, vector<1000x64xf32>
    %get3A_2 = arith.constant 0 : index
    %get3A_3 = arith.constant 0 : index
    %get3A_4 = arith.constant 0 : index
    %get3A_5 = vector.load %arg1[%get3A_2, %get3A_3, %get3A_4] : memref<16x64x128xf32, #tpu.memory_space<vmem>>, vector<1x64x128xf32>
    %get3A_6 = vector.shape_cast %get3A_5 : vector<1x64x128xf32> to vector<64x128xf32>
    %dot_general3A = arith.constant dense<0.000000e+00> : vector<1000x128xf32>
    %dot_general3A_7 = tpu.matmul %get3A_1, %get3A_6, %dot_general3A {dimension_numbers = #tpu.dot_dimension_numbers<[1], [0], [0], [1], [0, 0, 1, 1], [], []>, transpose_lhs_hint = false} : vector<1000x64xf32>, vector<64x128xf32>, vector<1000x128xf32> -> vector<1000x128xf32>
    %swap3A = arith.constant 0 : index
    %swap3A_8 = arith.constant 0 : index
    %swap3A_9 = vector.load %arg2[%swap3A, %swap3A_8] : memref<16000x128xf32, #tpu.memory_space<vmem>>, vector<1000x128xf32>
    tpu.vector_store %arg2[%swap3A, %swap3A_8], %dot_general3A_7 {strides = array<i32>} : memref<16000x128xf32, #tpu.memory_space<vmem>>, vector<1000x128xf32>,
    %get3A_10 = arith.constant 1 : index
    %get3A_11 = arith.constant 0 : index
    %get3A_12 = arith.constant 0 : index
    %get3A_13 = vector.load %arg1[%get3A_10, %get3A_11, %get3A_12] : memref<16x64x128xf32, #tpu.memory_space<vmem>>, vector<1x64x128xf32>
    %get3A_14 = vector.shape_cast %get3A_13 : vector<1x64x128xf32> to vector<64x128xf32>
    %dot_general3A_15 = arith.constant dense<0.000000e+00> : vector<1000x128xf32>
    %dot_general3A_16 = tpu.matmul %get3A_1, %get3A_14, %dot_general3A_15 {dimension_numbers = #tpu.dot_dimension_numbers<[1], [0], [0], [1], [0, 0, 1, 1], [], []>, transpose_lhs_hint = false} : vector<1000x64xf32>, vector<64x128xf32>, vector<1000x128xf32> -> vector<1000x128xf32>
    %swap3A_17 = arith.constant 1000 : index
    %swap3A_18 = arith.constant 0 : index
    %swap3A_19 = vector.load %arg2[%swap3A_17, %swap3A_18] : memref<16000x128xf32, #tpu.memory_space<vmem>>, vector<1000x128xf32>
    tpu.vector_store %arg2[%swap3A_17, %swap3A_18], %dot_general3A_16 {strides = array<i32>} : memref<16000x128xf32, #tpu.memory_space<vmem>>, vector<1000x128xf32>,
    %get3A_20 = arith.constant 2 : index
    %get3A_21 = arith.constant 0 : index
    %get3A_22 = arith.constant 0 : index
    %get3A_23 = vector.load %arg1[%get3A_20, %get3A_21, %get3A_22] : memref<16x64x128xf32, #tpu.memory_space<vmem>>, vector<1x64x128xf32>
    %get3A_24 = vector.shape_cast %get3A_23 : vector<1x64x128xf32> to vector<64x128xf32>
    %dot_general3A_25 = arith.constant dense<0.000000e+00> : vector<1000x128xf32>
    %dot_general3A_26 = tpu.matmul %get3A_1, %get3A_24, %dot_general3A_25 {dimension_numbers = #tpu.dot_dimension_numbers<[1], [0], [0], [1], [0, 0, 1, 1], [], []>, transpose_lhs_hint = false} : vector<1000x64xf32>, vector<64x128xf32>, vector<1000x128xf32> -> vector<1000x128xf32>
    %swap3A_27 = arith.constant 2000 : index
    %swap3A_28 = arith.constant 0 : index
    %swap3A_29 = vector.load %arg2[%swap3A_27, %swap3A_28] : memref<16000x128xf32, #tpu.memory_space<vmem>>, vector<1000x128xf32>
    tpu.vector_store %arg2[%swap3A_27, %swap3A_28], %dot_general3A_26 {strides = array<i32>} : memref<16000x128xf32, #tpu.memory_space<vmem>>, vector<1000x128xf32>,
    %get3A_30 = arith.constant 3 : index
    %get3A_31 = arith.constant 0 : index
    %get3A_32 = arith.constant 0 : index
    %get3A_33 = vector.load %arg1[%get3A_30, %get3A_31, %get3A_32] : memref<16x64x128xf32, #tpu.memory_space<vmem>>, vector<1x64x128xf32>
    %get3A_34 = vector.shape_cast %get3A_33 : vector<1x64x128xf32> to vector<64x128xf32>
    %dot_general3A_35 = arith.constant dense<0.000000e+00> : vector<1000x128xf32>
    %dot_general3A_36 = tpu.matmul %get3A_1, %get3A_34, %dot_general3A_35 {dimension_numbers = #tpu.dot_dimension_numbers<[1], [0], [0], [1], [0, 0, 1, 1], [], []>, transpose_lhs_hint = false} : vector<1000x64xf32>, vector<64x128xf32>, vector<1000x128xf32> -> vector<1000x128xf32>
    %swap3A_37 = arith.constant 3000 : index
    %swap3A_38 = arith.constant 0 : index
    %swap3A_39 = vector.load %arg2[%swap3A_37, %swap3A_38] : memref<16000x128xf32, #tpu.memory_space<vmem>>, vector<1000x128xf32>
    tpu.vector_store %arg2[%swap3A_37, %swap3A_38], %dot_general3A_36 {strides = array<i32>} : memref<16000x128xf32, #tpu.memory_space<vmem>>, vector<1000x128xf32>,
    %get3A_40 = arith.constant 4 : index
    %get3A_41 = arith.constant 0 : index
    %get3A_42 = arith.constant 0 : index
    %get3A_43 = vector.load %arg1[%get3A_40, %get3A_41, %get3A_42] : memref<16x64x128xf32, #tpu.memory_space<vmem>>, vector<1x64x128xf32>
    %get3A_44 = vector.shape_cast %get3A_43 : vector<1x64x128xf32> to vector<64x128xf32>
    %dot_general3A_45 = arith.constant dense<0.000000e+00> : vector<1000x128xf32>
    %dot_general3A_46 = tpu.matmul %get3A_1, %get3A_44, %dot_general3A_45 {dimension_numbers = #tpu.dot_dimension_numbers<[1], [0], [0], [1], [0, 0, 1, 1], [], []>, transpose_lhs_hint = false} : vector<1000x64xf32>, vector<64x128xf32>, vector<1000x128xf32> -> vector<1000x128xf32>
    %swap3A_47 = arith.constant 4000 : index
    %swap3A_48 = arith.constant 0 : index
    %swap3A_49 = vector.load %arg2[%swap3A_47, %swap3A_48] : memref<16000x128xf32, #tpu.memory_space<vmem>>, vector<1000x128xf32>
    tpu.vector_store %arg2[%swap3A_47, %swap3A_48], %dot_general3A_46 {strides = array<i32>} : memref<16000x128xf32, #tpu.memory_space<vmem>>, vector<1000x128xf32>,
    %get3A_50 = arith.constant 5 : index
    %get3A_51 = arith.constant 0 : index
    %get3A_52 = arith.constant 0 : index
    %get3A_53 = vector.load %arg1[%get3A_50, %get3A_51, %get3A_52] : memref<16x64x128xf32, #tpu.memory_space<vmem>>, vector<1x64x128xf32>
    %get3A_54 = vector.shape_cast %get3A_53 : vector<1x64x128xf32> to vector<64x128xf32>
    %dot_general3A_55 = arith.constant dense<0.000000e+00> : vector<1000x128xf32>
    %dot_general3A_56 = tpu.matmul %get3A_1, %get3A_54, %dot_general3A_55 {dimension_numbers = #tpu.dot_dimension_numbers<[1], [0], [0], [1], [0, 0, 1, 1], [], []>, transpose_lhs_hint = false} : vector<1000x64xf32>, vector<64x128xf32>, vector<1000x128xf32> -> vector<1000x128xf32>
    %swap3A_57 = arith.constant 5000 : index
    %swap3A_58 = arith.constant 0 : index
    %swap3A_59 = vector.load %arg2[%swap3A_57, %swap3A_58] : memref<16000x128xf32, #tpu.memory_space<vmem>>, vector<1000x128xf32>
    tpu.vector_store %arg2[%swap3A_57, %swap3A_58], %dot_general3A_56 {strides = array<i32>} : memref<16000x128xf32, #tpu.memory_space<vmem>>, vector<1000x128xf32>,
    %get3A_60 = arith.constant 6 : index
    %get3A_61 = arith.constant 0 : index
    %get3A_62 = arith.constant 0 : index
    %get3A_63 = vector.load %arg1[%get3A_60, %get3A_61, %get3A_62] : memref<16x64x128xf32, #tpu.memory_space<vmem>>, vector<1x64x128xf32>
    %get3A_64 = vector.shape_cast %get3A_63 : vector<1x64x128xf32> to vector<64x128xf32>
    %dot_general3A_65 = arith.constant dense<0.000000e+00> : vector<1000x128xf32>
    %dot_general3A_66 = tpu.matmul %get3A_1, %get3A_64, %dot_general3A_65 {dimension_numbers = #tpu.dot_dimension_numbers<[1], [0], [0], [1], [0, 0, 1, 1], [], []>, transpose_lhs_hint = false} : vector<1000x64xf32>, vector<64x128xf32>, vector<1000x128xf32> -> vector<1000x128xf32>
    %swap3A_67 = arith.constant 6000 : index
    %swap3A_68 = arith.constant 0 : index
    %swap3A_69 = vector.load %arg2[%swap3A_67, %swap3A_68] : memref<16000x128xf32, #tpu.memory_space<vmem>>, vector<1000x128xf32>
    tpu.vector_store %arg2[%swap3A_67, %swap3A_68], %dot_general3A_66 {strides = array<i32>} : memref<16000x128xf32, #tpu.memory_space<vmem>>, vector<1000x128xf32>,
    %get3A_70 = arith.constant 7 : index
    %get3A_71 = arith.constant 0 : index
    %get3A_72 = arith.constant 0 : index
    %get3A_73 = vector.load %arg1[%get3A_70, %get3A_71, %get3A_72] : memref<16x64x128xf32, #tpu.memory_space<vmem>>, vector<1x64x128xf32>
    %get3A_74 = vector.shape_cast %get3A_73 : vector<1x64x128xf32> to vector<64x128xf32>
    %dot_general3A_75 = arith.constant dense<0.000000e+00> : vector<1000x128xf32>
    %dot_general3A_76 = tpu.matmul %get3A_1, %get3A_74, %dot_general3A_75 {dimension_numbers = #tpu.dot_dimension_numbers<[1], [0], [0], [1], [0, 0, 1, 1], [], []>, transpose_lhs_hint = false} : vector<1000x64xf32>, vector<64x128xf32>, vector<1000x128xf32> -> vector<1000x128xf32>
    %swap3A_77 = arith.constant 7000 : index
    %swap3A_78 = arith.constant 0 : index
    %swap3A_79 = vector.load %arg2[%swap3A_77, %swap3A_78] : memref<16000x128xf32, #tpu.memory_space<vmem>>, vector<1000x128xf32>
    tpu.vector_store %arg2[%swap3A_77, %swap3A_78], %dot_general3A_76 {strides = array<i32>} : memref<16000x128xf32, #tpu.memory_space<vmem>>, vector<1000x128xf32>,
    %get3A_80 = arith.constant 8 : index
    %get3A_81 = arith.constant 0 : index
    %get3A_82 = arith.constant 0 : index
    %get3A_83 = vector.load %arg1[%get3A_80, %get3A_81, %get3A_82] : memref<16x64x128xf32, #tpu.memory_space<vmem>>, vector<1x64x128xf32>
    %get3A_84 = vector.shape_cast %get3A_83 : vector<1x64x128xf32> to vector<64x128xf32>
    %dot_general3A_85 = arith.constant dense<0.000000e+00> : vector<1000x128xf32>
    %dot_general3A_86 = tpu.matmul %get3A_1, %get3A_84, %dot_general3A_85 {dimension_numbers = #tpu.dot_dimension_numbers<[1], [0], [0], [1], [0, 0, 1, 1], [], []>, transpose_lhs_hint = false} : vector<1000x64xf32>, vector<64x128xf32>, vector<1000x128xf32> -> vector<1000x128xf32>
    %swap3A_87 = arith.constant 8000 : index
    %swap3A_88 = arith.constant 0 : index
    %swap3A_89 = vector.load %arg2[%swap3A_87, %swap3A_88] : memref<16000x128xf32, #tpu.memory_space<vmem>>, vector<1000x128xf32>
    tpu.vector_store %arg2[%swap3A_87, %swap3A_88], %dot_general3A_86 {strides = array<i32>} : memref<16000x128xf32, #tpu.memory_space<vmem>>, vector<1000x128xf32>,
    %get3A_90 = arith.constant 9 : index
    %get3A_91 = arith.constant 0 : index
    %get3A_92 = arith.constant 0 : index
    %get3A_93 = vector.load %arg1[%get3A_90, %get3A_91, %get3A_92] : memref<16x64x128xf32, #tpu.memory_space<vmem>>, vector<1x64x128xf32>
    %get3A_94 = vector.shape_cast %get3A_93 : vector<1x64x128xf32> to vector<64x128xf32>
    %dot_general3A_95 = arith.constant dense<0.000000e+00> : vector<1000x128xf32>
    %dot_general3A_96 = tpu.matmul %get3A_1, %get3A_94, %dot_general3A_95 {dimension_numbers = #tpu.dot_dimension_numbers<[1], [0], [0], [1], [0, 0, 1, 1], [], []>, transpose_lhs_hint = false} : vector<1000x64xf32>, vector<64x128xf32>, vector<1000x128xf32> -> vector<1000x128xf32>
    %swap3A_97 = arith.constant 9000 : index
    %swap3A_98 = arith.constant 0 : index
    %swap3A_99 = vector.load %arg2[%swap3A_97, %swap3A_98] : memref<16000x128xf32, #tpu.memory_space<vmem>>, vector<1000x128xf32>
    tpu.vector_store %arg2[%swap3A_97, %swap3A_98], %dot_general3A_96 {strides = array<i32>} : memref<16000x128xf32, #tpu.memory_space<vmem>>, vector<1000x128xf32>,
    %get3A_100 = arith.constant 10 : index
    %get3A_101 = arith.constant 0 : index
    %get3A_102 = arith.constant 0 : index
    %get3A_103 = vector.load %arg1[%get3A_100, %get3A_101, %get3A_102] : memref<16x64x128xf32, #tpu.memory_space<vmem>>, vector<1x64x128xf32>
    %get3A_104 = vector.shape_cast %get3A_103 : vector<1x64x128xf32> to vector<64x128xf32>
    %dot_general3A_105 = arith.constant dense<0.000000e+00> : vector<1000x128xf32>
    %dot_general3A_106 = tpu.matmul %get3A_1, %get3A_104, %dot_general3A_105 {dimension_numbers = #tpu.dot_dimension_numbers<[1], [0], [0], [1], [0, 0, 1, 1], [], []>, transpose_lhs_hint = false} : vector<1000x64xf32>, vector<64x128xf32>, vector<1000x128xf32> -> vector<1000x128xf32>
    %swap3A_107 = arith.constant 10000 : index
    %swap3A_108 = arith.constant 0 : index
    %swap3A_109 = vector.load %arg2[%swap3A_107, %swap3A_108] : memref<16000x128xf32, #tpu.memory_space<vmem>>, vector<1000x128xf32>
    tpu.vector_store %arg2[%swap3A_107, %swap3A_108], %dot_general3A_106 {strides = array<i32>} : memref<16000x128xf32, #tpu.memory_space<vmem>>, vector<1000x128xf32>,
    %get3A_110 = arith.constant 11 : index
    %get3A_111 = arith.constant 0 : index
    %get3A_112 = arith.constant 0 : index
    %get3A_113 = vector.load %arg1[%get3A_110, %get3A_111, %get3A_112] : memref<16x64x128xf32, #tpu.memory_space<vmem>>, vector<1x64x128xf32>
    %get3A_114 = vector.shape_cast %get3A_113 : vector<1x64x128xf32> to vector<64x128xf32>
    %dot_general3A_115 = arith.constant dense<0.000000e+00> : vector<1000x128xf32>
    %dot_general3A_116 = tpu.matmul %get3A_1, %get3A_114, %dot_general3A_115 {dimension_numbers = #tpu.dot_dimension_numbers<[1], [0], [0], [1], [0, 0, 1, 1], [], []>, transpose_lhs_hint = false} : vector<1000x64xf32>, vector<64x128xf32>, vector<1000x128xf32> -> vector<1000x128xf32>
    %swap3A_117 = arith.constant 11000 : index
    %swap3A_118 = arith.constant 0 : index
    %swap3A_119 = vector.load %arg2[%swap3A_117, %swap3A_118] : memref<16000x128xf32, #tpu.memory_space<vmem>>, vector<1000x128xf32>
    tpu.vector_store %arg2[%swap3A_117, %swap3A_118], %dot_general3A_116 {strides = array<i32>} : memref<16000x128xf32, #tpu.memory_space<vmem>>, vector<1000x128xf32>,
    %get3A_120 = arith.constant 12 : index
    %get3A_121 = arith.constant 0 : index
    %get3A_122 = arith.constant 0 : index
    %get3A_123 = vector.load %arg1[%get3A_120, %get3A_121, %get3A_122] : memref<16x64x128xf32, #tpu.memory_space<vmem>>, vector<1x64x128xf32>
    %get3A_124 = vector.shape_cast %get3A_123 : vector<1x64x128xf32> to vector<64x128xf32>
    %dot_general3A_125 = arith.constant dense<0.000000e+00> : vector<1000x128xf32>
    %dot_general3A_126 = tpu.matmul %get3A_1, %get3A_124, %dot_general3A_125 {dimension_numbers = #tpu.dot_dimension_numbers<[1], [0], [0], [1], [0, 0, 1, 1], [], []>, transpose_lhs_hint = false} : vector<1000x64xf32>, vector<64x128xf32>, vector<1000x128xf32> -> vector<1000x128xf32>
    %swap3A_127 = arith.constant 12000 : index
    %swap3A_128 = arith.constant 0 : index
    %swap3A_129 = vector.load %arg2[%swap3A_127, %swap3A_128] : memref<16000x128xf32, #tpu.memory_space<vmem>>, vector<1000x128xf32>
    tpu.vector_store %arg2[%swap3A_127, %swap3A_128], %dot_general3A_126 {strides = array<i32>} : memref<16000x128xf32, #tpu.memory_space<vmem>>, vector<1000x128xf32>,
    %get3A_130 = arith.constant 13 : index
    %get3A_131 = arith.constant 0 : index
    %get3A_132 = arith.constant 0 : index
    %get3A_133 = vector.load %arg1[%get3A_130, %get3A_131, %get3A_132] : memref<16x64x128xf32, #tpu.memory_space<vmem>>, vector<1x64x128xf32>
    %get3A_134 = vector.shape_cast %get3A_133 : vector<1x64x128xf32> to vector<64x128xf32>
    %dot_general3A_135 = arith.constant dense<0.000000e+00> : vector<1000x128xf32>
    %dot_general3A_136 = tpu.matmul %get3A_1, %get3A_134, %dot_general3A_135 {dimension_numbers = #tpu.dot_dimension_numbers<[1], [0], [0], [1], [0, 0, 1, 1], [], []>, transpose_lhs_hint = false} : vector<1000x64xf32>, vector<64x128xf32>, vector<1000x128xf32> -> vector<1000x128xf32>
    %swap3A_137 = arith.constant 13000 : index
    %swap3A_138 = arith.constant 0 : index
    %swap3A_139 = vector.load %arg2[%swap3A_137, %swap3A_138] : memref<16000x128xf32, #tpu.memory_space<vmem>>, vector<1000x128xf32>
    tpu.vector_store %arg2[%swap3A_137, %swap3A_138], %dot_general3A_136 {strides = array<i32>} : memref<16000x128xf32, #tpu.memory_space<vmem>>, vector<1000x128xf32>,
    %get3A_140 = arith.constant 14 : index
    %get3A_141 = arith.constant 0 : index
    %get3A_142 = arith.constant 0 : index
    %get3A_143 = vector.load %arg1[%get3A_140, %get3A_141, %get3A_142] : memref<16x64x128xf32, #tpu.memory_space<vmem>>, vector<1x64x128xf32>
    %get3A_144 = vector.shape_cast %get3A_143 : vector<1x64x128xf32> to vector<64x128xf32>
    %dot_general3A_145 = arith.constant dense<0.000000e+00> : vector<1000x128xf32>
    %dot_general3A_146 = tpu.matmul %get3A_1, %get3A_144, %dot_general3A_145 {dimension_numbers = #tpu.dot_dimension_numbers<[1], [0], [0], [1], [0, 0, 1, 1], [], []>, transpose_lhs_hint = false} : vector<1000x64xf32>, vector<64x128xf32>, vector<1000x128xf32> -> vector<1000x128xf32>
    %swap3A_147 = arith.constant 14000 : index
    %swap3A_148 = arith.constant 0 : index
    %swap3A_149 = vector.load %arg2[%swap3A_147, %swap3A_148] : memref<16000x128xf32, #tpu.memory_space<vmem>>, vector<1000x128xf32>
    tpu.vector_store %arg2[%swap3A_147, %swap3A_148], %dot_general3A_146 {strides = array<i32>} : memref<16000x128xf32, #tpu.memory_space<vmem>>, vector<1000x128xf32>,
    %get3A_150 = arith.constant 15 : index
    %get3A_151 = arith.constant 0 : index
    %get3A_152 = arith.constant 0 : index
    %get3A_153 = vector.load %arg1[%get3A_150, %get3A_151, %get3A_152] : memref<16x64x128xf32, #tpu.memory_space<vmem>>, vector<1x64x128xf32>
    %get3A_154 = vector.shape_cast %get3A_153 : vector<1x64x128xf32> to vector<64x128xf32>
    %dot_general3A_155 = arith.constant dense<0.000000e+00> : vector<1000x128xf32>
    %dot_general3A_156 = tpu.matmul %get3A_1, %get3A_154, %dot_general3A_155 {dimension_numbers = #tpu.dot_dimension_numbers<[1], [0], [0], [1], [0, 0, 1, 1], [], []>, transpose_lhs_hint = false} : vector<1000x64xf32>, vector<64x128xf32>, vector<1000x128xf32> -> vector<1000x128xf32>
    %swap3A_157 = arith.constant 15000 : index
    %swap3A_158 = arith.constant 0 : index
    %swap3A_159 = vector.load %arg2[%swap3A_157, %swap3A_158] : memref<16000x128xf32, #tpu.memory_space<vmem>>, vector<1000x128xf32>
    tpu.vector_store %arg2[%swap3A_157, %swap3A_158], %dot_general3A_156 {strides = array<i32>} : memref<16000x128xf32, #tpu.memory_space<vmem>>, vector<1000x128xf32>,
    return
  }
}

module attributes {stable_mosaic.version = 14 : i64} {
  func.func @_tc_body(%arg0: i32, %arg1: memref<3200x128xf32, #tpu.memory_space<vmem>>, %arg2: memref<3200x128xf32, #tpu.memory_space<vmem>>, %arg3: memref<128x128xf32, #tpu.memory_space<vmem>>, %arg4: memref<128x128xf32, #tpu.memory_space<vmem>>, %arg5: memref<1x128xf32, #tpu.memory_space<vmem>>, %arg6: memref<128x128xf32, #tpu.memory_space<vmem>>, %arg7: memref<1x128xf32, #tpu.memory_space<vmem>>, %arg8: memref<128x128xf32, #tpu.memory_space<vmem>>, %arg9: memref<1x128xf32, #tpu.memory_space<vmem>>, %arg10: memref<128x128xf32, #tpu.memory_space<vmem>>, %arg11: memref<1x128xf32, #tpu.memory_space<vmem>>, %arg12: memref<64x50x128xf32, #tpu.memory_space<vmem>>) attributes {dimension_semantics = [#tpu.dimension_semantics<arbitrary>], iteration_bounds = array<i64: 16>, scalar_prefetch = 0 : i64, scratch_operands = 0 : i64, tpu.core_type = #tpu.core_type<tc>, window_params = [{transform_indices = @transform_0, window_bounds = array<i64: 3200, 128>}, {transform_indices = @transform_1, window_bounds = array<i64: 3200, 128>}, {pipeline_mode = #tpu.pipeline_mode<synchronous>, transform_indices = @transform_2, window_bounds = array<i64: 128, 128>}, {pipeline_mode = #tpu.pipeline_mode<synchronous>, transform_indices = @transform_3, window_bounds = array<i64: 128, 128>}, {pipeline_mode = #tpu.pipeline_mode<synchronous>, transform_indices = @transform_4, window_bounds = array<i64: 1, 128>}, {pipeline_mode = #tpu.pipeline_mode<synchronous>, transform_indices = @transform_5, window_bounds = array<i64: 128, 128>}, {pipeline_mode = #tpu.pipeline_mode<synchronous>, transform_indices = @transform_6, window_bounds = array<i64: 1, 128>}, {pipeline_mode = #tpu.pipeline_mode<synchronous>, transform_indices = @transform_7, window_bounds = array<i64: 128, 128>}, {pipeline_mode = #tpu.pipeline_mode<synchronous>, transform_indices = @transform_8, window_bounds = array<i64: 1, 128>}, {pipeline_mode = #tpu.pipeline_mode<synchronous>, transform_indices = @transform_9, window_bounds = array<i64: 128, 128>}, {pipeline_mode = #tpu.pipeline_mode<synchronous>, transform_indices = @transform_10, window_bounds = array<i64: 1, 128>}, {transform_indices = @transform_11, window_bounds = array<i64: 64, 50, 128>}]} {
    %get3A = arith.constant 0 : index
    %get3A_0 = arith.constant 0 : index
    %get3A_1 = vector.load %arg1[%get3A, %get3A_0] : memref<3200x128xf32, #tpu.memory_space<vmem>>, vector<3200x128xf32>
    %get3A_2 = arith.constant 0 : index
    %get3A_3 = arith.constant 0 : index
    %get3A_4 = vector.load %arg3[%get3A_2, %get3A_3] : memref<128x128xf32, #tpu.memory_space<vmem>>, vector<128x128xf32>
    %dot_general3A = arith.constant dense<0.000000e+00> : vector<3200x128xf32>
    %dot_general3A_5 = tpu.matmul %get3A_1, %get3A_4, %dot_general3A {dimension_numbers = #tpu.dot_dimension_numbers<[1], [0], [0], [1], [0, 0, 1, 1], [], []>, transpose_lhs_hint = false} : vector<3200x128xf32>, vector<128x128xf32>, vector<3200x128xf32> -> vector<3200x128xf32>
    %get3A_6 = arith.constant 0 : index
    %get3A_7 = arith.constant 0 : index
    %get3A_8 = vector.load %arg2[%get3A_6, %get3A_7] : memref<3200x128xf32, #tpu.memory_space<vmem>>, vector<3200x128xf32>
    %add3A = arith.addf %dot_general3A_5, %get3A_8 : vector<3200x128xf32>
    %get3A_9 = arith.constant 0 : index
    %get3A_10 = arith.constant 0 : index
    %get3A_11 = vector.load %arg4[%get3A_9, %get3A_10] : memref<128x128xf32, #tpu.memory_space<vmem>>, vector<128x128xf32>
    %dot_general3A_12 = arith.constant dense<0.000000e+00> : vector<3200x128xf32>
    %dot_general3A_13 = tpu.matmul %add3A, %get3A_11, %dot_general3A_12 {dimension_numbers = #tpu.dot_dimension_numbers<[1], [0], [0], [1], [0, 0, 1, 1], [], []>, transpose_lhs_hint = false} : vector<3200x128xf32>, vector<128x128xf32>, vector<3200x128xf32> -> vector<3200x128xf32>
    %get3A_14 = arith.constant 0 : index
    %get3A_15 = arith.constant 0 : index
    %get3A_16 = vector.load %arg5[%get3A_14, %get3A_15] : memref<1x128xf32, #tpu.memory_space<vmem>>, vector<1x128xf32>
    %add3A_17 = vector.broadcast %get3A_16 : vector<1x128xf32> to vector<3200x128xf32>
    %add3A_18 = arith.addf %dot_general3A_13, %add3A_17 : vector<3200x128xf32>
    %neg3A = arith.constant 0.000000e+00 : f32
    %neg3A_19 = vector.broadcast %neg3A : f32 to vector<3200x128xf32>
    %neg3A_20 = arith.subf %neg3A_19, %add3A_18 : vector<3200x128xf32>
    %exp3A = math.exp %neg3A_20 : vector<3200x128xf32>
    %add3A_21 = arith.constant 1.000000e+00 : f32
    %add3A_22 = vector.broadcast %add3A_21 : f32 to vector<3200x128xf32>
    %add3A_23 = arith.addf %add3A_22, %exp3A : vector<3200x128xf32>
    %div3A = arith.constant 1.000000e+00 : f32
    %div3A_24 = vector.broadcast %div3A : f32 to vector<3200x128xf32>
    %div3A_25 = arith.divf %div3A_24, %add3A_23 : vector<3200x128xf32>
    %get3A_26 = arith.constant 0 : index
    %get3A_27 = arith.constant 0 : index
    %get3A_28 = vector.load %arg6[%get3A_26, %get3A_27] : memref<128x128xf32, #tpu.memory_space<vmem>>, vector<128x128xf32>
    %dot_general3A_29 = arith.constant dense<0.000000e+00> : vector<3200x128xf32>
    %dot_general3A_30 = tpu.matmul %add3A, %get3A_28, %dot_general3A_29 {dimension_numbers = #tpu.dot_dimension_numbers<[1], [0], [0], [1], [0, 0, 1, 1], [], []>, transpose_lhs_hint = false} : vector<3200x128xf32>, vector<128x128xf32>, vector<3200x128xf32> -> vector<3200x128xf32>
    %get3A_31 = arith.constant 0 : index
    %get3A_32 = arith.constant 0 : index
    %get3A_33 = vector.load %arg7[%get3A_31, %get3A_32] : memref<1x128xf32, #tpu.memory_space<vmem>>, vector<1x128xf32>
    %add3A_34 = vector.broadcast %get3A_33 : vector<1x128xf32> to vector<3200x128xf32>
    %add3A_35 = arith.addf %dot_general3A_30, %add3A_34 : vector<3200x128xf32>
    %max3A = arith.constant 0.000000e+00 : f32
    %max3A_36 = vector.broadcast %max3A : f32 to vector<3200x128xf32>
    %max3A_37 = arith.maximumf %add3A_35, %max3A_36 : vector<3200x128xf32>
    %mul3A = arith.mulf %div3A_25, %max3A_37 : vector<3200x128xf32>
    %sub3A = arith.constant 1.000000e+00 : f32
    %sub3A_38 = vector.broadcast %sub3A : f32 to vector<3200x128xf32>
    %sub3A_39 = arith.subf %sub3A_38, %div3A_25 : vector<3200x128xf32>
    %mul3A_40 = arith.mulf %sub3A_39, %add3A : vector<3200x128xf32>
    %add3A_41 = arith.addf %mul3A, %mul3A_40 : vector<3200x128xf32>
    %get3A_42 = arith.constant 0 : index
    %get3A_43 = arith.constant 0 : index
    %get3A_44 = vector.load %arg8[%get3A_42, %get3A_43] : memref<128x128xf32, #tpu.memory_space<vmem>>, vector<128x128xf32>
    %dot_general3A_45 = arith.constant dense<0.000000e+00> : vector<3200x128xf32>
    %dot_general3A_46 = tpu.matmul %add3A_41, %get3A_44, %dot_general3A_45 {dimension_numbers = #tpu.dot_dimension_numbers<[1], [0], [0], [1], [0, 0, 1, 1], [], []>, transpose_lhs_hint = false} : vector<3200x128xf32>, vector<128x128xf32>, vector<3200x128xf32> -> vector<3200x128xf32>
    %get3A_47 = arith.constant 0 : index
    %get3A_48 = arith.constant 0 : index
    %get3A_49 = vector.load %arg9[%get3A_47, %get3A_48] : memref<1x128xf32, #tpu.memory_space<vmem>>, vector<1x128xf32>
    %add3A_50 = vector.broadcast %get3A_49 : vector<1x128xf32> to vector<3200x128xf32>
    %add3A_51 = arith.addf %dot_general3A_46, %add3A_50 : vector<3200x128xf32>
    %neg3A_52 = arith.constant 0.000000e+00 : f32
    %neg3A_53 = vector.broadcast %neg3A_52 : f32 to vector<3200x128xf32>
    %neg3A_54 = arith.subf %neg3A_53, %add3A_51 : vector<3200x128xf32>
    %exp3A_55 = math.exp %neg3A_54 : vector<3200x128xf32>
    %add3A_56 = arith.constant 1.000000e+00 : f32
    %add3A_57 = vector.broadcast %add3A_56 : f32 to vector<3200x128xf32>
    %add3A_58 = arith.addf %add3A_57, %exp3A_55 : vector<3200x128xf32>
    %div3A_59 = arith.constant 1.000000e+00 : f32
    %div3A_60 = vector.broadcast %div3A_59 : f32 to vector<3200x128xf32>
    %div3A_61 = arith.divf %div3A_60, %add3A_58 : vector<3200x128xf32>
    %get3A_62 = arith.constant 0 : index
    %get3A_63 = arith.constant 0 : index
    %get3A_64 = vector.load %arg10[%get3A_62, %get3A_63] : memref<128x128xf32, #tpu.memory_space<vmem>>, vector<128x128xf32>
    %dot_general3A_65 = arith.constant dense<0.000000e+00> : vector<3200x128xf32>
    %dot_general3A_66 = tpu.matmul %add3A_41, %get3A_64, %dot_general3A_65 {dimension_numbers = #tpu.dot_dimension_numbers<[1], [0], [0], [1], [0, 0, 1, 1], [], []>, transpose_lhs_hint = false} : vector<3200x128xf32>, vector<128x128xf32>, vector<3200x128xf32> -> vector<3200x128xf32>
    %get3A_67 = arith.constant 0 : index
    %get3A_68 = arith.constant 0 : index
    %get3A_69 = vector.load %arg11[%get3A_67, %get3A_68] : memref<1x128xf32, #tpu.memory_space<vmem>>, vector<1x128xf32>
    %add3A_70 = vector.broadcast %get3A_69 : vector<1x128xf32> to vector<3200x128xf32>
    %add3A_71 = arith.addf %dot_general3A_66, %add3A_70 : vector<3200x128xf32>
    %max3A_72 = arith.constant 0.000000e+00 : f32
    %max3A_73 = vector.broadcast %max3A_72 : f32 to vector<3200x128xf32>
    %max3A_74 = arith.maximumf %add3A_71, %max3A_73 : vector<3200x128xf32>
    %mul3A_75 = arith.mulf %div3A_61, %max3A_74 : vector<3200x128xf32>
    %sub3A_76 = arith.constant 1.000000e+00 : f32
    %sub3A_77 = vector.broadcast %sub3A_76 : f32 to vector<3200x128xf32>
    %sub3A_78 = arith.subf %sub3A_77, %div3A_61 : vector<3200x128xf32>
    %mul3A_79 = arith.mulf %sub3A_78, %add3A_41 : vector<3200x128xf32>
    %add3A_80 = arith.addf %mul3A_75, %mul3A_79 : vector<3200x128xf32>
    %reshape3A = vector.shape_cast %add3A_80 : vector<3200x128xf32> to vector<64x50x128xf32>
    %swap3A = arith.constant 0 : index
    %swap3A_81 = arith.constant 0 : index
    %swap3A_82 = arith.constant 0 : index
    %swap3A_83 = vector.load %arg12[%swap3A, %swap3A_81, %swap3A_82] : memref<64x50x128xf32, #tpu.memory_space<vmem>>, vector<64x50x128xf32>
    tpu.vector_store %arg12[%swap3A, %swap3A_81, %swap3A_82], %reshape3A {strides = array<i32>} : memref<64x50x128xf32, #tpu.memory_space<vmem>>, vector<64x50x128xf32>,
    return
  }
  func.func @transform_0(%arg0: i32) -> (i32, i32) {
    %c0_i32 = arith.constant 0 : i32
    %c0_i32_0 = arith.constant 0 : i32
    return %arg0, %c0_i32 : i32, i32
  }
  func.func @transform_1(%arg0: i32) -> (i32, i32) {
    %c0_i32 = arith.constant 0 : i32
    %c0_i32_0 = arith.constant 0 : i32
    return %arg0, %c0_i32 : i32, i32
  }
  func.func @transform_2(%arg0: i32) -> (i32, i32) {
    %c0_i32 = arith.constant 0 : i32
    %c0_i32_0 = arith.constant 0 : i32
    %c0_i32_1 = arith.constant 0 : i32
    return %c0_i32, %c0_i32_0 : i32, i32
  }
  func.func @transform_3(%arg0: i32) -> (i32, i32) {
    %c0_i32 = arith.constant 0 : i32
    %c0_i32_0 = arith.constant 0 : i32
    %c0_i32_1 = arith.constant 0 : i32
    return %c0_i32, %c0_i32_0 : i32, i32
  }
  func.func @transform_4(%arg0: i32) -> (i32, i32) {
    %c0_i32 = arith.constant 0 : i32
    %c0_i32_0 = arith.constant 0 : i32
    %c0_i32_1 = arith.constant 0 : i32
    return %c0_i32, %c0_i32_0 : i32, i32
  }
  func.func @transform_5(%arg0: i32) -> (i32, i32) {
    %c0_i32 = arith.constant 0 : i32
    %c0_i32_0 = arith.constant 0 : i32
    %c0_i32_1 = arith.constant 0 : i32
    return %c0_i32, %c0_i32_0 : i32, i32
  }
  func.func @transform_6(%arg0: i32) -> (i32, i32) {
    %c0_i32 = arith.constant 0 : i32
    %c0_i32_0 = arith.constant 0 : i32
    %c0_i32_1 = arith.constant 0 : i32
    return %c0_i32, %c0_i32_0 : i32, i32
  }
  func.func @transform_7(%arg0: i32) -> (i32, i32) {
    %c0_i32 = arith.constant 0 : i32
    %c0_i32_0 = arith.constant 0 : i32
    %c0_i32_1 = arith.constant 0 : i32
    return %c0_i32, %c0_i32_0 : i32, i32
  }
  func.func @transform_8(%arg0: i32) -> (i32, i32) {
    %c0_i32 = arith.constant 0 : i32
    %c0_i32_0 = arith.constant 0 : i32
    %c0_i32_1 = arith.constant 0 : i32
    return %c0_i32, %c0_i32_0 : i32, i32
  }
  func.func @transform_9(%arg0: i32) -> (i32, i32) {
    %c0_i32 = arith.constant 0 : i32
    %c0_i32_0 = arith.constant 0 : i32
    %c0_i32_1 = arith.constant 0 : i32
    return %c0_i32, %c0_i32_0 : i32, i32
  }
  func.func @transform_10(%arg0: i32) -> (i32, i32) {
    %c0_i32 = arith.constant 0 : i32
    %c0_i32_0 = arith.constant 0 : i32
    %c0_i32_1 = arith.constant 0 : i32
    return %c0_i32, %c0_i32_0 : i32, i32
  }
  func.func @transform_11(%arg0: i32) -> (i32, i32, i32) {
    %c0_i32 = arith.constant 0 : i32
    %c0_i32_0 = arith.constant 0 : i32
    %c0_i32_1 = arith.constant 0 : i32
    return %arg0, %c0_i32, %c0_i32_0 : i32, i32, i32
  }
}

</mosaic_0001>

<sc_bundles>
// kernel: kernel.5.cloned.1.call-start
scs
__scs_entry_jumppad:
0x0: {  	(pc) =	sbr.rel $0x88, $3  }
0x1: {  	(tag) =	ssettag $0x0;
	lr =	simm.s32 $0x1  }
0x2: {  	[smem:$0x3F94] =	sst lr;
	_ =	strace $0xD0000000  }
0x3: {  	_ = 	snop  }
0x4: {  	_ = 	snop  }
0x5: {  	_ = 	snop  }
0x6: {  	_ = 	snop  }
0x7: {  	_ = 	snop  }
__scs_overlays_trampoline_lowered:
0x8: {  	[smem:$0x3FA3] =	sst s0  }
0x9: {  	[smem:$0x3FA4] =	sst s1  }
0xa: {  	[smem:$0x3FA5] =	sst s2  }
0xb: {  	[smem:$0x3FA6] =	sst s3  }
0xc: {  	[smem:$0x3FA7] =	sst s4  }
0xd: {  	[smem:$0x3FA8] =	sst s5  }
0xe: {  	[smem:$0x3FA9] =	sst s6  }
0xf: {  	[smem:$0x3FAA] =	sst s7  }
0x10: {  	[smem:$0x3FAB] =	sst s8  }
0x11: {  	[smem:$0x3FAC] =	sst s9;
	s0 =	simm.s32 @!p0 $0x0  }
0x12: {  	s1 =	sld [smem:$0x3F92];
	s0 =	simm.s32 @p0 $0x1  }
0x13: {  	[smem:$0x3FAD] =	sst s0;
	s0 =	simm.s32 @!p1 $0x0  }
0x14: {  	s2 =	sld [smem:$0x3F91];
	s0 =	simm.s32 @p1 $0x1  }
0x15: {  	[smem:$0x3FAE] =	sst s0;
	s0 =	simm.s32 @!p2 $0x0  }
0x16: {  	s3 =	sld [smem:$0x3FDB];
	s0 =	simm.s32 @p2 $0x1  }
0x17: {  	s4 =	simm.s32 $0x1BF5;
	[smem:$0x3FB0] =	sst s0  }
0x18: {  	s0 =	sld [smem:$0x3F93];
	_ =	swait.ge [sflag:s4], $0x0  }
0x19: {  	s7 =	sld [smem:$0x3F94]  }
0x1a: {  	s8 =	sadd.s32 $0xFFFFE003, lr  }
0x1b: {  	s9 =	sadd.s32 $0xFFFFFEF7, lr;
	s5 =	simm.s32 $0xFFFFFFFF;
	p2 =	slt.u32 s8, $0xFFFFF086  }
0x1c: {  	p1 =	slt.u32 s9, $0xF7A;
	s5 =	simm.s32 @!p2 $0x0  }
0x1d: {  	s5 =	simm.s32 @p1 $0x1;
	p0 =	seq.s32 s7, s2  }
0x1e: {  	s7 =	smul.u32 @!p0 $0xF7A, s2;
	p2 =	seq.s32 @!p0 s5, $0x0  }
0x1f: {  	s9 =	smul.u32 $0xF7A, s1;
	s8 =	simm.s32 @!p0 $0x1BF5;
	p2 =	por !p2, p0  }
0x20: {  	[sflag:s8] =	ssyncset.s32 @!p0 $0xFFFFF086;
	s6 =	sadd.s32 @!p0 s3, s7;
	s7 =	simm.s32 @!p0 $0x108  }
0x21: {  	s3 =	sadd.s32 s3, s9;
	s6 =	sadd.s32 @!p0 $0x88, s6;
	s7 =	simm.s32 @p2 $0x1082  }
0x22: {  	[simem:s7], [sflag:s8] =	dma.local @!p0 [hbm:s6], $0xF7A  }
0x23: {  	s9 =	sor.u32 $0xD0000000, s2;
	s6 =	simm.s32 $0x108;
	_ =	swait.ge @!p0 [sflag:s8], $0x0  }
0x24: {  	s3 =	sadd.s32 $0x88, s3;
	s6 =	simm.s32 @!p1 $0x1082;
	[sflag:s4] =	ssyncset.s32 $0xFFFFF086  }
0x25: {  	[simem:s6], [sflag:s4] =	dma.local [hbm:s3], $0xF7A  }
0x26: {  	[smem:$0x3F94] =	sst s1;
	(tag) =	ssettag s2;
	_ =	strace s9  }
0x27: {  	s1 =	sld [smem:$0x3FA4]  }
0x28: {  	s2 =	sld [smem:$0x3FA5]  }
0x29: {  	s4 =	sld [smem:$0x3FA7]  }
0x2a: {  	p0 =	seq.s32 s5, $0x0;
	s5 =	sld [smem:$0x3FA8]  }
0x2b: {  	s6 =	sld [smem:$0x3FA9]  }
0x2c: {  	s7 =	sld [smem:$0x3FAA]  }
0x2d: {  	s3 =	simm.s32 $0x108;
	s8 =	sld [smem:$0x3FAB]  }
0x2e: {  	s3 =	simm.s32 @!p0 $0x1082;
	s9 =	sld [smem:$0x3FAC]  }
0x2f: {  	lr =	sadd.s32 s0, s3;
	s0 =	sld [smem:$0x3FA3]  }
0x30: {  	s3 =	sld [smem:$0x3FA6]  }
0x31: {  	[smem:$0x3FAF] =	sst s10  }
0x32: {  	s10 =	sld [smem:$0x3FAD];
	_ =	sdelay $0x3  }
0x33: {  	p0 =	seq.s32 s10, $0x1;
	s10 =	sld [smem:$0x3FAF];
	_ =	sdelay $0x3  }
0x34: {  	[smem:$0x3FAF] =	sst s10  }
0x35: {  	s10 =	sld [smem:$0x3FAE];
	_ =	sdelay $0x3  }
0x36: {  	p1 =	seq.s32 s10, $0x1;
	s10 =	sld [smem:$0x3FAF];
	_ =	sdelay $0x3  }
0x37: {  	[smem:$0x3FAF] =	sst s10  }
0x38: {  	s10 =	sld [smem:$0x3FB0]  }
0x39: {  	_ = 	snop;
	(pc) =	sbr.ind lr, $3  }
0x3a: {  	_ = 	snop  }
0x3b: {  	_ = 	snop  }
0x3c: {  	p2 =	seq.s32 s10, $0x1;
	s10 =	sld [smem:$0x3FAF]  }
0x3d: {  	_ =	shalt  }
0x3e: {  	_ =	shalt  }
0x3f: {  	_ =	shalt  }
0x40: {  	_ =	shalt  }
0x41: {  	_ =	shalt  }
0x42: {  	_ =	shalt  }
0x43: {  	_ =	shalt  }
0x44: {  	_ =	shalt  }
0x45: {  	_ =	shalt  }
0x46: {  	_ =	shalt  }
0x47: {  	_ =	shalt  }
0x48: {  	_ =	shalt  }
0x49: {  	_ =	shalt  }
0x4a: {  	_ =	shalt  }
0x4b: {  	_ =	shalt  }
0x4c: {  	_ =	shalt  }
0x4d: {  	_ =	shalt  }
0x4e: {  	_ =	shalt  }
0x4f: {  	_ =	shalt  }
0x50: {  	_ =	shalt  }
0x51: {  	_ =	shalt  }
0x52: {  	_ =	shalt  }
0x53: {  	_ =	shalt  }
0x54: {  	_ =	shalt  }
0x55: {  	_ =	shalt  }
0x56: {  	_ =	shalt  }
0x57: {  	_ =	shalt  }
0x58: {  	_ =	shalt  }
0x59: {  	_ =	shalt  }
0x5a: {  	_ =	shalt  }
0x5b: {  	_ =	shalt  }
0x5c: {  	_ =	shalt  }
0x5d: {  	_ =	shalt  }
0x5e: {  	_ =	shalt  }
0x5f: {  	_ =	shalt  }
0x60: {  	_ =	shalt  }
0x61: {  	_ =	shalt  }
0x62: {  	_ =	shalt  }
0x63: {  	_ =	shalt  }
0x64: {  	_ =	shalt  }
0x65: {  	_ =	shalt  }
0x66: {  	_ =	shalt  }
0x67: {  	_ =	shalt  }
0x68: {  	_ =	shalt  }
0x69: {  	_ =	shalt  }
0x6a: {  	_ =	shalt  }
0x6b: {  	_ =	shalt  }
0x6c: {  	_ =	shalt  }
0x6d: {  	_ =	shalt  }
0x6e: {  	_ =	shalt  }
0x6f: {  	_ =	shalt  }
0x70: {  	_ =	shalt  }
0x71: {  	_ =	shalt  }
0x72: {  	_ =	shalt  }
0x73: {  	_ =	shalt  }
0x74: {  	_ =	shalt  }
0x75: {  	_ =	shalt  }
0x76: {  	_ =	shalt  }
0x77: {  	_ =	shalt  }
0x78: {  	_ =	shalt  }
0x79: {  	_ =	shalt  }
0x7a: {  	_ =	shalt  }
0x7b: {  	_ =	shalt  }
0x7c: {  	_ =	shalt  }
0x7d: {  	_ =	shalt  }
0x7e: {  	_ =	shalt  }
0x7f: {  	_ =	shalt  }
0x80: {  	_ =	shalt  }
0x81: {  	_ =	shalt  }
0x82: {  	_ =	shalt  }
0x83: {  	_ =	shalt  }
0x84: {  	_ =	shalt  }
0x85: {  	_ =	shalt  }
0x86: {  	_ =	shalt  }
0x87: {  	_ =	shalt  }
.Lfunc_end0:
.L_simem_size_0:
called_computation_lowered:
.L_overlay_start_0:
0x88: {  	s2 =	sld [smem:$0x3FD9]  }
0x89: {  	s3 =	sld [smem:$0x3FFE];
	_ =	sdelay $0x1  }
0x8a: {  	s1 =	srdreg.scid  }
0x8b: {  	s0 =	sand.u32 $0x1, s1  }
0x8c: {  	s17 =	sshll.u32 s0, $0xA;
	s2 =	sadd.s32 s3, s2  }
0x8d: {  	s2 =	sadd.s32 s2, s17  }
0x8e: {  	[smem:$0x3FBB] =	sst s2  }
0x8f: {  	_ = 	snop  }
0x90: {  	s2 =	sld [smem:$0x3FC7]  }
0x91: {  	s18 =	sld [smem:$0x3FD0];
	(tm) =	ssettm $0x1  }
0x92: {  	s4 =	sld [smem:$0x3FFB];
	_ =	sdelay $0x3  }
0x93: {  	_ =	strace s4  }
0x94: {  	s4 =	sld [smem:$0x3FFC];
	_ =	sdelay $0x3  }
0x95: {  	_ =	strace s4  }
0x96: {  	s4 =	sld [smem:$0x3FFD];
	_ =	sdelay $0x3  }
0x97: {  	_ =	strace s4  }
0x98: {  	_ =	strace $0x8FFFFFFF  }
0x99: {  	s19 =	sld [smem:$0x3FDB];
	_ =	sdelay $0x1  }
0x9a: {  	s5 =	simm.s32 $_scs_section_size  }
0x9b: {  	s6 =	simm.s32 $_size__tile_overlayer_lowered;
	s7 =	simm.s32 $_tile_overlayer_lowered  }
0x9c: {  	s22 =	simm.s32 $0x1BFF;
	s21 =	sshll.u32 s7, $0x1;
	s4 =	sadd.s32 s5, s19  }
0x9d: {  	s8 =	simm.s32 $0x0;
	s20 =	sshll.u32 s6, $0x1;
	s6 =	sadd.s32 s21, s4  }
0x9e: {  	[timem:s8], [sflag:s22] =	dma.local [hbm:s6], s20  }
0x9f: {  	_ =	swait.ge [sflag:s22], s20  }
0xa0: {  	s5 =	ssub.s32 $0x0, s20;
	[sflag:s22] =	ssyncset.done $0x0  }
0xa1: {  	[sflag:s22] =	ssyncadd.s32 s5;
	_ =	sdelay $0x1  }
0xa2: {  	s23 =	simm.s32 $0x1B8B  }
0xa3: {  	_ =	swait.ge [sflag:s23], $0x1  }
0xa4: {  	[sflag:s23] =	ssyncset.done $0x0  }
0xa5: {  	s25 =	simm.s32 $0x1B8E;
	s24 =	sld [smem:$0x3FFE];
	[sflag:s23] =	ssyncadd.s32 $0xFFFFFFFF  }
0xa6: {  	s26 =	simm.s32 $execute0_lowered;
	[smem:$0x3FD2] =	sst s25  }
0xa7: {  	s6 =	sshll.u32 s26, $0x1;
	_ =	strace $0x80000046;
	[dreg:$0x1] =	wrdreg $0xFFFFFFFF  }
0xa8: {  	s28 =	simm.s32 $_size_execute0_lowered;
	s4 =	sadd.s32 s4, s6;
	[dreg:$0x0] =	wrdreg $0x0  }
0xa9: {  	s6 =	sshll.u32 s28, $0x1;
	[dreg:$0x2] =	wrdreg s4  }
0xaa: {  	[dreg:$0x3] =	wrdreg s6  }
0xab: {  	[dreg:$0x4] =	wrdreg $0xC0  }
0xac: {  	_ =	task [dreg:s8], $0x5FFFF  }
0xad: {  	[dreg:$0x1] =	wrdreg $0xFFFFFFFF  }
0xae: {  	[dreg:$0x0] =	wrdreg $0x60  }
0xaf: {  	[dreg:$0x2] =	wrdreg s2  }
0xb0: {  	[dreg:$0x3] =	wrdreg s24  }
0xb1: {  	[dreg:$0x4] =	wrdreg s18  }
0xb2: {  	[dreg:$0x5] =	wrdreg $0x9  }
0xb3: {  	_ =	task.clear_ibuf [dreg:s8], $0x6FFFF;
	_ =	strace $0x90000046  }
0xb4: {  	s29 =	simm.s32 $0x9;
	_ =	strace $0x80000048  }
0xb5: {  	_ =	swait.ge [sflag:s29], $0x1  }
0xb6: {  	[sflag:s29] =	ssyncadd.s32 $0xFFFFFFFF  }
0xb7: {  	_ =	strace $0x90000048  }
0xb8: {  	_ =	sfence  }
0xb9: {  	s30 =	sld [smem:$0x0];
	_ =	sdelay $0x2  }
0xba: {  	s31 =	sshll.u32 s1, $0xD;
	s1 =	sshrl.u32 s1, $0x2  }
0xbb: {  	s3 =	sand.u32 $0x4000, s31;
	s1 =	sadd.s32 s1, s30  }
0xbc: {  	s0 =	sor.u32 s3, s0;
	s1 =	sshll.u32 s1, $0x11  }
0xbd: {  	s0 =	sor.u32 s1, s0  }
0xbe: {  	s0 =	sadd.s32 $0x8F2B, s0  }
0xbf: {  	[sflag:s0] =	ssyncadd.remote.s32 $0x1  }
0xc0: {  	_ =	sfence.sel $0xFFFF  }
0xc1: {  	[dreg:$0x0] =	wrdreg $0xFFFFFFFF;
	(pc) =	sbr.abs _section_cstart, $3  }
0xc2: {  	[dreg:$0x1] =	wrdreg $0xFFFFFFFF  }
0xc3: {  	_ =	task.clear_ibuf [dreg:s8], $0x2FFFF;
	_ =	strace $0x9FFFFFFF  }
0xc4: {  	(tm) =	ssettm $0x7FFFFFFF  }
0xc5: {  	_ =	shalt  }
tec
execute0_lowered:
.L_overlay_start_1:
0x0: {  	(tag) =	ssettag $0x1  }
0x1: {  	s1 =	rddreg [dreg:$0x0]  }
0x2: {  	s0 =	srdreg.scid;
	s2 =	rddreg [dreg:$0x1]  }
0x3: {  	s13 =	stileid.u32;
	s11 =	rddreg [dreg:$0x2]  }
0x4: {  	s23 =	simm.s32 $0xC00;
	s15 =	simm.s32 $0x50;
	s16 =	simm.s32 $0x7000  }
0x5: {  	s17 =	simm.s32 $0x9800;
	s18 =	simm.s32 $0x1;
	s19 =	simm.s32 $0x2  }
0x6: {  	s21 =	simm.s32 $0x80;
	s28 =	simm.s32 $0x1C000;
	s29 =	simm.s32 $0x1C800  }
0x7: {  	s0 =	sand.u32 $0x1, s0;
	s3 =	sshll.u32 s13, $0x1;
	s13 =	smul.u32 $0xC800, s13  }
0x8: {  	s7 =	sor.u32 s0, s3;
	s10 =	ssub.s32 $0x2, s0;
	s0 =	smul.u32 $0x6400, s0  }
0x9: {  	s30 =	simm.s32 $0x3;
	s31 =	simm.s32 $0x4;
	s5 =	smul.u32 $0x180, s7  }
0xa: {  	s4 =	sadd.s32 $0x5000, s2;
	s3 =	simm.s32 $0x0;
	s6 =	smul.u32 $0xC80, s7  }
0xb: {  	[smem:$0x7FF] =	sst s3;
	s25 =	sshrl.u32 s10, $0x1;
	s12 =	smul.u32 $0x6400, s7  }
0xc: {  	s26 =	sadd.s32 s13, s11;
	s13 =	simm.s32 $0x5;
	_ =	strace $0x80000047  }
0xd: {  	s8 =	sadd.s32 s5, s2;
	s9 =	sadd.s32 s6, s2;
	s5 =	smul.u32 $0x32000, s7  }
0xe: {  	s6 =	sadd.s32 $0x5C800, s2;
	s2 =	ssub.s32 s10, s25;
	s12 =	sadd.s32 s11, s12  }
0xf: {  	s25 =	simm.s32 $0x14000;
	s7 =	sadd.s32 $0x2000, s8;
	s8 =	sadd.s32 $0x43800, s9  }
0x10: {  	s9 =	smax.u32 s2, $0x1;
	s10 =	sadd.s32 $0x5A00, s12;
	s11 =	sadd.s32 $0x5F00, s12  }
0x11: {  	s12 =	sadd.s32 s0, s26;
	s26 =	simm.s32 $0x18000;
	s2 =	simm.s32 $0x0  }
.LBB2_1:
0x12: {  	[tilespmem:s3], [sflag:$0x5] =	stream.linear.gather [hbm4b:s7+s3], $0xA00, $0x38;
	[tilespmem:$0x1D000] =	vst v63  }
0x13: {  	_ =	swait.ge [sflag:s13], $0xA00  }
0x14: {  	[sflag:s13] =	ssyncset.done $0x0  }
0x15: {  	[sflag:s13] =	ssyncadd.s32 $0xFFFFF600  }
0x16: {  	[tilespmem:s23], [sflag:$0x5] =	stream.linear.gather [hbm4b:s8+s3], $0x6400, $0x38;
	[tilespmem:$0x1D000] =	vst v63  }
0x17: {  	_ =	swait.ge [sflag:s13], $0x6400  }
0x18: {  	[sflag:s13] =	ssyncset.done $0x0  }
0x19: {  	[sflag:s13] =	ssyncadd.s32 $0xFFFF9C00  }
0x1a: {  	[tilespmem:s16], [sflag:$0x1] =	stream.indirect.gather [hbm4b:s1+s15], $0x80, s3, s15, $0xb8;
	[tilespmem:$0x1D000] =	vst v63  }
0x1b: {  	_ = 	snop  }
0x1c: {  	[tilespmem:s17], [sflag:$0x2] =	stream.indirect.gather [hbm4b:s1+s15], $0x80, s21, s15, $0xb8;
	[tilespmem:$0x1D000] =	vst v63  }
0x1d: {  	_ =	swait.ge [sflag:s18], $0x2800  }
0x1e: {  	[sflag:s18] =	ssyncset.done $0x0  }
0x1f: {  	s0 =	sadd.s32 $0x0, s12;
	[sflag:s18] =	ssyncadd.s32 $0xFFFFD800  }
0x20: {  	[hbm4b:s0+s3] =	stream.linear.scatter [tilespmem:s16], [sflag:$0x5], $0x2800, $0x38;
	[tilespmem:$0x1D000] =	vst v63  }
0x21: {  	_ =	swait.ge [sflag:s13], $0x2800  }
0x22: {  	[sflag:s13] =	ssyncset.done $0x0  }
0x23: {  	s14 =	simm.s32 $0x100;
	[sflag:s13] =	ssyncadd.s32 $0xFFFFD800  }
0x24: {  	[tilespmem:s16], [sflag:$0x1] =	stream.indirect.gather [hbm4b:s1+s15], $0x80, s14, s15, $0xb8;
	[tilespmem:$0x1D000] =	vst v63  }
0x25: {  	_ =	swait.ge [sflag:s19], $0x2800  }
0x26: {  	[sflag:s19] =	ssyncset.done $0x0  }
0x27: {  	s0 =	sadd.s32 $0x500, s0;
	[sflag:s19] =	ssyncadd.s32 $0xFFFFD800  }
0x28: {  	[hbm4b:s0+s3] =	stream.linear.scatter [tilespmem:s17], [sflag:$0x5], $0x2800, $0x38;
	[tilespmem:$0x1D000] =	vst v63  }
0x29: {  	_ =	swait.ge [sflag:s13], $0x2800  }
0x2a: {  	s14 =	simm.s32 $0x80;
	s0 =	simm.s32 $0xA00;
	[sflag:s13] =	ssyncset.done $0x0  }
.LBB2_2:
0x2b: {  	p0 =	sne.s32 s0, $0x5000;
	[sflag:s13] =	ssyncadd.s32 $0xFFFFD800;
	s14 =	sadd.s32 $0x100, s14  }
0x2c: {  	[tilespmem:s17], [sflag:$0x2] =	stream.indirect.gather [hbm4b:s1+s15], $0x80, s14, s15, $0xb8;
	[tilespmem:$0x1D000] =	vst v63  }
0x2d: {  	s20 =	smov.u32 s0;
	s0 =	sadd.s32 $0xA00, s0;
	_ =	swait.ge [sflag:s18], $0x2800  }
0x2e: {  	[sflag:s18] =	ssyncset.done $0x0  }
0x2f: {  	s20 =	sadd.s32 s20, s12;
	[sflag:s18] =	ssyncadd.s32 $0xFFFFD800  }
0x30: {  	[hbm4b:s20+s3] =	stream.linear.scatter [tilespmem:s16], [sflag:$0x5], $0x2800, $0x38;
	[tilespmem:$0x1D000] =	vst v63  }
0x31: {  	_ =	swait.ge [sflag:s13], $0x2800  }
0x32: {  	[sflag:s13] =	ssyncset.done $0x0  }
0x33: {  	s22 =	sadd.s32 $0x80, s14;
	[sflag:s13] =	ssyncadd.s32 $0xFFFFD800  }
0x34: {  	[tilespmem:s16], [sflag:$0x1] =	stream.indirect.gather [hbm4b:s1+s15], $0x80, s22, s15, $0xb8;
	[tilespmem:$0x1D000] =	vst v63  }
0x35: {  	_ =	swait.ge [sflag:s19], $0x2800  }
.Ltmp0:
0x36: {  	[sflag:s19] =	ssyncset.done $0x0;
	(pc) =	sbr.rel @p0 .LBB2_2-.Ltmp0, $4  }
0x37: {  	s20 =	sadd.s32 $0x500, s20;
	[sflag:s19] =	ssyncadd.s32 $0xFFFFD800  }
0x38: {  	[hbm4b:s20+s3] =	stream.linear.scatter [tilespmem:s17], [sflag:$0x5], $0x2800, $0x38;
	[tilespmem:$0x1D000] =	vst v63  }
0x39: {  	_ =	swait.ge [sflag:s13], $0x2800  }
0x3a: {  	[sflag:s13] =	ssyncset.done $0x0  }
0x3b: {  	[sflag:s13] =	ssyncadd.s32 $0xFFFFD800;
	s0 =	simm.s32 $0x980  }
0x3c: {  	[tilespmem:s17], [sflag:$0x2] =	stream.indirect.gather [hbm4b:s1+s15], $0x80, s0, s15, $0xb8;
	[tilespmem:$0x1D000] =	vst v63  }
0x3d: {  	_ =	swait.ge [sflag:s18], $0x2800  }
0x3e: {  	[sflag:s18] =	ssyncset.done $0x0  }
0x3f: {  	s0 =	simm.s32 $0x0;
	[sflag:s18] =	ssyncadd.s32 $0xFFFFD800  }
0x40: {  	[hbm4b:s10+s0] =	stream.linear.scatter [tilespmem:s16], [sflag:$0x5], $0x2800, $0x38;
	[tilespmem:$0x1D000] =	vst v63  }
0x41: {  	_ =	swait.ge [sflag:s13], $0x2800  }
0x42: {  	[sflag:s13] =	ssyncset.done $0x0  }
0x43: {  	[sflag:s13] =	ssyncadd.s32 $0xFFFFD800  }
0x44: {  	_ =	swait.ge [sflag:s19], $0x2800  }
0x45: {  	[sflag:s19] =	ssyncset.done $0x0  }
0x46: {  	[sflag:s19] =	ssyncadd.s32 $0xFFFFD800  }
0x47: {  	[hbm4b:s11+s0] =	stream.linear.scatter [tilespmem:s17], [sflag:$0x5], $0x2800, $0x38;
	[tilespmem:$0x1D000] =	vst v63  }
0x48: {  	_ =	swait.ge [sflag:s13], $0x2800  }
0x49: {  	[sflag:s13] =	ssyncset.done $0x0  }
0x4a: {  	s14 =	simm.s32 $0xC000;
	[sflag:s13] =	ssyncadd.s32 $0xFFFFD800  }
0x4b: {  	[tilespmem:s14], [sflag:$0x1] =	stream.indirect.gather [hbm4b:s4+s21], $0x80, s23, s21, $0xb8;
	[tilespmem:$0x1D000] =	vst v63  }
0x4c: {  	s24 =	simm.s32 $0xC80;
	s20 =	simm.s32 $0x10000  }
0x4d: {  	[tilespmem:s20], [sflag:$0x1] =	stream.indirect.gather [hbm4b:s4+s21], $0x80, s24, s21, $0xb8;
	[tilespmem:$0x1D000] =	vst v63  }
.LBB2_4:
0x4e: {  	s20 =	sshllo.u32 s0, $0x1  }
0x4f: {  	s14 =	sshll.u32 s20, $0x8  }
0x50: {  	s14 =	sand.u32 $0x3FFFFF00, s14  }
0x51: {  	s22 =	sadd.s32 $0xC00, s14  }
0x52: {  	[tilespmem:s25], [sflag:$0x2] =	stream.indirect.gather [hbm4b:s4+s21], $0x80, s22, s21, $0xb8;
	[tilespmem:$0x1D000] =	vst v63  }
0x53: {  	s14 =	sadd.s32 $0xC80, s14  }
0x54: {  	[tilespmem:s26], [sflag:$0x2] =	stream.indirect.gather [hbm4b:s4+s21], $0x80, s14, s21, $0xb8;
	[tilespmem:$0x1D000] =	vst v63  }
0x55: {  	_ =	swait.ge [sflag:s18], $0x4000  }
0x56: {  	[sflag:s18] =	ssyncset.done $0x0  }
0x57: {  	[sflag:s18] =	ssyncadd.s32 $0xFFFFC000  }
0x58: {  	_ =	swait.ge [sflag:s18], $0x4000  }
0x59: {  	p0 =	seq.s32 s0, $0x0;
	[sflag:s18] =	ssyncset.done $0x0  }
0x5a: {  	s14 =	simm.s32 @!p0 $0x3;
	[sflag:s18] =	ssyncadd.s32 $0xFFFFC000  }
0x5b: {  	_ =	swait.ge @!p0 [sflag:s14], $0x800  }
0x5c: {  	[sflag:s14] =	ssyncset.done @!p0 $0x0  }
0x5d: {  	s22 =	simm.s32 $0xC400;
	[sflag:s14] =	ssyncadd.s32 @!p0 $0xFFFFF800  }
0x5e: {  	v0 =	vld [tilespmem:s22+$0xFFFFFC80]  }
0x5f: {  	v1 =	vld [tilespmem:s22+$0xFFFFFC00];
	_ =	sdelay $0x1  }
0x60: {  	v2 =	vld [tilespmem:s22+$0xFFFFFD00];
	_ =	sdelay $0x1  }
0x61: {  	v3 =	vld [tilespmem:s22+$0xFFFFFD80]  }
0x62: {  	v0 =	vadd.f32 v0, v1  }
0x63: {  	v1 =	vld [tilespmem:s22+$0xFFFFFE00]  }
0x64: {  	v0 =	vadd.f32 v2, v0  }
0x65: {  	v2 =	vld [tilespmem:s22+$0xFFFFFE80]  }
0x66: {  	v0 =	vadd.f32 v3, v0  }
0x67: {  	v3 =	vld [tilespmem:s22+$0xFFFFFF00]  }
0x68: {  	v0 =	vadd.f32 v1, v0  }
0x69: {  	v1 =	vld [tilespmem:s22+$0xFFFFFF80]  }
0x6a: {  	v0 =	vadd.f32 v2, v0  }
0x6b: {  	v2 =	vld [tilespmem:s22+$0x0]  }
0x6c: {  	v0 =	vadd.f32 v3, v0  }
0x6d: {  	v3 =	vld [tilespmem:s22+$0x80]  }
0x6e: {  	v0 =	vadd.f32 v1, v0  }
0x6f: {  	v1 =	vld [tilespmem:s22+$0x100]  }
0x70: {  	v0 =	vadd.f32 v2, v0  }
0x71: {  	v2 =	vld [tilespmem:s22+$0x180]  }
0x72: {  	v0 =	vadd.f32 v3, v0  }
0x73: {  	v3 =	vld [tilespmem:s22+$0x200]  }
0x74: {  	v0 =	vadd.f32 v1, v0  }
0x75: {  	v1 =	vld [tilespmem:s22+$0x280]  }
0x76: {  	v0 =	vadd.f32 v2, v0  }
0x77: {  	v2 =	vld [tilespmem:s22+$0x300]  }
0x78: {  	v0 =	vadd.f32 v3, v0  }
0x79: {  	v3 =	vld [tilespmem:s22+$0x380]  }
0x7a: {  	v0 =	vadd.f32 v1, v0;
	_ =	sdelay $0x1  }
0x7b: {  	v0 =	vadd.f32 v2, v0;
	_ =	sdelay $0x1  }
0x7c: {  	v0 =	vadd.f32 v3, v0  }
0x7d: {  	s23 =	simm.s32 $0x0  }
0x7e: {  	[tilespmem:s23+$0x1C000] =	vst v0  }
0x7f: {  	v0 =	vld [tilespmem:s22+$0xFFFFFC10]  }
0x80: {  	v1 =	vld [tilespmem:s22+$0xFFFFFC90];
	_ =	sdelay $0x1  }
0x81: {  	v2 =	vld [tilespmem:s22+$0xFFFFFD10];
	_ =	sdelay $0x1  }
0x82: {  	v3 =	vld [tilespmem:s22+$0xFFFFFD90]  }
0x83: {  	v0 =	vadd.f32 v1, v0  }
0x84: {  	v1 =	vld [tilespmem:s22+$0xFFFFFE10]  }
0x85: {  	v0 =	vadd.f32 v2, v0  }
0x86: {  	v2 =	vld [tilespmem:s22+$0xFFFFFE90]  }
0x87: {  	v0 =	vadd.f32 v3, v0  }
0x88: {  	v3 =	vld [tilespmem:s22+$0xFFFFFF10]  }
0x89: {  	v0 =	vadd.f32 v1, v0  }
0x8a: {  	v1 =	vld [tilespmem:s22+$0xFFFFFF90]  }
0x8b: {  	v0 =	vadd.f32 v2, v0  }
0x8c: {  	v2 =	vld [tilespmem:s22+$0x10]  }
0x8d: {  	v0 =	vadd.f32 v3, v0  }
0x8e: {  	v3 =	vld [tilespmem:s22+$0x90]  }
0x8f: {  	v0 =	vadd.f32 v1, v0  }
0x90: {  	v1 =	vld [tilespmem:s22+$0x110]  }
0x91: {  	v0 =	vadd.f32 v2, v0  }
0x92: {  	v2 =	vld [tilespmem:s22+$0x190]  }
0x93: {  	v0 =	vadd.f32 v3, v0  }
0x94: {  	v3 =	vld [tilespmem:s22+$0x210]  }
0x95: {  	v0 =	vadd.f32 v1, v0  }
0x96: {  	v1 =	vld [tilespmem:s22+$0x290]  }
0x97: {  	v0 =	vadd.f32 v2, v0  }
0x98: {  	v2 =	vld [tilespmem:s22+$0x310]  }
0x99: {  	v0 =	vadd.f32 v3, v0  }
0x9a: {  	v3 =	vld [tilespmem:s22+$0x390]  }
0x9b: {  	v0 =	vadd.f32 v1, v0;
	_ =	sdelay $0x1  }
0x9c: {  	v0 =	vadd.f32 v2, v0;
	_ =	sdelay $0x1  }
0x9d: {  	v0 =	vadd.f32 v3, v0;
	_ =	sdelay $0x1  }
0x9e: {  	[tilespmem:s23+$0x1C010] =	vst v0  }
0x9f: {  	v0 =	vld [tilespmem:s22+$0xFFFFFC20]  }
0xa0: {  	v1 =	vld [tilespmem:s22+$0xFFFFFCA0];
	_ =	sdelay $0x1  }
0xa1: {  	v2 =	vld [tilespmem:s22+$0xFFFFFD20];
	_ =	sdelay $0x1  }
0xa2: {  	v3 =	vld [tilespmem:s22+$0xFFFFFDA0]  }
0xa3: {  	v0 =	vadd.f32 v1, v0  }
0xa4: {  	v1 =	vld [tilespmem:s22+$0xFFFFFE20]  }
0xa5: {  	v0 =	vadd.f32 v2, v0  }
0xa6: {  	v2 =	vld [tilespmem:s22+$0xFFFFFEA0]  }
0xa7: {  	v0 =	vadd.f32 v3, v0  }
0xa8: {  	v3 =	vld [tilespmem:s22+$0xFFFFFF20]  }
0xa9: {  	v0 =	vadd.f32 v1, v0  }
0xaa: {  	v1 =	vld [tilespmem:s22+$0xFFFFFFA0]  }
0xab: {  	v0 =	vadd.f32 v2, v0  }
0xac: {  	v2 =	vld [tilespmem:s22+$0x20]  }
0xad: {  	v0 =	vadd.f32 v3, v0  }
0xae: {  	v3 =	vld [tilespmem:s22+$0xA0]  }
0xaf: {  	v0 =	vadd.f32 v1, v0  }
0xb0: {  	v1 =	vld [tilespmem:s22+$0x120]  }
0xb1: {  	v0 =	vadd.f32 v2, v0  }
0xb2: {  	v2 =	vld [tilespmem:s22+$0x1A0]  }
0xb3: {  	v0 =	vadd.f32 v3, v0  }
0xb4: {  	v3 =	vld [tilespmem:s22+$0x220]  }
0xb5: {  	v0 =	vadd.f32 v1, v0  }
0xb6: {  	v1 =	vld [tilespmem:s22+$0x2A0]  }
0xb7: {  	v0 =	vadd.f32 v2, v0  }
0xb8: {  	v2 =	vld [tilespmem:s22+$0x320]  }
0xb9: {  	v0 =	vadd.f32 v3, v0  }
0xba: {  	v3 =	vld [tilespmem:s22+$0x3A0]  }
0xbb: {  	v0 =	vadd.f32 v1, v0;
	_ =	sdelay $0x1  }
0xbc: {  	v0 =	vadd.f32 v2, v0;
	_ =	sdelay $0x1  }
0xbd: {  	v0 =	vadd.f32 v3, v0;
	_ =	sdelay $0x1  }
0xbe: {  	[tilespmem:s23+$0x1C020] =	vst v0  }
0xbf: {  	v0 =	vld [tilespmem:s22+$0xFFFFFC30]  }
0xc0: {  	v1 =	vld [tilespmem:s22+$0xFFFFFCB0];
	_ =	sdelay $0x1  }
0xc1: {  	v2 =	vld [tilespmem:s22+$0xFFFFFD30];
	_ =	sdelay $0x1  }
0xc2: {  	v3 =	vld [tilespmem:s22+$0xFFFFFDB0]  }
0xc3: {  	v0 =	vadd.f32 v1, v0  }
0xc4: {  	v1 =	vld [tilespmem:s22+$0xFFFFFE30]  }
0xc5: {  	v0 =	vadd.f32 v2, v0  }
0xc6: {  	v2 =	vld [tilespmem:s22+$0xFFFFFEB0]  }
0xc7: {  	v0 =	vadd.f32 v3, v0  }
0xc8: {  	v3 =	vld [tilespmem:s22+$0xFFFFFF30]  }
0xc9: {  	v0 =	vadd.f32 v1, v0  }
0xca: {  	v1 =	vld [tilespmem:s22+$0xFFFFFFB0]  }
0xcb: {  	v0 =	vadd.f32 v2, v0  }
0xcc: {  	v2 =	vld [tilespmem:s22+$0x30]  }
0xcd: {  	v0 =	vadd.f32 v3, v0  }
0xce: {  	v3 =	vld [tilespmem:s22+$0xB0]  }
0xcf: {  	v0 =	vadd.f32 v1, v0  }
0xd0: {  	v1 =	vld [tilespmem:s22+$0x130]  }
0xd1: {  	v0 =	vadd.f32 v2, v0  }
0xd2: {  	v2 =	vld [tilespmem:s22+$0x1B0]  }
0xd3: {  	v0 =	vadd.f32 v3, v0  }
0xd4: {  	v3 =	vld [tilespmem:s22+$0x230]  }
0xd5: {  	v0 =	vadd.f32 v1, v0  }
0xd6: {  	v1 =	vld [tilespmem:s22+$0x2B0]  }
0xd7: {  	v0 =	vadd.f32 v2, v0  }
0xd8: {  	v2 =	vld [tilespmem:s22+$0x330]  }
0xd9: {  	v0 =	vadd.f32 v3, v0  }
0xda: {  	v3 =	vld [tilespmem:s22+$0x3B0]  }
0xdb: {  	v0 =	vadd.f32 v1, v0;
	_ =	sdelay $0x1  }
0xdc: {  	v0 =	vadd.f32 v2, v0;
	_ =	sdelay $0x1  }
0xdd: {  	v0 =	vadd.f32 v3, v0;
	_ =	sdelay $0x1  }
0xde: {  	[tilespmem:s23+$0x1C030] =	vst v0  }
0xdf: {  	v0 =	vld [tilespmem:s22+$0xFFFFFC40]  }
0xe0: {  	v1 =	vld [tilespmem:s22+$0xFFFFFCC0];
	_ =	sdelay $0x1  }
0xe1: {  	v2 =	vld [tilespmem:s22+$0xFFFFFD40];
	_ =	sdelay $0x1  }
0xe2: {  	v3 =	vld [tilespmem:s22+$0xFFFFFDC0]  }
0xe3: {  	v0 =	vadd.f32 v1, v0  }
0xe4: {  	v1 =	vld [tilespmem:s22+$0xFFFFFE40]  }
0xe5: {  	v0 =	vadd.f32 v2, v0  }
0xe6: {  	v2 =	vld [tilespmem:s22+$0xFFFFFEC0]  }
0xe7: {  	v0 =	vadd.f32 v3, v0  }
0xe8: {  	v3 =	vld [tilespmem:s22+$0xFFFFFF40]  }
0xe9: {  	v0 =	vadd.f32 v1, v0  }
0xea: {  	v1 =	vld [tilespmem:s22+$0xFFFFFFC0]  }
0xeb: {  	v0 =	vadd.f32 v2, v0  }
0xec: {  	v2 =	vld [tilespmem:s22+$0x40]  }
0xed: {  	v0 =	vadd.f32 v3, v0  }
0xee: {  	v3 =	vld [tilespmem:s22+$0xC0]  }
0xef: {  	v0 =	vadd.f32 v1, v0  }
0xf0: {  	v1 =	vld [tilespmem:s22+$0x140]  }
0xf1: {  	v0 =	vadd.f32 v2, v0  }
0xf2: {  	v2 =	vld [tilespmem:s22+$0x1C0]  }
0xf3: {  	v0 =	vadd.f32 v3, v0  }
0xf4: {  	v3 =	vld [tilespmem:s22+$0x240]  }
0xf5: {  	v0 =	vadd.f32 v1, v0  }
0xf6: {  	v1 =	vld [tilespmem:s22+$0x2C0]  }
0xf7: {  	v0 =	vadd.f32 v2, v0  }
0xf8: {  	v2 =	vld [tilespmem:s22+$0x340]  }
0xf9: {  	v0 =	vadd.f32 v3, v0  }
0xfa: {  	v3 =	vld [tilespmem:s22+$0x3C0]  }
0xfb: {  	v0 =	vadd.f32 v1, v0;
	_ =	sdelay $0x1  }
0xfc: {  	v0 =	vadd.f32 v2, v0;
	_ =	sdelay $0x1  }
0xfd: {  	v0 =	vadd.f32 v3, v0;
	_ =	sdelay $0x1  }
0xfe: {  	[tilespmem:s23+$0x1C040] =	vst v0  }
0xff: {  	v0 =	vld [tilespmem:s22+$0xFFFFFC50]  }
0x100: {  	v1 =	vld [tilespmem:s22+$0xFFFFFCD0];
	_ =	sdelay $0x1  }
0x101: {  	v2 =	vld [tilespmem:s22+$0xFFFFFD50];
	_ =	sdelay $0x1  }
0x102: {  	v3 =	vld [tilespmem:s22+$0xFFFFFDD0]  }
0x103: {  	v0 =	vadd.f32 v1, v0  }
0x104: {  	v1 =	vld [tilespmem:s22+$0xFFFFFE50]  }
0x105: {  	v0 =	vadd.f32 v2, v0  }
0x106: {  	v2 =	vld [tilespmem:s22+$0xFFFFFED0]  }
0x107: {  	v0 =	vadd.f32 v3, v0  }
0x108: {  	v3 =	vld [tilespmem:s22+$0xFFFFFF50]  }
0x109: {  	v0 =	vadd.f32 v1, v0  }
0x10a: {  	v1 =	vld [tilespmem:s22+$0xFFFFFFD0]  }
0x10b: {  	v0 =	vadd.f32 v2, v0  }
0x10c: {  	v2 =	vld [tilespmem:s22+$0x50]  }
0x10d: {  	v0 =	vadd.f32 v3, v0  }
0x10e: {  	v3 =	vld [tilespmem:s22+$0xD0]  }
0x10f: {  	v0 =	vadd.f32 v1, v0  }
0x110: {  	v1 =	vld [tilespmem:s22+$0x150]  }
0x111: {  	v0 =	vadd.f32 v2, v0  }
0x112: {  	v2 =	vld [tilespmem:s22+$0x1D0]  }
0x113: {  	v0 =	vadd.f32 v3, v0  }
0x114: {  	v3 =	vld [tilespmem:s22+$0x250]  }
0x115: {  	v0 =	vadd.f32 v1, v0  }
0x116: {  	v1 =	vld [tilespmem:s22+$0x2D0]  }
0x117: {  	v0 =	vadd.f32 v2, v0  }
0x118: {  	v2 =	vld [tilespmem:s22+$0x350]  }
0x119: {  	v0 =	vadd.f32 v3, v0  }
0x11a: {  	v3 =	vld [tilespmem:s22+$0x3D0]  }
0x11b: {  	v0 =	vadd.f32 v1, v0;
	_ =	sdelay $0x1  }
0x11c: {  	v0 =	vadd.f32 v2, v0;
	_ =	sdelay $0x1  }
0x11d: {  	v0 =	vadd.f32 v3, v0;
	_ =	sdelay $0x1  }
0x11e: {  	[tilespmem:s23+$0x1C050] =	vst v0  }
0x11f: {  	v0 =	vld [tilespmem:s22+$0xFFFFFC60]  }
0x120: {  	v1 =	vld [tilespmem:s22+$0xFFFFFCE0];
	_ =	sdelay $0x1  }
0x121: {  	v2 =	vld [tilespmem:s22+$0xFFFFFD60];
	_ =	sdelay $0x1  }
0x122: {  	v3 =	vld [tilespmem:s22+$0xFFFFFDE0]  }
0x123: {  	v0 =	vadd.f32 v1, v0  }
0x124: {  	v1 =	vld [tilespmem:s22+$0xFFFFFE60]  }
0x125: {  	v0 =	vadd.f32 v2, v0  }
0x126: {  	v2 =	vld [tilespmem:s22+$0xFFFFFEE0]  }
0x127: {  	v0 =	vadd.f32 v3, v0  }
0x128: {  	v3 =	vld [tilespmem:s22+$0xFFFFFF60]  }
0x129: {  	v0 =	vadd.f32 v1, v0  }
0x12a: {  	v1 =	vld [tilespmem:s22+$0xFFFFFFE0]  }
0x12b: {  	v0 =	vadd.f32 v2, v0  }
0x12c: {  	v2 =	vld [tilespmem:s22+$0x60]  }
0x12d: {  	v0 =	vadd.f32 v3, v0  }
0x12e: {  	v3 =	vld [tilespmem:s22+$0xE0]  }
0x12f: {  	v0 =	vadd.f32 v1, v0  }
0x130: {  	v1 =	vld [tilespmem:s22+$0x160]  }
0x131: {  	v0 =	vadd.f32 v2, v0  }
0x132: {  	v2 =	vld [tilespmem:s22+$0x1E0]  }
0x133: {  	v0 =	vadd.f32 v3, v0  }
0x134: {  	v3 =	vld [tilespmem:s22+$0x260]  }
0x135: {  	v0 =	vadd.f32 v1, v0  }
0x136: {  	v1 =	vld [tilespmem:s22+$0x2E0]  }
0x137: {  	v0 =	vadd.f32 v2, v0  }
0x138: {  	v2 =	vld [tilespmem:s22+$0x360]  }
0x139: {  	v0 =	vadd.f32 v3, v0  }
0x13a: {  	v3 =	vld [tilespmem:s22+$0x3E0]  }
0x13b: {  	v0 =	vadd.f32 v1, v0;
	_ =	sdelay $0x1  }
0x13c: {  	v0 =	vadd.f32 v2, v0;
	_ =	sdelay $0x1  }
0x13d: {  	v0 =	vadd.f32 v3, v0;
	_ =	sdelay $0x1  }
0x13e: {  	[tilespmem:s23+$0x1C060] =	vst v0  }
0x13f: {  	v0 =	vld [tilespmem:s22+$0xFFFFFC70]  }
0x140: {  	v1 =	vld [tilespmem:s22+$0xFFFFFCF0];
	_ =	sdelay $0x1  }
0x141: {  	v2 =	vld [tilespmem:s22+$0xFFFFFD70];
	_ =	sdelay $0x1  }
0x142: {  	v3 =	vld [tilespmem:s22+$0xFFFFFDF0]  }
0x143: {  	v0 =	vadd.f32 v1, v0  }
0x144: {  	v1 =	vld [tilespmem:s22+$0xFFFFFE70]  }
0x145: {  	v0 =	vadd.f32 v2, v0  }
0x146: {  	v2 =	vld [tilespmem:s22+$0xFFFFFEF0]  }
0x147: {  	v0 =	vadd.f32 v3, v0  }
0x148: {  	v3 =	vld [tilespmem:s22+$0xFFFFFF70]  }
0x149: {  	v0 =	vadd.f32 v1, v0  }
0x14a: {  	v1 =	vld [tilespmem:s22+$0xFFFFFFF0]  }
0x14b: {  	v0 =	vadd.f32 v2, v0  }
0x14c: {  	v2 =	vld [tilespmem:s22+$0x70]  }
0x14d: {  	v0 =	vadd.f32 v3, v0  }
0x14e: {  	v3 =	vld [tilespmem:s22+$0xF0]  }
0x14f: {  	v0 =	vadd.f32 v1, v0  }
0x150: {  	v1 =	vld [tilespmem:s22+$0x170]  }
0x151: {  	v0 =	vadd.f32 v2, v0  }
0x152: {  	v4 =	vld [tilespmem:s22+$0x1F0]  }
0x153: {  	v2 =	vadd.f32 v3, v0  }
0x154: {  	v3 =	vld [tilespmem:s22+$0x270]  }
0x155: {  	v0 =	vld [tilespmem:s22+$0x2F0];
	v5 =	vadd.f32 v1, v2  }
0x156: {  	v2 =	vld [tilespmem:s22+$0x370]  }
0x157: {  	s24 =	simm.s32 $0x200;
	v1 =	vld [tilespmem:s22+$0x3F0];
	v4 =	vadd.f32 v4, v5  }
.LBB2_5:
0x158: {  	p1 =	sne.s32 s24, $0x1E00  }
0x159: {  	s22 =	sadd.s32 $0x800, s22;
	s14 =	smov.u32 s24;
	s24 =	sadd.s32 $0x200, s24;
	v3 =	vadd.f32 v3, v4  }
0x15a: {  	_ = 	snop  }
0x15b: {  	v0 =	vadd.f32 v0, v3;
	_ =	sdelay $0x1  }
0x15c: {  	v0 =	vadd.f32 v2, v0;
	_ =	sdelay $0x1  }
0x15d: {  	v0 =	vadd.f32 v1, v0;
	_ =	sdelay $0x1  }
0x15e: {  	[tilespmem:s23+$0x1C070] =	vst v0  }
0x15f: {  	v0 =	vld [tilespmem:s22+$0xFFFFFC80]  }
0x160: {  	v1 =	vld [tilespmem:s22+$0xFFFFFC00]  }
0x161: {  	v2 =	vld [tilespmem:s22+$0xFFFFFD00];
	_ =	sdelay $0x2  }
0x162: {  	v3 =	vld [tilespmem:s22+$0xFFFFFD80]  }
0x163: {  	v0 =	vadd.f32 v0, v1  }
0x164: {  	v1 =	vld [tilespmem:s22+$0xFFFFFE00]  }
0x165: {  	v0 =	vadd.f32 v2, v0  }
0x166: {  	v2 =	vld [tilespmem:s22+$0xFFFFFE80]  }
0x167: {  	v0 =	vadd.f32 v3, v0  }
0x168: {  	v3 =	vld [tilespmem:s22+$0xFFFFFF00]  }
0x169: {  	v0 =	vadd.f32 v1, v0  }
0x16a: {  	v1 =	vld [tilespmem:s22+$0xFFFFFF80]  }
0x16b: {  	v0 =	vadd.f32 v2, v0  }
0x16c: {  	v2 =	vld [tilespmem:s22+$0x0]  }
0x16d: {  	v0 =	vadd.f32 v3, v0  }
0x16e: {  	v3 =	vld [tilespmem:s22+$0x80]  }
0x16f: {  	v0 =	vadd.f32 v1, v0  }
0x170: {  	v1 =	vld [tilespmem:s22+$0x100]  }
0x171: {  	v0 =	vadd.f32 v2, v0  }
0x172: {  	v2 =	vld [tilespmem:s22+$0x180]  }
0x173: {  	v0 =	vadd.f32 v3, v0  }
0x174: {  	v3 =	vld [tilespmem:s22+$0x200]  }
0x175: {  	v0 =	vadd.f32 v1, v0  }
0x176: {  	v1 =	vld [tilespmem:s22+$0x280]  }
0x177: {  	v0 =	vadd.f32 v2, v0  }
0x178: {  	v2 =	vld [tilespmem:s22+$0x300]  }
0x179: {  	v0 =	vadd.f32 v3, v0  }
0x17a: {  	v3 =	vld [tilespmem:s22+$0x380]  }
0x17b: {  	v0 =	vadd.f32 v1, v0;
	_ =	sdelay $0x1  }
0x17c: {  	v0 =	vadd.f32 v2, v0;
	_ =	sdelay $0x1  }
0x17d: {  	v0 =	vadd.f32 v3, v0  }
0x17e: {  	s23 =	sshra.s32 s14, $0x2  }
0x17f: {  	[tilespmem:s23+$0x1C000] =	vst v0  }
0x180: {  	v0 =	vld [tilespmem:s22+$0xFFFFFC10]  }
0x181: {  	v1 =	vld [tilespmem:s22+$0xFFFFFC90];
	_ =	sdelay $0x1  }
0x182: {  	v2 =	vld [tilespmem:s22+$0xFFFFFD10];
	_ =	sdelay $0x1  }
0x183: {  	v3 =	vld [tilespmem:s22+$0xFFFFFD90]  }
0x184: {  	v0 =	vadd.f32 v1, v0  }
0x185: {  	v1 =	vld [tilespmem:s22+$0xFFFFFE10]  }
0x186: {  	v0 =	vadd.f32 v2, v0  }
0x187: {  	v2 =	vld [tilespmem:s22+$0xFFFFFE90]  }
0x188: {  	v0 =	vadd.f32 v3, v0  }
0x189: {  	v3 =	vld [tilespmem:s22+$0xFFFFFF10]  }
0x18a: {  	v0 =	vadd.f32 v1, v0  }
0x18b: {  	v1 =	vld [tilespmem:s22+$0xFFFFFF90]  }
0x18c: {  	v0 =	vadd.f32 v2, v0  }
0x18d: {  	v2 =	vld [tilespmem:s22+$0x10]  }
0x18e: {  	v0 =	vadd.f32 v3, v0  }
0x18f: {  	v3 =	vld [tilespmem:s22+$0x90]  }
0x190: {  	v0 =	vadd.f32 v1, v0  }
0x191: {  	v1 =	vld [tilespmem:s22+$0x110]  }
0x192: {  	v0 =	vadd.f32 v2, v0  }
0x193: {  	v2 =	vld [tilespmem:s22+$0x190]  }
0x194: {  	v0 =	vadd.f32 v3, v0  }
0x195: {  	v3 =	vld [tilespmem:s22+$0x210]  }
0x196: {  	v0 =	vadd.f32 v1, v0  }
0x197: {  	v1 =	vld [tilespmem:s22+$0x290]  }
0x198: {  	v0 =	vadd.f32 v2, v0  }
0x199: {  	v2 =	vld [tilespmem:s22+$0x310]  }
0x19a: {  	v0 =	vadd.f32 v3, v0  }
0x19b: {  	v3 =	vld [tilespmem:s22+$0x390]  }
0x19c: {  	v0 =	vadd.f32 v1, v0;
	_ =	sdelay $0x1  }
0x19d: {  	v0 =	vadd.f32 v2, v0;
	_ =	sdelay $0x1  }
0x19e: {  	v0 =	vadd.f32 v3, v0;
	_ =	sdelay $0x1  }
0x19f: {  	[tilespmem:s23+$0x1C010] =	vst v0  }
0x1a0: {  	v0 =	vld [tilespmem:s22+$0xFFFFFC20]  }
0x1a1: {  	v1 =	vld [tilespmem:s22+$0xFFFFFCA0];
	_ =	sdelay $0x1  }
0x1a2: {  	v2 =	vld [tilespmem:s22+$0xFFFFFD20];
	_ =	sdelay $0x1  }
0x1a3: {  	v3 =	vld [tilespmem:s22+$0xFFFFFDA0]  }
0x1a4: {  	v0 =	vadd.f32 v1, v0  }
0x1a5: {  	v1 =	vld [tilespmem:s22+$0xFFFFFE20]  }
0x1a6: {  	v0 =	vadd.f32 v2, v0  }
0x1a7: {  	v2 =	vld [tilespmem:s22+$0xFFFFFEA0]  }
0x1a8: {  	v0 =	vadd.f32 v3, v0  }
0x1a9: {  	v3 =	vld [tilespmem:s22+$0xFFFFFF20]  }
0x1aa: {  	v0 =	vadd.f32 v1, v0  }
0x1ab: {  	v1 =	vld [tilespmem:s22+$0xFFFFFFA0]  }
0x1ac: {  	v0 =	vadd.f32 v2, v0  }
0x1ad: {  	v2 =	vld [tilespmem:s22+$0x20]  }
0x1ae: {  	v0 =	vadd.f32 v3, v0  }
0x1af: {  	v3 =	vld [tilespmem:s22+$0xA0]  }
0x1b0: {  	v0 =	vadd.f32 v1, v0  }
0x1b1: {  	v1 =	vld [tilespmem:s22+$0x120]  }
0x1b2: {  	v0 =	vadd.f32 v2, v0  }
0x1b3: {  	v2 =	vld [tilespmem:s22+$0x1A0]  }
0x1b4: {  	v0 =	vadd.f32 v3, v0  }
0x1b5: {  	v3 =	vld [tilespmem:s22+$0x220]  }
0x1b6: {  	v0 =	vadd.f32 v1, v0  }
0x1b7: {  	v1 =	vld [tilespmem:s22+$0x2A0]  }
0x1b8: {  	v0 =	vadd.f32 v2, v0  }
0x1b9: {  	v2 =	vld [tilespmem:s22+$0x320]  }
0x1ba: {  	v0 =	vadd.f32 v3, v0  }
0x1bb: {  	v3 =	vld [tilespmem:s22+$0x3A0]  }
0x1bc: {  	v0 =	vadd.f32 v1, v0;
	_ =	sdelay $0x1  }
0x1bd: {  	v0 =	vadd.f32 v2, v0;
	_ =	sdelay $0x1  }
0x1be: {  	v0 =	vadd.f32 v3, v0;
	_ =	sdelay $0x1  }
0x1bf: {  	[tilespmem:s23+$0x1C020] =	vst v0  }
0x1c0: {  	v0 =	vld [tilespmem:s22+$0xFFFFFC30]  }
0x1c1: {  	v1 =	vld [tilespmem:s22+$0xFFFFFCB0]  }
0x1c2: {  	v2 =	vld [tilespmem:s22+$0xFFFFFD30];
	_ =	sdelay $0x2  }
0x1c3: {  	v3 =	vld [tilespmem:s22+$0xFFFFFDB0]  }
0x1c4: {  	v0 =	vadd.f32 v1, v0  }
0x1c5: {  	v1 =	vld [tilespmem:s22+$0xFFFFFE30]  }
0x1c6: {  	v0 =	vadd.f32 v2, v0  }
0x1c7: {  	v2 =	vld [tilespmem:s22+$0xFFFFFEB0]  }
0x1c8: {  	v0 =	vadd.f32 v3, v0  }
0x1c9: {  	v3 =	vld [tilespmem:s22+$0xFFFFFF30]  }
0x1ca: {  	v0 =	vadd.f32 v1, v0  }
0x1cb: {  	v1 =	vld [tilespmem:s22+$0xFFFFFFB0]  }
0x1cc: {  	v0 =	vadd.f32 v2, v0  }
0x1cd: {  	v2 =	vld [tilespmem:s22+$0x30]  }
0x1ce: {  	v0 =	vadd.f32 v3, v0  }
0x1cf: {  	v3 =	vld [tilespmem:s22+$0xB0]  }
0x1d0: {  	v0 =	vadd.f32 v1, v0  }
0x1d1: {  	v1 =	vld [tilespmem:s22+$0x130]  }
0x1d2: {  	v0 =	vadd.f32 v2, v0  }
0x1d3: {  	v2 =	vld [tilespmem:s22+$0x1B0]  }
0x1d4: {  	v0 =	vadd.f32 v3, v0  }
0x1d5: {  	v3 =	vld [tilespmem:s22+$0x230]  }
0x1d6: {  	v0 =	vadd.f32 v1, v0  }
0x1d7: {  	v1 =	vld [tilespmem:s22+$0x2B0]  }
0x1d8: {  	v0 =	vadd.f32 v2, v0  }
0x1d9: {  	v2 =	vld [tilespmem:s22+$0x330]  }
0x1da: {  	v0 =	vadd.f32 v3, v0  }
0x1db: {  	v3 =	vld [tilespmem:s22+$0x3B0]  }
0x1dc: {  	v0 =	vadd.f32 v1, v0;
	_ =	sdelay $0x1  }
0x1dd: {  	v0 =	vadd.f32 v2, v0;
	_ =	sdelay $0x1  }
0x1de: {  	v0 =	vadd.f32 v3, v0;
	_ =	sdelay $0x1  }
0x1df: {  	[tilespmem:s23+$0x1C030] =	vst v0  }
0x1e0: {  	v0 =	vld [tilespmem:s22+$0xFFFFFC40]  }
0x1e1: {  	v1 =	vld [tilespmem:s22+$0xFFFFFCC0]  }
0x1e2: {  	v2 =	vld [tilespmem:s22+$0xFFFFFD40];
	_ =	sdelay $0x2  }
0x1e3: {  	v3 =	vld [tilespmem:s22+$0xFFFFFDC0]  }
0x1e4: {  	v0 =	vadd.f32 v1, v0  }
0x1e5: {  	v1 =	vld [tilespmem:s22+$0xFFFFFE40]  }
0x1e6: {  	v0 =	vadd.f32 v2, v0  }
0x1e7: {  	v2 =	vld [tilespmem:s22+$0xFFFFFEC0]  }
0x1e8: {  	v0 =	vadd.f32 v3, v0  }
0x1e9: {  	v3 =	vld [tilespmem:s22+$0xFFFFFF40]  }
0x1ea: {  	v0 =	vadd.f32 v1, v0  }
0x1eb: {  	v1 =	vld [tilespmem:s22+$0xFFFFFFC0]  }
0x1ec: {  	v0 =	vadd.f32 v2, v0  }
0x1ed: {  	v2 =	vld [tilespmem:s22+$0x40]  }
0x1ee: {  	v0 =	vadd.f32 v3, v0  }
0x1ef: {  	v3 =	vld [tilespmem:s22+$0xC0]  }
0x1f0: {  	v0 =	vadd.f32 v1, v0  }
0x1f1: {  	v1 =	vld [tilespmem:s22+$0x140]  }
0x1f2: {  	v0 =	vadd.f32 v2, v0  }
0x1f3: {  	v2 =	vld [tilespmem:s22+$0x1C0]  }
0x1f4: {  	v0 =	vadd.f32 v3, v0  }
0x1f5: {  	v3 =	vld [tilespmem:s22+$0x240]  }
0x1f6: {  	v0 =	vadd.f32 v1, v0  }
0x1f7: {  	v1 =	vld [tilespmem:s22+$0x2C0]  }
0x1f8: {  	v0 =	vadd.f32 v2, v0  }
0x1f9: {  	v2 =	vld [tilespmem:s22+$0x340]  }
0x1fa: {  	v0 =	vadd.f32 v3, v0  }
0x1fb: {  	v3 =	vld [tilespmem:s22+$0x3C0]  }
0x1fc: {  	v0 =	vadd.f32 v1, v0;
	_ =	sdelay $0x1  }
0x1fd: {  	v0 =	vadd.f32 v2, v0;
	_ =	sdelay $0x1  }
0x1fe: {  	v0 =	vadd.f32 v3, v0;
	_ =	sdelay $0x1  }
0x1ff: {  	[tilespmem:s23+$0x1C040] =	vst v0  }
0x200: {  	v0 =	vld [tilespmem:s22+$0xFFFFFC50]  }
0x201: {  	v1 =	vld [tilespmem:s22+$0xFFFFFCD0]  }
0x202: {  	v2 =	vld [tilespmem:s22+$0xFFFFFD50]  }
0x203: {  	v3 =	vld [tilespmem:s22+$0xFFFFFDD0]  }
0x204: {  	v4 =	vld [tilespmem:s22+$0xFFFFFE50]  }
0x205: {  	v5 =	vld [tilespmem:s22+$0xFFFFFED0]  }
0x206: {  	v0 =	vadd.f32 v1, v0;
	v1 =	vld [tilespmem:s22+$0xFFFFFF50]  }
0x207: {  	v6 =	vld [tilespmem:s22+$0xFFFFFFD0]  }
0x208: {  	v0 =	vadd.f32 v2, v0;
	v2 =	vld [tilespmem:s22+$0x50]  }
0x209: {  	v7 =	vld [tilespmem:s22+$0xD0]  }
0x20a: {  	v0 =	vadd.f32 v3, v0;
	v3 =	vld [tilespmem:s22+$0x150]  }
0x20b: {  	v8 =	vld [tilespmem:s22+$0x1D0]  }
0x20c: {  	v0 =	vadd.f32 v4, v0;
	v4 =	vld [tilespmem:s22+$0x250]  }
0x20d: {  	v9 =	vld [tilespmem:s22+$0x2D0]  }
0x20e: {  	v0 =	vadd.f32 v5, v0;
	v5 =	vld [tilespmem:s22+$0x350]  }
0x20f: {  	v10 =	vld [tilespmem:s22+$0x3D0]  }
0x210: {  	v0 =	vadd.f32 v1, v0;
	_ =	sdelay $0x1  }
0x211: {  	v0 =	vadd.f32 v6, v0;
	_ =	sdelay $0x1  }
0x212: {  	v0 =	vadd.f32 v2, v0;
	_ =	sdelay $0x1  }
0x213: {  	v0 =	vadd.f32 v7, v0;
	_ =	sdelay $0x1  }
0x214: {  	v0 =	vadd.f32 v3, v0;
	_ =	sdelay $0x1  }
0x215: {  	v0 =	vadd.f32 v8, v0;
	_ =	sdelay $0x1  }
0x216: {  	v0 =	vadd.f32 v4, v0;
	_ =	sdelay $0x1  }
0x217: {  	v0 =	vadd.f32 v9, v0;
	_ =	sdelay $0x1  }
0x218: {  	v0 =	vadd.f32 v5, v0;
	_ =	sdelay $0x1  }
0x219: {  	v0 =	vadd.f32 v10, v0;
	_ =	sdelay $0x1  }
0x21a: {  	[tilespmem:s23+$0x1C050] =	vst v0  }
0x21b: {  	v0 =	vld [tilespmem:s22+$0xFFFFFC60]  }
0x21c: {  	v1 =	vld [tilespmem:s22+$0xFFFFFCE0]  }
0x21d: {  	v2 =	vld [tilespmem:s22+$0xFFFFFD60]  }
0x21e: {  	v3 =	vld [tilespmem:s22+$0xFFFFFDE0]  }
0x21f: {  	v4 =	vld [tilespmem:s22+$0xFFFFFE60]  }
0x220: {  	v5 =	vld [tilespmem:s22+$0xFFFFFEE0]  }
0x221: {  	v0 =	vadd.f32 v1, v0;
	v1 =	vld [tilespmem:s22+$0xFFFFFF60]  }
0x222: {  	v6 =	vld [tilespmem:s22+$0xFFFFFFE0]  }
0x223: {  	v0 =	vadd.f32 v2, v0;
	v2 =	vld [tilespmem:s22+$0x60]  }
0x224: {  	v7 =	vld [tilespmem:s22+$0xE0]  }
0x225: {  	v0 =	vadd.f32 v3, v0;
	v3 =	vld [tilespmem:s22+$0x160]  }
0x226: {  	v8 =	vld [tilespmem:s22+$0x1E0]  }
0x227: {  	v0 =	vadd.f32 v4, v0;
	v4 =	vld [tilespmem:s22+$0x260]  }
0x228: {  	v9 =	vld [tilespmem:s22+$0x2E0]  }
0x229: {  	v0 =	vadd.f32 v5, v0;
	v5 =	vld [tilespmem:s22+$0x360]  }
0x22a: {  	v10 =	vld [tilespmem:s22+$0x3E0]  }
0x22b: {  	v0 =	vadd.f32 v1, v0;
	_ =	sdelay $0x1  }
0x22c: {  	v0 =	vadd.f32 v6, v0;
	_ =	sdelay $0x1  }
0x22d: {  	v0 =	vadd.f32 v2, v0;
	_ =	sdelay $0x1  }
0x22e: {  	v0 =	vadd.f32 v7, v0;
	_ =	sdelay $0x1  }
0x22f: {  	v0 =	vadd.f32 v3, v0;
	_ =	sdelay $0x1  }
0x230: {  	v0 =	vadd.f32 v8, v0;
	_ =	sdelay $0x1  }
0x231: {  	v0 =	vadd.f32 v4, v0;
	_ =	sdelay $0x1  }
0x232: {  	v0 =	vadd.f32 v9, v0;
	_ =	sdelay $0x1  }
0x233: {  	v0 =	vadd.f32 v5, v0;
	_ =	sdelay $0x1  }
0x234: {  	v0 =	vadd.f32 v10, v0;
	_ =	sdelay $0x1  }
0x235: {  	[tilespmem:s23+$0x1C060] =	vst v0  }
0x236: {  	v0 =	vld [tilespmem:s22+$0xFFFFFC70]  }
0x237: {  	v1 =	vld [tilespmem:s22+$0xFFFFFCF0]  }
0x238: {  	v2 =	vld [tilespmem:s22+$0xFFFFFD70]  }
0x239: {  	v3 =	vld [tilespmem:s22+$0xFFFFFDF0]  }
0x23a: {  	v4 =	vld [tilespmem:s22+$0xFFFFFE70]  }
0x23b: {  	v5 =	vld [tilespmem:s22+$0xFFFFFEF0]  }
0x23c: {  	v0 =	vadd.f32 v1, v0;
	v6 =	vld [tilespmem:s22+$0xFFFFFF70]  }
0x23d: {  	v7 =	vld [tilespmem:s22+$0xFFFFFFF0]  }
0x23e: {  	v0 =	vadd.f32 v2, v0;
	v8 =	vld [tilespmem:s22+$0x70]  }
0x23f: {  	v9 =	vld [tilespmem:s22+$0xF0]  }
0x240: {  	v0 =	vadd.f32 v3, v0;
	v10 =	vld [tilespmem:s22+$0x170]  }
0x241: {  	v11 =	vld [tilespmem:s22+$0x1F0]  }
0x242: {  	v1 =	vadd.f32 v4, v0;
	v3 =	vld [tilespmem:s22+$0x270]  }
0x243: {  	v0 =	vld [tilespmem:s22+$0x2F0]  }
0x244: {  	v4 =	vadd.f32 v5, v1;
	v2 =	vld [tilespmem:s22+$0x370]  }
0x245: {  	v1 =	vld [tilespmem:s22+$0x3F0]  }
0x246: {  	v4 =	vadd.f32 v6, v4;
	_ =	sdelay $0x1  }
0x247: {  	v4 =	vadd.f32 v7, v4;
	_ =	sdelay $0x1  }
0x248: {  	v4 =	vadd.f32 v8, v4;
	_ =	sdelay $0x1  }
.Ltmp1:
0x249: {  	v4 =	vadd.f32 v9, v4;
	(pc) =	sbr.rel @p1 .LBB2_5-.Ltmp1, $3  }
0x24a: {  	_ = 	snop  }
0x24b: {  	v4 =	vadd.f32 v10, v4;
	_ =	sdelay $0x1  }
0x24c: {  	v4 =	vadd.f32 v11, v4  }
0x24d: {  	_ = 	snop  }
0x24e: {  	v3 =	vadd.f32 v3, v4;
	_ =	sdelay $0x1  }
0x24f: {  	v0 =	vadd.f32 v0, v3;
	_ =	sdelay $0x1  }
0x250: {  	v0 =	vadd.f32 v2, v0  }
0x251: {  	s14 =	sshll.u32 s0, $0xC  }
0x252: {  	s14 =	sadd.s32 s5, s14;
	v0 =	vadd.f32 v1, v0  }
0x253: {  	s14 =	sshrl.u32 s14, $0x3  }
0x254: {  	p1 =	seq.s32 s0, $0x31;
	s14 =	sadd.s32 s6, s14;
	[tilespmem:s23+$0x1C070] =	vst v0  }
0x255: {  	[hbm4b:s14+s3] =	stream.linear.scatter [tilespmem:s28], [sflag:$0x3], $0x800, $0x38;
	[tilespmem:$0x1D000] =	vst v63  }
0x256: {  	s14 =	sshll.u32 @!p1 s0, $0x9  }
0x257: {  	s14 =	sand.u32 @!p1 $0x3FFFFE00, s14  }
0x258: {  	s24 =	simm.s32 @!p1 $0xC000;
	s23 =	simm.s32 @!p1 $0x80;
	s22 =	sadd.s32 @!p1 $0xE00, s14  }
0x259: {  	[tilespmem:s24], [sflag:$0x1] =	stream.indirect.gather @!p1 [hbm4b:s4+s23], $0x80, s22, s23, $0xb8;
	[tilespmem:$0x1D000] =	vst v63  }
0x25a: {  	s14 =	sadd.s32 @!p1 $0xE80, s14;
	s22 =	simm.s32 @!p1 $0x10000  }
0x25b: {  	[tilespmem:s22], [sflag:$0x1] =	stream.indirect.gather @!p1 [hbm4b:s4+s23], $0x80, s14, s23, $0xb8;
	[tilespmem:$0x1D000] =	vst v63  }
0x25c: {  	_ =	swait.ge [sflag:s19], $0x4000  }
0x25d: {  	[sflag:s19] =	ssyncset.done $0x0  }
0x25e: {  	[sflag:s19] =	ssyncadd.s32 $0xFFFFC000  }
0x25f: {  	_ =	swait.ge [sflag:s19], $0x4000  }
0x260: {  	[sflag:s19] =	ssyncset.done $0x0  }
0x261: {  	s14 =	simm.s32 @!p0 $0x4;
	[sflag:s19] =	ssyncadd.s32 $0xFFFFC000  }
0x262: {  	_ =	swait.ge @!p0 [sflag:s14], $0x800  }
0x263: {  	[sflag:s14] =	ssyncset.done @!p0 $0x0  }
0x264: {  	s23 =	simm.s32 $0x0;
	[sflag:s14] =	ssyncadd.s32 @!p0 $0xFFFFF800  }
0x265: {  	v0 =	vld [tilespmem:s23+$0x14000]  }
0x266: {  	v1 =	vld [tilespmem:s23+$0x14080];
	_ =	sdelay $0x1  }
0x267: {  	v2 =	vld [tilespmem:s23+$0x14100];
	_ =	sdelay $0x1  }
0x268: {  	v3 =	vld [tilespmem:s23+$0x14180]  }
0x269: {  	v0 =	vadd.f32 v1, v0  }
0x26a: {  	v1 =	vld [tilespmem:s23+$0x14200]  }
0x26b: {  	v0 =	vadd.f32 v2, v0  }
0x26c: {  	v2 =	vld [tilespmem:s23+$0x14280]  }
0x26d: {  	v0 =	vadd.f32 v3, v0  }
0x26e: {  	v3 =	vld [tilespmem:s23+$0x14300]  }
0x26f: {  	v0 =	vadd.f32 v1, v0  }
0x270: {  	v1 =	vld [tilespmem:s23+$0x14380]  }
0x271: {  	v0 =	vadd.f32 v2, v0  }
0x272: {  	v2 =	vld [tilespmem:s23+$0x14400]  }
0x273: {  	v0 =	vadd.f32 v3, v0  }
0x274: {  	v3 =	vld [tilespmem:s23+$0x14480]  }
0x275: {  	v0 =	vadd.f32 v1, v0  }
0x276: {  	v1 =	vld [tilespmem:s23+$0x14500]  }
0x277: {  	v0 =	vadd.f32 v2, v0  }
0x278: {  	v2 =	vld [tilespmem:s23+$0x14580]  }
0x279: {  	v0 =	vadd.f32 v3, v0  }
0x27a: {  	v3 =	vld [tilespmem:s23+$0x14600]  }
0x27b: {  	v0 =	vadd.f32 v1, v0  }
0x27c: {  	v1 =	vld [tilespmem:s23+$0x14680]  }
0x27d: {  	v0 =	vadd.f32 v2, v0  }
0x27e: {  	v2 =	vld [tilespmem:s23+$0x14700]  }
0x27f: {  	v0 =	vadd.f32 v3, v0  }
0x280: {  	v3 =	vld [tilespmem:s23+$0x14780]  }
0x281: {  	v0 =	vadd.f32 v1, v0;
	_ =	sdelay $0x1  }
0x282: {  	v0 =	vadd.f32 v2, v0;
	_ =	sdelay $0x1  }
0x283: {  	v0 =	vadd.f32 v3, v0  }
0x284: {  	s22 =	simm.s32 $0x1C870  }
0x285: {  	[tilespmem:s22+$0xFFFFFF90] =	vst v0  }
0x286: {  	v0 =	vld [tilespmem:s23+$0x14010]  }
0x287: {  	v1 =	vld [tilespmem:s23+$0x14090];
	_ =	sdelay $0x1  }
0x288: {  	v2 =	vld [tilespmem:s23+$0x14110];
	_ =	sdelay $0x1  }
0x289: {  	v3 =	vld [tilespmem:s23+$0x14190]  }
0x28a: {  	v0 =	vadd.f32 v1, v0  }
0x28b: {  	v1 =	vld [tilespmem:s23+$0x14210]  }
0x28c: {  	v0 =	vadd.f32 v2, v0  }
0x28d: {  	v2 =	vld [tilespmem:s23+$0x14290]  }
0x28e: {  	v0 =	vadd.f32 v3, v0  }
0x28f: {  	v3 =	vld [tilespmem:s23+$0x14310]  }
0x290: {  	v0 =	vadd.f32 v1, v0  }
0x291: {  	v1 =	vld [tilespmem:s23+$0x14390]  }
0x292: {  	v0 =	vadd.f32 v2, v0  }
0x293: {  	v2 =	vld [tilespmem:s23+$0x14410]  }
0x294: {  	v0 =	vadd.f32 v3, v0  }
0x295: {  	v3 =	vld [tilespmem:s23+$0x14490]  }
0x296: {  	v0 =	vadd.f32 v1, v0  }
0x297: {  	v1 =	vld [tilespmem:s23+$0x14510]  }
0x298: {  	v0 =	vadd.f32 v2, v0  }
0x299: {  	v2 =	vld [tilespmem:s23+$0x14590]  }
0x29a: {  	v0 =	vadd.f32 v3, v0  }
0x29b: {  	v3 =	vld [tilespmem:s23+$0x14610]  }
0x29c: {  	v0 =	vadd.f32 v1, v0  }
0x29d: {  	v1 =	vld [tilespmem:s23+$0x14690]  }
0x29e: {  	v0 =	vadd.f32 v2, v0  }
0x29f: {  	v2 =	vld [tilespmem:s23+$0x14710]  }
0x2a0: {  	v0 =	vadd.f32 v3, v0  }
0x2a1: {  	v3 =	vld [tilespmem:s23+$0x14790]  }
0x2a2: {  	v0 =	vadd.f32 v1, v0;
	_ =	sdelay $0x1  }
0x2a3: {  	v0 =	vadd.f32 v2, v0;
	_ =	sdelay $0x1  }
0x2a4: {  	v0 =	vadd.f32 v3, v0;
	_ =	sdelay $0x1  }
0x2a5: {  	[tilespmem:s22+$0xFFFFFFA0] =	vst v0  }
0x2a6: {  	v0 =	vld [tilespmem:s23+$0x14020]  }
0x2a7: {  	v1 =	vld [tilespmem:s23+$0x140A0];
	_ =	sdelay $0x1  }
0x2a8: {  	v2 =	vld [tilespmem:s23+$0x14120];
	_ =	sdelay $0x1  }
0x2a9: {  	v3 =	vld [tilespmem:s23+$0x141A0]  }
0x2aa: {  	v0 =	vadd.f32 v1, v0  }
0x2ab: {  	v1 =	vld [tilespmem:s23+$0x14220]  }
0x2ac: {  	v0 =	vadd.f32 v2, v0  }
0x2ad: {  	v2 =	vld [tilespmem:s23+$0x142A0]  }
0x2ae: {  	v0 =	vadd.f32 v3, v0  }
0x2af: {  	v3 =	vld [tilespmem:s23+$0x14320]  }
0x2b0: {  	v0 =	vadd.f32 v1, v0  }
0x2b1: {  	v1 =	vld [tilespmem:s23+$0x143A0]  }
0x2b2: {  	v0 =	vadd.f32 v2, v0  }
0x2b3: {  	v2 =	vld [tilespmem:s23+$0x14420]  }
0x2b4: {  	v0 =	vadd.f32 v3, v0  }
0x2b5: {  	v3 =	vld [tilespmem:s23+$0x144A0]  }
0x2b6: {  	v0 =	vadd.f32 v1, v0  }
0x2b7: {  	v1 =	vld [tilespmem:s23+$0x14520]  }
0x2b8: {  	v0 =	vadd.f32 v2, v0  }
0x2b9: {  	v2 =	vld [tilespmem:s23+$0x145A0]  }
0x2ba: {  	v0 =	vadd.f32 v3, v0  }
0x2bb: {  	v3 =	vld [tilespmem:s23+$0x14620]  }
0x2bc: {  	v0 =	vadd.f32 v1, v0  }
0x2bd: {  	v1 =	vld [tilespmem:s23+$0x146A0]  }
0x2be: {  	v0 =	vadd.f32 v2, v0  }
0x2bf: {  	v2 =	vld [tilespmem:s23+$0x14720]  }
0x2c0: {  	v0 =	vadd.f32 v3, v0  }
0x2c1: {  	v3 =	vld [tilespmem:s23+$0x147A0]  }
0x2c2: {  	v0 =	vadd.f32 v1, v0;
	_ =	sdelay $0x1  }
0x2c3: {  	v0 =	vadd.f32 v2, v0;
	_ =	sdelay $0x1  }
0x2c4: {  	v0 =	vadd.f32 v3, v0;
	_ =	sdelay $0x1  }
0x2c5: {  	[tilespmem:s22+$0xFFFFFFB0] =	vst v0  }
0x2c6: {  	v0 =	vld [tilespmem:s23+$0x14030]  }
0x2c7: {  	v1 =	vld [tilespmem:s23+$0x140B0];
	_ =	sdelay $0x1  }
0x2c8: {  	v2 =	vld [tilespmem:s23+$0x14130];
	_ =	sdelay $0x1  }
0x2c9: {  	v3 =	vld [tilespmem:s23+$0x141B0]  }
0x2ca: {  	v0 =	vadd.f32 v1, v0  }
0x2cb: {  	v1 =	vld [tilespmem:s23+$0x14230]  }
0x2cc: {  	v0 =	vadd.f32 v2, v0  }
0x2cd: {  	v2 =	vld [tilespmem:s23+$0x142B0]  }
0x2ce: {  	v0 =	vadd.f32 v3, v0  }
0x2cf: {  	v3 =	vld [tilespmem:s23+$0x14330]  }
0x2d0: {  	v0 =	vadd.f32 v1, v0  }
0x2d1: {  	v1 =	vld [tilespmem:s23+$0x143B0]  }
0x2d2: {  	v0 =	vadd.f32 v2, v0  }
0x2d3: {  	v2 =	vld [tilespmem:s23+$0x14430]  }
0x2d4: {  	v0 =	vadd.f32 v3, v0  }
0x2d5: {  	v3 =	vld [tilespmem:s23+$0x144B0]  }
0x2d6: {  	v0 =	vadd.f32 v1, v0  }
0x2d7: {  	v1 =	vld [tilespmem:s23+$0x14530]  }
0x2d8: {  	v0 =	vadd.f32 v2, v0  }
0x2d9: {  	v2 =	vld [tilespmem:s23+$0x145B0]  }
0x2da: {  	v0 =	vadd.f32 v3, v0  }
0x2db: {  	v3 =	vld [tilespmem:s23+$0x14630]  }
0x2dc: {  	v0 =	vadd.f32 v1, v0  }
0x2dd: {  	v1 =	vld [tilespmem:s23+$0x146B0]  }
0x2de: {  	v0 =	vadd.f32 v2, v0  }
0x2df: {  	v2 =	vld [tilespmem:s23+$0x14730]  }
0x2e0: {  	v0 =	vadd.f32 v3, v0  }
0x2e1: {  	v3 =	vld [tilespmem:s23+$0x147B0]  }
0x2e2: {  	v0 =	vadd.f32 v1, v0;
	_ =	sdelay $0x1  }
0x2e3: {  	v0 =	vadd.f32 v2, v0;
	_ =	sdelay $0x1  }
0x2e4: {  	v0 =	vadd.f32 v3, v0;
	_ =	sdelay $0x1  }
0x2e5: {  	[tilespmem:s22+$0xFFFFFFC0] =	vst v0  }
0x2e6: {  	v0 =	vld [tilespmem:s23+$0x14040]  }
0x2e7: {  	v1 =	vld [tilespmem:s23+$0x140C0];
	_ =	sdelay $0x1  }
0x2e8: {  	v2 =	vld [tilespmem:s23+$0x14140];
	_ =	sdelay $0x1  }
0x2e9: {  	v3 =	vld [tilespmem:s23+$0x141C0]  }
0x2ea: {  	v0 =	vadd.f32 v1, v0  }
0x2eb: {  	v1 =	vld [tilespmem:s23+$0x14240]  }
0x2ec: {  	v0 =	vadd.f32 v2, v0  }
0x2ed: {  	v2 =	vld [tilespmem:s23+$0x142C0]  }
0x2ee: {  	v0 =	vadd.f32 v3, v0  }
0x2ef: {  	v3 =	vld [tilespmem:s23+$0x14340]  }
0x2f0: {  	v0 =	vadd.f32 v1, v0  }
0x2f1: {  	v1 =	vld [tilespmem:s23+$0x143C0]  }
0x2f2: {  	v0 =	vadd.f32 v2, v0  }
0x2f3: {  	v2 =	vld [tilespmem:s23+$0x14440]  }
0x2f4: {  	v0 =	vadd.f32 v3, v0  }
0x2f5: {  	v3 =	vld [tilespmem:s23+$0x144C0]  }
0x2f6: {  	v0 =	vadd.f32 v1, v0  }
0x2f7: {  	v1 =	vld [tilespmem:s23+$0x14540]  }
0x2f8: {  	v0 =	vadd.f32 v2, v0  }
0x2f9: {  	v2 =	vld [tilespmem:s23+$0x145C0]  }
0x2fa: {  	v0 =	vadd.f32 v3, v0  }
0x2fb: {  	v3 =	vld [tilespmem:s23+$0x14640]  }
0x2fc: {  	v0 =	vadd.f32 v1, v0  }
0x2fd: {  	v1 =	vld [tilespmem:s23+$0x146C0]  }
0x2fe: {  	v0 =	vadd.f32 v2, v0  }
0x2ff: {  	v2 =	vld [tilespmem:s23+$0x14740]  }
0x300: {  	v0 =	vadd.f32 v3, v0  }
0x301: {  	v3 =	vld [tilespmem:s23+$0x147C0]  }
0x302: {  	v0 =	vadd.f32 v1, v0;
	_ =	sdelay $0x1  }
0x303: {  	v0 =	vadd.f32 v2, v0;
	_ =	sdelay $0x1  }
0x304: {  	v0 =	vadd.f32 v3, v0;
	_ =	sdelay $0x1  }
0x305: {  	[tilespmem:s22+$0xFFFFFFD0] =	vst v0  }
0x306: {  	v0 =	vld [tilespmem:s23+$0x14050]  }
0x307: {  	v1 =	vld [tilespmem:s23+$0x140D0];
	_ =	sdelay $0x1  }
0x308: {  	v2 =	vld [tilespmem:s23+$0x14150];
	_ =	sdelay $0x1  }
0x309: {  	v3 =	vld [tilespmem:s23+$0x141D0]  }
0x30a: {  	v0 =	vadd.f32 v1, v0  }
0x30b: {  	v1 =	vld [tilespmem:s23+$0x14250]  }
0x30c: {  	v0 =	vadd.f32 v2, v0  }
0x30d: {  	v2 =	vld [tilespmem:s23+$0x142D0]  }
0x30e: {  	v0 =	vadd.f32 v3, v0  }
0x30f: {  	v3 =	vld [tilespmem:s23+$0x14350]  }
0x310: {  	v0 =	vadd.f32 v1, v0  }
0x311: {  	v1 =	vld [tilespmem:s23+$0x143D0]  }
0x312: {  	v0 =	vadd.f32 v2, v0  }
0x313: {  	v2 =	vld [tilespmem:s23+$0x14450]  }
0x314: {  	v0 =	vadd.f32 v3, v0  }
0x315: {  	v3 =	vld [tilespmem:s23+$0x144D0]  }
0x316: {  	v0 =	vadd.f32 v1, v0  }
0x317: {  	v1 =	vld [tilespmem:s23+$0x14550]  }
0x318: {  	v0 =	vadd.f32 v2, v0  }
0x319: {  	v2 =	vld [tilespmem:s23+$0x145D0]  }
0x31a: {  	v0 =	vadd.f32 v3, v0  }
0x31b: {  	v3 =	vld [tilespmem:s23+$0x14650]  }
0x31c: {  	v0 =	vadd.f32 v1, v0  }
0x31d: {  	v1 =	vld [tilespmem:s23+$0x146D0]  }
0x31e: {  	v0 =	vadd.f32 v2, v0  }
0x31f: {  	v2 =	vld [tilespmem:s23+$0x14750]  }
0x320: {  	v0 =	vadd.f32 v3, v0  }
0x321: {  	v3 =	vld [tilespmem:s23+$0x147D0]  }
0x322: {  	v0 =	vadd.f32 v1, v0;
	_ =	sdelay $0x1  }
0x323: {  	v0 =	vadd.f32 v2, v0;
	_ =	sdelay $0x1  }
0x324: {  	v0 =	vadd.f32 v3, v0;
	_ =	sdelay $0x1  }
0x325: {  	[tilespmem:s22+$0xFFFFFFE0] =	vst v0  }
0x326: {  	v0 =	vld [tilespmem:s23+$0x14060]  }
0x327: {  	v1 =	vld [tilespmem:s23+$0x140E0];
	_ =	sdelay $0x1  }
0x328: {  	v2 =	vld [tilespmem:s23+$0x14160];
	_ =	sdelay $0x1  }
0x329: {  	v3 =	vld [tilespmem:s23+$0x141E0]  }
0x32a: {  	v0 =	vadd.f32 v1, v0  }
0x32b: {  	v1 =	vld [tilespmem:s23+$0x14260]  }
0x32c: {  	v0 =	vadd.f32 v2, v0  }
0x32d: {  	v2 =	vld [tilespmem:s23+$0x142E0]  }
0x32e: {  	v0 =	vadd.f32 v3, v0  }
0x32f: {  	v3 =	vld [tilespmem:s23+$0x14360]  }
0x330: {  	v0 =	vadd.f32 v1, v0  }
0x331: {  	v1 =	vld [tilespmem:s23+$0x143E0]  }
0x332: {  	v0 =	vadd.f32 v2, v0  }
0x333: {  	v2 =	vld [tilespmem:s23+$0x14460]  }
0x334: {  	v0 =	vadd.f32 v3, v0  }
0x335: {  	v3 =	vld [tilespmem:s23+$0x144E0]  }
0x336: {  	v0 =	vadd.f32 v1, v0  }
0x337: {  	v1 =	vld [tilespmem:s23+$0x14560]  }
0x338: {  	v0 =	vadd.f32 v2, v0  }
0x339: {  	v2 =	vld [tilespmem:s23+$0x145E0]  }
0x33a: {  	v0 =	vadd.f32 v3, v0  }
0x33b: {  	v3 =	vld [tilespmem:s23+$0x14660]  }
0x33c: {  	v0 =	vadd.f32 v1, v0  }
0x33d: {  	v1 =	vld [tilespmem:s23+$0x146E0]  }
0x33e: {  	v0 =	vadd.f32 v2, v0  }
0x33f: {  	v2 =	vld [tilespmem:s23+$0x14760]  }
0x340: {  	v0 =	vadd.f32 v3, v0  }
0x341: {  	v3 =	vld [tilespmem:s23+$0x147E0]  }
0x342: {  	v0 =	vadd.f32 v1, v0;
	_ =	sdelay $0x1  }
0x343: {  	v0 =	vadd.f32 v2, v0;
	_ =	sdelay $0x1  }
0x344: {  	v0 =	vadd.f32 v3, v0;
	_ =	sdelay $0x1  }
0x345: {  	[tilespmem:s22+$0xFFFFFFF0] =	vst v0  }
0x346: {  	v0 =	vld [tilespmem:s23+$0x14070]  }
0x347: {  	v1 =	vld [tilespmem:s23+$0x140F0];
	_ =	sdelay $0x1  }
0x348: {  	v2 =	vld [tilespmem:s23+$0x14170];
	_ =	sdelay $0x1  }
0x349: {  	v3 =	vld [tilespmem:s23+$0x141F0]  }
0x34a: {  	v0 =	vadd.f32 v1, v0  }
0x34b: {  	v1 =	vld [tilespmem:s23+$0x14270]  }
0x34c: {  	v0 =	vadd.f32 v2, v0  }
0x34d: {  	v2 =	vld [tilespmem:s23+$0x142F0]  }
0x34e: {  	v0 =	vadd.f32 v3, v0  }
0x34f: {  	v3 =	vld [tilespmem:s23+$0x14370]  }
0x350: {  	v0 =	vadd.f32 v1, v0  }
0x351: {  	v1 =	vld [tilespmem:s23+$0x143F0]  }
0x352: {  	v0 =	vadd.f32 v2, v0  }
0x353: {  	v2 =	vld [tilespmem:s23+$0x14470]  }
0x354: {  	v0 =	vadd.f32 v3, v0  }
0x355: {  	v3 =	vld [tilespmem:s23+$0x144F0]  }
0x356: {  	v0 =	vadd.f32 v1, v0  }
0x357: {  	v1 =	vld [tilespmem:s23+$0x14570]  }
0x358: {  	v0 =	vadd.f32 v2, v0  }
0x359: {  	v4 =	vld [tilespmem:s23+$0x145F0]  }
0x35a: {  	v3 =	vadd.f32 v3, v0  }
0x35b: {  	v2 =	vld [tilespmem:s23+$0x14670]  }
0x35c: {  	v0 =	vld [tilespmem:s23+$0x146F0];
	v5 =	vadd.f32 v1, v3  }
0x35d: {  	v3 =	vld [tilespmem:s23+$0x14770]  }
0x35e: {  	s24 =	simm.s32 $0x2000;
	v1 =	vld [tilespmem:s23+$0x147F0];
	s23 =	simm.s32 $0x1C870;
	v4 =	vadd.f32 v4, v5  }
.LBB2_7:
0x35f: {  	p0 =	sne.s32 s24, $0x1E000  }
0x360: {  	s22 =	sadd.s32 $0x80, s22;
	s14 =	smov.u32 s24;
	s24 =	sadd.s32 $0x2000, s24  }
0x361: {  	v2 =	vadd.f32 v2, v4;
	_ =	sdelay $0x1  }
0x362: {  	v0 =	vadd.f32 v0, v2;
	_ =	sdelay $0x1  }
0x363: {  	v0 =	vadd.f32 v3, v0;
	_ =	sdelay $0x1  }
0x364: {  	v0 =	vadd.f32 v1, v0  }
0x365: {  	s14 =	sshra.s32 s14, $0x2  }
0x366: {  	[tilespmem:s23+$0x0] =	vst v0;
	s23 =	smov.u32 s22  }
0x367: {  	v0 =	vld [tilespmem:s14+$0x14000]  }
0x368: {  	v1 =	vld [tilespmem:s14+$0x14080]  }
0x369: {  	v2 =	vld [tilespmem:s14+$0x14100];
	_ =	sdelay $0x1  }
0x36a: {  	v3 =	vld [tilespmem:s14+$0x14180];
	_ =	sdelay $0x1  }
0x36b: {  	v0 =	vadd.f32 v1, v0  }
0x36c: {  	v1 =	vld [tilespmem:s14+$0x14200]  }
0x36d: {  	v0 =	vadd.f32 v2, v0  }
0x36e: {  	v2 =	vld [tilespmem:s14+$0x14280]  }
0x36f: {  	v0 =	vadd.f32 v3, v0  }
0x370: {  	v3 =	vld [tilespmem:s14+$0x14300]  }
0x371: {  	v0 =	vadd.f32 v1, v0  }
0x372: {  	v1 =	vld [tilespmem:s14+$0x14380]  }
0x373: {  	v0 =	vadd.f32 v2, v0  }
0x374: {  	v2 =	vld [tilespmem:s14+$0x14400]  }
0x375: {  	v0 =	vadd.f32 v3, v0  }
0x376: {  	v3 =	vld [tilespmem:s14+$0x14480]  }
0x377: {  	v0 =	vadd.f32 v1, v0  }
0x378: {  	v1 =	vld [tilespmem:s14+$0x14500]  }
0x379: {  	v0 =	vadd.f32 v2, v0  }
0x37a: {  	v2 =	vld [tilespmem:s14+$0x14580]  }
0x37b: {  	v0 =	vadd.f32 v3, v0  }
0x37c: {  	v3 =	vld [tilespmem:s14+$0x14600]  }
0x37d: {  	v0 =	vadd.f32 v1, v0  }
0x37e: {  	v1 =	vld [tilespmem:s14+$0x14680]  }
0x37f: {  	v0 =	vadd.f32 v2, v0  }
0x380: {  	v2 =	vld [tilespmem:s14+$0x14700]  }
0x381: {  	v0 =	vadd.f32 v3, v0  }
0x382: {  	v3 =	vld [tilespmem:s14+$0x14780]  }
0x383: {  	v0 =	vadd.f32 v1, v0;
	_ =	sdelay $0x1  }
0x384: {  	v0 =	vadd.f32 v2, v0;
	_ =	sdelay $0x1  }
0x385: {  	v0 =	vadd.f32 v3, v0;
	_ =	sdelay $0x1  }
0x386: {  	[tilespmem:s22+$0xFFFFFF90] =	vst v0  }
0x387: {  	v0 =	vld [tilespmem:s14+$0x14010]  }
0x388: {  	v1 =	vld [tilespmem:s14+$0x14090];
	_ =	sdelay $0x1  }
0x389: {  	v2 =	vld [tilespmem:s14+$0x14110];
	_ =	sdelay $0x1  }
0x38a: {  	v3 =	vld [tilespmem:s14+$0x14190]  }
0x38b: {  	v0 =	vadd.f32 v1, v0  }
0x38c: {  	v1 =	vld [tilespmem:s14+$0x14210]  }
0x38d: {  	v0 =	vadd.f32 v2, v0  }
0x38e: {  	v2 =	vld [tilespmem:s14+$0x14290]  }
0x38f: {  	v0 =	vadd.f32 v3, v0  }
0x390: {  	v3 =	vld [tilespmem:s14+$0x14310]  }
0x391: {  	v0 =	vadd.f32 v1, v0  }
0x392: {  	v1 =	vld [tilespmem:s14+$0x14390]  }
0x393: {  	v0 =	vadd.f32 v2, v0  }
0x394: {  	v2 =	vld [tilespmem:s14+$0x14410]  }
0x395: {  	v0 =	vadd.f32 v3, v0  }
0x396: {  	v3 =	vld [tilespmem:s14+$0x14490]  }
0x397: {  	v0 =	vadd.f32 v1, v0  }
0x398: {  	v1 =	vld [tilespmem:s14+$0x14510]  }
0x399: {  	v0 =	vadd.f32 v2, v0  }
0x39a: {  	v2 =	vld [tilespmem:s14+$0x14590]  }
0x39b: {  	v0 =	vadd.f32 v3, v0  }
0x39c: {  	v3 =	vld [tilespmem:s14+$0x14610]  }
0x39d: {  	v0 =	vadd.f32 v1, v0  }
0x39e: {  	v1 =	vld [tilespmem:s14+$0x14690]  }
0x39f: {  	v0 =	vadd.f32 v2, v0  }
0x3a0: {  	v2 =	vld [tilespmem:s14+$0x14710]  }
0x3a1: {  	v0 =	vadd.f32 v3, v0  }
0x3a2: {  	v3 =	vld [tilespmem:s14+$0x14790]  }
0x3a3: {  	v0 =	vadd.f32 v1, v0;
	_ =	sdelay $0x1  }
0x3a4: {  	v0 =	vadd.f32 v2, v0;
	_ =	sdelay $0x1  }
0x3a5: {  	v0 =	vadd.f32 v3, v0;
	_ =	sdelay $0x1  }
0x3a6: {  	[tilespmem:s22+$0xFFFFFFA0] =	vst v0  }
0x3a7: {  	v0 =	vld [tilespmem:s14+$0x14020]  }
0x3a8: {  	v1 =	vld [tilespmem:s14+$0x140A0];
	_ =	sdelay $0x1  }
0x3a9: {  	v2 =	vld [tilespmem:s14+$0x14120];
	_ =	sdelay $0x1  }
0x3aa: {  	v3 =	vld [tilespmem:s14+$0x141A0]  }
0x3ab: {  	v0 =	vadd.f32 v1, v0  }
0x3ac: {  	v1 =	vld [tilespmem:s14+$0x14220]  }
0x3ad: {  	v0 =	vadd.f32 v2, v0  }
0x3ae: {  	v2 =	vld [tilespmem:s14+$0x142A0]  }
0x3af: {  	v0 =	vadd.f32 v3, v0  }
0x3b0: {  	v3 =	vld [tilespmem:s14+$0x14320]  }
0x3b1: {  	v0 =	vadd.f32 v1, v0  }
0x3b2: {  	v1 =	vld [tilespmem:s14+$0x143A0]  }
0x3b3: {  	v0 =	vadd.f32 v2, v0  }
0x3b4: {  	v2 =	vld [tilespmem:s14+$0x14420]  }
0x3b5: {  	v0 =	vadd.f32 v3, v0  }
0x3b6: {  	v3 =	vld [tilespmem:s14+$0x144A0]  }
0x3b7: {  	v0 =	vadd.f32 v1, v0  }
0x3b8: {  	v1 =	vld [tilespmem:s14+$0x14520]  }
0x3b9: {  	v0 =	vadd.f32 v2, v0  }
0x3ba: {  	v2 =	vld [tilespmem:s14+$0x145A0]  }
0x3bb: {  	v0 =	vadd.f32 v3, v0  }
0x3bc: {  	v3 =	vld [tilespmem:s14+$0x14620]  }
0x3bd: {  	v0 =	vadd.f32 v1, v0  }
0x3be: {  	v1 =	vld [tilespmem:s14+$0x146A0]  }
0x3bf: {  	v0 =	vadd.f32 v2, v0  }
0x3c0: {  	v2 =	vld [tilespmem:s14+$0x14720]  }
0x3c1: {  	v0 =	vadd.f32 v3, v0  }
0x3c2: {  	v3 =	vld [tilespmem:s14+$0x147A0]  }
0x3c3: {  	v0 =	vadd.f32 v1, v0;
	_ =	sdelay $0x1  }
0x3c4: {  	v0 =	vadd.f32 v2, v0;
	_ =	sdelay $0x1  }
0x3c5: {  	v0 =	vadd.f32 v3, v0;
	_ =	sdelay $0x1  }
0x3c6: {  	[tilespmem:s22+$0xFFFFFFB0] =	vst v0  }
0x3c7: {  	v0 =	vld [tilespmem:s14+$0x14030]  }
0x3c8: {  	v1 =	vld [tilespmem:s14+$0x140B0];
	_ =	sdelay $0x1  }
0x3c9: {  	v2 =	vld [tilespmem:s14+$0x14130];
	_ =	sdelay $0x1  }
0x3ca: {  	v3 =	vld [tilespmem:s14+$0x141B0]  }
0x3cb: {  	v0 =	vadd.f32 v1, v0  }
0x3cc: {  	v1 =	vld [tilespmem:s14+$0x14230]  }
0x3cd: {  	v0 =	vadd.f32 v2, v0  }
0x3ce: {  	v2 =	vld [tilespmem:s14+$0x142B0]  }
0x3cf: {  	v0 =	vadd.f32 v3, v0  }
0x3d0: {  	v3 =	vld [tilespmem:s14+$0x14330]  }
0x3d1: {  	v0 =	vadd.f32 v1, v0  }
0x3d2: {  	v1 =	vld [tilespmem:s14+$0x143B0]  }
0x3d3: {  	v0 =	vadd.f32 v2, v0  }
0x3d4: {  	v2 =	vld [tilespmem:s14+$0x14430]  }
0x3d5: {  	v0 =	vadd.f32 v3, v0  }
0x3d6: {  	v3 =	vld [tilespmem:s14+$0x144B0]  }
0x3d7: {  	v0 =	vadd.f32 v1, v0  }
0x3d8: {  	v1 =	vld [tilespmem:s14+$0x14530]  }
0x3d9: {  	v0 =	vadd.f32 v2, v0  }
0x3da: {  	v2 =	vld [tilespmem:s14+$0x145B0]  }
0x3db: {  	v0 =	vadd.f32 v3, v0  }
0x3dc: {  	v3 =	vld [tilespmem:s14+$0x14630]  }
0x3dd: {  	v0 =	vadd.f32 v1, v0  }
0x3de: {  	v1 =	vld [tilespmem:s14+$0x146B0]  }
0x3df: {  	v0 =	vadd.f32 v2, v0  }
0x3e0: {  	v2 =	vld [tilespmem:s14+$0x14730]  }
0x3e1: {  	v0 =	vadd.f32 v3, v0  }
0x3e2: {  	v3 =	vld [tilespmem:s14+$0x147B0]  }
0x3e3: {  	v0 =	vadd.f32 v1, v0;
	_ =	sdelay $0x1  }
0x3e4: {  	v0 =	vadd.f32 v2, v0;
	_ =	sdelay $0x1  }
0x3e5: {  	v0 =	vadd.f32 v3, v0;
	_ =	sdelay $0x1  }
0x3e6: {  	[tilespmem:s22+$0xFFFFFFC0] =	vst v0  }
0x3e7: {  	v0 =	vld [tilespmem:s14+$0x14040]  }
0x3e8: {  	v1 =	vld [tilespmem:s14+$0x140C0]  }
0x3e9: {  	v2 =	vld [tilespmem:s14+$0x14140];
	_ =	sdelay $0x2  }
0x3ea: {  	v3 =	vld [tilespmem:s14+$0x141C0]  }
0x3eb: {  	v0 =	vadd.f32 v1, v0  }
0x3ec: {  	v1 =	vld [tilespmem:s14+$0x14240]  }
0x3ed: {  	v0 =	vadd.f32 v2, v0  }
0x3ee: {  	v2 =	vld [tilespmem:s14+$0x142C0]  }
0x3ef: {  	v0 =	vadd.f32 v3, v0  }
0x3f0: {  	v3 =	vld [tilespmem:s14+$0x14340]  }
0x3f1: {  	v0 =	vadd.f32 v1, v0  }
0x3f2: {  	v1 =	vld [tilespmem:s14+$0x143C0]  }
0x3f3: {  	v0 =	vadd.f32 v2, v0  }
0x3f4: {  	v2 =	vld [tilespmem:s14+$0x14440]  }
0x3f5: {  	v0 =	vadd.f32 v3, v0  }
0x3f6: {  	v3 =	vld [tilespmem:s14+$0x144C0]  }
0x3f7: {  	v0 =	vadd.f32 v1, v0  }
0x3f8: {  	v1 =	vld [tilespmem:s14+$0x14540]  }
0x3f9: {  	v0 =	vadd.f32 v2, v0  }
0x3fa: {  	v2 =	vld [tilespmem:s14+$0x145C0]  }
0x3fb: {  	v0 =	vadd.f32 v3, v0  }
0x3fc: {  	v3 =	vld [tilespmem:s14+$0x14640]  }
0x3fd: {  	v0 =	vadd.f32 v1, v0  }
0x3fe: {  	v1 =	vld [tilespmem:s14+$0x146C0]  }
0x3ff: {  	v0 =	vadd.f32 v2, v0  }
0x400: {  	v2 =	vld [tilespmem:s14+$0x14740]  }
0x401: {  	v0 =	vadd.f32 v3, v0  }
0x402: {  	v3 =	vld [tilespmem:s14+$0x147C0]  }
0x403: {  	v0 =	vadd.f32 v1, v0;
	_ =	sdelay $0x1  }
0x404: {  	v0 =	vadd.f32 v2, v0;
	_ =	sdelay $0x1  }
0x405: {  	v0 =	vadd.f32 v3, v0;
	_ =	sdelay $0x1  }
0x406: {  	[tilespmem:s22+$0xFFFFFFD0] =	vst v0  }
0x407: {  	v0 =	vld [tilespmem:s14+$0x14050]  }
0x408: {  	v1 =	vld [tilespmem:s14+$0x140D0]  }
0x409: {  	v2 =	vld [tilespmem:s14+$0x14150]  }
0x40a: {  	v3 =	vld [tilespmem:s14+$0x141D0]  }
0x40b: {  	v4 =	vld [tilespmem:s14+$0x14250]  }
0x40c: {  	v5 =	vld [tilespmem:s14+$0x142D0]  }
0x40d: {  	v0 =	vadd.f32 v1, v0;
	v1 =	vld [tilespmem:s14+$0x14350]  }
0x40e: {  	v6 =	vld [tilespmem:s14+$0x143D0]  }
0x40f: {  	v0 =	vadd.f32 v2, v0;
	v2 =	vld [tilespmem:s14+$0x14450]  }
0x410: {  	v7 =	vld [tilespmem:s14+$0x144D0]  }
0x411: {  	v0 =	vadd.f32 v3, v0;
	v3 =	vld [tilespmem:s14+$0x14550]  }
0x412: {  	v8 =	vld [tilespmem:s14+$0x145D0]  }
0x413: {  	v0 =	vadd.f32 v4, v0;
	v4 =	vld [tilespmem:s14+$0x14650]  }
0x414: {  	v9 =	vld [tilespmem:s14+$0x146D0]  }
0x415: {  	v0 =	vadd.f32 v5, v0;
	v5 =	vld [tilespmem:s14+$0x14750]  }
0x416: {  	v10 =	vld [tilespmem:s14+$0x147D0]  }
0x417: {  	v0 =	vadd.f32 v1, v0;
	_ =	sdelay $0x1  }
0x418: {  	v0 =	vadd.f32 v6, v0;
	_ =	sdelay $0x1  }
0x419: {  	v0 =	vadd.f32 v2, v0;
	_ =	sdelay $0x1  }
0x41a: {  	v0 =	vadd.f32 v7, v0;
	_ =	sdelay $0x1  }
0x41b: {  	v0 =	vadd.f32 v3, v0;
	_ =	sdelay $0x1  }
0x41c: {  	v0 =	vadd.f32 v8, v0;
	_ =	sdelay $0x1  }
0x41d: {  	v0 =	vadd.f32 v4, v0;
	_ =	sdelay $0x1  }
0x41e: {  	v0 =	vadd.f32 v9, v0;
	_ =	sdelay $0x1  }
0x41f: {  	v0 =	vadd.f32 v5, v0;
	_ =	sdelay $0x1  }
0x420: {  	v0 =	vadd.f32 v10, v0;
	_ =	sdelay $0x1  }
0x421: {  	[tilespmem:s22+$0xFFFFFFE0] =	vst v0  }
0x422: {  	v0 =	vld [tilespmem:s14+$0x14060]  }
0x423: {  	v1 =	vld [tilespmem:s14+$0x140E0]  }
0x424: {  	v2 =	vld [tilespmem:s14+$0x14160]  }
0x425: {  	v3 =	vld [tilespmem:s14+$0x141E0]  }
0x426: {  	v4 =	vld [tilespmem:s14+$0x14260]  }
0x427: {  	v5 =	vld [tilespmem:s14+$0x142E0]  }
0x428: {  	v0 =	vadd.f32 v1, v0;
	v1 =	vld [tilespmem:s14+$0x14360]  }
0x429: {  	v6 =	vld [tilespmem:s14+$0x143E0]  }
0x42a: {  	v0 =	vadd.f32 v2, v0;
	v2 =	vld [tilespmem:s14+$0x14460]  }
0x42b: {  	v7 =	vld [tilespmem:s14+$0x144E0]  }
0x42c: {  	v0 =	vadd.f32 v3, v0;
	v3 =	vld [tilespmem:s14+$0x14560]  }
0x42d: {  	v8 =	vld [tilespmem:s14+$0x145E0]  }
0x42e: {  	v0 =	vadd.f32 v4, v0;
	v4 =	vld [tilespmem:s14+$0x14660]  }
0x42f: {  	v9 =	vld [tilespmem:s14+$0x146E0]  }
0x430: {  	v0 =	vadd.f32 v5, v0;
	v5 =	vld [tilespmem:s14+$0x14760]  }
0x431: {  	v10 =	vld [tilespmem:s14+$0x147E0]  }
0x432: {  	v0 =	vadd.f32 v1, v0;
	_ =	sdelay $0x1  }
0x433: {  	v0 =	vadd.f32 v6, v0;
	_ =	sdelay $0x1  }
0x434: {  	v0 =	vadd.f32 v2, v0;
	_ =	sdelay $0x1  }
0x435: {  	v0 =	vadd.f32 v7, v0;
	_ =	sdelay $0x1  }
0x436: {  	v0 =	vadd.f32 v3, v0;
	_ =	sdelay $0x1  }
0x437: {  	v0 =	vadd.f32 v8, v0;
	_ =	sdelay $0x1  }
0x438: {  	v0 =	vadd.f32 v4, v0;
	_ =	sdelay $0x1  }
0x439: {  	v0 =	vadd.f32 v9, v0;
	_ =	sdelay $0x1  }
0x43a: {  	v0 =	vadd.f32 v5, v0;
	_ =	sdelay $0x1  }
0x43b: {  	v0 =	vadd.f32 v10, v0;
	_ =	sdelay $0x1  }
0x43c: {  	[tilespmem:s22+$0xFFFFFFF0] =	vst v0  }
0x43d: {  	v0 =	vld [tilespmem:s14+$0x14070]  }
0x43e: {  	v1 =	vld [tilespmem:s14+$0x140F0]  }
0x43f: {  	v2 =	vld [tilespmem:s14+$0x14170]  }
0x440: {  	v3 =	vld [tilespmem:s14+$0x141F0]  }
0x441: {  	v4 =	vld [tilespmem:s14+$0x14270]  }
0x442: {  	v5 =	vld [tilespmem:s14+$0x142F0]  }
0x443: {  	v0 =	vadd.f32 v1, v0;
	v6 =	vld [tilespmem:s14+$0x14370]  }
0x444: {  	v7 =	vld [tilespmem:s14+$0x143F0]  }
0x445: {  	v0 =	vadd.f32 v2, v0;
	v8 =	vld [tilespmem:s14+$0x14470]  }
0x446: {  	v9 =	vld [tilespmem:s14+$0x144F0]  }
0x447: {  	v0 =	vadd.f32 v3, v0;
	v10 =	vld [tilespmem:s14+$0x14570]  }
0x448: {  	v11 =	vld [tilespmem:s14+$0x145F0]  }
0x449: {  	v1 =	vadd.f32 v4, v0;
	v2 =	vld [tilespmem:s14+$0x14670]  }
0x44a: {  	v0 =	vld [tilespmem:s14+$0x146F0]  }
0x44b: {  	v4 =	vadd.f32 v5, v1;
	v3 =	vld [tilespmem:s14+$0x14770]  }
0x44c: {  	v1 =	vld [tilespmem:s14+$0x147F0]  }
0x44d: {  	v4 =	vadd.f32 v6, v4;
	_ =	sdelay $0x1  }
0x44e: {  	v4 =	vadd.f32 v7, v4;
	_ =	sdelay $0x1  }
0x44f: {  	v4 =	vadd.f32 v8, v4;
	_ =	sdelay $0x1  }
.Ltmp2:
0x450: {  	v4 =	vadd.f32 v9, v4;
	(pc) =	sbr.rel @p0 .LBB2_7-.Ltmp2, $3  }
0x451: {  	_ = 	snop  }
0x452: {  	v4 =	vadd.f32 v10, v4;
	_ =	sdelay $0x1  }
0x453: {  	v4 =	vadd.f32 v11, v4  }
0x454: {  	_ = 	snop  }
0x455: {  	v2 =	vadd.f32 v2, v4;
	_ =	sdelay $0x1  }
0x456: {  	v0 =	vadd.f32 v0, v2  }
0x457: {  	s0 =	sadd.s32 $0x1, s0  }
0x458: {  	p0 =	sne.s32 s0, $0x32;
	v0 =	vadd.f32 v3, v0  }
.Ltmp3:
0x459: {  	s14 =	sshll.u32 s20, $0xB;
	(pc) =	sbr.rel @p0 .LBB2_4-.Ltmp3, $4  }
0x45a: {  	s14 =	sadd.s32 s5, s14;
	v0 =	vadd.f32 v1, v0  }
0x45b: {  	s14 =	sshrl.u32 s14, $0x3  }
0x45c: {  	s14 =	sadd.s32 s6, s14;
	[tilespmem:s23+$0x0] =	vst v0  }
0x45d: {  	[hbm4b:s14+s3] =	stream.linear.scatter [tilespmem:s29], [sflag:$0x4], $0x800, $0x38;
	[tilespmem:$0x1D000] =	vst v63  }
0x45e: {  	s2 =	sadd.s32 $0x1, s2  }
0x45f: {  	_ =	swait.ge [sflag:s30], $0x800;
	p0 =	sne.s32 s2, s9  }
.Ltmp4:
0x460: {  	[sflag:s30] =	ssyncset.done $0x0;
	(pc) =	sbr.rel @p0 .LBB2_1-.Ltmp4, $4  }
0x461: {  	[sflag:s30] =	ssyncadd.s32 $0xFFFFF800  }
0x462: {  	_ =	swait.ge [sflag:s31], $0x800  }
0x463: {  	[sflag:s31] =	ssyncset.done $0x0  }
0x464: {  	s23 =	simm.s32 $0xC00;
	[sflag:s31] =	ssyncadd.s32 $0xFFFFF800  }
0x465: {  	_ =	sfence.sel $0x180000  }
0x466: {  	[bflag:$0x0] =	sbarrier.arrive $0xFFFF  }
0x467: {  	_ =	strace $0x90000047  }
0x468: {  	s0 =	stileid.u32;
	[bflag:$0x2] =	sbarrier.arrive $0xFFFF  }
0x469: {  	p0 =	sne.s32 s0, $0x0;
	s0 =	rddreg [dreg:$0x3]  }
0x46a: {  	s0 =	sadd.s32 @!p0 $0x100000, s0  }
0x46b: {  	[sflag:s0] =	ssyncadd.tile.s32 @!p0 $0x1;
	_ =	shalt  }
.Lfunc_end2:
_tile_overlayer_lowered:
.L_overlay_start_2:
0x46c: {  	(tag) =	ssettag $0x2  }
0x46d: {  	s0 =	rddreg [dreg:$0x0];
	s2 =	stileid.u32  }
0x46e: {  	s1 =	rddreg [dreg:$0x1];
	p0 =	sne.s32 s2, $0x0  }
0x46f: {  	s3 =	rddreg [dreg:$0x2];
	[bflag:$0x3] =	sbarrier.arrive $0xFFFF;
	s2 =	simm.s32 @!p0 $0x1C05  }
0x470: {  	[timem:s3], [sflag:s2] =	dma.local @!p0 [hbm:s0], s1  }
0x471: {  	s0 =	simm.s32 @!p0 $0x5  }
0x472: {  	_ =	swait.ge @!p0 [sflag:s0], s1  }
0x473: {  	s1 =	ssub.s32 @!p0 $0x0, s1;
	[sflag:s0] =	ssyncset.done @!p0 $0x0  }
0x474: {  	[sflag:s0] =	ssyncadd.s32 @!p0 s1  }
0x475: {  	[bflag:$0x3] =	sbarrier.arrive $0xFFFF  }
0x476: {  	_ =	shalt  }

</sc_bundles>
